<compile_context>
chip_gen: v7x
topology: tpu7x:2x2x1
jax: 0.10.2.dev20260603
libtpu: 0.0.44.dev20260713+nightly
codegen_flags: <defaults>
</compile_context>

<pallas_src>
import jax
import jax.numpy as jnp
from jax import lax
from jax.experimental import pallas as pl
from jax.experimental.pallas import tpu as pltpu
from jax.experimental.pallas import tpu_sc as plsc

NUM_CLASSES = 10
K = 2000
N = 16
NC, NS, L = 2, 16, 16
NW = NC * NS
BS = 64
JB = 32
M = (NUM_CLASSES - 1) * N
CH = 3 * 32
WDIM = 32
WQ = 8
WSPLIT = WDIM // WQ
UNITS = CH * WSPLIT * (BS // JB)
UNITS_PER_W = UNITS // NW
JC = BS * NUM_CLASSES


def _gather_body(bank_hbm, labelrep_hbm, sel_hbm, out_hbm,
                 labelrep_v, sel_v, midx_v, slabA_v, slabB_v,
                 stage_v, semA, semB, osem):
    w = lax.axis_index("s") * NC + lax.axis_index("c")
    pltpu.sync_copy(labelrep_hbm, labelrep_v)
    pltpu.sync_copy(sel_hbm, sel_v)
    lanes = lax.iota(jnp.int32, L)

    @pl.loop(0, JC)
    def _tab(c2):
        j = c2 // NUM_CLASSES
        cls = c2 % NUM_CLASSES
        lbl = labelrep_v[pl.ds(j * L, L)]
        clsv = jnp.full((L,), cls, jnp.int32)
        gtv = (clsv > lbl).astype(jnp.int32)
        eqv = (clsv == lbl).astype(jnp.int32)
        midx_v[pl.ds(c2 * L, L)] = (clsv - gtv) * N + lanes + eqv * 4 * M

    slabs = (slabA_v, slabB_v)
    sems = (semA, semB)

    def slab_start(cls, ch, w0, b):
        pltpu.async_copy(bank_hbm.at[cls * CH + ch, pl.ds(w0, WQ), :],
                         slabs[b], sems[b])

    def slab_wait(ch, w0, b):
        pltpu.make_async_copy(bank_hbm.at[ch, pl.ds(w0, WQ), :],
                              slabs[b], sems[b]).wait()

    wfull = [jnp.full((L,), wr, jnp.int32) for wr in range(WQ)]

    @pl.loop(0, UNITS_PER_W)
    def _pos(i):
        u = w * UNITS_PER_W + i
        ch = u // (WSPLIT * 2)
        rest = u % (WSPLIT * 2)
        j0 = (rest % 2) * JB
        w0 = (rest // 2) * WQ

        slab_start(0, ch, w0, 0)

        @pl.when(i > 0)
        def _drain_prev():
            @pl.loop(0, JB)
            def _d(jj):
                pltpu.make_async_copy(
                    stage_v.at[0], out_hbm.at[0, 0, pl.ds(0, WQ), :],
                    osem).wait()

        for cls in range(NUM_CLASSES):
            b = cls % 2
            slab_wait(ch, w0, b)
            if cls + 1 < NUM_CLASSES:
                slab_start(cls + 1, ch, w0, 1 - b)

            last = cls == NUM_CLASSES - 1

            @plsc.parallel_loop(0, JB, unroll=2)
            def _sample(jj):
                j = j0 + jj
                base = (j * NUM_CLASSES + cls) * L
                kvec = sel_v[pl.ds(base, L)]
                midx = midx_v[pl.ds(base, L)]
                mk = midx < M
                jful = jnp.full((L,), jj, jnp.int32)
                for wr in range(WQ):
                    vals = plsc.load_gather(slabs[b], [wfull[wr], kvec])
                    plsc.store_scatter(stage_v, [jful, wfull[wr], midx],
                                       vals, mask=mk)
                if last:
                    pltpu.async_copy(
                        stage_v.at[jj],
                        out_hbm.at[j0 + jj, ch, pl.ds(w0, WQ), :], osem)

    _final_drain(stage_v, out_hbm, osem)


def _final_drain(stage_v, out_hbm, osem):
    @pl.loop(0, JB)
    def _d(jj):
        pltpu.make_async_copy(stage_v.at[0],
                              out_hbm.at[0, 0, pl.ds(0, WQ), :], osem).wait()


def kernel(x_s, label, confounder_queue, sel_idx):
    bs = x_s.shape[0]
    C, H, W = (confounder_queue.shape[2], confounder_queue.shape[3],
               confounder_queue.shape[4])
    bank = confounder_queue.transpose(0, 2, 3, 4, 1).reshape(
        NUM_CLASSES * C * H, W, K)
    sel_flat = sel_idx.reshape(-1).astype(jnp.int32)
    label_rep = jnp.repeat(label.astype(jnp.int32), L)
    mesh = plsc.VectorSubcoreMesh(
        core_axis_name="c", subcore_axis_name="s",
        num_cores=NC, num_subcores=NS)
    run = pl.kernel(
        _gather_body,
        out_type=jax.ShapeDtypeStruct((bs, C * H, W, M), jnp.float32),
        mesh=mesh,
        compiler_params=pltpu.CompilerParams(
            needs_layout_passes=False, use_tc_tiling_on_sc=True,
            disable_bounds_checks=True),
        scratch_types=[
            pltpu.VMEM((BS * L,), jnp.int32),
            pltpu.VMEM((JC * L,), jnp.int32),
            pltpu.VMEM((JC * L,), jnp.int32),
            pltpu.VMEM((WQ, K), jnp.float32),
            pltpu.VMEM((WQ, K), jnp.float32),
            pltpu.VMEM((JB, WQ, M), jnp.float32),
            pltpu.SemaphoreType.DMA,
            pltpu.SemaphoreType.DMA,
            pltpu.SemaphoreType.DMA,
        ],
    )
    out = run(bank, label_rep, sel_flat)
    return out.reshape(bs, C, H, W, M).transpose(0, 4, 1, 2, 3)

# --- scband reference (transcript-rebuilt; emitter-appended) ---
"""Pipeline reference for scband-nfcbank-78082505441319 (READ-ONLY COPY).

The authoritative reference and input builder live on the scoring server;
editing this copy changes nothing except your own understanding.
"""

import jax, jax.numpy as jnp
import numpy as np

NUM_CLASSES = 10
K = 2000
N = 16
BS = 64
C, H, W = 3, 32, 32


def setup_inputs(seed: int = 0) -> dict:
    key = jax.random.key(seed)
    k1, k2, k3, k4 = jax.random.split(key, 4)
    x_s = jax.random.normal(k1, (BS, C, H, W), dtype=jnp.float32)
    label = jax.random.randint(k2, (BS,), 0, NUM_CLASSES, dtype=jnp.int32)
    # buffer: confounder_queue of shape [nclass, K, C, H, W] (stands in for the
    # tensors loaded from disk in the original __init__)
    confounder_queue = jax.random.normal(k3, (NUM_CLASSES, K, C, H, W), dtype=jnp.float32)
    # pre-drawn random selection indices (replaces np.random.choice inside the loop;
    # indices are constants w.r.t. the computation, values in [0, K))
    sel_idx = jax.random.randint(k4, (BS, NUM_CLASSES, N), 0, K, dtype=jnp.int32)
    return {"x_s": x_s, "label": label, "confounder_queue": confounder_queue, "sel_idx": sel_idx}


def reference(x_s, label, confounder_queue, sel_idx):
    # Faithful vectorized translation of NFCBank.batch_sample_set with
    # cfg.train.other_class_conf = True: for every sample j, gather N randomly
    # selected confounders from every class i != label[j] and concatenate.
    bs = x_s.shape[0]
    nclass = confounder_queue.shape[0]
    n_per = sel_idx.shape[2]
    arr = jnp.broadcast_to(jnp.arange(nclass, dtype=jnp.int32)[None, :], (bs, nclass))
    mask = arr != label[:, None]
    # the (nclass-1) other classes for each sample, in ascending order (loop order)
    other = jnp.sort(jnp.where(mask, arr, nclass), axis=1)[:, : nclass - 1]  # [bs, nclass-1]
    sel_other = jnp.take_along_axis(sel_idx, other[:, :, None], axis=1)  # [bs, nclass-1, N]
    class_idx = jnp.broadcast_to(other[:, :, None], sel_other.shape)  # [bs, nclass-1, N]
    conf = confounder_queue[class_idx, sel_other]  # [bs, nclass-1, N, C, H, W]
    conf_set = conf.reshape(bs, (nclass - 1) * n_per, confounder_queue.shape[2], confounder_queue.shape[3], confounder_queue.shape[4])
    return conf_set

if __name__ == "__main__":
    import jax
    _d = setup_inputs()
    print(jax.jit(kernel)(*tuple(_d.values())))

</pallas_src>

<mosaic_0001>
#map = affine_map<(d0, d1) -> (0, 0, 0)>
#map1 = affine_map<(d0, d1) -> (0)>
#map2 = affine_map<(d0, d1) -> (0, 0, 0, 0)>
module attributes {stable_mosaic.version = 14 : i64} {
  func.func @_gather_body(%arg0: i32, %arg1: i32, %arg2: memref<960x32x2000xf32, #tpu.memory_space<hbm>>, %arg3: memref<1024xi32, #tpu.memory_space<hbm>>, %arg4: memref<10240xi32, #tpu.memory_space<hbm>>, %arg5: memref<64x96x32x144xf32, #tpu.memory_space<hbm>>, %arg6: memref<1024xi32, #tpu.memory_space<vmem>>, %arg7: memref<10240xi32, #tpu.memory_space<vmem>>, %arg8: memref<10240xi32, #tpu.memory_space<vmem>>, %arg9: memref<8x2000xf32, #tpu.memory_space<vmem>>, %arg10: memref<8x2000xf32, #tpu.memory_space<vmem>>, %arg11: memref<32x8x144xf32, #tpu.memory_space<vmem>>, %arg12: memref<!tpu.dma_semaphore, #tpu.memory_space<semaphore_mem>>, %arg13: memref<!tpu.dma_semaphore, #tpu.memory_space<semaphore_mem>>, %arg14: memref<!tpu.dma_semaphore, #tpu.memory_space<semaphore_mem>>) attributes {dimension_semantics = [#tpu.dimension_semantics<core_parallel>, #tpu.dimension_semantics<subcore_parallel>], iteration_bounds = array<i64: 2, 16>, scalar_prefetch = 0 : i64, scratch_operands = 9 : i64, tpu.core_type = #tpu.core_type<sc_vector_subcore>, window_params = [{transform_indices = #map}, {transform_indices = #map1}, {transform_indices = #map1}, {transform_indices = #map2}]} {
    %mul3A = arith.constant 2 : i32
    %mul3A_0 = arith.muli %arg1, %mul3A : i32
    %add3A = arith.addi %mul3A_0, %arg0 : i32
    "tpu.region"() ({
      %run_scoped3A = tpu.sem_alloc : memref<!tpu.dma_semaphore, #tpu.memory_space<semaphore_mem>>
      tpu.enqueue_dma source(%arg3 : memref<1024xi32, #tpu.memory_space<hbm>>) target(%arg6 : memref<1024xi32, #tpu.memory_space<vmem>>) target_semaphore(%run_scoped3A : memref<!tpu.dma_semaphore, #tpu.memory_space<semaphore_mem>>)
      tpu.wait_dma2 semaphore(%run_scoped3A : memref<!tpu.dma_semaphore, #tpu.memory_space<semaphore_mem>>) src(%arg3 : memref<1024xi32, #tpu.memory_space<hbm>>) dst(%arg6 : memref<1024xi32, #tpu.memory_space<vmem>>)
      tpu.yield
    }) : () -> ()
    "tpu.region"() ({
      %run_scoped3A = tpu.sem_alloc : memref<!tpu.dma_semaphore, #tpu.memory_space<semaphore_mem>>
      tpu.enqueue_dma source(%arg4 : memref<10240xi32, #tpu.memory_space<hbm>>) target(%arg7 : memref<10240xi32, #tpu.memory_space<vmem>>) target_semaphore(%run_scoped3A : memref<!tpu.dma_semaphore, #tpu.memory_space<semaphore_mem>>)
      tpu.wait_dma2 semaphore(%run_scoped3A : memref<!tpu.dma_semaphore, #tpu.memory_space<semaphore_mem>>) src(%arg4 : memref<10240xi32, #tpu.memory_space<hbm>>) dst(%arg7 : memref<10240xi32, #tpu.memory_space<vmem>>)
      tpu.yield
    }) : () -> ()
    %iota3A = tpu.iota {dimensions = array<i32: 0>} : vector<16xi32>
    %scan3A = arith.constant 0 : i32
    %scan3A_1 = arith.constant 640 : i32
    %scan3A_2 = arith.addi %scan3A, %scan3A_1 : i32
    %scan3A_3 = arith.constant 1 : i32
    scf.for %scan3A_30 = %scan3A to %scan3A_2 step %scan3A_3  : i32 {
      %mul3A_31 = arith.constant 1 : i32
      %mul3A_32 = arith.muli %scan3A_30, %mul3A_31 : i32
      %add3A_33 = arith.constant 0 : i32
      %add3A_34 = arith.addi %add3A_33, %mul3A_32 : i32
      %jit3A = arith.constant 10 : i32
      %div3A = arith.divsi %add3A_34, %jit3A : i32
      %sign3A = arith.constant 0 : i32
      %sign3A_35 = arith.cmpi sgt, %add3A_34, %sign3A : i32
      %sign3A_36 = arith.extui %sign3A_35 : i1 to i32
      %sign3A_37 = arith.constant 0 : i32
      %sign3A_38 = arith.cmpi slt, %add3A_34, %sign3A_37 : i32
      %sign3A_39 = arith.extui %sign3A_38 : i1 to i32
      %sign3A_40 = arith.subi %sign3A_36, %sign3A_39 : i32
      %sign3A_41 = arith.constant 0 : i32
      %sign3A_42 = arith.cmpi sgt, %jit3A, %sign3A_41 : i32
      %sign3A_43 = arith.extui %sign3A_42 : i1 to i32
      %sign3A_44 = arith.constant 0 : i32
      %sign3A_45 = arith.cmpi slt, %jit3A, %sign3A_44 : i32
      %sign3A_46 = arith.extui %sign3A_45 : i1 to i32
      %sign3A_47 = arith.subi %sign3A_43, %sign3A_46 : i32
      %ne3A = arith.cmpi ne, %sign3A_40, %sign3A_47 : i32
      %rem3A = arith.remsi %add3A_34, %jit3A : i32
      %ne3A_48 = arith.constant 0 : i32
      %ne3A_49 = arith.cmpi ne, %rem3A, %ne3A_48 : i32
      %and3A = arith.andi %ne3A, %ne3A_49 : i1
      %sub3A = arith.constant 1 : i32
      %sub3A_50 = arith.subi %div3A, %sub3A : i32
      %select_n3A = arith.select %and3A, %sub3A_50, %div3A : i32
      %jit3A_51 = arith.constant 10 : i32
      %eq3A = arith.constant 0 : i32
      %eq3A_52 = arith.cmpi eq, %jit3A_51, %eq3A : i32
      %jit3A_53 = arith.constant 1 : i32
      %select_n3A_54 = arith.select %eq3A_52, %jit3A_53, %jit3A_51 : i32
      %rem3A_55 = arith.remsi %add3A_34, %select_n3A_54 : i32
      %ne3A_56 = arith.constant 0 : i32
      %ne3A_57 = arith.cmpi ne, %rem3A_55, %ne3A_56 : i32
      %lt3A = arith.constant 0 : i32
      %lt3A_58 = arith.cmpi slt, %rem3A_55, %lt3A : i32
      %lt3A_59 = arith.constant 0 : i32
      %lt3A_60 = arith.cmpi slt, %select_n3A_54, %lt3A_59 : i32
      %ne3A_61 = arith.xori %lt3A_58, %lt3A_60 : i1
      %and3A_62 = arith.andi %ne3A_61, %ne3A_57 : i1
      %add3A_63 = arith.addi %rem3A_55, %select_n3A_54 : i32
      %select_n3A_64 = arith.select %and3A_62, %add3A_63, %rem3A_55 : i32
      %mul3A_65 = arith.constant 16 : i32
      %mul3A_66 = arith.muli %select_n3A, %mul3A_65 : i32
      %get3A = arith.index_cast %mul3A_66 : i32 to index
      %get3A_67 = tpu.vector_load %arg6[%get3A] {strides = array<i32>} : memref<1024xi32, #tpu.memory_space<vmem>>, vector<16xi32>,
      %broadcast_in_dim3A_68 = vector.broadcast %select_n3A_64 : i32 to vector<16xi32>
      %gt3A = arith.cmpi sgt, %broadcast_in_dim3A_68, %get3A_67 : vector<16xi32>
      %convert_element_type3A = arith.extui %gt3A : vector<16xi1> to vector<16xi32>
      %eq3A_69 = arith.cmpi eq, %broadcast_in_dim3A_68, %get3A_67 : vector<16xi32>
      %convert_element_type3A_70 = arith.extui %eq3A_69 : vector<16xi1> to vector<16xi32>
      %sub3A_71 = arith.subi %broadcast_in_dim3A_68, %convert_element_type3A : vector<16xi32>
      %mul3A_72 = arith.constant 16 : i32
      %mul3A_73 = vector.broadcast %mul3A_72 : i32 to vector<16xi32>
      %mul3A_74 = arith.muli %sub3A_71, %mul3A_73 : vector<16xi32>
      %add3A_75 = arith.addi %mul3A_74, %iota3A : vector<16xi32>
      %mul3A_76 = arith.constant 4 : i32
      %mul3A_77 = vector.broadcast %mul3A_76 : i32 to vector<16xi32>
      %mul3A_78 = arith.muli %convert_element_type3A_70, %mul3A_77 : vector<16xi32>
      %mul3A_79 = arith.constant 144 : i32
      %mul3A_80 = vector.broadcast %mul3A_79 : i32 to vector<16xi32>
      %mul3A_81 = arith.muli %mul3A_78, %mul3A_80 : vector<16xi32>
      %add3A_82 = arith.addi %add3A_75, %mul3A_81 : vector<16xi32>
      %mul3A_83 = arith.constant 16 : i32
      %mul3A_84 = arith.muli %add3A_34, %mul3A_83 : i32
      %swap3A = arith.index_cast %mul3A_84 : i32 to index
      %swap3A_85 = tpu.vector_load %arg8[%swap3A] {strides = array<i32>} : memref<10240xi32, #tpu.memory_space<vmem>>, vector<16xi32>,
      tpu.vector_store %arg8[%swap3A], %add3A_82 {strides = array<i32>} : memref<10240xi32, #tpu.memory_space<vmem>>, vector<16xi32>,
    }
    %scan3A_4 = arith.constant 640 : i32
    %broadcast_in_dim3A = arith.constant 0 : i32
    %broadcast_in_dim3A_5 = vector.broadcast %broadcast_in_dim3A : i32 to vector<16xi32>
    %broadcast_in_dim3A_6 = arith.constant 1 : i32
    %broadcast_in_dim3A_7 = vector.broadcast %broadcast_in_dim3A_6 : i32 to vector<16xi32>
    %broadcast_in_dim3A_8 = arith.constant 2 : i32
    %broadcast_in_dim3A_9 = vector.broadcast %broadcast_in_dim3A_8 : i32 to vector<16xi32>
    %broadcast_in_dim3A_10 = arith.constant 3 : i32
    %broadcast_in_dim3A_11 = vector.broadcast %broadcast_in_dim3A_10 : i32 to vector<16xi32>
    %broadcast_in_dim3A_12 = arith.constant 4 : i32
    %broadcast_in_dim3A_13 = vector.broadcast %broadcast_in_dim3A_12 : i32 to vector<16xi32>
    %broadcast_in_dim3A_14 = arith.constant 5 : i32
    %broadcast_in_dim3A_15 = vector.broadcast %broadcast_in_dim3A_14 : i32 to vector<16xi32>
    %broadcast_in_dim3A_16 = arith.constant 6 : i32
    %broadcast_in_dim3A_17 = vector.broadcast %broadcast_in_dim3A_16 : i32 to vector<16xi32>
    %broadcast_in_dim3A_18 = arith.constant 7 : i32
    %broadcast_in_dim3A_19 = vector.broadcast %broadcast_in_dim3A_18 : i32 to vector<16xi32>
    %scan3A_20 = arith.constant 0 : i32
    %scan3A_21 = arith.constant 24 : i32
    %scan3A_22 = arith.addi %scan3A_20, %scan3A_21 : i32
    %scan3A_23 = arith.constant 1 : i32
    scf.for %scan3A_30 = %scan3A_20 to %scan3A_22 step %scan3A_23  : i32 {
      %mul3A_31 = arith.constant 1 : i32
      %mul3A_32 = arith.muli %scan3A_30, %mul3A_31 : i32
      %add3A_33 = arith.constant 0 : i32
      %add3A_34 = arith.addi %add3A_33, %mul3A_32 : i32
      %mul3A_35 = arith.constant 24 : i32
      %mul3A_36 = arith.muli %add3A, %mul3A_35 : i32
      %add3A_37 = arith.addi %mul3A_36, %add3A_34 : i32
      %jit3A = arith.constant 8 : i32
      %div3A = arith.divsi %add3A_37, %jit3A : i32
      %sign3A = arith.constant 0 : i32
      %sign3A_38 = arith.cmpi sgt, %add3A_37, %sign3A : i32
      %sign3A_39 = arith.extui %sign3A_38 : i1 to i32
      %sign3A_40 = arith.constant 0 : i32
      %sign3A_41 = arith.cmpi slt, %add3A_37, %sign3A_40 : i32
      %sign3A_42 = arith.extui %sign3A_41 : i1 to i32
      %sign3A_43 = arith.subi %sign3A_39, %sign3A_42 : i32
      %sign3A_44 = arith.constant 0 : i32
      %sign3A_45 = arith.cmpi sgt, %jit3A, %sign3A_44 : i32
      %sign3A_46 = arith.extui %sign3A_45 : i1 to i32
      %sign3A_47 = arith.constant 0 : i32
      %sign3A_48 = arith.cmpi slt, %jit3A, %sign3A_47 : i32
      %sign3A_49 = arith.extui %sign3A_48 : i1 to i32
      %sign3A_50 = arith.subi %sign3A_46, %sign3A_49 : i32
      %ne3A = arith.cmpi ne, %sign3A_43, %sign3A_50 : i32
      %rem3A = arith.remsi %add3A_37, %jit3A : i32
      %ne3A_51 = arith.constant 0 : i32
      %ne3A_52 = arith.cmpi ne, %rem3A, %ne3A_51 : i32
      %and3A = arith.andi %ne3A, %ne3A_52 : i1
      %sub3A = arith.constant 1 : i32
      %sub3A_53 = arith.subi %div3A, %sub3A : i32
      %select_n3A = arith.select %and3A, %sub3A_53, %div3A : i32
      %jit3A_54 = arith.constant 8 : i32
      %eq3A = arith.constant 0 : i32
      %eq3A_55 = arith.cmpi eq, %jit3A_54, %eq3A : i32
      %jit3A_56 = arith.constant 1 : i32
      %select_n3A_57 = arith.select %eq3A_55, %jit3A_56, %jit3A_54 : i32
      %rem3A_58 = arith.remsi %add3A_37, %select_n3A_57 : i32
      %ne3A_59 = arith.constant 0 : i32
      %ne3A_60 = arith.cmpi ne, %rem3A_58, %ne3A_59 : i32
      %lt3A = arith.constant 0 : i32
      %lt3A_61 = arith.cmpi slt, %rem3A_58, %lt3A : i32
      %lt3A_62 = arith.constant 0 : i32
      %lt3A_63 = arith.cmpi slt, %select_n3A_57, %lt3A_62 : i32
      %ne3A_64 = arith.xori %lt3A_61, %lt3A_63 : i1
      %and3A_65 = arith.andi %ne3A_64, %ne3A_60 : i1
      %add3A_66 = arith.addi %rem3A_58, %select_n3A_57 : i32
      %select_n3A_67 = arith.select %and3A_65, %add3A_66, %rem3A_58 : i32
      %jit3A_68 = arith.constant 2 : i32
      %eq3A_69 = arith.constant 0 : i32
      %eq3A_70 = arith.cmpi eq, %jit3A_68, %eq3A_69 : i32
      %jit3A_71 = arith.constant 1 : i32
      %select_n3A_72 = arith.select %eq3A_70, %jit3A_71, %jit3A_68 : i32
      %rem3A_73 = arith.remsi %select_n3A_67, %select_n3A_72 : i32
      %ne3A_74 = arith.constant 0 : i32
      %ne3A_75 = arith.cmpi ne, %rem3A_73, %ne3A_74 : i32
      %lt3A_76 = arith.constant 0 : i32
      %lt3A_77 = arith.cmpi slt, %rem3A_73, %lt3A_76 : i32
      %lt3A_78 = arith.constant 0 : i32
      %lt3A_79 = arith.cmpi slt, %select_n3A_72, %lt3A_78 : i32
      %ne3A_80 = arith.xori %lt3A_77, %lt3A_79 : i1
      %and3A_81 = arith.andi %ne3A_80, %ne3A_75 : i1
      %add3A_82 = arith.addi %rem3A_73, %select_n3A_72 : i32
      %select_n3A_83 = arith.select %and3A_81, %add3A_82, %rem3A_73 : i32
      %mul3A_84 = arith.constant 32 : i32
      %mul3A_85 = arith.muli %select_n3A_83, %mul3A_84 : i32
      %jit3A_86 = arith.constant 2 : i32
      %div3A_87 = arith.divsi %select_n3A_67, %jit3A_86 : i32
      %sign3A_88 = arith.constant 0 : i32
      %sign3A_89 = arith.cmpi sgt, %select_n3A_67, %sign3A_88 : i32
      %sign3A_90 = arith.extui %sign3A_89 : i1 to i32
      %sign3A_91 = arith.constant 0 : i32
      %sign3A_92 = arith.cmpi slt, %select_n3A_67, %sign3A_91 : i32
      %sign3A_93 = arith.extui %sign3A_92 : i1 to i32
      %sign3A_94 = arith.subi %sign3A_90, %sign3A_93 : i32
      %sign3A_95 = arith.constant 0 : i32
      %sign3A_96 = arith.cmpi sgt, %jit3A_86, %sign3A_95 : i32
      %sign3A_97 = arith.extui %sign3A_96 : i1 to i32
      %sign3A_98 = arith.constant 0 : i32
      %sign3A_99 = arith.cmpi slt, %jit3A_86, %sign3A_98 : i32
      %sign3A_100 = arith.extui %sign3A_99 : i1 to i32
      %sign3A_101 = arith.subi %sign3A_97, %sign3A_100 : i32
      %ne3A_102 = arith.cmpi ne, %sign3A_94, %sign3A_101 : i32
      %rem3A_103 = arith.remsi %select_n3A_67, %jit3A_86 : i32
      %ne3A_104 = arith.constant 0 : i32
      %ne3A_105 = arith.cmpi ne, %rem3A_103, %ne3A_104 : i32
      %and3A_106 = arith.andi %ne3A_102, %ne3A_105 : i1
      %sub3A_107 = arith.constant 1 : i32
      %sub3A_108 = arith.subi %div3A_87, %sub3A_107 : i32
      %select_n3A_109 = arith.select %and3A_106, %sub3A_108, %div3A_87 : i32
      %mul3A_110 = arith.constant 8 : i32
      %mul3A_111 = arith.muli %select_n3A_109, %mul3A_110 : i32
      %add3A_112 = arith.constant 0 : i32
      %add3A_113 = arith.addi %add3A_112, %select_n3A : i32
      %dma_start3A = arith.constant 0 : i32
      %dma_start3A_114 = tpu.memref_slice %arg2[%add3A_113, %mul3A_111, %dma_start3A] : memref<960x32x2000xf32, #tpu.memory_space<hbm>> -> memref<1x8x2000xf32, #tpu.memory_space<hbm>>
      %dma_start3A_115 = tpu.memref_squeeze %dma_start3A_114 : memref<1x8x2000xf32, #tpu.memory_space<hbm>> -> memref<8x2000xf32, #tpu.memory_space<hbm>>
      %dma_start3A_116 = arith.constant 0 : i32
      %dma_start3A_117 = tpu.memref_slice %arg2[%add3A_113, %mul3A_111, %dma_start3A_116] : memref<960x32x2000xf32, #tpu.memory_space<hbm>> -> memref<1x8x2000xf32, #tpu.memory_space<hbm>>
      %dma_start3A_118 = tpu.memref_squeeze %dma_start3A_117 : memref<1x8x2000xf32, #tpu.memory_space<hbm>> -> memref<8x2000xf32, #tpu.memory_space<hbm>>
      tpu.enqueue_dma source(%dma_start3A_118 : memref<8x2000xf32, #tpu.memory_space<hbm>>) target(%arg9 : memref<8x2000xf32, #tpu.memory_space<vmem>>) target_semaphore(%arg12 : memref<!tpu.dma_semaphore, #tpu.memory_space<semaphore_mem>>)
      %gt3A = arith.constant 0 : i32
      %gt3A_119 = arith.cmpi sgt, %add3A_34, %gt3A : i32
      %convert_element_type3A = arith.extui %gt3A_119 : i1 to i32
      %cond3A = arith.constant 0 : i32
      %cond3A_120 = arith.cmpi ne, %convert_element_type3A, %cond3A : i32
      scf.if %cond3A_120 {
        %scan3A_281 = arith.constant 0 : i32
        %scan3A_282 = arith.constant 32 : i32
        %scan3A_283 = arith.addi %scan3A_281, %scan3A_282 : i32
        %scan3A_284 = arith.constant 1 : i32
        scf.for %scan3A_286 = %scan3A_281 to %scan3A_283 step %scan3A_284  : i32 {
          %mul3A_287 = arith.constant 1 : i32
          %mul3A_288 = arith.muli %scan3A_286, %mul3A_287 : i32
          %add3A_289 = arith.constant 0 : i32
          %add3A_290 = arith.addi %add3A_289, %mul3A_288 : i32
          %dma_wait3A_291 = arith.constant 0 : i32
          %dma_wait3A_292 = arith.constant 0 : i32
          %dma_wait3A_293 = arith.constant 0 : i32
          %dma_wait3A_294 = arith.constant 0 : i32
          %dma_wait3A_295 = arith.constant 0 : i32
          %dma_wait3A_296 = tpu.memref_slice %arg11[%dma_wait3A_291, %dma_wait3A_294, %dma_wait3A_295] : memref<32x8x144xf32, #tpu.memory_space<vmem>> -> memref<1x8x144xf32, #tpu.memory_space<vmem>>
          %dma_wait3A_297 = tpu.memref_squeeze %dma_wait3A_296 : memref<1x8x144xf32, #tpu.memory_space<vmem>> -> memref<8x144xf32, #tpu.memory_space<vmem>>
          %dma_wait3A_298 = arith.constant 0 : i32
          %dma_wait3A_299 = arith.constant 0 : i32
          %dma_wait3A_300 = tpu.memref_slice %arg5[%dma_wait3A_292, %dma_wait3A_293, %dma_wait3A_298, %dma_wait3A_299] : memref<64x96x32x144xf32, #tpu.memory_space<hbm>> -> memref<1x1x8x144xf32, #tpu.memory_space<hbm>>
          %dma_wait3A_301 = tpu.memref_squeeze %dma_wait3A_300 : memref<1x1x8x144xf32, #tpu.memory_space<hbm>> -> memref<8x144xf32, #tpu.memory_space<hbm>>
          %dma_wait3A_302 = arith.constant 0 : i32
          %dma_wait3A_303 = arith.constant 0 : i32
          %dma_wait3A_304 = tpu.memref_slice %arg5[%dma_wait3A_292, %dma_wait3A_293, %dma_wait3A_302, %dma_wait3A_303] : memref<64x96x32x144xf32, #tpu.memory_space<hbm>> -> memref<1x1x8x144xf32, #tpu.memory_space<hbm>>
          %dma_wait3A_305 = tpu.memref_squeeze %dma_wait3A_304 : memref<1x1x8x144xf32, #tpu.memory_space<hbm>> -> memref<8x144xf32, #tpu.memory_space<hbm>>
          %dma_wait3A_306 = arith.constant 0 : i32
          %dma_wait3A_307 = arith.constant 0 : i32
          %dma_wait3A_308 = tpu.memref_slice %arg11[%dma_wait3A_291, %dma_wait3A_306, %dma_wait3A_307] : memref<32x8x144xf32, #tpu.memory_space<vmem>> -> memref<1x8x144xf32, #tpu.memory_space<vmem>>
          %dma_wait3A_309 = tpu.memref_squeeze %dma_wait3A_308 : memref<1x8x144xf32, #tpu.memory_space<vmem>> -> memref<8x144xf32, #tpu.memory_space<vmem>>
          tpu.wait_dma2 semaphore(%arg14 : memref<!tpu.dma_semaphore, #tpu.memory_space<semaphore_mem>>) src(%dma_wait3A_309 : memref<8x144xf32, #tpu.memory_space<vmem>>) dst(%dma_wait3A_305 : memref<8x144xf32, #tpu.memory_space<hbm>>)
        }
        %scan3A_285 = arith.constant 32 : i32
      } else {
      }
      %dma_wait3A = arith.constant 0 : i32
      %dma_wait3A_121 = tpu.memref_slice %arg2[%select_n3A, %mul3A_111, %dma_wait3A] : memref<960x32x2000xf32, #tpu.memory_space<hbm>> -> memref<1x8x2000xf32, #tpu.memory_space<hbm>>
      %dma_wait3A_122 = tpu.memref_squeeze %dma_wait3A_121 : memref<1x8x2000xf32, #tpu.memory_space<hbm>> -> memref<8x2000xf32, #tpu.memory_space<hbm>>
      %dma_wait3A_123 = arith.constant 0 : i32
      %dma_wait3A_124 = tpu.memref_slice %arg2[%select_n3A, %mul3A_111, %dma_wait3A_123] : memref<960x32x2000xf32, #tpu.memory_space<hbm>> -> memref<1x8x2000xf32, #tpu.memory_space<hbm>>
      %dma_wait3A_125 = tpu.memref_squeeze %dma_wait3A_124 : memref<1x8x2000xf32, #tpu.memory_space<hbm>> -> memref<8x2000xf32, #tpu.memory_space<hbm>>
      tpu.wait_dma2 semaphore(%arg12 : memref<!tpu.dma_semaphore, #tpu.memory_space<semaphore_mem>>) src(%dma_wait3A_125 : memref<8x2000xf32, #tpu.memory_space<hbm>>) dst(%arg9 : memref<8x2000xf32, #tpu.memory_space<vmem>>)
      %add3A_126 = arith.constant 96 : i32
      %add3A_127 = arith.addi %add3A_126, %select_n3A : i32
      %dma_start3A_128 = arith.constant 0 : i32
      %dma_start3A_129 = tpu.memref_slice %arg2[%add3A_127, %mul3A_111, %dma_start3A_128] : memref<960x32x2000xf32, #tpu.memory_space<hbm>> -> memref<1x8x2000xf32, #tpu.memory_space<hbm>>
      %dma_start3A_130 = tpu.memref_squeeze %dma_start3A_129 : memref<1x8x2000xf32, #tpu.memory_space<hbm>> -> memref<8x2000xf32, #tpu.memory_space<hbm>>
      %dma_start3A_131 = arith.constant 0 : i32
      %dma_start3A_132 = tpu.memref_slice %arg2[%add3A_127, %mul3A_111, %dma_start3A_131] : memref<960x32x2000xf32, #tpu.memory_space<hbm>> -> memref<1x8x2000xf32, #tpu.memory_space<hbm>>
      %dma_start3A_133 = tpu.memref_squeeze %dma_start3A_132 : memref<1x8x2000xf32, #tpu.memory_space<hbm>> -> memref<8x2000xf32, #tpu.memory_space<hbm>>
      tpu.enqueue_dma source(%dma_start3A_133 : memref<8x2000xf32, #tpu.memory_space<hbm>>) target(%arg10 : memref<8x2000xf32, #tpu.memory_space<vmem>>) target_semaphore(%arg13 : memref<!tpu.dma_semaphore, #tpu.memory_space<semaphore_mem>>)
      %parallel_loop3A = arith.constant 0 : i32
      %parallel_loop3A_134 = arith.constant 32 : i32
      %parallel_loop3A_135 = arith.constant 1 : i32
      scf.for %parallel_loop3A_281 = %parallel_loop3A to %parallel_loop3A_134 step %parallel_loop3A_135  : i32 {
        %parallel_loop3A_282 = arith.addi %mul3A_85, %parallel_loop3A_281 : i32
        %parallel_loop3A_283 = arith.constant 10 : i32
        %parallel_loop3A_284 = arith.muli %parallel_loop3A_282, %parallel_loop3A_283 : i32
        %parallel_loop3A_285 = arith.constant 0 : i32
        %parallel_loop3A_286 = arith.addi %parallel_loop3A_284, %parallel_loop3A_285 : i32
        %parallel_loop3A_287 = arith.constant 16 : i32
        %parallel_loop3A_288 = arith.muli %parallel_loop3A_286, %parallel_loop3A_287 : i32
        %parallel_loop3A_289 = arith.index_cast %parallel_loop3A_288 : i32 to index
        %parallel_loop3A_290 = tpu.vector_load %arg7[%parallel_loop3A_289] {strides = array<i32>} : memref<10240xi32, #tpu.memory_space<vmem>>, vector<16xi32>,
        %parallel_loop3A_291 = arith.index_cast %parallel_loop3A_288 : i32 to index
        %parallel_loop3A_292 = tpu.vector_load %arg8[%parallel_loop3A_291] {strides = array<i32>} : memref<10240xi32, #tpu.memory_space<vmem>>, vector<16xi32>,
        %parallel_loop3A_293 = arith.constant 144 : i32
        %parallel_loop3A_294 = vector.broadcast %parallel_loop3A_293 : i32 to vector<16xi32>
        %parallel_loop3A_295 = arith.cmpi slt, %parallel_loop3A_292, %parallel_loop3A_294 : vector<16xi32>
        %parallel_loop3A_296 = vector.broadcast %parallel_loop3A_281 : i32 to vector<16xi32>
        %parallel_loop3A_297 = tpu.vector_load_idx %arg9[%broadcast_in_dim3A_5, %parallel_loop3A_290] : memref<8x2000xf32, #tpu.memory_space<vmem>>[vector<16xi32>, vector<16xi32>], vector<16xf32>,
        tpu.vector_store_idx %arg11[%parallel_loop3A_296, %broadcast_in_dim3A_5, %parallel_loop3A_292], %parallel_loop3A_297 masked %parallel_loop3A_295 : memref<32x8x144xf32, #tpu.memory_space<vmem>>[vector<16xi32>, vector<16xi32>, vector<16xi32>], vector<16xf32>, vector<16xi1>
        %parallel_loop3A_298 = tpu.vector_load_idx %arg9[%broadcast_in_dim3A_7, %parallel_loop3A_290] : memref<8x2000xf32, #tpu.memory_space<vmem>>[vector<16xi32>, vector<16xi32>], vector<16xf32>,
        tpu.vector_store_idx %arg11[%parallel_loop3A_296, %broadcast_in_dim3A_7, %parallel_loop3A_292], %parallel_loop3A_298 masked %parallel_loop3A_295 : memref<32x8x144xf32, #tpu.memory_space<vmem>>[vector<16xi32>, vector<16xi32>, vector<16xi32>], vector<16xf32>, vector<16xi1>
        %parallel_loop3A_299 = tpu.vector_load_idx %arg9[%broadcast_in_dim3A_9, %parallel_loop3A_290] : memref<8x2000xf32, #tpu.memory_space<vmem>>[vector<16xi32>, vector<16xi32>], vector<16xf32>,
        tpu.vector_store_idx %arg11[%parallel_loop3A_296, %broadcast_in_dim3A_9, %parallel_loop3A_292], %parallel_loop3A_299 masked %parallel_loop3A_295 : memref<32x8x144xf32, #tpu.memory_space<vmem>>[vector<16xi32>, vector<16xi32>, vector<16xi32>], vector<16xf32>, vector<16xi1>
        %parallel_loop3A_300 = tpu.vector_load_idx %arg9[%broadcast_in_dim3A_11, %parallel_loop3A_290] : memref<8x2000xf32, #tpu.memory_space<vmem>>[vector<16xi32>, vector<16xi32>], vector<16xf32>,
        tpu.vector_store_idx %arg11[%parallel_loop3A_296, %broadcast_in_dim3A_11, %parallel_loop3A_292], %parallel_loop3A_300 masked %parallel_loop3A_295 : memref<32x8x144xf32, #tpu.memory_space<vmem>>[vector<16xi32>, vector<16xi32>, vector<16xi32>], vector<16xf32>, vector<16xi1>
        %parallel_loop3A_301 = tpu.vector_load_idx %arg9[%broadcast_in_dim3A_13, %parallel_loop3A_290] : memref<8x2000xf32, #tpu.memory_space<vmem>>[vector<16xi32>, vector<16xi32>], vector<16xf32>,
        tpu.vector_store_idx %arg11[%parallel_loop3A_296, %broadcast_in_dim3A_13, %parallel_loop3A_292], %parallel_loop3A_301 masked %parallel_loop3A_295 : memref<32x8x144xf32, #tpu.memory_space<vmem>>[vector<16xi32>, vector<16xi32>, vector<16xi32>], vector<16xf32>, vector<16xi1>
        %parallel_loop3A_302 = tpu.vector_load_idx %arg9[%broadcast_in_dim3A_15, %parallel_loop3A_290] : memref<8x2000xf32, #tpu.memory_space<vmem>>[vector<16xi32>, vector<16xi32>], vector<16xf32>,
        tpu.vector_store_idx %arg11[%parallel_loop3A_296, %broadcast_in_dim3A_15, %parallel_loop3A_292], %parallel_loop3A_302 masked %parallel_loop3A_295 : memref<32x8x144xf32, #tpu.memory_space<vmem>>[vector<16xi32>, vector<16xi32>, vector<16xi32>], vector<16xf32>, vector<16xi1>
        %parallel_loop3A_303 = tpu.vector_load_idx %arg9[%broadcast_in_dim3A_17, %parallel_loop3A_290] : memref<8x2000xf32, #tpu.memory_space<vmem>>[vector<16xi32>, vector<16xi32>], vector<16xf32>,
        tpu.vector_store_idx %arg11[%parallel_loop3A_296, %broadcast_in_dim3A_17, %parallel_loop3A_292], %parallel_loop3A_303 masked %parallel_loop3A_295 : memref<32x8x144xf32, #tpu.memory_space<vmem>>[vector<16xi32>, vector<16xi32>, vector<16xi32>], vector<16xf32>, vector<16xi1>
        %parallel_loop3A_304 = tpu.vector_load_idx %arg9[%broadcast_in_dim3A_19, %parallel_loop3A_290] : memref<8x2000xf32, #tpu.memory_space<vmem>>[vector<16xi32>, vector<16xi32>], vector<16xf32>,
        tpu.vector_store_idx %arg11[%parallel_loop3A_296, %broadcast_in_dim3A_19, %parallel_loop3A_292], %parallel_loop3A_304 masked %parallel_loop3A_295 : memref<32x8x144xf32, #tpu.memory_space<vmem>>[vector<16xi32>, vector<16xi32>, vector<16xi32>], vector<16xf32>, vector<16xi1>
      } {sc.loop_unroll_factor = 2 : i64, sc.parallel_access}
      %dma_wait3A_136 = arith.constant 0 : i32
      %dma_wait3A_137 = tpu.memref_slice %arg2[%select_n3A, %mul3A_111, %dma_wait3A_136] : memref<960x32x2000xf32, #tpu.memory_space<hbm>> -> memref<1x8x2000xf32, #tpu.memory_space<hbm>>
      %dma_wait3A_138 = tpu.memref_squeeze %dma_wait3A_137 : memref<1x8x2000xf32, #tpu.memory_space<hbm>> -> memref<8x2000xf32, #tpu.memory_space<hbm>>
      %dma_wait3A_139 = arith.constant 0 : i32
      %dma_wait3A_140 = tpu.memref_slice %arg2[%select_n3A, %mul3A_111, %dma_wait3A_139] : memref<960x32x2000xf32, #tpu.memory_space<hbm>> -> memref<1x8x2000xf32, #tpu.memory_space<hbm>>
      %dma_wait3A_141 = tpu.memref_squeeze %dma_wait3A_140 : memref<1x8x2000xf32, #tpu.memory_space<hbm>> -> memref<8x2000xf32, #tpu.memory_space<hbm>>
      tpu.wait_dma2 semaphore(%arg13 : memref<!tpu.dma_semaphore, #tpu.memory_space<semaphore_mem>>) src(%dma_wait3A_141 : memref<8x2000xf32, #tpu.memory_space<hbm>>) dst(%arg10 : memref<8x2000xf32, #tpu.memory_space<vmem>>)
      %add3A_142 = arith.constant 192 : i32
      %add3A_143 = arith.addi %add3A_142, %select_n3A : i32
      %dma_start3A_144 = arith.constant 0 : i32
      %dma_start3A_145 = tpu.memref_slice %arg2[%add3A_143, %mul3A_111, %dma_start3A_144] : memref<960x32x2000xf32, #tpu.memory_space<hbm>> -> memref<1x8x2000xf32, #tpu.memory_space<hbm>>
      %dma_start3A_146 = tpu.memref_squeeze %dma_start3A_145 : memref<1x8x2000xf32, #tpu.memory_space<hbm>> -> memref<8x2000xf32, #tpu.memory_space<hbm>>
      %dma_start3A_147 = arith.constant 0 : i32
      %dma_start3A_148 = tpu.memref_slice %arg2[%add3A_143, %mul3A_111, %dma_start3A_147] : memref<960x32x2000xf32, #tpu.memory_space<hbm>> -> memref<1x8x2000xf32, #tpu.memory_space<hbm>>
      %dma_start3A_149 = tpu.memref_squeeze %dma_start3A_148 : memref<1x8x2000xf32, #tpu.memory_space<hbm>> -> memref<8x2000xf32, #tpu.memory_space<hbm>>
      tpu.enqueue_dma source(%dma_start3A_149 : memref<8x2000xf32, #tpu.memory_space<hbm>>) target(%arg9 : memref<8x2000xf32, #tpu.memory_space<vmem>>) target_semaphore(%arg12 : memref<!tpu.dma_semaphore, #tpu.memory_space<semaphore_mem>>)
      %parallel_loop3A_150 = arith.constant 0 : i32
      %parallel_loop3A_151 = arith.constant 32 : i32
      %parallel_loop3A_152 = arith.constant 1 : i32
      scf.for %parallel_loop3A_281 = %parallel_loop3A_150 to %parallel_loop3A_151 step %parallel_loop3A_152  : i32 {
        %parallel_loop3A_282 = arith.addi %mul3A_85, %parallel_loop3A_281 : i32
        %parallel_loop3A_283 = arith.constant 10 : i32
        %parallel_loop3A_284 = arith.muli %parallel_loop3A_282, %parallel_loop3A_283 : i32
        %parallel_loop3A_285 = arith.constant 1 : i32
        %parallel_loop3A_286 = arith.addi %parallel_loop3A_284, %parallel_loop3A_285 : i32
        %parallel_loop3A_287 = arith.constant 16 : i32
        %parallel_loop3A_288 = arith.muli %parallel_loop3A_286, %parallel_loop3A_287 : i32
        %parallel_loop3A_289 = arith.index_cast %parallel_loop3A_288 : i32 to index
        %parallel_loop3A_290 = tpu.vector_load %arg7[%parallel_loop3A_289] {strides = array<i32>} : memref<10240xi32, #tpu.memory_space<vmem>>, vector<16xi32>,
        %parallel_loop3A_291 = arith.index_cast %parallel_loop3A_288 : i32 to index
        %parallel_loop3A_292 = tpu.vector_load %arg8[%parallel_loop3A_291] {strides = array<i32>} : memref<10240xi32, #tpu.memory_space<vmem>>, vector<16xi32>,
        %parallel_loop3A_293 = arith.constant 144 : i32
        %parallel_loop3A_294 = vector.broadcast %parallel_loop3A_293 : i32 to vector<16xi32>
        %parallel_loop3A_295 = arith.cmpi slt, %parallel_loop3A_292, %parallel_loop3A_294 : vector<16xi32>
        %parallel_loop3A_296 = vector.broadcast %parallel_loop3A_281 : i32 to vector<16xi32>
        %parallel_loop3A_297 = tpu.vector_load_idx %arg10[%broadcast_in_dim3A_5, %parallel_loop3A_290] : memref<8x2000xf32, #tpu.memory_space<vmem>>[vector<16xi32>, vector<16xi32>], vector<16xf32>,
        tpu.vector_store_idx %arg11[%parallel_loop3A_296, %broadcast_in_dim3A_5, %parallel_loop3A_292], %parallel_loop3A_297 masked %parallel_loop3A_295 : memref<32x8x144xf32, #tpu.memory_space<vmem>>[vector<16xi32>, vector<16xi32>, vector<16xi32>], vector<16xf32>, vector<16xi1>
        %parallel_loop3A_298 = tpu.vector_load_idx %arg10[%broadcast_in_dim3A_7, %parallel_loop3A_290] : memref<8x2000xf32, #tpu.memory_space<vmem>>[vector<16xi32>, vector<16xi32>], vector<16xf32>,
        tpu.vector_store_idx %arg11[%parallel_loop3A_296, %broadcast_in_dim3A_7, %parallel_loop3A_292], %parallel_loop3A_298 masked %parallel_loop3A_295 : memref<32x8x144xf32, #tpu.memory_space<vmem>>[vector<16xi32>, vector<16xi32>, vector<16xi32>], vector<16xf32>, vector<16xi1>
        %parallel_loop3A_299 = tpu.vector_load_idx %arg10[%broadcast_in_dim3A_9, %parallel_loop3A_290] : memref<8x2000xf32, #tpu.memory_space<vmem>>[vector<16xi32>, vector<16xi32>], vector<16xf32>,
        tpu.vector_store_idx %arg11[%parallel_loop3A_296, %broadcast_in_dim3A_9, %parallel_loop3A_292], %parallel_loop3A_299 masked %parallel_loop3A_295 : memref<32x8x144xf32, #tpu.memory_space<vmem>>[vector<16xi32>, vector<16xi32>, vector<16xi32>], vector<16xf32>, vector<16xi1>
        %parallel_loop3A_300 = tpu.vector_load_idx %arg10[%broadcast_in_dim3A_11, %parallel_loop3A_290] : memref<8x2000xf32, #tpu.memory_space<vmem>>[vector<16xi32>, vector<16xi32>], vector<16xf32>,
        tpu.vector_store_idx %arg11[%parallel_loop3A_296, %broadcast_in_dim3A_11, %parallel_loop3A_292], %parallel_loop3A_300 masked %parallel_loop3A_295 : memref<32x8x144xf32, #tpu.memory_space<vmem>>[vector<16xi32>, vector<16xi32>, vector<16xi32>], vector<16xf32>, vector<16xi1>
        %parallel_loop3A_301 = tpu.vector_load_idx %arg10[%broadcast_in_dim3A_13, %parallel_loop3A_290] : memref<8x2000xf32, #tpu.memory_space<vmem>>[vector<16xi32>, vector<16xi32>], vector<16xf32>,
        tpu.vector_store_idx %arg11[%parallel_loop3A_296, %broadcast_in_dim3A_13, %parallel_loop3A_292], %parallel_loop3A_301 masked %parallel_loop3A_295 : memref<32x8x144xf32, #tpu.memory_space<vmem>>[vector<16xi32>, vector<16xi32>, vector<16xi32>], vector<16xf32>, vector<16xi1>
        %parallel_loop3A_302 = tpu.vector_load_idx %arg10[%broadcast_in_dim3A_15, %parallel_loop3A_290] : memref<8x2000xf32, #tpu.memory_space<vmem>>[vector<16xi32>, vector<16xi32>], vector<16xf32>,
        tpu.vector_store_idx %arg11[%parallel_loop3A_296, %broadcast_in_dim3A_15, %parallel_loop3A_292], %parallel_loop3A_302 masked %parallel_loop3A_295 : memref<32x8x144xf32, #tpu.memory_space<vmem>>[vector<16xi32>, vector<16xi32>, vector<16xi32>], vector<16xf32>, vector<16xi1>
        %parallel_loop3A_303 = tpu.vector_load_idx %arg10[%broadcast_in_dim3A_17, %parallel_loop3A_290] : memref<8x2000xf32, #tpu.memory_space<vmem>>[vector<16xi32>, vector<16xi32>], vector<16xf32>,
        tpu.vector_store_idx %arg11[%parallel_loop3A_296, %broadcast_in_dim3A_17, %parallel_loop3A_292], %parallel_loop3A_303 masked %parallel_loop3A_295 : memref<32x8x144xf32, #tpu.memory_space<vmem>>[vector<16xi32>, vector<16xi32>, vector<16xi32>], vector<16xf32>, vector<16xi1>
        %parallel_loop3A_304 = tpu.vector_load_idx %arg10[%broadcast_in_dim3A_19, %parallel_loop3A_290] : memref<8x2000xf32, #tpu.memory_space<vmem>>[vector<16xi32>, vector<16xi32>], vector<16xf32>,
        tpu.vector_store_idx %arg11[%parallel_loop3A_296, %broadcast_in_dim3A_19, %parallel_loop3A_292], %parallel_loop3A_304 masked %parallel_loop3A_295 : memref<32x8x144xf32, #tpu.memory_space<vmem>>[vector<16xi32>, vector<16xi32>, vector<16xi32>], vector<16xf32>, vector<16xi1>
      } {sc.loop_unroll_factor = 2 : i64, sc.parallel_access}
      %dma_wait3A_153 = arith.constant 0 : i32
      %dma_wait3A_154 = tpu.memref_slice %arg2[%select_n3A, %mul3A_111, %dma_wait3A_153] : memref<960x32x2000xf32, #tpu.memory_space<hbm>> -> memref<1x8x2000xf32, #tpu.memory_space<hbm>>
      %dma_wait3A_155 = tpu.memref_squeeze %dma_wait3A_154 : memref<1x8x2000xf32, #tpu.memory_space<hbm>> -> memref<8x2000xf32, #tpu.memory_space<hbm>>
      %dma_wait3A_156 = arith.constant 0 : i32
      %dma_wait3A_157 = tpu.memref_slice %arg2[%select_n3A, %mul3A_111, %dma_wait3A_156] : memref<960x32x2000xf32, #tpu.memory_space<hbm>> -> memref<1x8x2000xf32, #tpu.memory_space<hbm>>
      %dma_wait3A_158 = tpu.memref_squeeze %dma_wait3A_157 : memref<1x8x2000xf32, #tpu.memory_space<hbm>> -> memref<8x2000xf32, #tpu.memory_space<hbm>>
      tpu.wait_dma2 semaphore(%arg12 : memref<!tpu.dma_semaphore, #tpu.memory_space<semaphore_mem>>) src(%dma_wait3A_158 : memref<8x2000xf32, #tpu.memory_space<hbm>>) dst(%arg9 : memref<8x2000xf32, #tpu.memory_space<vmem>>)
      %add3A_159 = arith.constant 288 : i32
      %add3A_160 = arith.addi %add3A_159, %select_n3A : i32
      %dma_start3A_161 = arith.constant 0 : i32
      %dma_start3A_162 = tpu.memref_slice %arg2[%add3A_160, %mul3A_111, %dma_start3A_161] : memref<960x32x2000xf32, #tpu.memory_space<hbm>> -> memref<1x8x2000xf32, #tpu.memory_space<hbm>>
      %dma_start3A_163 = tpu.memref_squeeze %dma_start3A_162 : memref<1x8x2000xf32, #tpu.memory_space<hbm>> -> memref<8x2000xf32, #tpu.memory_space<hbm>>
      %dma_start3A_164 = arith.constant 0 : i32
      %dma_start3A_165 = tpu.memref_slice %arg2[%add3A_160, %mul3A_111, %dma_start3A_164] : memref<960x32x2000xf32, #tpu.memory_space<hbm>> -> memref<1x8x2000xf32, #tpu.memory_space<hbm>>
      %dma_start3A_166 = tpu.memref_squeeze %dma_start3A_165 : memref<1x8x2000xf32, #tpu.memory_space<hbm>> -> memref<8x2000xf32, #tpu.memory_space<hbm>>
      tpu.enqueue_dma source(%dma_start3A_166 : memref<8x2000xf32, #tpu.memory_space<hbm>>) target(%arg10 : memref<8x2000xf32, #tpu.memory_space<vmem>>) target_semaphore(%arg13 : memref<!tpu.dma_semaphore, #tpu.memory_space<semaphore_mem>>)
      %parallel_loop3A_167 = arith.constant 0 : i32
      %parallel_loop3A_168 = arith.constant 32 : i32
      %parallel_loop3A_169 = arith.constant 1 : i32
      scf.for %parallel_loop3A_281 = %parallel_loop3A_167 to %parallel_loop3A_168 step %parallel_loop3A_169  : i32 {
        %parallel_loop3A_282 = arith.addi %mul3A_85, %parallel_loop3A_281 : i32
        %parallel_loop3A_283 = arith.constant 10 : i32
        %parallel_loop3A_284 = arith.muli %parallel_loop3A_282, %parallel_loop3A_283 : i32
        %parallel_loop3A_285 = arith.constant 2 : i32
        %parallel_loop3A_286 = arith.addi %parallel_loop3A_284, %parallel_loop3A_285 : i32
        %parallel_loop3A_287 = arith.constant 16 : i32
        %parallel_loop3A_288 = arith.muli %parallel_loop3A_286, %parallel_loop3A_287 : i32
        %parallel_loop3A_289 = arith.index_cast %parallel_loop3A_288 : i32 to index
        %parallel_loop3A_290 = tpu.vector_load %arg7[%parallel_loop3A_289] {strides = array<i32>} : memref<10240xi32, #tpu.memory_space<vmem>>, vector<16xi32>,
        %parallel_loop3A_291 = arith.index_cast %parallel_loop3A_288 : i32 to index
        %parallel_loop3A_292 = tpu.vector_load %arg8[%parallel_loop3A_291] {strides = array<i32>} : memref<10240xi32, #tpu.memory_space<vmem>>, vector<16xi32>,
        %parallel_loop3A_293 = arith.constant 144 : i32
        %parallel_loop3A_294 = vector.broadcast %parallel_loop3A_293 : i32 to vector<16xi32>
        %parallel_loop3A_295 = arith.cmpi slt, %parallel_loop3A_292, %parallel_loop3A_294 : vector<16xi32>
        %parallel_loop3A_296 = vector.broadcast %parallel_loop3A_281 : i32 to vector<16xi32>
        %parallel_loop3A_297 = tpu.vector_load_idx %arg9[%broadcast_in_dim3A_5, %parallel_loop3A_290] : memref<8x2000xf32, #tpu.memory_space<vmem>>[vector<16xi32>, vector<16xi32>], vector<16xf32>,
        tpu.vector_store_idx %arg11[%parallel_loop3A_296, %broadcast_in_dim3A_5, %parallel_loop3A_292], %parallel_loop3A_297 masked %parallel_loop3A_295 : memref<32x8x144xf32, #tpu.memory_space<vmem>>[vector<16xi32>, vector<16xi32>, vector<16xi32>], vector<16xf32>, vector<16xi1>
        %parallel_loop3A_298 = tpu.vector_load_idx %arg9[%broadcast_in_dim3A_7, %parallel_loop3A_290] : memref<8x2000xf32, #tpu.memory_space<vmem>>[vector<16xi32>, vector<16xi32>], vector<16xf32>,
        tpu.vector_store_idx %arg11[%parallel_loop3A_296, %broadcast_in_dim3A_7, %parallel_loop3A_292], %parallel_loop3A_298 masked %parallel_loop3A_295 : memref<32x8x144xf32, #tpu.memory_space<vmem>>[vector<16xi32>, vector<16xi32>, vector<16xi32>], vector<16xf32>, vector<16xi1>
        %parallel_loop3A_299 = tpu.vector_load_idx %arg9[%broadcast_in_dim3A_9, %parallel_loop3A_290] : memref<8x2000xf32, #tpu.memory_space<vmem>>[vector<16xi32>, vector<16xi32>], vector<16xf32>,
        tpu.vector_store_idx %arg11[%parallel_loop3A_296, %broadcast_in_dim3A_9, %parallel_loop3A_292], %parallel_loop3A_299 masked %parallel_loop3A_295 : memref<32x8x144xf32, #tpu.memory_space<vmem>>[vector<16xi32>, vector<16xi32>, vector<16xi32>], vector<16xf32>, vector<16xi1>
        %parallel_loop3A_300 = tpu.vector_load_idx %arg9[%broadcast_in_dim3A_11, %parallel_loop3A_290] : memref<8x2000xf32, #tpu.memory_space<vmem>>[vector<16xi32>, vector<16xi32>], vector<16xf32>,
        tpu.vector_store_idx %arg11[%parallel_loop3A_296, %broadcast_in_dim3A_11, %parallel_loop3A_292], %parallel_loop3A_300 masked %parallel_loop3A_295 : memref<32x8x144xf32, #tpu.memory_space<vmem>>[vector<16xi32>, vector<16xi32>, vector<16xi32>], vector<16xf32>, vector<16xi1>
        %parallel_loop3A_301 = tpu.vector_load_idx %arg9[%broadcast_in_dim3A_13, %parallel_loop3A_290] : memref<8x2000xf32, #tpu.memory_space<vmem>>[vector<16xi32>, vector<16xi32>], vector<16xf32>,
        tpu.vector_store_idx %arg11[%parallel_loop3A_296, %broadcast_in_dim3A_13, %parallel_loop3A_292], %parallel_loop3A_301 masked %parallel_loop3A_295 : memref<32x8x144xf32, #tpu.memory_space<vmem>>[vector<16xi32>, vector<16xi32>, vector<16xi32>], vector<16xf32>, vector<16xi1>
        %parallel_loop3A_302 = tpu.vector_load_idx %arg9[%broadcast_in_dim3A_15, %parallel_loop3A_290] : memref<8x2000xf32, #tpu.memory_space<vmem>>[vector<16xi32>, vector<16xi32>], vector<16xf32>,
        tpu.vector_store_idx %arg11[%parallel_loop3A_296, %broadcast_in_dim3A_15, %parallel_loop3A_292], %parallel_loop3A_302 masked %parallel_loop3A_295 : memref<32x8x144xf32, #tpu.memory_space<vmem>>[vector<16xi32>, vector<16xi32>, vector<16xi32>], vector<16xf32>, vector<16xi1>
        %parallel_loop3A_303 = tpu.vector_load_idx %arg9[%broadcast_in_dim3A_17, %parallel_loop3A_290] : memref<8x2000xf32, #tpu.memory_space<vmem>>[vector<16xi32>, vector<16xi32>], vector<16xf32>,
        tpu.vector_store_idx %arg11[%parallel_loop3A_296, %broadcast_in_dim3A_17, %parallel_loop3A_292], %parallel_loop3A_303 masked %parallel_loop3A_295 : memref<32x8x144xf32, #tpu.memory_space<vmem>>[vector<16xi32>, vector<16xi32>, vector<16xi32>], vector<16xf32>, vector<16xi1>
        %parallel_loop3A_304 = tpu.vector_load_idx %arg9[%broadcast_in_dim3A_19, %parallel_loop3A_290] : memref<8x2000xf32, #tpu.memory_space<vmem>>[vector<16xi32>, vector<16xi32>], vector<16xf32>,
        tpu.vector_store_idx %arg11[%parallel_loop3A_296, %broadcast_in_dim3A_19, %parallel_loop3A_292], %parallel_loop3A_304 masked %parallel_loop3A_295 : memref<32x8x144xf32, #tpu.memory_space<vmem>>[vector<16xi32>, vector<16xi32>, vector<16xi32>], vector<16xf32>, vector<16xi1>
      } {sc.loop_unroll_factor = 2 : i64, sc.parallel_access}
      %dma_wait3A_170 = arith.constant 0 : i32
      %dma_wait3A_171 = tpu.memref_slice %arg2[%select_n3A, %mul3A_111, %dma_wait3A_170] : memref<960x32x2000xf32, #tpu.memory_space<hbm>> -> memref<1x8x2000xf32, #tpu.memory_space<hbm>>
      %dma_wait3A_172 = tpu.memref_squeeze %dma_wait3A_171 : memref<1x8x2000xf32, #tpu.memory_space<hbm>> -> memref<8x2000xf32, #tpu.memory_space<hbm>>
      %dma_wait3A_173 = arith.constant 0 : i32
      %dma_wait3A_174 = tpu.memref_slice %arg2[%select_n3A, %mul3A_111, %dma_wait3A_173] : memref<960x32x2000xf32, #tpu.memory_space<hbm>> -> memref<1x8x2000xf32, #tpu.memory_space<hbm>>
      %dma_wait3A_175 = tpu.memref_squeeze %dma_wait3A_174 : memref<1x8x2000xf32, #tpu.memory_space<hbm>> -> memref<8x2000xf32, #tpu.memory_space<hbm>>
      tpu.wait_dma2 semaphore(%arg13 : memref<!tpu.dma_semaphore, #tpu.memory_space<semaphore_mem>>) src(%dma_wait3A_175 : memref<8x2000xf32, #tpu.memory_space<hbm>>) dst(%arg10 : memref<8x2000xf32, #tpu.memory_space<vmem>>)
      %add3A_176 = arith.constant 384 : i32
      %add3A_177 = arith.addi %add3A_176, %select_n3A : i32
      %dma_start3A_178 = arith.constant 0 : i32
      %dma_start3A_179 = tpu.memref_slice %arg2[%add3A_177, %mul3A_111, %dma_start3A_178] : memref<960x32x2000xf32, #tpu.memory_space<hbm>> -> memref<1x8x2000xf32, #tpu.memory_space<hbm>>
      %dma_start3A_180 = tpu.memref_squeeze %dma_start3A_179 : memref<1x8x2000xf32, #tpu.memory_space<hbm>> -> memref<8x2000xf32, #tpu.memory_space<hbm>>
      %dma_start3A_181 = arith.constant 0 : i32
      %dma_start3A_182 = tpu.memref_slice %arg2[%add3A_177, %mul3A_111, %dma_start3A_181] : memref<960x32x2000xf32, #tpu.memory_space<hbm>> -> memref<1x8x2000xf32, #tpu.memory_space<hbm>>
      %dma_start3A_183 = tpu.memref_squeeze %dma_start3A_182 : memref<1x8x2000xf32, #tpu.memory_space<hbm>> -> memref<8x2000xf32, #tpu.memory_space<hbm>>
      tpu.enqueue_dma source(%dma_start3A_183 : memref<8x2000xf32, #tpu.memory_space<hbm>>) target(%arg9 : memref<8x2000xf32, #tpu.memory_space<vmem>>) target_semaphore(%arg12 : memref<!tpu.dma_semaphore, #tpu.memory_space<semaphore_mem>>)
      %parallel_loop3A_184 = arith.constant 0 : i32
      %parallel_loop3A_185 = arith.constant 32 : i32
      %parallel_loop3A_186 = arith.constant 1 : i32
      scf.for %parallel_loop3A_281 = %parallel_loop3A_184 to %parallel_loop3A_185 step %parallel_loop3A_186  : i32 {
        %parallel_loop3A_282 = arith.addi %mul3A_85, %parallel_loop3A_281 : i32
        %parallel_loop3A_283 = arith.constant 10 : i32
        %parallel_loop3A_284 = arith.muli %parallel_loop3A_282, %parallel_loop3A_283 : i32
        %parallel_loop3A_285 = arith.constant 3 : i32
        %parallel_loop3A_286 = arith.addi %parallel_loop3A_284, %parallel_loop3A_285 : i32
        %parallel_loop3A_287 = arith.constant 16 : i32
        %parallel_loop3A_288 = arith.muli %parallel_loop3A_286, %parallel_loop3A_287 : i32
        %parallel_loop3A_289 = arith.index_cast %parallel_loop3A_288 : i32 to index
        %parallel_loop3A_290 = tpu.vector_load %arg7[%parallel_loop3A_289] {strides = array<i32>} : memref<10240xi32, #tpu.memory_space<vmem>>, vector<16xi32>,
        %parallel_loop3A_291 = arith.index_cast %parallel_loop3A_288 : i32 to index
        %parallel_loop3A_292 = tpu.vector_load %arg8[%parallel_loop3A_291] {strides = array<i32>} : memref<10240xi32, #tpu.memory_space<vmem>>, vector<16xi32>,
        %parallel_loop3A_293 = arith.constant 144 : i32
        %parallel_loop3A_294 = vector.broadcast %parallel_loop3A_293 : i32 to vector<16xi32>
        %parallel_loop3A_295 = arith.cmpi slt, %parallel_loop3A_292, %parallel_loop3A_294 : vector<16xi32>
        %parallel_loop3A_296 = vector.broadcast %parallel_loop3A_281 : i32 to vector<16xi32>
        %parallel_loop3A_297 = tpu.vector_load_idx %arg10[%broadcast_in_dim3A_5, %parallel_loop3A_290] : memref<8x2000xf32, #tpu.memory_space<vmem>>[vector<16xi32>, vector<16xi32>], vector<16xf32>,
        tpu.vector_store_idx %arg11[%parallel_loop3A_296, %broadcast_in_dim3A_5, %parallel_loop3A_292], %parallel_loop3A_297 masked %parallel_loop3A_295 : memref<32x8x144xf32, #tpu.memory_space<vmem>>[vector<16xi32>, vector<16xi32>, vector<16xi32>], vector<16xf32>, vector<16xi1>
        %parallel_loop3A_298 = tpu.vector_load_idx %arg10[%broadcast_in_dim3A_7, %parallel_loop3A_290] : memref<8x2000xf32, #tpu.memory_space<vmem>>[vector<16xi32>, vector<16xi32>], vector<16xf32>,
        tpu.vector_store_idx %arg11[%parallel_loop3A_296, %broadcast_in_dim3A_7, %parallel_loop3A_292], %parallel_loop3A_298 masked %parallel_loop3A_295 : memref<32x8x144xf32, #tpu.memory_space<vmem>>[vector<16xi32>, vector<16xi32>, vector<16xi32>], vector<16xf32>, vector<16xi1>
        %parallel_loop3A_299 = tpu.vector_load_idx %arg10[%broadcast_in_dim3A_9, %parallel_loop3A_290] : memref<8x2000xf32, #tpu.memory_space<vmem>>[vector<16xi32>, vector<16xi32>], vector<16xf32>,
        tpu.vector_store_idx %arg11[%parallel_loop3A_296, %broadcast_in_dim3A_9, %parallel_loop3A_292], %parallel_loop3A_299 masked %parallel_loop3A_295 : memref<32x8x144xf32, #tpu.memory_space<vmem>>[vector<16xi32>, vector<16xi32>, vector<16xi32>], vector<16xf32>, vector<16xi1>
        %parallel_loop3A_300 = tpu.vector_load_idx %arg10[%broadcast_in_dim3A_11, %parallel_loop3A_290] : memref<8x2000xf32, #tpu.memory_space<vmem>>[vector<16xi32>, vector<16xi32>], vector<16xf32>,
        tpu.vector_store_idx %arg11[%parallel_loop3A_296, %broadcast_in_dim3A_11, %parallel_loop3A_292], %parallel_loop3A_300 masked %parallel_loop3A_295 : memref<32x8x144xf32, #tpu.memory_space<vmem>>[vector<16xi32>, vector<16xi32>, vector<16xi32>], vector<16xf32>, vector<16xi1>
        %parallel_loop3A_301 = tpu.vector_load_idx %arg10[%broadcast_in_dim3A_13, %parallel_loop3A_290] : memref<8x2000xf32, #tpu.memory_space<vmem>>[vector<16xi32>, vector<16xi32>], vector<16xf32>,
        tpu.vector_store_idx %arg11[%parallel_loop3A_296, %broadcast_in_dim3A_13, %parallel_loop3A_292], %parallel_loop3A_301 masked %parallel_loop3A_295 : memref<32x8x144xf32, #tpu.memory_space<vmem>>[vector<16xi32>, vector<16xi32>, vector<16xi32>], vector<16xf32>, vector<16xi1>
        %parallel_loop3A_302 = tpu.vector_load_idx %arg10[%broadcast_in_dim3A_15, %parallel_loop3A_290] : memref<8x2000xf32, #tpu.memory_space<vmem>>[vector<16xi32>, vector<16xi32>], vector<16xf32>,
        tpu.vector_store_idx %arg11[%parallel_loop3A_296, %broadcast_in_dim3A_15, %parallel_loop3A_292], %parallel_loop3A_302 masked %parallel_loop3A_295 : memref<32x8x144xf32, #tpu.memory_space<vmem>>[vector<16xi32>, vector<16xi32>, vector<16xi32>], vector<16xf32>, vector<16xi1>
        %parallel_loop3A_303 = tpu.vector_load_idx %arg10[%broadcast_in_dim3A_17, %parallel_loop3A_290] : memref<8x2000xf32, #tpu.memory_space<vmem>>[vector<16xi32>, vector<16xi32>], vector<16xf32>,
        tpu.vector_store_idx %arg11[%parallel_loop3A_296, %broadcast_in_dim3A_17, %parallel_loop3A_292], %parallel_loop3A_303 masked %parallel_loop3A_295 : memref<32x8x144xf32, #tpu.memory_space<vmem>>[vector<16xi32>, vector<16xi32>, vector<16xi32>], vector<16xf32>, vector<16xi1>
        %parallel_loop3A_304 = tpu.vector_load_idx %arg10[%broadcast_in_dim3A_19, %parallel_loop3A_290] : memref<8x2000xf32, #tpu.memory_space<vmem>>[vector<16xi32>, vector<16xi32>], vector<16xf32>,
        tpu.vector_store_idx %arg11[%parallel_loop3A_296, %broadcast_in_dim3A_19, %parallel_loop3A_292], %parallel_loop3A_304 masked %parallel_loop3A_295 : memref<32x8x144xf32, #tpu.memory_space<vmem>>[vector<16xi32>, vector<16xi32>, vector<16xi32>], vector<16xf32>, vector<16xi1>
      } {sc.loop_unroll_factor = 2 : i64, sc.parallel_access}
      %dma_wait3A_187 = arith.constant 0 : i32
      %dma_wait3A_188 = tpu.memref_slice %arg2[%select_n3A, %mul3A_111, %dma_wait3A_187] : memref<960x32x2000xf32, #tpu.memory_space<hbm>> -> memref<1x8x2000xf32, #tpu.memory_space<hbm>>
      %dma_wait3A_189 = tpu.memref_squeeze %dma_wait3A_188 : memref<1x8x2000xf32, #tpu.memory_space<hbm>> -> memref<8x2000xf32, #tpu.memory_space<hbm>>
      %dma_wait3A_190 = arith.constant 0 : i32
      %dma_wait3A_191 = tpu.memref_slice %arg2[%select_n3A, %mul3A_111, %dma_wait3A_190] : memref<960x32x2000xf32, #tpu.memory_space<hbm>> -> memref<1x8x2000xf32, #tpu.memory_space<hbm>>
      %dma_wait3A_192 = tpu.memref_squeeze %dma_wait3A_191 : memref<1x8x2000xf32, #tpu.memory_space<hbm>> -> memref<8x2000xf32, #tpu.memory_space<hbm>>
      tpu.wait_dma2 semaphore(%arg12 : memref<!tpu.dma_semaphore, #tpu.memory_space<semaphore_mem>>) src(%dma_wait3A_192 : memref<8x2000xf32, #tpu.memory_space<hbm>>) dst(%arg9 : memref<8x2000xf32, #tpu.memory_space<vmem>>)
      %add3A_193 = arith.constant 480 : i32
      %add3A_194 = arith.addi %add3A_193, %select_n3A : i32
      %dma_start3A_195 = arith.constant 0 : i32
      %dma_start3A_196 = tpu.memref_slice %arg2[%add3A_194, %mul3A_111, %dma_start3A_195] : memref<960x32x2000xf32, #tpu.memory_space<hbm>> -> memref<1x8x2000xf32, #tpu.memory_space<hbm>>
      %dma_start3A_197 = tpu.memref_squeeze %dma_start3A_196 : memref<1x8x2000xf32, #tpu.memory_space<hbm>> -> memref<8x2000xf32, #tpu.memory_space<hbm>>
      %dma_start3A_198 = arith.constant 0 : i32
      %dma_start3A_199 = tpu.memref_slice %arg2[%add3A_194, %mul3A_111, %dma_start3A_198] : memref<960x32x2000xf32, #tpu.memory_space<hbm>> -> memref<1x8x2000xf32, #tpu.memory_space<hbm>>
      %dma_start3A_200 = tpu.memref_squeeze %dma_start3A_199 : memref<1x8x2000xf32, #tpu.memory_space<hbm>> -> memref<8x2000xf32, #tpu.memory_space<hbm>>
      tpu.enqueue_dma source(%dma_start3A_200 : memref<8x2000xf32, #tpu.memory_space<hbm>>) target(%arg10 : memref<8x2000xf32, #tpu.memory_space<vmem>>) target_semaphore(%arg13 : memref<!tpu.dma_semaphore, #tpu.memory_space<semaphore_mem>>)
      %parallel_loop3A_201 = arith.constant 0 : i32
      %parallel_loop3A_202 = arith.constant 32 : i32
      %parallel_loop3A_203 = arith.constant 1 : i32
      scf.for %parallel_loop3A_281 = %parallel_loop3A_201 to %parallel_loop3A_202 step %parallel_loop3A_203  : i32 {
        %parallel_loop3A_282 = arith.addi %mul3A_85, %parallel_loop3A_281 : i32
        %parallel_loop3A_283 = arith.constant 10 : i32
        %parallel_loop3A_284 = arith.muli %parallel_loop3A_282, %parallel_loop3A_283 : i32
        %parallel_loop3A_285 = arith.constant 4 : i32
        %parallel_loop3A_286 = arith.addi %parallel_loop3A_284, %parallel_loop3A_285 : i32
        %parallel_loop3A_287 = arith.constant 16 : i32
        %parallel_loop3A_288 = arith.muli %parallel_loop3A_286, %parallel_loop3A_287 : i32
        %parallel_loop3A_289 = arith.index_cast %parallel_loop3A_288 : i32 to index
        %parallel_loop3A_290 = tpu.vector_load %arg7[%parallel_loop3A_289] {strides = array<i32>} : memref<10240xi32, #tpu.memory_space<vmem>>, vector<16xi32>,
        %parallel_loop3A_291 = arith.index_cast %parallel_loop3A_288 : i32 to index
        %parallel_loop3A_292 = tpu.vector_load %arg8[%parallel_loop3A_291] {strides = array<i32>} : memref<10240xi32, #tpu.memory_space<vmem>>, vector<16xi32>,
        %parallel_loop3A_293 = arith.constant 144 : i32
        %parallel_loop3A_294 = vector.broadcast %parallel_loop3A_293 : i32 to vector<16xi32>
        %parallel_loop3A_295 = arith.cmpi slt, %parallel_loop3A_292, %parallel_loop3A_294 : vector<16xi32>
        %parallel_loop3A_296 = vector.broadcast %parallel_loop3A_281 : i32 to vector<16xi32>
        %parallel_loop3A_297 = tpu.vector_load_idx %arg9[%broadcast_in_dim3A_5, %parallel_loop3A_290] : memref<8x2000xf32, #tpu.memory_space<vmem>>[vector<16xi32>, vector<16xi32>], vector<16xf32>,
        tpu.vector_store_idx %arg11[%parallel_loop3A_296, %broadcast_in_dim3A_5, %parallel_loop3A_292], %parallel_loop3A_297 masked %parallel_loop3A_295 : memref<32x8x144xf32, #tpu.memory_space<vmem>>[vector<16xi32>, vector<16xi32>, vector<16xi32>], vector<16xf32>, vector<16xi1>
        %parallel_loop3A_298 = tpu.vector_load_idx %arg9[%broadcast_in_dim3A_7, %parallel_loop3A_290] : memref<8x2000xf32, #tpu.memory_space<vmem>>[vector<16xi32>, vector<16xi32>], vector<16xf32>,
        tpu.vector_store_idx %arg11[%parallel_loop3A_296, %broadcast_in_dim3A_7, %parallel_loop3A_292], %parallel_loop3A_298 masked %parallel_loop3A_295 : memref<32x8x144xf32, #tpu.memory_space<vmem>>[vector<16xi32>, vector<16xi32>, vector<16xi32>], vector<16xf32>, vector<16xi1>
        %parallel_loop3A_299 = tpu.vector_load_idx %arg9[%broadcast_in_dim3A_9, %parallel_loop3A_290] : memref<8x2000xf32, #tpu.memory_space<vmem>>[vector<16xi32>, vector<16xi32>], vector<16xf32>,
        tpu.vector_store_idx %arg11[%parallel_loop3A_296, %broadcast_in_dim3A_9, %parallel_loop3A_292], %parallel_loop3A_299 masked %parallel_loop3A_295 : memref<32x8x144xf32, #tpu.memory_space<vmem>>[vector<16xi32>, vector<16xi32>, vector<16xi32>], vector<16xf32>, vector<16xi1>
        %parallel_loop3A_300 = tpu.vector_load_idx %arg9[%broadcast_in_dim3A_11, %parallel_loop3A_290] : memref<8x2000xf32, #tpu.memory_space<vmem>>[vector<16xi32>, vector<16xi32>], vector<16xf32>,
        tpu.vector_store_idx %arg11[%parallel_loop3A_296, %broadcast_in_dim3A_11, %parallel_loop3A_292], %parallel_loop3A_300 masked %parallel_loop3A_295 : memref<32x8x144xf32, #tpu.memory_space<vmem>>[vector<16xi32>, vector<16xi32>, vector<16xi32>], vector<16xf32>, vector<16xi1>
        %parallel_loop3A_301 = tpu.vector_load_idx %arg9[%broadcast_in_dim3A_13, %parallel_loop3A_290] : memref<8x2000xf32, #tpu.memory_space<vmem>>[vector<16xi32>, vector<16xi32>], vector<16xf32>,
        tpu.vector_store_idx %arg11[%parallel_loop3A_296, %broadcast_in_dim3A_13, %parallel_loop3A_292], %parallel_loop3A_301 masked %parallel_loop3A_295 : memref<32x8x144xf32, #tpu.memory_space<vmem>>[vector<16xi32>, vector<16xi32>, vector<16xi32>], vector<16xf32>, vector<16xi1>
        %parallel_loop3A_302 = tpu.vector_load_idx %arg9[%broadcast_in_dim3A_15, %parallel_loop3A_290] : memref<8x2000xf32, #tpu.memory_space<vmem>>[vector<16xi32>, vector<16xi32>], vector<16xf32>,
        tpu.vector_store_idx %arg11[%parallel_loop3A_296, %broadcast_in_dim3A_15, %parallel_loop3A_292], %parallel_loop3A_302 masked %parallel_loop3A_295 : memref<32x8x144xf32, #tpu.memory_space<vmem>>[vector<16xi32>, vector<16xi32>, vector<16xi32>], vector<16xf32>, vector<16xi1>
        %parallel_loop3A_303 = tpu.vector_load_idx %arg9[%broadcast_in_dim3A_17, %parallel_loop3A_290] : memref<8x2000xf32, #tpu.memory_space<vmem>>[vector<16xi32>, vector<16xi32>], vector<16xf32>,
        tpu.vector_store_idx %arg11[%parallel_loop3A_296, %broadcast_in_dim3A_17, %parallel_loop3A_292], %parallel_loop3A_303 masked %parallel_loop3A_295 : memref<32x8x144xf32, #tpu.memory_space<vmem>>[vector<16xi32>, vector<16xi32>, vector<16xi32>], vector<16xf32>, vector<16xi1>
        %parallel_loop3A_304 = tpu.vector_load_idx %arg9[%broadcast_in_dim3A_19, %parallel_loop3A_290] : memref<8x2000xf32, #tpu.memory_space<vmem>>[vector<16xi32>, vector<16xi32>], vector<16xf32>,
        tpu.vector_store_idx %arg11[%parallel_loop3A_296, %broadcast_in_dim3A_19, %parallel_loop3A_292], %parallel_loop3A_304 masked %parallel_loop3A_295 : memref<32x8x144xf32, #tpu.memory_space<vmem>>[vector<16xi32>, vector<16xi32>, vector<16xi32>], vector<16xf32>, vector<16xi1>
      } {sc.loop_unroll_factor = 2 : i64, sc.parallel_access}
      %dma_wait3A_204 = arith.constant 0 : i32
      %dma_wait3A_205 = tpu.memref_slice %arg2[%select_n3A, %mul3A_111, %dma_wait3A_204] : memref<960x32x2000xf32, #tpu.memory_space<hbm>> -> memref<1x8x2000xf32, #tpu.memory_space<hbm>>
      %dma_wait3A_206 = tpu.memref_squeeze %dma_wait3A_205 : memref<1x8x2000xf32, #tpu.memory_space<hbm>> -> memref<8x2000xf32, #tpu.memory_space<hbm>>
      %dma_wait3A_207 = arith.constant 0 : i32
      %dma_wait3A_208 = tpu.memref_slice %arg2[%select_n3A, %mul3A_111, %dma_wait3A_207] : memref<960x32x2000xf32, #tpu.memory_space<hbm>> -> memref<1x8x2000xf32, #tpu.memory_space<hbm>>
      %dma_wait3A_209 = tpu.memref_squeeze %dma_wait3A_208 : memref<1x8x2000xf32, #tpu.memory_space<hbm>> -> memref<8x2000xf32, #tpu.memory_space<hbm>>
      tpu.wait_dma2 semaphore(%arg13 : memref<!tpu.dma_semaphore, #tpu.memory_space<semaphore_mem>>) src(%dma_wait3A_209 : memref<8x2000xf32, #tpu.memory_space<hbm>>) dst(%arg10 : memref<8x2000xf32, #tpu.memory_space<vmem>>)
      %add3A_210 = arith.constant 576 : i32
      %add3A_211 = arith.addi %add3A_210, %select_n3A : i32
      %dma_start3A_212 = arith.constant 0 : i32
      %dma_start3A_213 = tpu.memref_slice %arg2[%add3A_211, %mul3A_111, %dma_start3A_212] : memref<960x32x2000xf32, #tpu.memory_space<hbm>> -> memref<1x8x2000xf32, #tpu.memory_space<hbm>>
      %dma_start3A_214 = tpu.memref_squeeze %dma_start3A_213 : memref<1x8x2000xf32, #tpu.memory_space<hbm>> -> memref<8x2000xf32, #tpu.memory_space<hbm>>
      %dma_start3A_215 = arith.constant 0 : i32
      %dma_start3A_216 = tpu.memref_slice %arg2[%add3A_211, %mul3A_111, %dma_start3A_215] : memref<960x32x2000xf32, #tpu.memory_space<hbm>> -> memref<1x8x2000xf32, #tpu.memory_space<hbm>>
      %dma_start3A_217 = tpu.memref_squeeze %dma_start3A_216 : memref<1x8x2000xf32, #tpu.memory_space<hbm>> -> memref<8x2000xf32, #tpu.memory_space<hbm>>
      tpu.enqueue_dma source(%dma_start3A_217 : memref<8x2000xf32, #tpu.memory_space<hbm>>) target(%arg9 : memref<8x2000xf32, #tpu.memory_space<vmem>>) target_semaphore(%arg12 : memref<!tpu.dma_semaphore, #tpu.memory_space<semaphore_mem>>)
      %parallel_loop3A_218 = arith.constant 0 : i32
      %parallel_loop3A_219 = arith.constant 32 : i32
      %parallel_loop3A_220 = arith.constant 1 : i32
      scf.for %parallel_loop3A_281 = %parallel_loop3A_218 to %parallel_loop3A_219 step %parallel_loop3A_220  : i32 {
        %parallel_loop3A_282 = arith.addi %mul3A_85, %parallel_loop3A_281 : i32
        %parallel_loop3A_283 = arith.constant 10 : i32
        %parallel_loop3A_284 = arith.muli %parallel_loop3A_282, %parallel_loop3A_283 : i32
        %parallel_loop3A_285 = arith.constant 5 : i32
        %parallel_loop3A_286 = arith.addi %parallel_loop3A_284, %parallel_loop3A_285 : i32
        %parallel_loop3A_287 = arith.constant 16 : i32
        %parallel_loop3A_288 = arith.muli %parallel_loop3A_286, %parallel_loop3A_287 : i32
        %parallel_loop3A_289 = arith.index_cast %parallel_loop3A_288 : i32 to index
        %parallel_loop3A_290 = tpu.vector_load %arg7[%parallel_loop3A_289] {strides = array<i32>} : memref<10240xi32, #tpu.memory_space<vmem>>, vector<16xi32>,
        %parallel_loop3A_291 = arith.index_cast %parallel_loop3A_288 : i32 to index
        %parallel_loop3A_292 = tpu.vector_load %arg8[%parallel_loop3A_291] {strides = array<i32>} : memref<10240xi32, #tpu.memory_space<vmem>>, vector<16xi32>,
        %parallel_loop3A_293 = arith.constant 144 : i32
        %parallel_loop3A_294 = vector.broadcast %parallel_loop3A_293 : i32 to vector<16xi32>
        %parallel_loop3A_295 = arith.cmpi slt, %parallel_loop3A_292, %parallel_loop3A_294 : vector<16xi32>
        %parallel_loop3A_296 = vector.broadcast %parallel_loop3A_281 : i32 to vector<16xi32>
        %parallel_loop3A_297 = tpu.vector_load_idx %arg10[%broadcast_in_dim3A_5, %parallel_loop3A_290] : memref<8x2000xf32, #tpu.memory_space<vmem>>[vector<16xi32>, vector<16xi32>], vector<16xf32>,
        tpu.vector_store_idx %arg11[%parallel_loop3A_296, %broadcast_in_dim3A_5, %parallel_loop3A_292], %parallel_loop3A_297 masked %parallel_loop3A_295 : memref<32x8x144xf32, #tpu.memory_space<vmem>>[vector<16xi32>, vector<16xi32>, vector<16xi32>], vector<16xf32>, vector<16xi1>
        %parallel_loop3A_298 = tpu.vector_load_idx %arg10[%broadcast_in_dim3A_7, %parallel_loop3A_290] : memref<8x2000xf32, #tpu.memory_space<vmem>>[vector<16xi32>, vector<16xi32>], vector<16xf32>,
        tpu.vector_store_idx %arg11[%parallel_loop3A_296, %broadcast_in_dim3A_7, %parallel_loop3A_292], %parallel_loop3A_298 masked %parallel_loop3A_295 : memref<32x8x144xf32, #tpu.memory_space<vmem>>[vector<16xi32>, vector<16xi32>, vector<16xi32>], vector<16xf32>, vector<16xi1>
        %parallel_loop3A_299 = tpu.vector_load_idx %arg10[%broadcast_in_dim3A_9, %parallel_loop3A_290] : memref<8x2000xf32, #tpu.memory_space<vmem>>[vector<16xi32>, vector<16xi32>], vector<16xf32>,
        tpu.vector_store_idx %arg11[%parallel_loop3A_296, %broadcast_in_dim3A_9, %parallel_loop3A_292], %parallel_loop3A_299 masked %parallel_loop3A_295 : memref<32x8x144xf32, #tpu.memory_space<vmem>>[vector<16xi32>, vector<16xi32>, vector<16xi32>], vector<16xf32>, vector<16xi1>
        %parallel_loop3A_300 = tpu.vector_load_idx %arg10[%broadcast_in_dim3A_11, %parallel_loop3A_290] : memref<8x2000xf32, #tpu.memory_space<vmem>>[vector<16xi32>, vector<16xi32>], vector<16xf32>,
        tpu.vector_store_idx %arg11[%parallel_loop3A_296, %broadcast_in_dim3A_11, %parallel_loop3A_292], %parallel_loop3A_300 masked %parallel_loop3A_295 : memref<32x8x144xf32, #tpu.memory_space<vmem>>[vector<16xi32>, vector<16xi32>, vector<16xi32>], vector<16xf32>, vector<16xi1>
        %parallel_loop3A_301 = tpu.vector_load_idx %arg10[%broadcast_in_dim3A_13, %parallel_loop3A_290] : memref<8x2000xf32, #tpu.memory_space<vmem>>[vector<16xi32>, vector<16xi32>], vector<16xf32>,
        tpu.vector_store_idx %arg11[%parallel_loop3A_296, %broadcast_in_dim3A_13, %parallel_loop3A_292], %parallel_loop3A_301 masked %parallel_loop3A_295 : memref<32x8x144xf32, #tpu.memory_space<vmem>>[vector<16xi32>, vector<16xi32>, vector<16xi32>], vector<16xf32>, vector<16xi1>
        %parallel_loop3A_302 = tpu.vector_load_idx %arg10[%broadcast_in_dim3A_15, %parallel_loop3A_290] : memref<8x2000xf32, #tpu.memory_space<vmem>>[vector<16xi32>, vector<16xi32>], vector<16xf32>,
        tpu.vector_store_idx %arg11[%parallel_loop3A_296, %broadcast_in_dim3A_15, %parallel_loop3A_292], %parallel_loop3A_302 masked %parallel_loop3A_295 : memref<32x8x144xf32, #tpu.memory_space<vmem>>[vector<16xi32>, vector<16xi32>, vector<16xi32>], vector<16xf32>, vector<16xi1>
        %parallel_loop3A_303 = tpu.vector_load_idx %arg10[%broadcast_in_dim3A_17, %parallel_loop3A_290] : memref<8x2000xf32, #tpu.memory_space<vmem>>[vector<16xi32>, vector<16xi32>], vector<16xf32>,
        tpu.vector_store_idx %arg11[%parallel_loop3A_296, %broadcast_in_dim3A_17, %parallel_loop3A_292], %parallel_loop3A_303 masked %parallel_loop3A_295 : memref<32x8x144xf32, #tpu.memory_space<vmem>>[vector<16xi32>, vector<16xi32>, vector<16xi32>], vector<16xf32>, vector<16xi1>
        %parallel_loop3A_304 = tpu.vector_load_idx %arg10[%broadcast_in_dim3A_19, %parallel_loop3A_290] : memref<8x2000xf32, #tpu.memory_space<vmem>>[vector<16xi32>, vector<16xi32>], vector<16xf32>,
        tpu.vector_store_idx %arg11[%parallel_loop3A_296, %broadcast_in_dim3A_19, %parallel_loop3A_292], %parallel_loop3A_304 masked %parallel_loop3A_295 : memref<32x8x144xf32, #tpu.memory_space<vmem>>[vector<16xi32>, vector<16xi32>, vector<16xi32>], vector<16xf32>, vector<16xi1>
      } {sc.loop_unroll_factor = 2 : i64, sc.parallel_access}
      %dma_wait3A_221 = arith.constant 0 : i32
      %dma_wait3A_222 = tpu.memref_slice %arg2[%select_n3A, %mul3A_111, %dma_wait3A_221] : memref<960x32x2000xf32, #tpu.memory_space<hbm>> -> memref<1x8x2000xf32, #tpu.memory_space<hbm>>
      %dma_wait3A_223 = tpu.memref_squeeze %dma_wait3A_222 : memref<1x8x2000xf32, #tpu.memory_space<hbm>> -> memref<8x2000xf32, #tpu.memory_space<hbm>>
      %dma_wait3A_224 = arith.constant 0 : i32
      %dma_wait3A_225 = tpu.memref_slice %arg2[%select_n3A, %mul3A_111, %dma_wait3A_224] : memref<960x32x2000xf32, #tpu.memory_space<hbm>> -> memref<1x8x2000xf32, #tpu.memory_space<hbm>>
      %dma_wait3A_226 = tpu.memref_squeeze %dma_wait3A_225 : memref<1x8x2000xf32, #tpu.memory_space<hbm>> -> memref<8x2000xf32, #tpu.memory_space<hbm>>
      tpu.wait_dma2 semaphore(%arg12 : memref<!tpu.dma_semaphore, #tpu.memory_space<semaphore_mem>>) src(%dma_wait3A_226 : memref<8x2000xf32, #tpu.memory_space<hbm>>) dst(%arg9 : memref<8x2000xf32, #tpu.memory_space<vmem>>)
      %add3A_227 = arith.constant 672 : i32
      %add3A_228 = arith.addi %add3A_227, %select_n3A : i32
      %dma_start3A_229 = arith.constant 0 : i32
      %dma_start3A_230 = tpu.memref_slice %arg2[%add3A_228, %mul3A_111, %dma_start3A_229] : memref<960x32x2000xf32, #tpu.memory_space<hbm>> -> memref<1x8x2000xf32, #tpu.memory_space<hbm>>
      %dma_start3A_231 = tpu.memref_squeeze %dma_start3A_230 : memref<1x8x2000xf32, #tpu.memory_space<hbm>> -> memref<8x2000xf32, #tpu.memory_space<hbm>>
      %dma_start3A_232 = arith.constant 0 : i32
      %dma_start3A_233 = tpu.memref_slice %arg2[%add3A_228, %mul3A_111, %dma_start3A_232] : memref<960x32x2000xf32, #tpu.memory_space<hbm>> -> memref<1x8x2000xf32, #tpu.memory_space<hbm>>
      %dma_start3A_234 = tpu.memref_squeeze %dma_start3A_233 : memref<1x8x2000xf32, #tpu.memory_space<hbm>> -> memref<8x2000xf32, #tpu.memory_space<hbm>>
      tpu.enqueue_dma source(%dma_start3A_234 : memref<8x2000xf32, #tpu.memory_space<hbm>>) target(%arg10 : memref<8x2000xf32, #tpu.memory_space<vmem>>) target_semaphore(%arg13 : memref<!tpu.dma_semaphore, #tpu.memory_space<semaphore_mem>>)
      %parallel_loop3A_235 = arith.constant 0 : i32
      %parallel_loop3A_236 = arith.constant 32 : i32
      %parallel_loop3A_237 = arith.constant 1 : i32
      scf.for %parallel_loop3A_281 = %parallel_loop3A_235 to %parallel_loop3A_236 step %parallel_loop3A_237  : i32 {
        %parallel_loop3A_282 = arith.addi %mul3A_85, %parallel_loop3A_281 : i32
        %parallel_loop3A_283 = arith.constant 10 : i32
        %parallel_loop3A_284 = arith.muli %parallel_loop3A_282, %parallel_loop3A_283 : i32
        %parallel_loop3A_285 = arith.constant 6 : i32
        %parallel_loop3A_286 = arith.addi %parallel_loop3A_284, %parallel_loop3A_285 : i32
        %parallel_loop3A_287 = arith.constant 16 : i32
        %parallel_loop3A_288 = arith.muli %parallel_loop3A_286, %parallel_loop3A_287 : i32
        %parallel_loop3A_289 = arith.index_cast %parallel_loop3A_288 : i32 to index
        %parallel_loop3A_290 = tpu.vector_load %arg7[%parallel_loop3A_289] {strides = array<i32>} : memref<10240xi32, #tpu.memory_space<vmem>>, vector<16xi32>,
        %parallel_loop3A_291 = arith.index_cast %parallel_loop3A_288 : i32 to index
        %parallel_loop3A_292 = tpu.vector_load %arg8[%parallel_loop3A_291] {strides = array<i32>} : memref<10240xi32, #tpu.memory_space<vmem>>, vector<16xi32>,
        %parallel_loop3A_293 = arith.constant 144 : i32
        %parallel_loop3A_294 = vector.broadcast %parallel_loop3A_293 : i32 to vector<16xi32>
        %parallel_loop3A_295 = arith.cmpi slt, %parallel_loop3A_292, %parallel_loop3A_294 : vector<16xi32>
        %parallel_loop3A_296 = vector.broadcast %parallel_loop3A_281 : i32 to vector<16xi32>
        %parallel_loop3A_297 = tpu.vector_load_idx %arg9[%broadcast_in_dim3A_5, %parallel_loop3A_290] : memref<8x2000xf32, #tpu.memory_space<vmem>>[vector<16xi32>, vector<16xi32>], vector<16xf32>,
        tpu.vector_store_idx %arg11[%parallel_loop3A_296, %broadcast_in_dim3A_5, %parallel_loop3A_292], %parallel_loop3A_297 masked %parallel_loop3A_295 : memref<32x8x144xf32, #tpu.memory_space<vmem>>[vector<16xi32>, vector<16xi32>, vector<16xi32>], vector<16xf32>, vector<16xi1>
        %parallel_loop3A_298 = tpu.vector_load_idx %arg9[%broadcast_in_dim3A_7, %parallel_loop3A_290] : memref<8x2000xf32, #tpu.memory_space<vmem>>[vector<16xi32>, vector<16xi32>], vector<16xf32>,
        tpu.vector_store_idx %arg11[%parallel_loop3A_296, %broadcast_in_dim3A_7, %parallel_loop3A_292], %parallel_loop3A_298 masked %parallel_loop3A_295 : memref<32x8x144xf32, #tpu.memory_space<vmem>>[vector<16xi32>, vector<16xi32>, vector<16xi32>], vector<16xf32>, vector<16xi1>
        %parallel_loop3A_299 = tpu.vector_load_idx %arg9[%broadcast_in_dim3A_9, %parallel_loop3A_290] : memref<8x2000xf32, #tpu.memory_space<vmem>>[vector<16xi32>, vector<16xi32>], vector<16xf32>,
        tpu.vector_store_idx %arg11[%parallel_loop3A_296, %broadcast_in_dim3A_9, %parallel_loop3A_292], %parallel_loop3A_299 masked %parallel_loop3A_295 : memref<32x8x144xf32, #tpu.memory_space<vmem>>[vector<16xi32>, vector<16xi32>, vector<16xi32>], vector<16xf32>, vector<16xi1>
        %parallel_loop3A_300 = tpu.vector_load_idx %arg9[%broadcast_in_dim3A_11, %parallel_loop3A_290] : memref<8x2000xf32, #tpu.memory_space<vmem>>[vector<16xi32>, vector<16xi32>], vector<16xf32>,
        tpu.vector_store_idx %arg11[%parallel_loop3A_296, %broadcast_in_dim3A_11, %parallel_loop3A_292], %parallel_loop3A_300 masked %parallel_loop3A_295 : memref<32x8x144xf32, #tpu.memory_space<vmem>>[vector<16xi32>, vector<16xi32>, vector<16xi32>], vector<16xf32>, vector<16xi1>
        %parallel_loop3A_301 = tpu.vector_load_idx %arg9[%broadcast_in_dim3A_13, %parallel_loop3A_290] : memref<8x2000xf32, #tpu.memory_space<vmem>>[vector<16xi32>, vector<16xi32>], vector<16xf32>,
        tpu.vector_store_idx %arg11[%parallel_loop3A_296, %broadcast_in_dim3A_13, %parallel_loop3A_292], %parallel_loop3A_301 masked %parallel_loop3A_295 : memref<32x8x144xf32, #tpu.memory_space<vmem>>[vector<16xi32>, vector<16xi32>, vector<16xi32>], vector<16xf32>, vector<16xi1>
        %parallel_loop3A_302 = tpu.vector_load_idx %arg9[%broadcast_in_dim3A_15, %parallel_loop3A_290] : memref<8x2000xf32, #tpu.memory_space<vmem>>[vector<16xi32>, vector<16xi32>], vector<16xf32>,
        tpu.vector_store_idx %arg11[%parallel_loop3A_296, %broadcast_in_dim3A_15, %parallel_loop3A_292], %parallel_loop3A_302 masked %parallel_loop3A_295 : memref<32x8x144xf32, #tpu.memory_space<vmem>>[vector<16xi32>, vector<16xi32>, vector<16xi32>], vector<16xf32>, vector<16xi1>
        %parallel_loop3A_303 = tpu.vector_load_idx %arg9[%broadcast_in_dim3A_17, %parallel_loop3A_290] : memref<8x2000xf32, #tpu.memory_space<vmem>>[vector<16xi32>, vector<16xi32>], vector<16xf32>,
        tpu.vector_store_idx %arg11[%parallel_loop3A_296, %broadcast_in_dim3A_17, %parallel_loop3A_292], %parallel_loop3A_303 masked %parallel_loop3A_295 : memref<32x8x144xf32, #tpu.memory_space<vmem>>[vector<16xi32>, vector<16xi32>, vector<16xi32>], vector<16xf32>, vector<16xi1>
        %parallel_loop3A_304 = tpu.vector_load_idx %arg9[%broadcast_in_dim3A_19, %parallel_loop3A_290] : memref<8x2000xf32, #tpu.memory_space<vmem>>[vector<16xi32>, vector<16xi32>], vector<16xf32>,
        tpu.vector_store_idx %arg11[%parallel_loop3A_296, %broadcast_in_dim3A_19, %parallel_loop3A_292], %parallel_loop3A_304 masked %parallel_loop3A_295 : memref<32x8x144xf32, #tpu.memory_space<vmem>>[vector<16xi32>, vector<16xi32>, vector<16xi32>], vector<16xf32>, vector<16xi1>
      } {sc.loop_unroll_factor = 2 : i64, sc.parallel_access}
      %dma_wait3A_238 = arith.constant 0 : i32
      %dma_wait3A_239 = tpu.memref_slice %arg2[%select_n3A, %mul3A_111, %dma_wait3A_238] : memref<960x32x2000xf32, #tpu.memory_space<hbm>> -> memref<1x8x2000xf32, #tpu.memory_space<hbm>>
      %dma_wait3A_240 = tpu.memref_squeeze %dma_wait3A_239 : memref<1x8x2000xf32, #tpu.memory_space<hbm>> -> memref<8x2000xf32, #tpu.memory_space<hbm>>
      %dma_wait3A_241 = arith.constant 0 : i32
      %dma_wait3A_242 = tpu.memref_slice %arg2[%select_n3A, %mul3A_111, %dma_wait3A_241] : memref<960x32x2000xf32, #tpu.memory_space<hbm>> -> memref<1x8x2000xf32, #tpu.memory_space<hbm>>
      %dma_wait3A_243 = tpu.memref_squeeze %dma_wait3A_242 : memref<1x8x2000xf32, #tpu.memory_space<hbm>> -> memref<8x2000xf32, #tpu.memory_space<hbm>>
      tpu.wait_dma2 semaphore(%arg13 : memref<!tpu.dma_semaphore, #tpu.memory_space<semaphore_mem>>) src(%dma_wait3A_243 : memref<8x2000xf32, #tpu.memory_space<hbm>>) dst(%arg10 : memref<8x2000xf32, #tpu.memory_space<vmem>>)
      %add3A_244 = arith.constant 768 : i32
      %add3A_245 = arith.addi %add3A_244, %select_n3A : i32
      %dma_start3A_246 = arith.constant 0 : i32
      %dma_start3A_247 = tpu.memref_slice %arg2[%add3A_245, %mul3A_111, %dma_start3A_246] : memref<960x32x2000xf32, #tpu.memory_space<hbm>> -> memref<1x8x2000xf32, #tpu.memory_space<hbm>>
      %dma_start3A_248 = tpu.memref_squeeze %dma_start3A_247 : memref<1x8x2000xf32, #tpu.memory_space<hbm>> -> memref<8x2000xf32, #tpu.memory_space<hbm>>
      %dma_start3A_249 = arith.constant 0 : i32
      %dma_start3A_250 = tpu.memref_slice %arg2[%add3A_245, %mul3A_111, %dma_start3A_249] : memref<960x32x2000xf32, #tpu.memory_space<hbm>> -> memref<1x8x2000xf32, #tpu.memory_space<hbm>>
      %dma_start3A_251 = tpu.memref_squeeze %dma_start3A_250 : memref<1x8x2000xf32, #tpu.memory_space<hbm>> -> memref<8x2000xf32, #tpu.memory_space<hbm>>
      tpu.enqueue_dma source(%dma_start3A_251 : memref<8x2000xf32, #tpu.memory_space<hbm>>) target(%arg9 : memref<8x2000xf32, #tpu.memory_space<vmem>>) target_semaphore(%arg12 : memref<!tpu.dma_semaphore, #tpu.memory_space<semaphore_mem>>)
      %parallel_loop3A_252 = arith.constant 0 : i32
      %parallel_loop3A_253 = arith.constant 32 : i32
      %parallel_loop3A_254 = arith.constant 1 : i32
      scf.for %parallel_loop3A_281 = %parallel_loop3A_252 to %parallel_loop3A_253 step %parallel_loop3A_254  : i32 {
        %parallel_loop3A_282 = arith.addi %mul3A_85, %parallel_loop3A_281 : i32
        %parallel_loop3A_283 = arith.constant 10 : i32
        %parallel_loop3A_284 = arith.muli %parallel_loop3A_282, %parallel_loop3A_283 : i32
        %parallel_loop3A_285 = arith.constant 7 : i32
        %parallel_loop3A_286 = arith.addi %parallel_loop3A_284, %parallel_loop3A_285 : i32
        %parallel_loop3A_287 = arith.constant 16 : i32
        %parallel_loop3A_288 = arith.muli %parallel_loop3A_286, %parallel_loop3A_287 : i32
        %parallel_loop3A_289 = arith.index_cast %parallel_loop3A_288 : i32 to index
        %parallel_loop3A_290 = tpu.vector_load %arg7[%parallel_loop3A_289] {strides = array<i32>} : memref<10240xi32, #tpu.memory_space<vmem>>, vector<16xi32>,
        %parallel_loop3A_291 = arith.index_cast %parallel_loop3A_288 : i32 to index
        %parallel_loop3A_292 = tpu.vector_load %arg8[%parallel_loop3A_291] {strides = array<i32>} : memref<10240xi32, #tpu.memory_space<vmem>>, vector<16xi32>,
        %parallel_loop3A_293 = arith.constant 144 : i32
        %parallel_loop3A_294 = vector.broadcast %parallel_loop3A_293 : i32 to vector<16xi32>
        %parallel_loop3A_295 = arith.cmpi slt, %parallel_loop3A_292, %parallel_loop3A_294 : vector<16xi32>
        %parallel_loop3A_296 = vector.broadcast %parallel_loop3A_281 : i32 to vector<16xi32>
        %parallel_loop3A_297 = tpu.vector_load_idx %arg10[%broadcast_in_dim3A_5, %parallel_loop3A_290] : memref<8x2000xf32, #tpu.memory_space<vmem>>[vector<16xi32>, vector<16xi32>], vector<16xf32>,
        tpu.vector_store_idx %arg11[%parallel_loop3A_296, %broadcast_in_dim3A_5, %parallel_loop3A_292], %parallel_loop3A_297 masked %parallel_loop3A_295 : memref<32x8x144xf32, #tpu.memory_space<vmem>>[vector<16xi32>, vector<16xi32>, vector<16xi32>], vector<16xf32>, vector<16xi1>
        %parallel_loop3A_298 = tpu.vector_load_idx %arg10[%broadcast_in_dim3A_7, %parallel_loop3A_290] : memref<8x2000xf32, #tpu.memory_space<vmem>>[vector<16xi32>, vector<16xi32>], vector<16xf32>,
        tpu.vector_store_idx %arg11[%parallel_loop3A_296, %broadcast_in_dim3A_7, %parallel_loop3A_292], %parallel_loop3A_298 masked %parallel_loop3A_295 : memref<32x8x144xf32, #tpu.memory_space<vmem>>[vector<16xi32>, vector<16xi32>, vector<16xi32>], vector<16xf32>, vector<16xi1>
        %parallel_loop3A_299 = tpu.vector_load_idx %arg10[%broadcast_in_dim3A_9, %parallel_loop3A_290] : memref<8x2000xf32, #tpu.memory_space<vmem>>[vector<16xi32>, vector<16xi32>], vector<16xf32>,
        tpu.vector_store_idx %arg11[%parallel_loop3A_296, %broadcast_in_dim3A_9, %parallel_loop3A_292], %parallel_loop3A_299 masked %parallel_loop3A_295 : memref<32x8x144xf32, #tpu.memory_space<vmem>>[vector<16xi32>, vector<16xi32>, vector<16xi32>], vector<16xf32>, vector<16xi1>
        %parallel_loop3A_300 = tpu.vector_load_idx %arg10[%broadcast_in_dim3A_11, %parallel_loop3A_290] : memref<8x2000xf32, #tpu.memory_space<vmem>>[vector<16xi32>, vector<16xi32>], vector<16xf32>,
        tpu.vector_store_idx %arg11[%parallel_loop3A_296, %broadcast_in_dim3A_11, %parallel_loop3A_292], %parallel_loop3A_300 masked %parallel_loop3A_295 : memref<32x8x144xf32, #tpu.memory_space<vmem>>[vector<16xi32>, vector<16xi32>, vector<16xi32>], vector<16xf32>, vector<16xi1>
        %parallel_loop3A_301 = tpu.vector_load_idx %arg10[%broadcast_in_dim3A_13, %parallel_loop3A_290] : memref<8x2000xf32, #tpu.memory_space<vmem>>[vector<16xi32>, vector<16xi32>], vector<16xf32>,
        tpu.vector_store_idx %arg11[%parallel_loop3A_296, %broadcast_in_dim3A_13, %parallel_loop3A_292], %parallel_loop3A_301 masked %parallel_loop3A_295 : memref<32x8x144xf32, #tpu.memory_space<vmem>>[vector<16xi32>, vector<16xi32>, vector<16xi32>], vector<16xf32>, vector<16xi1>
        %parallel_loop3A_302 = tpu.vector_load_idx %arg10[%broadcast_in_dim3A_15, %parallel_loop3A_290] : memref<8x2000xf32, #tpu.memory_space<vmem>>[vector<16xi32>, vector<16xi32>], vector<16xf32>,
        tpu.vector_store_idx %arg11[%parallel_loop3A_296, %broadcast_in_dim3A_15, %parallel_loop3A_292], %parallel_loop3A_302 masked %parallel_loop3A_295 : memref<32x8x144xf32, #tpu.memory_space<vmem>>[vector<16xi32>, vector<16xi32>, vector<16xi32>], vector<16xf32>, vector<16xi1>
        %parallel_loop3A_303 = tpu.vector_load_idx %arg10[%broadcast_in_dim3A_17, %parallel_loop3A_290] : memref<8x2000xf32, #tpu.memory_space<vmem>>[vector<16xi32>, vector<16xi32>], vector<16xf32>,
        tpu.vector_store_idx %arg11[%parallel_loop3A_296, %broadcast_in_dim3A_17, %parallel_loop3A_292], %parallel_loop3A_303 masked %parallel_loop3A_295 : memref<32x8x144xf32, #tpu.memory_space<vmem>>[vector<16xi32>, vector<16xi32>, vector<16xi32>], vector<16xf32>, vector<16xi1>
        %parallel_loop3A_304 = tpu.vector_load_idx %arg10[%broadcast_in_dim3A_19, %parallel_loop3A_290] : memref<8x2000xf32, #tpu.memory_space<vmem>>[vector<16xi32>, vector<16xi32>], vector<16xf32>,
        tpu.vector_store_idx %arg11[%parallel_loop3A_296, %broadcast_in_dim3A_19, %parallel_loop3A_292], %parallel_loop3A_304 masked %parallel_loop3A_295 : memref<32x8x144xf32, #tpu.memory_space<vmem>>[vector<16xi32>, vector<16xi32>, vector<16xi32>], vector<16xf32>, vector<16xi1>
      } {sc.loop_unroll_factor = 2 : i64, sc.parallel_access}
      %dma_wait3A_255 = arith.constant 0 : i32
      %dma_wait3A_256 = tpu.memref_slice %arg2[%select_n3A, %mul3A_111, %dma_wait3A_255] : memref<960x32x2000xf32, #tpu.memory_space<hbm>> -> memref<1x8x2000xf32, #tpu.memory_space<hbm>>
      %dma_wait3A_257 = tpu.memref_squeeze %dma_wait3A_256 : memref<1x8x2000xf32, #tpu.memory_space<hbm>> -> memref<8x2000xf32, #tpu.memory_space<hbm>>
      %dma_wait3A_258 = arith.constant 0 : i32
      %dma_wait3A_259 = tpu.memref_slice %arg2[%select_n3A, %mul3A_111, %dma_wait3A_258] : memref<960x32x2000xf32, #tpu.memory_space<hbm>> -> memref<1x8x2000xf32, #tpu.memory_space<hbm>>
      %dma_wait3A_260 = tpu.memref_squeeze %dma_wait3A_259 : memref<1x8x2000xf32, #tpu.memory_space<hbm>> -> memref<8x2000xf32, #tpu.memory_space<hbm>>
      tpu.wait_dma2 semaphore(%arg12 : memref<!tpu.dma_semaphore, #tpu.memory_space<semaphore_mem>>) src(%dma_wait3A_260 : memref<8x2000xf32, #tpu.memory_space<hbm>>) dst(%arg9 : memref<8x2000xf32, #tpu.memory_space<vmem>>)
      %add3A_261 = arith.constant 864 : i32
      %add3A_262 = arith.addi %add3A_261, %select_n3A : i32
      %dma_start3A_263 = arith.constant 0 : i32
      %dma_start3A_264 = tpu.memref_slice %arg2[%add3A_262, %mul3A_111, %dma_start3A_263] : memref<960x32x2000xf32, #tpu.memory_space<hbm>> -> memref<1x8x2000xf32, #tpu.memory_space<hbm>>
      %dma_start3A_265 = tpu.memref_squeeze %dma_start3A_264 : memref<1x8x2000xf32, #tpu.memory_space<hbm>> -> memref<8x2000xf32, #tpu.memory_space<hbm>>
      %dma_start3A_266 = arith.constant 0 : i32
      %dma_start3A_267 = tpu.memref_slice %arg2[%add3A_262, %mul3A_111, %dma_start3A_266] : memref<960x32x2000xf32, #tpu.memory_space<hbm>> -> memref<1x8x2000xf32, #tpu.memory_space<hbm>>
      %dma_start3A_268 = tpu.memref_squeeze %dma_start3A_267 : memref<1x8x2000xf32, #tpu.memory_space<hbm>> -> memref<8x2000xf32, #tpu.memory_space<hbm>>
      tpu.enqueue_dma source(%dma_start3A_268 : memref<8x2000xf32, #tpu.memory_space<hbm>>) target(%arg10 : memref<8x2000xf32, #tpu.memory_space<vmem>>) target_semaphore(%arg13 : memref<!tpu.dma_semaphore, #tpu.memory_space<semaphore_mem>>)
      %parallel_loop3A_269 = arith.constant 0 : i32
      %parallel_loop3A_270 = arith.constant 32 : i32
      %parallel_loop3A_271 = arith.constant 1 : i32
      scf.for %parallel_loop3A_281 = %parallel_loop3A_269 to %parallel_loop3A_270 step %parallel_loop3A_271  : i32 {
        %parallel_loop3A_282 = arith.addi %mul3A_85, %parallel_loop3A_281 : i32
        %parallel_loop3A_283 = arith.constant 10 : i32
        %parallel_loop3A_284 = arith.muli %parallel_loop3A_282, %parallel_loop3A_283 : i32
        %parallel_loop3A_285 = arith.constant 8 : i32
        %parallel_loop3A_286 = arith.addi %parallel_loop3A_284, %parallel_loop3A_285 : i32
        %parallel_loop3A_287 = arith.constant 16 : i32
        %parallel_loop3A_288 = arith.muli %parallel_loop3A_286, %parallel_loop3A_287 : i32
        %parallel_loop3A_289 = arith.index_cast %parallel_loop3A_288 : i32 to index
        %parallel_loop3A_290 = tpu.vector_load %arg7[%parallel_loop3A_289] {strides = array<i32>} : memref<10240xi32, #tpu.memory_space<vmem>>, vector<16xi32>,
        %parallel_loop3A_291 = arith.index_cast %parallel_loop3A_288 : i32 to index
        %parallel_loop3A_292 = tpu.vector_load %arg8[%parallel_loop3A_291] {strides = array<i32>} : memref<10240xi32, #tpu.memory_space<vmem>>, vector<16xi32>,
        %parallel_loop3A_293 = arith.constant 144 : i32
        %parallel_loop3A_294 = vector.broadcast %parallel_loop3A_293 : i32 to vector<16xi32>
        %parallel_loop3A_295 = arith.cmpi slt, %parallel_loop3A_292, %parallel_loop3A_294 : vector<16xi32>
        %parallel_loop3A_296 = vector.broadcast %parallel_loop3A_281 : i32 to vector<16xi32>
        %parallel_loop3A_297 = tpu.vector_load_idx %arg9[%broadcast_in_dim3A_5, %parallel_loop3A_290] : memref<8x2000xf32, #tpu.memory_space<vmem>>[vector<16xi32>, vector<16xi32>], vector<16xf32>,
        tpu.vector_store_idx %arg11[%parallel_loop3A_296, %broadcast_in_dim3A_5, %parallel_loop3A_292], %parallel_loop3A_297 masked %parallel_loop3A_295 : memref<32x8x144xf32, #tpu.memory_space<vmem>>[vector<16xi32>, vector<16xi32>, vector<16xi32>], vector<16xf32>, vector<16xi1>
        %parallel_loop3A_298 = tpu.vector_load_idx %arg9[%broadcast_in_dim3A_7, %parallel_loop3A_290] : memref<8x2000xf32, #tpu.memory_space<vmem>>[vector<16xi32>, vector<16xi32>], vector<16xf32>,
        tpu.vector_store_idx %arg11[%parallel_loop3A_296, %broadcast_in_dim3A_7, %parallel_loop3A_292], %parallel_loop3A_298 masked %parallel_loop3A_295 : memref<32x8x144xf32, #tpu.memory_space<vmem>>[vector<16xi32>, vector<16xi32>, vector<16xi32>], vector<16xf32>, vector<16xi1>
        %parallel_loop3A_299 = tpu.vector_load_idx %arg9[%broadcast_in_dim3A_9, %parallel_loop3A_290] : memref<8x2000xf32, #tpu.memory_space<vmem>>[vector<16xi32>, vector<16xi32>], vector<16xf32>,
        tpu.vector_store_idx %arg11[%parallel_loop3A_296, %broadcast_in_dim3A_9, %parallel_loop3A_292], %parallel_loop3A_299 masked %parallel_loop3A_295 : memref<32x8x144xf32, #tpu.memory_space<vmem>>[vector<16xi32>, vector<16xi32>, vector<16xi32>], vector<16xf32>, vector<16xi1>
        %parallel_loop3A_300 = tpu.vector_load_idx %arg9[%broadcast_in_dim3A_11, %parallel_loop3A_290] : memref<8x2000xf32, #tpu.memory_space<vmem>>[vector<16xi32>, vector<16xi32>], vector<16xf32>,
        tpu.vector_store_idx %arg11[%parallel_loop3A_296, %broadcast_in_dim3A_11, %parallel_loop3A_292], %parallel_loop3A_300 masked %parallel_loop3A_295 : memref<32x8x144xf32, #tpu.memory_space<vmem>>[vector<16xi32>, vector<16xi32>, vector<16xi32>], vector<16xf32>, vector<16xi1>
        %parallel_loop3A_301 = tpu.vector_load_idx %arg9[%broadcast_in_dim3A_13, %parallel_loop3A_290] : memref<8x2000xf32, #tpu.memory_space<vmem>>[vector<16xi32>, vector<16xi32>], vector<16xf32>,
        tpu.vector_store_idx %arg11[%parallel_loop3A_296, %broadcast_in_dim3A_13, %parallel_loop3A_292], %parallel_loop3A_301 masked %parallel_loop3A_295 : memref<32x8x144xf32, #tpu.memory_space<vmem>>[vector<16xi32>, vector<16xi32>, vector<16xi32>], vector<16xf32>, vector<16xi1>
        %parallel_loop3A_302 = tpu.vector_load_idx %arg9[%broadcast_in_dim3A_15, %parallel_loop3A_290] : memref<8x2000xf32, #tpu.memory_space<vmem>>[vector<16xi32>, vector<16xi32>], vector<16xf32>,
        tpu.vector_store_idx %arg11[%parallel_loop3A_296, %broadcast_in_dim3A_15, %parallel_loop3A_292], %parallel_loop3A_302 masked %parallel_loop3A_295 : memref<32x8x144xf32, #tpu.memory_space<vmem>>[vector<16xi32>, vector<16xi32>, vector<16xi32>], vector<16xf32>, vector<16xi1>
        %parallel_loop3A_303 = tpu.vector_load_idx %arg9[%broadcast_in_dim3A_17, %parallel_loop3A_290] : memref<8x2000xf32, #tpu.memory_space<vmem>>[vector<16xi32>, vector<16xi32>], vector<16xf32>,
        tpu.vector_store_idx %arg11[%parallel_loop3A_296, %broadcast_in_dim3A_17, %parallel_loop3A_292], %parallel_loop3A_303 masked %parallel_loop3A_295 : memref<32x8x144xf32, #tpu.memory_space<vmem>>[vector<16xi32>, vector<16xi32>, vector<16xi32>], vector<16xf32>, vector<16xi1>
        %parallel_loop3A_304 = tpu.vector_load_idx %arg9[%broadcast_in_dim3A_19, %parallel_loop3A_290] : memref<8x2000xf32, #tpu.memory_space<vmem>>[vector<16xi32>, vector<16xi32>], vector<16xf32>,
        tpu.vector_store_idx %arg11[%parallel_loop3A_296, %broadcast_in_dim3A_19, %parallel_loop3A_292], %parallel_loop3A_304 masked %parallel_loop3A_295 : memref<32x8x144xf32, #tpu.memory_space<vmem>>[vector<16xi32>, vector<16xi32>, vector<16xi32>], vector<16xf32>, vector<16xi1>
      } {sc.loop_unroll_factor = 2 : i64, sc.parallel_access}
      %dma_wait3A_272 = arith.constant 0 : i32
      %dma_wait3A_273 = tpu.memref_slice %arg2[%select_n3A, %mul3A_111, %dma_wait3A_272] : memref<960x32x2000xf32, #tpu.memory_space<hbm>> -> memref<1x8x2000xf32, #tpu.memory_space<hbm>>
      %dma_wait3A_274 = tpu.memref_squeeze %dma_wait3A_273 : memref<1x8x2000xf32, #tpu.memory_space<hbm>> -> memref<8x2000xf32, #tpu.memory_space<hbm>>
      %dma_wait3A_275 = arith.constant 0 : i32
      %dma_wait3A_276 = tpu.memref_slice %arg2[%select_n3A, %mul3A_111, %dma_wait3A_275] : memref<960x32x2000xf32, #tpu.memory_space<hbm>> -> memref<1x8x2000xf32, #tpu.memory_space<hbm>>
      %dma_wait3A_277 = tpu.memref_squeeze %dma_wait3A_276 : memref<1x8x2000xf32, #tpu.memory_space<hbm>> -> memref<8x2000xf32, #tpu.memory_space<hbm>>
      tpu.wait_dma2 semaphore(%arg13 : memref<!tpu.dma_semaphore, #tpu.memory_space<semaphore_mem>>) src(%dma_wait3A_277 : memref<8x2000xf32, #tpu.memory_space<hbm>>) dst(%arg10 : memref<8x2000xf32, #tpu.memory_space<vmem>>)
      %parallel_loop3A_278 = arith.constant 0 : i32
      %parallel_loop3A_279 = arith.constant 32 : i32
      %parallel_loop3A_280 = arith.constant 1 : i32
      scf.for %parallel_loop3A_281 = %parallel_loop3A_278 to %parallel_loop3A_279 step %parallel_loop3A_280  : i32 {
        %parallel_loop3A_282 = arith.addi %mul3A_85, %parallel_loop3A_281 : i32
        %parallel_loop3A_283 = arith.constant 10 : i32
        %parallel_loop3A_284 = arith.muli %parallel_loop3A_282, %parallel_loop3A_283 : i32
        %parallel_loop3A_285 = arith.constant 9 : i32
        %parallel_loop3A_286 = arith.addi %parallel_loop3A_284, %parallel_loop3A_285 : i32
        %parallel_loop3A_287 = arith.constant 16 : i32
        %parallel_loop3A_288 = arith.muli %parallel_loop3A_286, %parallel_loop3A_287 : i32
        %parallel_loop3A_289 = arith.index_cast %parallel_loop3A_288 : i32 to index
        %parallel_loop3A_290 = tpu.vector_load %arg7[%parallel_loop3A_289] {strides = array<i32>} : memref<10240xi32, #tpu.memory_space<vmem>>, vector<16xi32>,
        %parallel_loop3A_291 = arith.index_cast %parallel_loop3A_288 : i32 to index
        %parallel_loop3A_292 = tpu.vector_load %arg8[%parallel_loop3A_291] {strides = array<i32>} : memref<10240xi32, #tpu.memory_space<vmem>>, vector<16xi32>,
        %parallel_loop3A_293 = arith.constant 144 : i32
        %parallel_loop3A_294 = vector.broadcast %parallel_loop3A_293 : i32 to vector<16xi32>
        %parallel_loop3A_295 = arith.cmpi slt, %parallel_loop3A_292, %parallel_loop3A_294 : vector<16xi32>
        %parallel_loop3A_296 = vector.broadcast %parallel_loop3A_281 : i32 to vector<16xi32>
        %parallel_loop3A_297 = tpu.vector_load_idx %arg10[%broadcast_in_dim3A_5, %parallel_loop3A_290] : memref<8x2000xf32, #tpu.memory_space<vmem>>[vector<16xi32>, vector<16xi32>], vector<16xf32>,
        tpu.vector_store_idx %arg11[%parallel_loop3A_296, %broadcast_in_dim3A_5, %parallel_loop3A_292], %parallel_loop3A_297 masked %parallel_loop3A_295 : memref<32x8x144xf32, #tpu.memory_space<vmem>>[vector<16xi32>, vector<16xi32>, vector<16xi32>], vector<16xf32>, vector<16xi1>
        %parallel_loop3A_298 = tpu.vector_load_idx %arg10[%broadcast_in_dim3A_7, %parallel_loop3A_290] : memref<8x2000xf32, #tpu.memory_space<vmem>>[vector<16xi32>, vector<16xi32>], vector<16xf32>,
        tpu.vector_store_idx %arg11[%parallel_loop3A_296, %broadcast_in_dim3A_7, %parallel_loop3A_292], %parallel_loop3A_298 masked %parallel_loop3A_295 : memref<32x8x144xf32, #tpu.memory_space<vmem>>[vector<16xi32>, vector<16xi32>, vector<16xi32>], vector<16xf32>, vector<16xi1>
        %parallel_loop3A_299 = tpu.vector_load_idx %arg10[%broadcast_in_dim3A_9, %parallel_loop3A_290] : memref<8x2000xf32, #tpu.memory_space<vmem>>[vector<16xi32>, vector<16xi32>], vector<16xf32>,
        tpu.vector_store_idx %arg11[%parallel_loop3A_296, %broadcast_in_dim3A_9, %parallel_loop3A_292], %parallel_loop3A_299 masked %parallel_loop3A_295 : memref<32x8x144xf32, #tpu.memory_space<vmem>>[vector<16xi32>, vector<16xi32>, vector<16xi32>], vector<16xf32>, vector<16xi1>
        %parallel_loop3A_300 = tpu.vector_load_idx %arg10[%broadcast_in_dim3A_11, %parallel_loop3A_290] : memref<8x2000xf32, #tpu.memory_space<vmem>>[vector<16xi32>, vector<16xi32>], vector<16xf32>,
        tpu.vector_store_idx %arg11[%parallel_loop3A_296, %broadcast_in_dim3A_11, %parallel_loop3A_292], %parallel_loop3A_300 masked %parallel_loop3A_295 : memref<32x8x144xf32, #tpu.memory_space<vmem>>[vector<16xi32>, vector<16xi32>, vector<16xi32>], vector<16xf32>, vector<16xi1>
        %parallel_loop3A_301 = tpu.vector_load_idx %arg10[%broadcast_in_dim3A_13, %parallel_loop3A_290] : memref<8x2000xf32, #tpu.memory_space<vmem>>[vector<16xi32>, vector<16xi32>], vector<16xf32>,
        tpu.vector_store_idx %arg11[%parallel_loop3A_296, %broadcast_in_dim3A_13, %parallel_loop3A_292], %parallel_loop3A_301 masked %parallel_loop3A_295 : memref<32x8x144xf32, #tpu.memory_space<vmem>>[vector<16xi32>, vector<16xi32>, vector<16xi32>], vector<16xf32>, vector<16xi1>
        %parallel_loop3A_302 = tpu.vector_load_idx %arg10[%broadcast_in_dim3A_15, %parallel_loop3A_290] : memref<8x2000xf32, #tpu.memory_space<vmem>>[vector<16xi32>, vector<16xi32>], vector<16xf32>,
        tpu.vector_store_idx %arg11[%parallel_loop3A_296, %broadcast_in_dim3A_15, %parallel_loop3A_292], %parallel_loop3A_302 masked %parallel_loop3A_295 : memref<32x8x144xf32, #tpu.memory_space<vmem>>[vector<16xi32>, vector<16xi32>, vector<16xi32>], vector<16xf32>, vector<16xi1>
        %parallel_loop3A_303 = tpu.vector_load_idx %arg10[%broadcast_in_dim3A_17, %parallel_loop3A_290] : memref<8x2000xf32, #tpu.memory_space<vmem>>[vector<16xi32>, vector<16xi32>], vector<16xf32>,
        tpu.vector_store_idx %arg11[%parallel_loop3A_296, %broadcast_in_dim3A_17, %parallel_loop3A_292], %parallel_loop3A_303 masked %parallel_loop3A_295 : memref<32x8x144xf32, #tpu.memory_space<vmem>>[vector<16xi32>, vector<16xi32>, vector<16xi32>], vector<16xf32>, vector<16xi1>
        %parallel_loop3A_304 = tpu.vector_load_idx %arg10[%broadcast_in_dim3A_19, %parallel_loop3A_290] : memref<8x2000xf32, #tpu.memory_space<vmem>>[vector<16xi32>, vector<16xi32>], vector<16xf32>,
        tpu.vector_store_idx %arg11[%parallel_loop3A_296, %broadcast_in_dim3A_19, %parallel_loop3A_292], %parallel_loop3A_304 masked %parallel_loop3A_295 : memref<32x8x144xf32, #tpu.memory_space<vmem>>[vector<16xi32>, vector<16xi32>, vector<16xi32>], vector<16xf32>, vector<16xi1>
        %parallel_loop3A_305 = arith.addi %mul3A_85, %parallel_loop3A_281 : i32
        %parallel_loop3A_306 = arith.constant 0 : i32
        %parallel_loop3A_307 = arith.constant 0 : i32
        %parallel_loop3A_308 = tpu.memref_slice %arg11[%parallel_loop3A_281, %parallel_loop3A_306, %parallel_loop3A_307] : memref<32x8x144xf32, #tpu.memory_space<vmem>> -> memref<1x8x144xf32, #tpu.memory_space<vmem>>
        %parallel_loop3A_309 = tpu.memref_squeeze %parallel_loop3A_308 : memref<1x8x144xf32, #tpu.memory_space<vmem>> -> memref<8x144xf32, #tpu.memory_space<vmem>>
        %parallel_loop3A_310 = arith.constant 0 : i32
        %parallel_loop3A_311 = tpu.memref_slice %arg5[%parallel_loop3A_305, %select_n3A, %mul3A_111, %parallel_loop3A_310] : memref<64x96x32x144xf32, #tpu.memory_space<hbm>> -> memref<1x1x8x144xf32, #tpu.memory_space<hbm>>
        %parallel_loop3A_312 = tpu.memref_squeeze %parallel_loop3A_311 : memref<1x1x8x144xf32, #tpu.memory_space<hbm>> -> memref<8x144xf32, #tpu.memory_space<hbm>>
        %parallel_loop3A_313 = arith.constant 0 : i32
        %parallel_loop3A_314 = tpu.memref_slice %arg5[%parallel_loop3A_305, %select_n3A, %mul3A_111, %parallel_loop3A_313] : memref<64x96x32x144xf32, #tpu.memory_space<hbm>> -> memref<1x1x8x144xf32, #tpu.memory_space<hbm>>
        %parallel_loop3A_315 = tpu.memref_squeeze %parallel_loop3A_314 : memref<1x1x8x144xf32, #tpu.memory_space<hbm>> -> memref<8x144xf32, #tpu.memory_space<hbm>>
        %parallel_loop3A_316 = arith.constant 0 : i32
        %parallel_loop3A_317 = arith.constant 0 : i32
        %parallel_loop3A_318 = tpu.memref_slice %arg11[%parallel_loop3A_281, %parallel_loop3A_316, %parallel_loop3A_317] : memref<32x8x144xf32, #tpu.memory_space<vmem>> -> memref<1x8x144xf32, #tpu.memory_space<vmem>>
        %parallel_loop3A_319 = tpu.memref_squeeze %parallel_loop3A_318 : memref<1x8x144xf32, #tpu.memory_space<vmem>> -> memref<8x144xf32, #tpu.memory_space<vmem>>
        tpu.enqueue_dma source(%parallel_loop3A_319 : memref<8x144xf32, #tpu.memory_space<vmem>>) target(%parallel_loop3A_315 : memref<8x144xf32, #tpu.memory_space<hbm>>) target_semaphore(%arg14 : memref<!tpu.dma_semaphore, #tpu.memory_space<semaphore_mem>>)
      } {sc.loop_unroll_factor = 2 : i64, sc.parallel_access}
    }
    %scan3A_24 = arith.constant 24 : i32
    %scan3A_25 = arith.constant 0 : i32
    %scan3A_26 = arith.constant 32 : i32
    %scan3A_27 = arith.addi %scan3A_25, %scan3A_26 : i32
    %scan3A_28 = arith.constant 1 : i32
    scf.for %scan3A_30 = %scan3A_25 to %scan3A_27 step %scan3A_28  : i32 {
      %mul3A_31 = arith.constant 1 : i32
      %mul3A_32 = arith.muli %scan3A_30, %mul3A_31 : i32
      %add3A_33 = arith.constant 0 : i32
      %add3A_34 = arith.addi %add3A_33, %mul3A_32 : i32
      %dma_wait3A = arith.constant 0 : i32
      %dma_wait3A_35 = arith.constant 0 : i32
      %dma_wait3A_36 = arith.constant 0 : i32
      %dma_wait3A_37 = arith.constant 0 : i32
      %dma_wait3A_38 = arith.constant 0 : i32
      %dma_wait3A_39 = tpu.memref_slice %arg11[%dma_wait3A, %dma_wait3A_37, %dma_wait3A_38] : memref<32x8x144xf32, #tpu.memory_space<vmem>> -> memref<1x8x144xf32, #tpu.memory_space<vmem>>
      %dma_wait3A_40 = tpu.memref_squeeze %dma_wait3A_39 : memref<1x8x144xf32, #tpu.memory_space<vmem>> -> memref<8x144xf32, #tpu.memory_space<vmem>>
      %dma_wait3A_41 = arith.constant 0 : i32
      %dma_wait3A_42 = arith.constant 0 : i32
      %dma_wait3A_43 = tpu.memref_slice %arg5[%dma_wait3A_35, %dma_wait3A_36, %dma_wait3A_41, %dma_wait3A_42] : memref<64x96x32x144xf32, #tpu.memory_space<hbm>> -> memref<1x1x8x144xf32, #tpu.memory_space<hbm>>
      %dma_wait3A_44 = tpu.memref_squeeze %dma_wait3A_43 : memref<1x1x8x144xf32, #tpu.memory_space<hbm>> -> memref<8x144xf32, #tpu.memory_space<hbm>>
      %dma_wait3A_45 = arith.constant 0 : i32
      %dma_wait3A_46 = arith.constant 0 : i32
      %dma_wait3A_47 = tpu.memref_slice %arg5[%dma_wait3A_35, %dma_wait3A_36, %dma_wait3A_45, %dma_wait3A_46] : memref<64x96x32x144xf32, #tpu.memory_space<hbm>> -> memref<1x1x8x144xf32, #tpu.memory_space<hbm>>
      %dma_wait3A_48 = tpu.memref_squeeze %dma_wait3A_47 : memref<1x1x8x144xf32, #tpu.memory_space<hbm>> -> memref<8x144xf32, #tpu.memory_space<hbm>>
      %dma_wait3A_49 = arith.constant 0 : i32
      %dma_wait3A_50 = arith.constant 0 : i32
      %dma_wait3A_51 = tpu.memref_slice %arg11[%dma_wait3A, %dma_wait3A_49, %dma_wait3A_50] : memref<32x8x144xf32, #tpu.memory_space<vmem>> -> memref<1x8x144xf32, #tpu.memory_space<vmem>>
      %dma_wait3A_52 = tpu.memref_squeeze %dma_wait3A_51 : memref<1x8x144xf32, #tpu.memory_space<vmem>> -> memref<8x144xf32, #tpu.memory_space<vmem>>
      tpu.wait_dma2 semaphore(%arg14 : memref<!tpu.dma_semaphore, #tpu.memory_space<semaphore_mem>>) src(%dma_wait3A_52 : memref<8x144xf32, #tpu.memory_space<vmem>>) dst(%dma_wait3A_48 : memref<8x144xf32, #tpu.memory_space<hbm>>)
    }
    %scan3A_29 = arith.constant 32 : i32
    return
  }
}

</mosaic_0001>

<sc_bundles>
// kernel: kernel.3.cloned.1.call-start
scs
__scs_entry_jumppad:
0x0: {  	(pc) =	sbr.rel $0x88, $3  }
0x1: {  	(tag) =	ssettag $0x0;
	lr =	simm.s32 $0x1  }
0x2: {  	[smem:$0x3F9E] =	sst lr;
	_ =	strace $0xD0000000  }
0x3: {  	_ = 	snop  }
0x4: {  	_ = 	snop  }
0x5: {  	_ = 	snop  }
0x6: {  	_ = 	snop  }
0x7: {  	_ = 	snop  }
__scs_overlays_trampoline_lowered:
0x8: {  	[smem:$0x3FAD] =	sst s0  }
0x9: {  	[smem:$0x3FAE] =	sst s1  }
0xa: {  	[smem:$0x3FAF] =	sst s2  }
0xb: {  	[smem:$0x3FB0] =	sst s3  }
0xc: {  	[smem:$0x3FB1] =	sst s4  }
0xd: {  	[smem:$0x3FB2] =	sst s5  }
0xe: {  	[smem:$0x3FB3] =	sst s6  }
0xf: {  	[smem:$0x3FB4] =	sst s7  }
0x10: {  	[smem:$0x3FB5] =	sst s8  }
0x11: {  	[smem:$0x3FB6] =	sst s9;
	s0 =	simm.s32 @!p0 $0x0  }
0x12: {  	s1 =	sld [smem:$0x3F9C];
	s0 =	simm.s32 @p0 $0x1  }
0x13: {  	[smem:$0x3FB7] =	sst s0;
	s0 =	simm.s32 @!p1 $0x0  }
0x14: {  	s2 =	sld [smem:$0x3F9B];
	s0 =	simm.s32 @p1 $0x1  }
0x15: {  	[smem:$0x3FB8] =	sst s0;
	s0 =	simm.s32 @!p2 $0x0  }
0x16: {  	s3 =	sld [smem:$0x3FDB];
	s0 =	simm.s32 @p2 $0x1  }
0x17: {  	s4 =	simm.s32 $0x1BF5;
	[smem:$0x3FBA] =	sst s0  }
0x18: {  	s0 =	sld [smem:$0x3F9D];
	_ =	swait.ge [sflag:s4], $0x0  }
0x19: {  	s7 =	sld [smem:$0x3F9E]  }
0x1a: {  	s8 =	sadd.s32 $0xFFFFE003, lr  }
0x1b: {  	s9 =	sadd.s32 $0xFFFFFEF7, lr;
	s5 =	simm.s32 $0xFFFFFFFF;
	p2 =	slt.u32 s8, $0xFFFFF086  }
0x1c: {  	p1 =	slt.u32 s9, $0xF7A;
	s5 =	simm.s32 @!p2 $0x0  }
0x1d: {  	s5 =	simm.s32 @p1 $0x1;
	p0 =	seq.s32 s7, s2  }
0x1e: {  	s7 =	smul.u32 @!p0 $0xF7A, s2;
	p2 =	seq.s32 @!p0 s5, $0x0  }
0x1f: {  	s9 =	smul.u32 $0xF7A, s1;
	s8 =	simm.s32 @!p0 $0x1BF5;
	p2 =	por !p2, p0  }
0x20: {  	[sflag:s8] =	ssyncset.s32 @!p0 $0xFFFFF086;
	s6 =	sadd.s32 @!p0 s3, s7;
	s7 =	simm.s32 @!p0 $0x108  }
0x21: {  	s3 =	sadd.s32 s3, s9;
	s6 =	sadd.s32 @!p0 $0x88, s6;
	s7 =	simm.s32 @p2 $0x1082  }
0x22: {  	[simem:s7], [sflag:s8] =	dma.local @!p0 [hbm:s6], $0xF7A  }
0x23: {  	s9 =	sor.u32 $0xD0000000, s2;
	s6 =	simm.s32 $0x108;
	_ =	swait.ge @!p0 [sflag:s8], $0x0  }
0x24: {  	s3 =	sadd.s32 $0x88, s3;
	s6 =	simm.s32 @!p1 $0x1082;
	[sflag:s4] =	ssyncset.s32 $0xFFFFF086  }
0x25: {  	[simem:s6], [sflag:s4] =	dma.local [hbm:s3], $0xF7A  }
0x26: {  	[smem:$0x3F9E] =	sst s1;
	(tag) =	ssettag s2;
	_ =	strace s9  }
0x27: {  	s1 =	sld [smem:$0x3FAE]  }
0x28: {  	s2 =	sld [smem:$0x3FAF]  }
0x29: {  	s4 =	sld [smem:$0x3FB1]  }
0x2a: {  	p0 =	seq.s32 s5, $0x0;
	s5 =	sld [smem:$0x3FB2]  }
0x2b: {  	s6 =	sld [smem:$0x3FB3]  }
0x2c: {  	s7 =	sld [smem:$0x3FB4]  }
0x2d: {  	s3 =	simm.s32 $0x108;
	s8 =	sld [smem:$0x3FB5]  }
0x2e: {  	s3 =	simm.s32 @!p0 $0x1082;
	s9 =	sld [smem:$0x3FB6]  }
0x2f: {  	lr =	sadd.s32 s0, s3;
	s0 =	sld [smem:$0x3FAD]  }
0x30: {  	s3 =	sld [smem:$0x3FB0]  }
0x31: {  	[smem:$0x3FB9] =	sst s10  }
0x32: {  	s10 =	sld [smem:$0x3FB7];
	_ =	sdelay $0x3  }
0x33: {  	p0 =	seq.s32 s10, $0x1;
	s10 =	sld [smem:$0x3FB9];
	_ =	sdelay $0x3  }
0x34: {  	[smem:$0x3FB9] =	sst s10  }
0x35: {  	s10 =	sld [smem:$0x3FB8];
	_ =	sdelay $0x3  }
0x36: {  	p1 =	seq.s32 s10, $0x1;
	s10 =	sld [smem:$0x3FB9];
	_ =	sdelay $0x3  }
0x37: {  	[smem:$0x3FB9] =	sst s10  }
0x38: {  	s10 =	sld [smem:$0x3FBA]  }
0x39: {  	_ = 	snop;
	(pc) =	sbr.ind lr, $3  }
0x3a: {  	_ = 	snop  }
0x3b: {  	_ = 	snop  }
0x3c: {  	p2 =	seq.s32 s10, $0x1;
	s10 =	sld [smem:$0x3FB9]  }
0x3d: {  	_ =	shalt  }
0x3e: {  	_ =	shalt  }
0x3f: {  	_ =	shalt  }
0x40: {  	_ =	shalt  }
0x41: {  	_ =	shalt  }
0x42: {  	_ =	shalt  }
0x43: {  	_ =	shalt  }
0x44: {  	_ =	shalt  }
0x45: {  	_ =	shalt  }
0x46: {  	_ =	shalt  }
0x47: {  	_ =	shalt  }
0x48: {  	_ =	shalt  }
0x49: {  	_ =	shalt  }
0x4a: {  	_ =	shalt  }
0x4b: {  	_ =	shalt  }
0x4c: {  	_ =	shalt  }
0x4d: {  	_ =	shalt  }
0x4e: {  	_ =	shalt  }
0x4f: {  	_ =	shalt  }
0x50: {  	_ =	shalt  }
0x51: {  	_ =	shalt  }
0x52: {  	_ =	shalt  }
0x53: {  	_ =	shalt  }
0x54: {  	_ =	shalt  }
0x55: {  	_ =	shalt  }
0x56: {  	_ =	shalt  }
0x57: {  	_ =	shalt  }
0x58: {  	_ =	shalt  }
0x59: {  	_ =	shalt  }
0x5a: {  	_ =	shalt  }
0x5b: {  	_ =	shalt  }
0x5c: {  	_ =	shalt  }
0x5d: {  	_ =	shalt  }
0x5e: {  	_ =	shalt  }
0x5f: {  	_ =	shalt  }
0x60: {  	_ =	shalt  }
0x61: {  	_ =	shalt  }
0x62: {  	_ =	shalt  }
0x63: {  	_ =	shalt  }
0x64: {  	_ =	shalt  }
0x65: {  	_ =	shalt  }
0x66: {  	_ =	shalt  }
0x67: {  	_ =	shalt  }
0x68: {  	_ =	shalt  }
0x69: {  	_ =	shalt  }
0x6a: {  	_ =	shalt  }
0x6b: {  	_ =	shalt  }
0x6c: {  	_ =	shalt  }
0x6d: {  	_ =	shalt  }
0x6e: {  	_ =	shalt  }
0x6f: {  	_ =	shalt  }
0x70: {  	_ =	shalt  }
0x71: {  	_ =	shalt  }
0x72: {  	_ =	shalt  }
0x73: {  	_ =	shalt  }
0x74: {  	_ =	shalt  }
0x75: {  	_ =	shalt  }
0x76: {  	_ =	shalt  }
0x77: {  	_ =	shalt  }
0x78: {  	_ =	shalt  }
0x79: {  	_ =	shalt  }
0x7a: {  	_ =	shalt  }
0x7b: {  	_ =	shalt  }
0x7c: {  	_ =	shalt  }
0x7d: {  	_ =	shalt  }
0x7e: {  	_ =	shalt  }
0x7f: {  	_ =	shalt  }
0x80: {  	_ =	shalt  }
0x81: {  	_ =	shalt  }
0x82: {  	_ =	shalt  }
0x83: {  	_ =	shalt  }
0x84: {  	_ =	shalt  }
0x85: {  	_ =	shalt  }
0x86: {  	_ =	shalt  }
0x87: {  	_ =	shalt  }
.Lfunc_end0:
.L_simem_size_0:
called_computation_lowered:
.L_overlay_start_0:
0x88: {  	s2 =	sld [smem:$0x3FD9]  }
0x89: {  	s3 =	sld [smem:$0x3FFE];
	_ =	sdelay $0x1  }
0x8a: {  	s1 =	srdreg.scid  }
0x8b: {  	s0 =	sand.u32 $0x1, s1  }
0x8c: {  	s17 =	sshll.u32 s0, $0xA;
	s2 =	sadd.s32 s3, s2  }
0x8d: {  	s2 =	sadd.s32 s2, s17  }
0x8e: {  	[smem:$0x3FC5] =	sst s2  }
0x8f: {  	_ = 	snop  }
0x90: {  	s2 =	sld [smem:$0x3FC8]  }
0x91: {  	s18 =	sld [smem:$0x3FD0];
	(tm) =	ssettm $0x1  }
0x92: {  	s4 =	sld [smem:$0x3FFB];
	_ =	sdelay $0x3  }
0x93: {  	_ =	strace s4  }
0x94: {  	s4 =	sld [smem:$0x3FFC];
	_ =	sdelay $0x3  }
0x95: {  	_ =	strace s4  }
0x96: {  	s4 =	sld [smem:$0x3FFD];
	_ =	sdelay $0x3  }
0x97: {  	_ =	strace s4  }
0x98: {  	_ =	strace $0x8FFFFFFF  }
0x99: {  	s19 =	sld [smem:$0x3FDB];
	_ =	sdelay $0x1  }
0x9a: {  	s5 =	simm.s32 $_scs_section_size  }
0x9b: {  	s6 =	simm.s32 $_size__tile_overlayer_lowered;
	s7 =	simm.s32 $_tile_overlayer_lowered  }
0x9c: {  	s22 =	simm.s32 $0x1BFF;
	s21 =	sshll.u32 s7, $0x1;
	s4 =	sadd.s32 s5, s19  }
0x9d: {  	s8 =	simm.s32 $0x0;
	s20 =	sshll.u32 s6, $0x1;
	s6 =	sadd.s32 s21, s4  }
0x9e: {  	[timem:s8], [sflag:s22] =	dma.local [hbm:s6], s20  }
0x9f: {  	_ =	swait.ge [sflag:s22], s20  }
0xa0: {  	s5 =	ssub.s32 $0x0, s20;
	[sflag:s22] =	ssyncset.done $0x0  }
0xa1: {  	[sflag:s22] =	ssyncadd.s32 s5;
	_ =	sdelay $0x1  }
0xa2: {  	s23 =	simm.s32 $0x1B8B  }
0xa3: {  	_ =	swait.ge [sflag:s23], $0x1  }
0xa4: {  	[sflag:s23] =	ssyncset.done $0x0  }
0xa5: {  	s25 =	simm.s32 $0x1B8E;
	s24 =	sld [smem:$0x3FFE];
	[sflag:s23] =	ssyncadd.s32 $0xFFFFFFFF  }
0xa6: {  	s26 =	simm.s32 $execute0_lowered;
	[smem:$0x3FD2] =	sst s25  }
0xa7: {  	s6 =	sshll.u32 s26, $0x1;
	_ =	strace $0x80000046;
	[dreg:$0x1] =	wrdreg $0xFFFFFFFF  }
0xa8: {  	s28 =	simm.s32 $_size_execute0_lowered;
	s4 =	sadd.s32 s4, s6;
	[dreg:$0x0] =	wrdreg $0x0  }
0xa9: {  	s6 =	sshll.u32 s28, $0x1;
	[dreg:$0x2] =	wrdreg s4  }
0xaa: {  	[dreg:$0x3] =	wrdreg s6  }
0xab: {  	[dreg:$0x4] =	wrdreg $0xC0  }
0xac: {  	_ =	task [dreg:s8], $0x5FFFF  }
0xad: {  	[dreg:$0x1] =	wrdreg $0xFFFFFFFF  }
0xae: {  	[dreg:$0x0] =	wrdreg $0x60  }
0xaf: {  	[dreg:$0x2] =	wrdreg s2  }
0xb0: {  	[dreg:$0x3] =	wrdreg s24  }
0xb1: {  	[dreg:$0x4] =	wrdreg s18  }
0xb2: {  	[dreg:$0x5] =	wrdreg $0x9  }
0xb3: {  	_ =	task.clear_ibuf [dreg:s8], $0x6FFFF;
	_ =	strace $0x90000046  }
0xb4: {  	s29 =	simm.s32 $0x9;
	_ =	strace $0x80000048  }
0xb5: {  	_ =	swait.ge [sflag:s29], $0x1  }
0xb6: {  	[sflag:s29] =	ssyncadd.s32 $0xFFFFFFFF  }
0xb7: {  	_ =	strace $0x90000048  }
0xb8: {  	_ =	sfence  }
0xb9: {  	s30 =	sld [smem:$0x0];
	_ =	sdelay $0x2  }
0xba: {  	s31 =	sshll.u32 s1, $0xD;
	s1 =	sshrl.u32 s1, $0x2  }
0xbb: {  	s3 =	sand.u32 $0x4000, s31;
	s1 =	sadd.s32 s1, s30  }
0xbc: {  	s0 =	sor.u32 s3, s0;
	s1 =	sshll.u32 s1, $0x11  }
0xbd: {  	s0 =	sor.u32 s1, s0  }
0xbe: {  	s0 =	sadd.s32 $0x8F2B, s0  }
0xbf: {  	[sflag:s0] =	ssyncadd.remote.s32 $0x1  }
0xc0: {  	_ =	sfence.sel $0xFFFF  }
0xc1: {  	[dreg:$0x0] =	wrdreg $0xFFFFFFFF;
	(pc) =	sbr.abs _section_cstart, $3  }
0xc2: {  	[dreg:$0x1] =	wrdreg $0xFFFFFFFF  }
0xc3: {  	_ =	task.clear_ibuf [dreg:s8], $0x2FFFF;
	_ =	strace $0x9FFFFFFF  }
0xc4: {  	(tm) =	ssettm $0x7FFFFFFF  }
0xc5: {  	_ =	shalt  }
tec
execute0_lowered:
.L_overlay_start_1:
0x0: {  	(tag) =	ssettag $0x1  }
0x1: {  	s20 =	rddreg [dreg:$0x0]  }
0x2: {  	s0 =	rddreg [dreg:$0x1]  }
0x3: {  	s2 =	rddreg [dreg:$0x2]  }
0x4: {  	s4 =	simm.s32 $0x0;
	s1 =	srdreg.scid;
	s7 =	stileid.u32  }
0x5: {  	s12 =	simm.s32 $0x1;
	s13 =	simm.s32 $0x5400;
	s14 =	simm.s32 $0x9400  }
0x6: {  	[smem:$0x7FF] =	sst s4;
	s1 =	sand.u32 $0x1, s1;
	s3 =	sadd.s32 $0x400, s0  }
0x7: {  	s5 =	smul.u32 $0x30, s7;
	s7 =	sshll.u32 s7, $0x1;
	s0 =	sadd.s32 $0x600, s0  }
0x8: {  	s29 =	ssub.s32 $0x2, s1;
	s8 =	smul.u32 $0x18, s1;
	s1 =	sor.u32 s1, s7  }
0x9: {  	_ =	strace $0x80000047;
	[dreg:$0x4] =	wrdreg s3;
	s1 =	smul.u32 $0x18, s1  }
0xa: {  	s15 =	simm.s32 $0xD400;
	[dreg:$0x5] =	wrdreg s0;
	s6 =	sshrl.u32 s29, $0x1  }
0xb: {  	s30 =	ssub.s32 s29, s6;
	s31 =	sadd.s32 s8, s5;
	[dreg:$0x6] =	wrdreg s1  }
0xc: {  	v0 =	vlaneseq.u32;
	s16 =	simm.s32 $0x2;
	s0 =	smax.u32 s30, $0x1;
	[dreg:$0x8] =	wrdreg s31  }
0xd: {  	v1 =	vimm.s32 $0x0;
	s17 =	simm.s32 $0x3;
	v2 =	vor.u32 $0x240, v0;
	s1 =	simm.s32 $0x0;
	[dreg:$0x7] =	wrdreg s0  }
.LBB2_1:
0xe: {  	[dreg:$0x9] =	wrdreg s1  }
0xf: {  	s0 =	rddreg [dreg:$0x4];
	s25 =	simm.s32 $0x4  }
0x10: {  	[tilespmem:s4], [sflag:$0x4] =	stream.linear.gather [hbm4b:s0+s4], $0x400, $0x38;
	[tilespmem:$0x1D400] =	vst v63  }
0x11: {  	_ =	swait.ge [sflag:s25], $0x400  }
0x12: {  	s3 =	simm.s32 $0x400;
	[sflag:s25] =	ssyncset.done $0x0  }
0x13: {  	s28 =	smul.u32 $0xCCCD, s4;
	s26 =	rddreg [dreg:$0x5];
	[sflag:s25] =	ssyncadd.s32 $0xFFFFFC00  }
0x14: {  	[tilespmem:s3], [sflag:$0x4] =	stream.linear.gather [hbm4b:s26+s4], $0x2800, $0x38;
	[tilespmem:$0x1D400] =	vst v63  }
0x15: {  	_ =	swait.ge [sflag:s25], $0x2800  }
0x16: {  	s0 =	sshrl.u32 s28, $0x13;
	[sflag:s25] =	ssyncset.done $0x0  }
0x17: {  	s29 =	sshll.u32 s0, $0x4;
	[sflag:s25] =	ssyncadd.s32 $0xFFFFD800  }
0x18: {  	s0 =	smul.u32 $0xA, s0;
	v3 =	vld [tilespmem:s29+$0x0];
	_ =	sdelay $0x1  }
0x19: {  	s0 =	ssub.s32 $0x0, s0  }
0x1a: {  	s0 =	sand.u32 $0xFFFF, s0  }
0x1b: {  	v4 =	vmov s0  }
0x1c: {  	vm0 =	vgt.s32 v4, v3  }
0x1d: {  	s30 =	simm.s32 $0x1;
	v5 =	vsel vm0, $0xFFFFFFFF, v1  }
0x1e: {  	s1 =	smul.u32 $0xCCCD, s30;
	vm0 =	veq.s32 v4, v3;
	v3 =	vadd.s32 s0, v5  }
0x1f: {  	v4 =	vsel vm0, v2, v0;
	v3 =	vshll.u32 v3, $0x4  }
0x20: {  	s1 =	sshrl.u32 s1, $0x13;
	s0 =	simm.s32 $0x2C00;
	v3 =	vadd.s32 v3, v4  }
0x21: {  	s31 =	sshll.u32 s1, $0x4;
	[tilespmem:s0+$0x0] =	vst v3  }
0x22: {  	s1 =	smul.u32 $0xA, s1;
	v3 =	vld [tilespmem:s31+$0x0];
	_ =	sdelay $0x1  }
0x23: {  	s1 =	ssub.s32 $0x1, s1  }
0x24: {  	s6 =	sand.u32 $0xFFFF, s1  }
0x25: {  	v4 =	vmov s6  }
0x26: {  	vm0 =	vgt.s32 v4, v3  }
0x27: {  	s1 =	simm.s32 $0x2;
	v5 =	vsel vm0, $0xFFFFFFFF, v1  }
0x28: {  	s3 =	simm.s32 $0x3;
	s5 =	smul.u32 $0xCCCD, s1;
	vm0 =	veq.s32 v4, v3;
	v3 =	vadd.s32 s6, v5  }
.LBB2_2:
0x29: {  	p0 =	sne.s32 s3, $0x27F;
	v3 =	vshll.u32 v3, $0x4;
	v4 =	vsel vm0, v2, v0  }
0x2a: {  	s0 =	sadd.s32 $0x10, s0;
	s5 =	sshrl.u32 s5, $0x13;
	v3 =	vadd.s32 v3, v4  }
0x2b: {  	s6 =	sshll.u32 s5, $0x4;
	[tilespmem:s0+$0x0] =	vst v3  }
0x2c: {  	s5 =	smul.u32 $0xA, s5;
	v3 =	vld [tilespmem:s6+$0x0];
	_ =	sdelay $0x1  }
0x2d: {  	s5 =	ssub.s32 s1, s5;
	s1 =	smov.u32 s3  }
.Ltmp0:
0x2e: {  	s6 =	sand.u32 $0xFFFF, s5;
	(pc) =	sbr.rel @p0 .LBB2_2-.Ltmp0, $4  }
0x2f: {  	v4 =	vmov s6  }
0x30: {  	vm0 =	vgt.s32 v4, v3  }
0x31: {  	v5 =	vsel vm0, $0xFFFFFFFF, v1  }
0x32: {  	s3 =	sadd.s32 $0x1, s3;
	s5 =	smul.u32 $0xCCCD, s1;
	vm0 =	veq.s32 v4, v3;
	v3 =	vadd.s32 s6, v5  }
0x33: {  	v3 =	vshll.u32 v3, $0x4;
	v4 =	vsel vm0, v2, v0  }
0x34: {  	s0 =	sadd.s32 $0x10, s0;
	s3 =	sshrl.u32 s5, $0x13;
	v3 =	vadd.s32 v3, v4  }
0x35: {  	s5 =	sshll.u32 s3, $0x4;
	[tilespmem:s0+$0x0] =	vst v3  }
0x36: {  	s3 =	smul.u32 $0xA, s3;
	v3 =	vld [tilespmem:s5+$0x0];
	_ =	sdelay $0x1  }
0x37: {  	s1 =	ssub.s32 s1, s3  }
0x38: {  	s1 =	sand.u32 $0xFFFF, s1  }
0x39: {  	v63 =	vmov s1  }
0x3a: {  	vm14 =	vgt.s32 v63, v3  }
0x3b: {  	v5 =	vsel vm14, $0xFFFFFFFF, v1  }
0x3c: {  	vm15 =	veq.s32 v63, v3;
	v3 =	vadd.s32 s1, v5  }
0x3d: {  	v4 =	vsel vm15, v2, v0;
	v3 =	vshll.u32 v3, $0x4  }
0x3e: {  	s0 =	sadd.s32 $0x10, s0;
	v3 =	vadd.s32 v3, v4  }
0x3f: {  	s19 =	simm.s32 $0x0;
	p0 =	por $0x0, $0x0;
	s6 =	rddreg [dreg:$0x8];
	[tilespmem:s0+$0x0] =	vst v3  }
.LBB2_4:
0x40: {  	s0 =	rddreg [dreg:$0x6]  }
0x41: {  	s1 =	sand.u32 $0x7, s19;
	s0 =	sadd.s32 s0, s19  }
0x42: {  	p2 =	sne.s32 s1, $0x0;
	p1 =	seq.s32 s0, $0x0  }
0x43: {  	p1 =	por !p1, !p2  }
0x44: {  	s1 =	simm.s32 $0x1;
	p1 =	por !p1, !p1  }
0x45: {  	s0 =	sshrl.u32 s0, $0x3;
	s1 =	simm.s32 @!p1 $0x0  }
0x46: {  	s31 =	sshll.u32 s19, $0xD;
	p2 =	seq.s32 s19, $0x0;
	s0 =	ssub.s32 s0, s1  }
.Ltmp1:
0x47: {  	s1 =	sand.u32 $0xC000, s31;
	s3 =	sshll.u32 s0, $0x10;
	(pc) =	sbr.rel @p2 .LBB2_6-.Ltmp1, $4  }
0x48: {  	s0 =	sor.u32 s1, s3  }
0x49: {  	s0 =	sshrl.u32 s0, $0x3  }
0x4a: {  	s0 =	sadd.s32 s20, s0  }
0x4b: {  	[tilespmem:s13], [sflag:$0x1] =	stream.linear.gather [hbm4b:s0+s4], $0x4000, $0x38;
	[tilespmem:$0x1D400] =	vst v63  }
0x4c: {  	_ =	swait.ge [sflag:s17], $0x800  }
0x4d: {  	[sflag:s17] =	ssyncset.done $0x0  }
0x4e: {  	[sflag:s17] =	ssyncadd.s32 $0xFFFFF800  }
0x4f: {  	_ =	swait.ge [sflag:s17], $0x800  }
0x50: {  	[sflag:s17] =	ssyncset.done $0x0  }
0x51: {  	[sflag:s17] =	ssyncadd.s32 $0xFFFFF800  }
0x52: {  	_ =	swait.ge [sflag:s17], $0x800  }
0x53: {  	[sflag:s17] =	ssyncset.done $0x0  }
0x54: {  	[sflag:s17] =	ssyncadd.s32 $0xFFFFF800  }
0x55: {  	_ =	swait.ge [sflag:s17], $0x800  }
0x56: {  	[sflag:s17] =	ssyncset.done $0x0  }
0x57: {  	[sflag:s17] =	ssyncadd.s32 $0xFFFFF800  }
0x58: {  	_ =	swait.ge [sflag:s17], $0x800  }
0x59: {  	[sflag:s17] =	ssyncset.done $0x0  }
0x5a: {  	[sflag:s17] =	ssyncadd.s32 $0xFFFFF800  }
0x5b: {  	_ =	swait.ge [sflag:s17], $0x800  }
0x5c: {  	[sflag:s17] =	ssyncset.done $0x0  }
0x5d: {  	[sflag:s17] =	ssyncadd.s32 $0xFFFFF800  }
0x5e: {  	_ =	swait.ge [sflag:s17], $0x800  }
0x5f: {  	[sflag:s17] =	ssyncset.done $0x0  }
0x60: {  	[sflag:s17] =	ssyncadd.s32 $0xFFFFF800  }
0x61: {  	_ =	swait.ge [sflag:s17], $0x800  }
0x62: {  	[sflag:s17] =	ssyncset.done $0x0  }
0x63: {  	[sflag:s17] =	ssyncadd.s32 $0xFFFFF800  }
0x64: {  	_ =	swait.ge [sflag:s17], $0x800  }
0x65: {  	[sflag:s17] =	ssyncset.done $0x0  }
0x66: {  	[sflag:s17] =	ssyncadd.s32 $0xFFFFF800  }
0x67: {  	_ =	swait.ge [sflag:s17], $0x800  }
0x68: {  	[sflag:s17] =	ssyncset.done $0x0  }
0x69: {  	[sflag:s17] =	ssyncadd.s32 $0xFFFFF800  }
0x6a: {  	_ =	swait.ge [sflag:s17], $0x800  }
0x6b: {  	[sflag:s17] =	ssyncset.done $0x0  }
0x6c: {  	[sflag:s17] =	ssyncadd.s32 $0xFFFFF800  }
0x6d: {  	_ =	swait.ge [sflag:s17], $0x800  }
0x6e: {  	[sflag:s17] =	ssyncset.done $0x0  }
0x6f: {  	[sflag:s17] =	ssyncadd.s32 $0xFFFFF800  }
0x70: {  	_ =	swait.ge [sflag:s17], $0x800  }
0x71: {  	[sflag:s17] =	ssyncset.done $0x0  }
0x72: {  	[sflag:s17] =	ssyncadd.s32 $0xFFFFF800  }
0x73: {  	_ =	swait.ge [sflag:s17], $0x800  }
0x74: {  	[sflag:s17] =	ssyncset.done $0x0  }
0x75: {  	[sflag:s17] =	ssyncadd.s32 $0xFFFFF800  }
0x76: {  	_ =	swait.ge [sflag:s17], $0x800  }
0x77: {  	[sflag:s17] =	ssyncset.done $0x0  }
0x78: {  	[sflag:s17] =	ssyncadd.s32 $0xFFFFF800  }
0x79: {  	_ =	swait.ge [sflag:s17], $0x800  }
0x7a: {  	[sflag:s17] =	ssyncset.done $0x0  }
0x7b: {  	[sflag:s17] =	ssyncadd.s32 $0xFFFFF800  }
0x7c: {  	_ =	swait.ge [sflag:s17], $0x800  }
0x7d: {  	[sflag:s17] =	ssyncset.done $0x0  }
0x7e: {  	[sflag:s17] =	ssyncadd.s32 $0xFFFFF800  }
0x7f: {  	_ =	swait.ge [sflag:s17], $0x800  }
0x80: {  	[sflag:s17] =	ssyncset.done $0x0  }
0x81: {  	[sflag:s17] =	ssyncadd.s32 $0xFFFFF800  }
0x82: {  	_ =	swait.ge [sflag:s17], $0x800  }
0x83: {  	[sflag:s17] =	ssyncset.done $0x0  }
0x84: {  	[sflag:s17] =	ssyncadd.s32 $0xFFFFF800  }
0x85: {  	_ =	swait.ge [sflag:s17], $0x800  }
0x86: {  	[sflag:s17] =	ssyncset.done $0x0  }
0x87: {  	[sflag:s17] =	ssyncadd.s32 $0xFFFFF800  }
0x88: {  	_ =	swait.ge [sflag:s17], $0x800  }
0x89: {  	[sflag:s17] =	ssyncset.done $0x0  }
0x8a: {  	[sflag:s17] =	ssyncadd.s32 $0xFFFFF800  }
0x8b: {  	_ =	swait.ge [sflag:s17], $0x800  }
0x8c: {  	[sflag:s17] =	ssyncset.done $0x0  }
0x8d: {  	[sflag:s17] =	ssyncadd.s32 $0xFFFFF800  }
0x8e: {  	_ =	swait.ge [sflag:s17], $0x800  }
0x8f: {  	[sflag:s17] =	ssyncset.done $0x0  }
0x90: {  	[sflag:s17] =	ssyncadd.s32 $0xFFFFF800  }
0x91: {  	_ =	swait.ge [sflag:s17], $0x800  }
0x92: {  	[sflag:s17] =	ssyncset.done $0x0  }
0x93: {  	[sflag:s17] =	ssyncadd.s32 $0xFFFFF800  }
0x94: {  	_ =	swait.ge [sflag:s17], $0x800  }
0x95: {  	[sflag:s17] =	ssyncset.done $0x0  }
0x96: {  	[sflag:s17] =	ssyncadd.s32 $0xFFFFF800  }
0x97: {  	_ =	swait.ge [sflag:s17], $0x800  }
0x98: {  	[sflag:s17] =	ssyncset.done $0x0  }
0x99: {  	[sflag:s17] =	ssyncadd.s32 $0xFFFFF800  }
0x9a: {  	_ =	swait.ge [sflag:s17], $0x800  }
0x9b: {  	[sflag:s17] =	ssyncset.done $0x0  }
0x9c: {  	[sflag:s17] =	ssyncadd.s32 $0xFFFFF800  }
0x9d: {  	_ =	swait.ge [sflag:s17], $0x800  }
0x9e: {  	[sflag:s17] =	ssyncset.done $0x0  }
0x9f: {  	[sflag:s17] =	ssyncadd.s32 $0xFFFFF800  }
0xa0: {  	_ =	swait.ge [sflag:s17], $0x800  }
0xa1: {  	[sflag:s17] =	ssyncset.done $0x0  }
0xa2: {  	[sflag:s17] =	ssyncadd.s32 $0xFFFFF800  }
0xa3: {  	_ =	swait.ge [sflag:s17], $0x800  }
0xa4: {  	[sflag:s17] =	ssyncset.done $0x0  }
0xa5: {  	[sflag:s17] =	ssyncadd.s32 $0xFFFFF800  }
0xa6: {  	_ =	swait.ge [sflag:s17], $0x800  }
0xa7: {  	[sflag:s17] =	ssyncset.done $0x0  }
0xa8: {  	[sflag:s17] =	ssyncadd.s32 $0xFFFFF800  }
0xa9: {  	_ =	swait.ge [sflag:s17], $0x800  }
0xaa: {  	[sflag:s17] =	ssyncset.done $0x0  }
0xab: {  	[sflag:s17] =	ssyncadd.s32 $0xFFFFF800  }
.LBB2_6:
0xac: {  	s0 =	simm.s32 $0x1  }
0xad: {  	s28 =	sadd.s32 s1, s3;
	s0 =	simm.s32 @!p0 $0x0  }
0xae: {  	_ =	swait.ge [sflag:s12], $0x4000;
	s1 =	sadd.s32 $0x600000, s28;
	s5 =	smul.u32 $0x5000, s0  }
0xaf: {  	s11 =	simm.s32 $0x0;
	[sflag:s12] =	ssyncset.done $0x0;
	s1 =	sshrl.u32 s1, $0x3  }
0xb0: {  	[sflag:s12] =	ssyncadd.s32 $0xFFFFC000;
	s1 =	sadd.s32 s20, s1;
	s24 =	sshrl.u32 s5, $0x2  }
0xb1: {  	[tilespmem:s14], [sflag:$0x2] =	stream.linear.gather [hbm4b:s1+s11], $0x4000, $0x38;
	[tilespmem:$0x1D400] =	vst v63  }
0xb2: {  	s10 =	sadd.s32 $0x4A0, s24  }
0xb3: {  	v3 =	vld [tilespmem:s10+$0x0];
	_ =	sdelay $0x2  }
0xb4: {  	s18 =	sadd.s32 $0x2CA0, s24;
	v4 =	vld [tilespmem:s10+$0xFFFFFF60]  }
0xb5: {  	v5 =	vld [tilespmem:s18+$0x0]  }
0xb6: {  	v6 =	vshll.u32 v3, $0x3  }
0xb7: {  	v3 =	vand.u32 $0x7F, v3;
	v6 =	vand.u32 $0xFFFFFC00, v6  }
0xb8: {  	v6 =	vor.u32 v3, v6  }
0xb9: {  	v7 =	vshll.u32 v4, $0x3;
	v3 =	vld [tilespmem:s18+$0xFFFFFF60]  }
0xba: {  	v4 =	vand.u32 $0x7F, v4;
	v8 =	vshll.u32 v5, $0x3;
	v7 =	vand.u32 $0xFFFFFC00, v7  }
0xbb: {  	s21 =	simm.s32 $0x800;
	v4 =	vor.u32 v4, v7;
	v7 =	vand.u32 $0xFFFFFC00, v8  }
0xbc: {  	vm0 =	vlt.s32 v5, $0x90;
	v5 =	vand.u32 $0x7F, v5;
	v7 =	vadd.s32 s21, v7  }
0xbd: {  	v17 =	vor.u32 v5, v7;
	v8 =	vld.idx.msk [tilespmem:v6+s13+$0x0], $0xffff  }
0xbe: {  	v7 =	vor.u32 $0x80, v6;
	v9 =	vshll.u32 v3, $0x3  }
0xbf: {  	s22 =	simm.s32 $0x0;
	v5 =	vand.u32 $0xFFFFFC00, v9  }
0xc0: {  	vm1 =	vlt.s32 v3, $0x90;
	v9 =	vand.u32 $0x7F, v3;
	v5 =	vadd.s32 s22, v5  }
0xc1: {  	s23 =	sadd.s32 $0x140, s10;
	v3 =	vld.idx.msk [tilespmem:v4+s13+$0x0], $0xffff;
	v9 =	vor.u32 v9, v5  }
0xc2: {  	v10 =	vld [tilespmem:s23+$0x0];
	v5 =	vor.u32 $0x80, v4;
	[tilespmem:v17+s15+$0x0] =	vst.idx.msk vm0, v8  }
0xc3: {  	v8 =	vor.u32 $0x80, v17;
	v7 =	vld.idx.msk [tilespmem:v7+s13+$0x0], $0xffff  }
0xc4: {  	v11 =	vor.u32 $0x100, v6  }
0xc5: {  	s25 =	sadd.s32 $0x140, s18;
	v12 =	vld [tilespmem:s23+$0xFFFFFF60]  }
0xc6: {  	v13 =	vld [tilespmem:s25+$0x0];
	vm2 =	vmmov vm1;
	[tilespmem:v9+s15+$0x0] =	vst.idx.msk vm1, v3  }
0xc7: {  	v3 =	vld.idx.msk [tilespmem:v5+s13+$0x0], $0xffff;
	v5 =	vor.u32 $0x80, v9  }
0xc8: {  	v16 =	vshll.u32 v10, $0x3;
	[tilespmem:v8+s15+$0x0] =	vst.idx.msk vm0, v7  }
0xc9: {  	v14 =	vor.u32 $0x100, v4;
	v7 =	vand.u32 $0x7F, v10;
	v8 =	vand.u32 $0xFFFFFC00, v16;
	v10 =	vld.idx.msk [tilespmem:v11+s13+$0x0], $0xffff  }
0xca: {  	v18 =	vshll.u32 v12, $0x3;
	v21 =	vor.u32 v7, v8;
	v7 =	vor.u32 $0x100, v17;
	v8 =	vld [tilespmem:s25+$0xFFFFFF60]  }
0xcb: {  	v12 =	vand.u32 $0x7F, v12;
	vm4 =	vlt.s32 v13, $0x90;
	v19 =	vor.u32 $0x180, v6  }
0xcc: {  	v18 =	vand.u32 $0xFFFFFC00, v18;
	v20 =	vor.u32 $0x200, v4;
	[tilespmem:v5+s15+$0x0] =	vst.idx.msk vm2, v3;
	v3 =	vshll.u32 v13, $0x3  }
0xcd: {  	s26 =	simm.s32 $0x1800;
	v12 =	vor.u32 v12, v18;
	v15 =	vor.u32 $0x100, v9;
	v3 =	vand.u32 $0xFFFFFC00, v3  }
0xce: {  	vm1 =	vmmov vm0;
	v5 =	vand.u32 $0x7F, v13;
	v14 =	vld.idx.msk [tilespmem:v14+s13+$0x0], $0xffff;
	v3 =	vadd.s32 s26, v3  }
0xcf: {  	v11 =	vor.u32 $0x180, v4;
	v13 =	vld.idx.msk [tilespmem:v21+s13+$0x0], $0xffff;
	[tilespmem:v7+s15+$0x0] =	vst.idx.msk vm0, v10;
	v10 =	vshll.u32 v8, $0x3;
	v5 =	vor.u32 v5, v3  }
0xd0: {  	s29 =	simm.s32 $0x1000;
	v18 =	vor.u32 $0x80, v21;
	v3 =	vld.idx.msk [tilespmem:v19+s13+$0x0], $0xffff;
	v10 =	vand.u32 $0xFFFFFC00, v10;
	v19 =	vor.u32 $0x180, v17  }
0xd1: {  	v7 =	vand.u32 $0x7F, v8;
	vm0 =	vlt.s32 v8, $0x90;
	v10 =	vadd.s32 s29, v10  }
0xd2: {  	s7 =	sadd.s32 $0x140, s23;
	v26 =	vor.u32 $0x200, v6;
	v29 =	vor.u32 $0x280, v4;
	v27 =	vld.idx.msk [tilespmem:v12+s13+$0x0], $0xffff;
	v10 =	vor.u32 v7, v10  }
0xd3: {  	v22 =	vor.u32 $0x300, v4;
	v23 =	vor.u32 $0x380, v4;
	v4 =	vld [tilespmem:s7+$0x0];
	[tilespmem:v15+s15+$0x0] =	vst.idx.msk vm2, v14;
	v7 =	vor.u32 $0x80, v12  }
0xd4: {  	v16 =	vor.u32 $0x180, v9;
	v14 =	vld.idx.msk [tilespmem:v11+s13+$0x0], $0xffff;
	[tilespmem:v5+s15+$0x0] =	vst.idx.msk vm4, v13  }
0xd5: {  	v36 =	vor.u32 $0x280, v6;
	v47 =	vor.u32 $0x300, v6;
	v15 =	vld.idx.msk [tilespmem:v18+s13+$0x0], $0xffff;
	[tilespmem:v19+s15+$0x0] =	vst.idx.msk vm1, v3;
	v3 =	vor.u32 $0x80, v5  }
0xd6: {  	v35 =	vld [tilespmem:s7+$0xFFFFFF60];
	v34 =	vor.u32 $0x200, v17;
	v46 =	vor.u32 $0x280, v17;
	v31 =	vor.u32 $0x100, v21  }
0xd7: {  	vm5 =	vmmov vm2;
	v24 =	vor.u32 $0x280, v9;
	v25 =	vor.u32 $0x300, v9;
	v30 =	vld.idx.msk [tilespmem:v26+s13+$0x0], $0xffff;
	[tilespmem:v10+s15+$0x0] =	vst.idx.msk vm0, v27  }
0xd8: {  	s3 =	sadd.s32 $0x140, s25;
	vm3 =	vmmov vm1;
	v45 =	vor.u32 $0x180, v21;
	vm0 =	vmmov vm0;
	v37 =	vld.idx.msk [tilespmem:v7+s13+$0x0], $0xffff  }
0xd9: {  	v8 =	vor.u32 $0x200, v9;
	v11 =	vor.u32 $0x380, v9;
	v9 =	vor.u32 $0x80, v10;
	[tilespmem:v16+s15+$0x0] =	vst.idx.msk vm2, v14;
	v14 =	vld [tilespmem:s3+$0x0]  }
0xda: {  	v49 =	vor.u32 $0x200, v21;
	v13 =	vor.u32 $0x100, v12;
	v16 =	vld.idx.msk [tilespmem:v20+s13+$0x0], $0xffff;
	v20 =	vshll.u32 v4, $0x3;
	[tilespmem:v3+s15+$0x0] =	vst.idx.msk vm4, v15  }
0xdb: {  	vm2 =	vmmov vm4;
	v3 =	vand.u32 $0x7F, v4;
	v4 =	vand.u32 $0xFFFFFC00, v20;
	v15 =	vld.idx.msk [tilespmem:v31+s13+$0x0], $0xffff  }
0xdc: {  	s1 =	sadd.s32 $0x140, s7;
	v48 =	vor.u32 $0x180, v5;
	[tilespmem:v34+s15+$0x0] =	vst.idx.msk vm1, v30;
	v4 =	vor.u32 v3, v4;
	v3 =	vor.u32 $0x100, v5;
	v30 =	vld [tilespmem:s3+$0xFFFFFF60]  }
0xdd: {  	v42 =	vld [tilespmem:s1+$0x0];
	v32 =	vor.u32 $0x180, v10;
	v18 =	vor.u32 $0x100, v10;
	v20 =	vshll.u32 v35, $0x3  }
0xde: {  	v35 =	vand.u32 $0x7F, v35;
	v20 =	vand.u32 $0xFFFFFC00, v20;
	v31 =	vld.idx.msk [tilespmem:v36+s13+$0x0], $0xffff;
	[tilespmem:v9+s15+$0x0] =	vst.idx.msk vm0, v37;
	v38 =	vshll.u32 v14, $0x3  }
0xdf: {  	s8 =	simm.s32 $0x2800;
	s25 =	sadd.s32 $0x140, s3;
	v19 =	vor.u32 $0x180, v12;
	v35 =	vor.u32 v35, v20;
	v13 =	vld.idx.msk [tilespmem:v13+s13+$0x0], $0xffff;
	[tilespmem:v8+s15+$0x0] =	vst.idx.msk vm5, v16;
	v8 =	vand.u32 $0xFFFFFC00, v38  }
0xe0: {  	v56 =	vld [tilespmem:s25+$0x0];
	vm4 =	vlt.s32 v14, $0x90;
	v14 =	vand.u32 $0x7F, v14;
	v8 =	vadd.s32 s8, v8  }
0xe1: {  	v28 =	vor.u32 $0x280, v10;
	v29 =	vld.idx.msk [tilespmem:v29+s13+$0x0], $0xffff;
	[tilespmem:v3+s15+$0x0] =	vst.idx.msk vm2, v15;
	v3 =	vor.u32 v14, v8;
	v8 =	vshll.u32 v30, $0x3  }
0xe2: {  	s9 =	simm.s32 $0x2000;
	v27 =	vor.u32 $0x200, v10;
	v16 =	vld.idx.msk [tilespmem:v4+s13+$0x0], $0xffff;
	v15 =	vand.u32 $0x7F, v30;
	v8 =	vand.u32 $0xFFFFFC00, v8  }
0xe3: {  	v14 =	vld.idx.msk [tilespmem:v45+s13+$0x0], $0xffff;
	[tilespmem:v46+s15+$0x0] =	vst.idx.msk vm1, v31;
	v31 =	vor.u32 $0x80, v4;
	vm1 =	vlt.s32 v30, $0x90;
	v8 =	vadd.s32 s9, v8  }
0xe4: {  	v9 =	vor.u32 $0x300, v10;
	vm5 =	vmmov vm5;
	v39 =	vld.idx.msk [tilespmem:v35+s13+$0x0], $0xffff;
	[tilespmem:v18+s15+$0x0] =	vst.idx.msk vm0, v13;
	v8 =	vor.u32 v15, v8  }
0xe5: {  	v30 =	vor.u32 $0x80, v35;
	v13 =	vor.u32 $0x380, v6;
	v6 =	vor.u32 $0x380, v10;
	v10 =	vld.idx.msk [tilespmem:v19+s13+$0x0], $0xffff  }
0xe6: {  	v33 =	vor.u32 $0x200, v12;
	v46 =	vld [tilespmem:s1+$0xFFFFFF60]  }
0xe7: {  	v50 =	vor.u32 $0x300, v17;
	v36 =	vld.idx.msk [tilespmem:v47+s13+$0x0], $0xffff;
	[tilespmem:v3+s15+$0x0] =	vst.idx.msk vm4, v16  }
0xe8: {  	v51 =	vor.u32 $0x80, v3;
	v31 =	vld.idx.msk [tilespmem:v31+s13+$0x0], $0xffff;
	[tilespmem:v48+s15+$0x0] =	vst.idx.msk vm2, v14  }
0xe9: {  	v53 =	vor.u32 $0x200, v5;
	v37 =	vld.idx.msk [tilespmem:v49+s13+$0x0], $0xffff;
	[tilespmem:v8+s15+$0x0] =	vst.idx.msk vm1, v39;
	vm1 =	vmmov vm1  }
0xea: {  	vm7 =	vmmov vm0;
	v52 =	vor.u32 $0x100, v4;
	v41 =	vor.u32 $0x80, v8;
	[tilespmem:v32+s15+$0x0] =	vst.idx.msk vm0, v10;
	v30 =	vld.idx.msk [tilespmem:v30+s13+$0x0], $0xffff  }
0xeb: {  	v54 =	vor.u32 $0x280, v21;
	[tilespmem:v24+s15+$0x0] =	vst.idx.msk vm5, v29;
	v32 =	vld.idx.msk [tilespmem:v33+s13+$0x0], $0xffff  }
0xec: {  	v55 =	vor.u32 $0x380, v17;
	v40 =	vor.u32 $0x100, v35;
	v29 =	vld [tilespmem:s25+$0xFFFFFF60];
	[tilespmem:v50+s15+$0x0] =	vst.idx.msk vm3, v36  }
0xed: {  	vm6 =	vmmov vm3;
	v17 =	vshll.u32 v42, $0x3;
	v26 =	vor.u32 $0x280, v12;
	v60 =	vld.idx.msk [tilespmem:v22+s13+$0x0], $0xffff;
	[tilespmem:v51+s15+$0x0] =	vst.idx.msk vm4, v31  }
0xee: {  	v59 =	vor.u32 $0x280, v5;
	v17 =	vand.u32 $0xFFFFFC00, v17;
	v43 =	vld.idx.msk [tilespmem:v13+s13+$0x0], $0xffff;
	vm0 =	vmmov vm4;
	[tilespmem:v53+s15+$0x0] =	vst.idx.msk vm2, v37  }
0xef: {  	s10 =	smul.u32 $0x1800000, s0;
	v7 =	vor.u32 $0x300, v12;
	v57 =	vor.u32 $0x100, v3;
	v31 =	vand.u32 $0x7F, v42;
	v34 =	vld.idx.msk [tilespmem:v52+s13+$0x0], $0xffff;
	[tilespmem:v41+s15+$0x0] =	vst.idx.msk vm1, v30  }
0xf0: {  	v12 =	vor.u32 $0x380, v12;
	v58 =	vor.u32 $0x180, v4;
	v17 =	vor.u32 v31, v17;
	v37 =	vld.idx.msk [tilespmem:v54+s13+$0x0], $0xffff;
	[tilespmem:v27+s15+$0x0] =	vst.idx.msk vm7, v32  }
0xf1: {  	v45 =	vor.u32 $0x180, v35;
	v63 =	vor.u32 $0x180, v3;
	v44 =	vor.u32 $0x100, v8;
	v40 =	vld.idx.msk [tilespmem:v40+s13+$0x0], $0xffff;
	[dreg:$0xd] =	wrdreg s10  }
0xf2: {  	s18 =	sshrl.u32 s6, $0x3;
	v20 =	vor.u32 $0x180, v8;
	v19 =	vor.u32 $0x200, v35;
	vm3 =	vmmov vm2;
	v32 =	vld.idx.msk [tilespmem:v26+s13+$0x0], $0xffff;
	[dreg:$0xa] =	wrdreg s6  }
0xf3: {  	s21 =	sshll.u32 s19, $0xA;
	v18 =	vor.u32 $0x200, v8;
	v15 =	vor.u32 $0x280, v8;
	v16 =	vor.u32 $0x280, v35;
	[dreg:$0xf] =	wrdreg s18  }
0xf4: {  	s22 =	sand.u32 $0x1800, s21;
	v22 =	vshll.u32 v56, $0x3;
	v14 =	vor.u32 $0x300, v8;
	v24 =	vshll.u32 v46, $0x3;
	[tilespmem:v57+s15+$0x0] =	vst.idx.msk vm0, v34  }
0xf5: {  	s11 =	simm.s32 $0x3800;
	s23 =	sadd.s32 $0x530, s24;
	v22 =	vand.u32 $0xFFFFFC00, v22;
	v24 =	vand.u32 $0xFFFFFC00, v24;
	vm4 =	vmmov vm5;
	v47 =	vld.idx.msk [tilespmem:v17+s13+$0x0], $0xffff;
	[dreg:$0xe] =	wrdreg s22  }
0xf6: {  	s0 =	smul.u32 $0x1400, s0;
	s26 =	sadd.s32 $0x2D30, s24;
	v22 =	vadd.s32 s11, v22;
	v31 =	vand.u32 $0x7F, v46;
	v30 =	vor.u32 $0x300, v21;
	[dreg:$0xc] =	wrdreg s23  }
0xf7: {  	v49 =	vor.u32 $0x200, v4;
	vm2 =	vmmov vm7;
	v46 =	vor.u32 v31, v24;
	[dreg:$0xb] =	wrdreg s26  }
0xf8: {  	s0 =	sor.u32 $0xA0, s0;
	v50 =	vor.u32 $0x300, v5;
	vm5 =	vlt.s32 v56, $0x90;
	v26 =	vand.u32 $0x7F, v56;
	[tilespmem:v59+s15+$0x0] =	vst.idx.msk vm3, v37  }
0xf9: {  	v13 =	vor.u32 $0x300, v35;
	v8 =	vor.u32 $0x380, v8;
	v22 =	vor.u32 v26, v22;
	v36 =	vld.idx.msk [tilespmem:v58+s13+$0x0], $0xffff;
	[dreg:$0x11] =	wrdreg s0  }
0xfa: {  	v10 =	vor.u32 $0x380, v35;
	v61 =	vshll.u32 v29, $0x3;
	v62 =	vor.u32 $0x80, v17;
	[tilespmem:v55+s15+$0x0] =	vst.idx.msk vm6, v43  }
0xfb: {  	s31 =	sadd.s32 $0x510, s24;
	s30 =	sadd.s32 $0x2D10, s24;
	s29 =	simm.s32 $0x3000;
	v31 =	vor.u32 $0x80, v46;
	v24 =	vor.u32 $0x100, v46;
	v26 =	vand.u32 $0xFFFFFC00, v61;
	v48 =	vld.idx.msk [tilespmem:v30+s13+$0x0], $0xffff;
	[tilespmem:v25+s15+$0x0] =	vst.idx.msk vm4, v60  }
0xfc: {  	s5 =	sadd.s32 $0x4F0, s24;
	s21 =	simm.s32 $0xFFFFFFFF;
	s1 =	sadd.s32 $0x140, s1;
	v33 =	vor.u32 $0x200, v46;
	v27 =	vand.u32 $0x7F, v29;
	v26 =	vadd.s32 s29, v26;
	v43 =	vld.idx.msk [tilespmem:v46+s13+$0x0], $0xffff;
	[tilespmem:v44+s15+$0x0] =	vst.idx.msk vm1, v40  }
0xfd: {  	s21 =	simm.s32 @!p1 $0x0;
	s7 =	sadd.s32 $0x4C0, s24;
	s3 =	sadd.s32 $0x500, s24;
	vm7 =	vlt.s32 v29, $0x90;
	v25 =	vor.u32 v27, v26;
	v40 =	vor.u32 $0x380, v21;
	[tilespmem:v28+s15+$0x0] =	vst.idx.msk vm2, v32;
	v37 =	vld [tilespmem:s1+$0x0]  }
0xfe: {  	s8 =	sadd.s32 $0x4E0, s24;
	s9 =	sadd.s32 $0x2CD0, s24;
	s11 =	sadd.s32 $0x2CF0, s24;
	v26 =	vor.u32 $0x180, v46;
	v30 =	vor.u32 $0x280, v46;
	v28 =	vor.u32 $0x300, v46;
	v41 =	vld.idx.msk [tilespmem:v23+s13+$0x0], $0xffff;
	[tilespmem:v22+s15+$0x0] =	vst.idx.msk vm5, v47  }
0xff: {  	s10 =	sadd.s32 $0x4D0, s24;
	s6 =	sadd.s32 $0x2CE0, s24;
	s18 =	sadd.s32 $0x2CC0, s24;
	v32 =	vor.u32 $0x380, v46;
	v46 =	vor.u32 $0x80, v22;
	vm6 =	vmmov vm0;
	v42 =	vld.idx.msk [tilespmem:v45+s13+$0x0], $0xffff;
	[tilespmem:v63+s15+$0x0] =	vst.idx.msk vm0, v36  }
0x100: {  	s23 =	sadd.s32 $0x2CB0, s24;
	s22 =	simm.s32 $0xA;
	v34 =	vor.u32 $0x80, v25;
	v27 =	vor.u32 $0x100, v25;
	v35 =	vor.u32 $0x180, v25;
	v45 =	vld.idx.msk [tilespmem:v62+s13+$0x0], $0xffff;
	[dreg:$0x10] =	wrdreg s21  }
0x101: {  	s0 =	sadd.s32 $0x2D00, s24;
	s24 =	sadd.s32 $0x4B0, s24;
	v29 =	vor.u32 $0x200, v25;
	v23 =	vor.u32 $0x280, v25;
	v21 =	vor.u32 $0x300, v25;
	s21 =	simm.s32 $0x8;
	v44 =	vld.idx.msk [tilespmem:v49+s13+$0x0], $0xffff;
	[tilespmem:v50+s15+$0x0] =	vst.idx.msk vm3, v48  }
.LBB2_7:
0x102: {  	v38 =	vor.u32 $0x380, v25  }
0x103: {  	p1 =	slt.u32 s22, $0x1E;
	v39 =	vor.u32 $0x100, v17;
	v47 =	vor.u32 $0x200, v3;
	v40 =	vld.idx.msk [tilespmem:v40+s13+$0x0], $0xffff;
	v36 =	vmovc v10;
	v10 =	vmovc v32;
	vm9 =	vmmov vm3  }
0x104: {  	vm3 =	vmmov vm0;
	v32 =	vld [tilespmem:s1+$0xFFFFFF60];
	[tilespmem:v25+s15+$0x0] =	vst.idx.msk vm7, v43;
	v25 =	vor.u32 $0x280, v4;
	v43 =	vor.u32 $0x380, v5;
	v5 =	vmovc v3;
	v3 =	vmovc v22  }
0x105: {  	vm0 =	vmmov vm5;
	vm8 =	vmmov vm1;
	v22 =	vld.idx.msk [tilespmem:v31+s13+$0x0], $0xffff;
	[tilespmem:v20+s15+$0x0] =	vst.idx.msk vm1, v42;
	v20 =	vmovc v35;
	vm1 =	vmmov vm7  }
0x106: {  	s25 =	sadd.s32 $0x140, s25;
	v31 =	vld.idx.msk [tilespmem:v19+s13+$0x0], $0xffff;
	[tilespmem:v11+s15+$0x0] =	vst.idx.msk vm4, v41;
	v11 =	vmovc v6;
	v6 =	vmov v8;
	v8 =	vmov v38;
	v19 =	vmov v33  }
0x107: {  	v35 =	vshll.u32 v37, $0x3;
	vm4 =	vmmov vm2;
	vm2 =	vmmov vm8;
	v33 =	vld [tilespmem:s25+$0x0];
	[tilespmem:v46+s15+$0x0] =	vst.idx.msk vm5, v45  }
0x108: {  	v37 =	vand.u32 $0x7F, v37;
	v35 =	vand.u32 $0xFFFFFC00, v35;
	v38 =	vld.idx.msk [tilespmem:v39+s13+$0x0], $0xffff;
	[tilespmem:v47+s15+$0x0] =	vst.idx.msk vm6, v44;
	vm6 =	vmmov vm5  }
0x109: {  	v44 =	vor.u32 v37, v35;
	v35 =	vor.u32 $0x100, v3;
	v39 =	vshll.u32 v32, $0x3;
	v25 =	vld.idx.msk [tilespmem:v25+s13+$0x0], $0xffff;
	[tilespmem:v43+s15+$0x0] =	vst.idx.msk vm9, v40  }
0x10a: {  	v41 =	vor.u32 $0x280, v5;
	v40 =	vor.u32 $0x180, v17;
	v37 =	vld [tilespmem:s25+$0xFFFFFF60];
	v39 =	vand.u32 $0xFFFFFC00, v39  }
0x10b: {  	v32 =	vand.u32 $0x7F, v32;
	[tilespmem:v34+s15+$0x0] =	vst.idx.msk vm7, v22;
	v34 =	vor.u32 $0x300, v4;
	v42 =	vld.idx.msk [tilespmem:v7+s13+$0x0], $0xffff;
	v7 =	vmovc v13;
	v13 =	vmov v28  }
0x10c: {  	s26 =	sshll.u32 s21, $0xB;
	s21 =	smov.u32 s22;
	v32 =	vor.u32 v32, v39;
	v22 =	vshll.u32 v33, $0x3;
	v28 =	vld.idx.msk [tilespmem:v24+s13+$0x0], $0xffff;
	[tilespmem:v18+s15+$0x0] =	vst.idx.msk vm8, v31;
	v18 =	vmov v29  }
0x10d: {  	s29 =	sadd.s32 $0x800, s26;
	v31 =	vor.u32 $0x80, v32;
	v24 =	vor.u32 $0x100, v32;
	v22 =	vand.u32 $0xFFFFFC00, v22;
	v29 =	vld.idx.msk [tilespmem:v16+s13+$0x0], $0xffff;
	v16 =	vmovc v30  }
0x10e: {  	vm5 =	vlt.s32 v33, $0x90;
	v33 =	vand.u32 $0x7F, v33;
	v30 =	vld.idx.msk [tilespmem:v44+s13+$0x0], $0xffff;
	v22 =	vadd.s32 s29, v22;
	[tilespmem:v35+s15+$0x0] =	vst.idx.msk vm0, v38  }
0x10f: {  	v35 =	vand.u32 $0x7F, v37;
	v38 =	vshll.u32 v37, $0x3;
	v22 =	vor.u32 v33, v22;
	v39 =	vld.idx.msk [tilespmem:v40+s13+$0x0], $0xffff;
	[tilespmem:v41+s15+$0x0] =	vst.idx.msk vm3, v25  }
0x110: {  	v46 =	vor.u32 $0x180, v3;
	v25 =	vand.u32 $0xFFFFFC00, v38;
	v38 =	vor.u32 $0x80, v44;
	v47 =	vld.idx.msk [tilespmem:v34+s13+$0x0], $0xffff  }
0x111: {  	v48 =	vor.u32 $0x200, v17;
	v49 =	vor.u32 $0x300, v5;
	v43 =	vld.idx.msk [tilespmem:v32+s13+$0x0], $0xffff;
	v25 =	vadd.s32 s26, v25;
	[tilespmem:v9+s15+$0x0] =	vst.idx.msk vm4, v42;
	v9 =	vmovc v14  }
.Ltmp2:
0x112: {  	vm7 =	vlt.s32 v37, $0x90;
	v40 =	vor.u32 $0x380, v4;
	v25 =	vor.u32 v35, v25;
	[tilespmem:v27+s15+$0x0] =	vst.idx.msk vm1, v28;
	v41 =	vld.idx.msk [tilespmem:v12+s13+$0x0], $0xffff;
	(pc) =	sbr.rel @p1 .LBB2_7-.Ltmp2, $4  }
0x113: {  	s1 =	sadd.s32 $0x140, s1;
	v4 =	vmovc v17;
	v34 =	vor.u32 $0x80, v25;
	v27 =	vor.u32 $0x100, v25;
	v42 =	vld.idx.msk [tilespmem:v26+s13+$0x0], $0xffff;
	v26 =	vor.u32 $0x180, v32;
	[tilespmem:v15+s15+$0x0] =	vst.idx.msk vm2, v29  }
0x114: {  	v33 =	vor.u32 $0x200, v32;
	v17 =	vmovc v44;
	v35 =	vor.u32 $0x180, v25;
	v29 =	vor.u32 $0x200, v25;
	v15 =	vmovc v23;
	v37 =	vld [tilespmem:s1+$0x0];
	[tilespmem:v22+s15+$0x0] =	vst.idx.msk vm5, v30  }
0x115: {  	v14 =	vmovc v21;
	v28 =	vor.u32 $0x300, v32;
	v23 =	vor.u32 $0x280, v25;
	v30 =	vor.u32 $0x280, v32;
	v45 =	vld.idx.msk [tilespmem:v38+s13+$0x0], $0xffff;
	[tilespmem:v46+s15+$0x0] =	vst.idx.msk vm0, v39  }
0x116: {  	s22 =	sadd.s32 $0x2, s22;
	v12 =	vmovc v36;
	v21 =	vor.u32 $0x300, v25;
	v32 =	vor.u32 $0x380, v32;
	v46 =	vor.u32 $0x80, v22;
	v44 =	vld.idx.msk [tilespmem:v48+s13+$0x0], $0xffff;
	[tilespmem:v49+s15+$0x0] =	vst.idx.msk vm3, v47  }
0x117: {  	v36 =	vld [tilespmem:s1+$0xFFFFFF60];
	_ =	sdelay $0x1  }
0x118: {  	s22 =	sadd.s32 $0x140, s25  }
0x119: {  	v39 =	vld [tilespmem:s22+$0x0]  }
0x11a: {  	v47 =	vld [tilespmem:s22+$0xFFFFFF60];
	v38 =	vshll.u32 v37, $0x3  }
0x11b: {  	v55 =	vand.u32 $0x7F, v37;
	v38 =	vand.u32 $0xFFFFFC00, v38;
	v48 =	vshll.u32 v36, $0x3  }
0x11c: {  	v37 =	vor.u32 v55, v38;
	v36 =	vand.u32 $0x7F, v36;
	v56 =	vand.u32 $0xFFFFFC00, v48  }
0x11d: {  	v38 =	vor.u32 v36, v56  }
0x11e: {  	s25 =	sshll.u32 s21, $0xB;
	v57 =	vshll.u32 v39, $0x3;
	vm9 =	vlt.s32 v39, $0x90  }
0x11f: {  	s21 =	sadd.s32 $0x800, s25;
	v39 =	vand.u32 $0x7F, v39;
	v58 =	vshll.u32 v47, $0x3;
	v36 =	vand.u32 $0xFFFFFC00, v57  }
0x120: {  	v49 =	vand.u32 $0x7F, v47;
	v48 =	vand.u32 $0xFFFFFC00, v58;
	v36 =	vadd.s32 s21, v36  }
0x121: {  	vm10 =	vlt.s32 v47, $0x90;
	v59 =	vadd.s32 s25, v48;
	v50 =	vld.idx.msk [tilespmem:v37+s13+$0x0], $0xffff;
	v36 =	vor.u32 v39, v36  }
0x122: {  	v60 =	vor.u32 $0x80, v37;
	v39 =	vor.u32 v49, v59;
	v61 =	vld.idx.msk [tilespmem:v38+s13+$0x0], $0xffff  }
0x123: {  	v62 =	vor.u32 $0x80, v38  }
0x124: {  	[tilespmem:v25+s15+$0x0] =	vst.idx.msk vm7, v43;
	vm8 =	vmmov vm7  }
0x125: {  	v63 =	vor.u32 $0x100, v17;
	v31 =	vld.idx.msk [tilespmem:v31+s13+$0x0], $0xffff  }
0x126: {  	[tilespmem:v36+s15+$0x0] =	vst.idx.msk vm9, v50  }
0x127: {  	v54 =	vor.u32 $0x80, v36;
	v47 =	vld.idx.msk [tilespmem:v60+s13+$0x0], $0xffff;
	[tilespmem:v39+s15+$0x0] =	vst.idx.msk vm10, v61  }
0x128: {  	[tilespmem:v11+s15+$0x0] =	vst.idx.msk vm4, v41;
	v51 =	vor.u32 $0x100, v37;
	v55 =	vor.u32 $0x80, v39;
	v49 =	vld.idx.msk [tilespmem:v62+s13+$0x0], $0xffff  }
0x129: {  	[tilespmem:v46+s15+$0x0] =	vst.idx.msk vm5, v45;
	vm5 =	vmmov vm5;
	v11 =	vor.u32 $0x100, v38  }
0x12a: {  	vm15 =	vmmov vm3;
	[tilespmem:v34+s15+$0x0] =	vst.idx.msk vm8, v31;
	v31 =	vld.idx.msk [tilespmem:v63+s13+$0x0], $0xffff;
	v57 =	vor.u32 $0x100, v22  }
0x12b: {  	v40 =	vld.idx.msk [tilespmem:v40+s13+$0x0], $0xffff;
	v5 =	vor.u32 $0x380, v5;
	v58 =	vor.u32 $0x180, v17  }
0x12c: {  	v24 =	vld.idx.msk [tilespmem:v24+s13+$0x0], $0xffff;
	vm4 =	vmmov vm9;
	[tilespmem:v54+s15+$0x0] =	vst.idx.msk vm9, v47  }
0x12d: {  	v60 =	vor.u32 $0x100, v36;
	v59 =	vld.idx.msk [tilespmem:v51+s13+$0x0], $0xffff;
	[tilespmem:v55+s15+$0x0] =	vst.idx.msk vm10, v49  }
0x12e: {  	vm3 =	vmmov vm1;
	[tilespmem:v20+s15+$0x0] =	vst.idx.msk vm1, v42;
	v20 =	vor.u32 $0x100, v39;
	v61 =	vor.u32 $0x180, v37;
	v11 =	vld.idx.msk [tilespmem:v11+s13+$0x0], $0xffff  }
0x12f: {  	v19 =	vld.idx.msk [tilespmem:v19+s13+$0x0], $0xffff;
	[tilespmem:v57+s15+$0x0] =	vst.idx.msk vm5, v31;
	v62 =	vor.u32 $0x180, v38  }
0x130: {  	[tilespmem:v5+s15+$0x0] =	vst.idx.msk vm15, v40;
	v48 =	vor.u32 $0x180, v22;
	v31 =	vld.idx.msk [tilespmem:v58+s13+$0x0], $0xffff  }
0x131: {  	v56 =	vor.u32 $0x200, v3;
	[tilespmem:v27+s15+$0x0] =	vst.idx.msk vm8, v24;
	v24 =	vor.u32 $0x200, v17  }
0x132: {  	v63 =	vor.u32 $0x280, v4;
	v26 =	vld.idx.msk [tilespmem:v26+s13+$0x0], $0xffff;
	[tilespmem:v60+s15+$0x0] =	vst.idx.msk vm4, v59  }
0x133: {  	vm7 =	vmmov vm10;
	v49 =	vor.u32 $0x180, v36;
	v27 =	vld.idx.msk [tilespmem:v61+s13+$0x0], $0xffff;
	[tilespmem:v20+s15+$0x0] =	vst.idx.msk vm10, v11  }
0x134: {  	[tilespmem:v18+s15+$0x0] =	vst.idx.msk vm3, v19;
	v5 =	vor.u32 $0x180, v39;
	v11 =	vor.u32 $0x200, v37;
	v20 =	vld.idx.msk [tilespmem:v62+s13+$0x0], $0xffff  }
0x135: {  	v7 =	vld.idx.msk [tilespmem:v7+s13+$0x0], $0xffff;
	v18 =	vor.u32 $0x200, v38;
	[tilespmem:v48+s15+$0x0] =	vst.idx.msk vm5, v31  }
0x136: {  	vm0 =	vmmov vm0;
	[tilespmem:v56+s15+$0x0] =	vst.idx.msk vm6, v44;
	v31 =	vor.u32 $0x200, v22;
	v24 =	vld.idx.msk [tilespmem:v24+s13+$0x0], $0xffff  }
0x137: {  	vm6 =	vmmov vm8;
	v50 =	vld.idx.msk [tilespmem:v63+s13+$0x0], $0xffff;
	[tilespmem:v35+s15+$0x0] =	vst.idx.msk vm8, v26;
	v26 =	vor.u32 $0x280, v17;
	v51 =	vor.u32 $0x280, v3  }
0x138: {  	v19 =	vor.u32 $0x300, v4;
	v33 =	vld.idx.msk [tilespmem:v33+s13+$0x0], $0xffff;
	[tilespmem:v49+s15+$0x0] =	vst.idx.msk vm4, v27  }
0x139: {  	v27 =	vor.u32 $0x200, v36;
	v11 =	vld.idx.msk [tilespmem:v11+s13+$0x0], $0xffff;
	[tilespmem:v5+s15+$0x0] =	vst.idx.msk vm7, v20;
	vm7 =	vmmov vm7  }
0x13a: {  	[tilespmem:v9+s15+$0x0] =	vst.idx.msk vm2, v7;
	vm8 =	vmmov vm3;
	v5 =	vor.u32 $0x200, v39;
	v20 =	vor.u32 $0x280, v37;
	v18 =	vld.idx.msk [tilespmem:v18+s13+$0x0], $0xffff  }
0x13b: {  	vm1 =	vmmov vm2;
	vm2 =	vmmov vm5;
	v16 =	vld.idx.msk [tilespmem:v16+s13+$0x0], $0xffff;
	v7 =	vor.u32 $0x280, v38;
	[tilespmem:v31+s15+$0x0] =	vst.idx.msk vm5, v24  }
0x13c: {  	v24 =	vld.idx.msk [tilespmem:v26+s13+$0x0], $0xffff;
	v26 =	vor.u32 $0x280, v22;
	[tilespmem:v51+s15+$0x0] =	vst.idx.msk vm0, v50  }
0x13d: {  	vm5 =	vmmov vm6;
	[tilespmem:v29+s15+$0x0] =	vst.idx.msk vm6, v33;
	v9 =	vld.idx.msk [tilespmem:v19+s13+$0x0], $0xffff;
	v19 =	vor.u32 $0x300, v3  }
0x13e: {  	vm3 =	vmmov vm4;
	v29 =	vor.u32 $0x300, v17;
	v30 =	vld.idx.msk [tilespmem:v30+s13+$0x0], $0xffff;
	[tilespmem:v27+s15+$0x0] =	vst.idx.msk vm4, v11  }
0x13f: {  	v11 =	vld.idx.msk [tilespmem:v20+s13+$0x0], $0xffff;
	v20 =	vor.u32 $0x280, v36;
	[tilespmem:v5+s15+$0x0] =	vst.idx.msk vm7, v18  }
0x140: {  	[tilespmem:v15+s15+$0x0] =	vst.idx.msk vm8, v16;
	v15 =	vor.u32 $0x300, v37;
	v5 =	vor.u32 $0x280, v39;
	v7 =	vld.idx.msk [tilespmem:v7+s13+$0x0], $0xffff  }
0x141: {  	v12 =	vld.idx.msk [tilespmem:v12+s13+$0x0], $0xffff;
	v16 =	vor.u32 $0x300, v38;
	[tilespmem:v26+s15+$0x0] =	vst.idx.msk vm2, v24  }
0x142: {  	v4 =	vor.u32 $0x380, v4;
	[tilespmem:v19+s15+$0x0] =	vst.idx.msk vm0, v9;
	v9 =	vld.idx.msk [tilespmem:v13+s13+$0x0], $0xffff  }
0x143: {  	[tilespmem:v23+s15+$0x0] =	vst.idx.msk vm5, v30;
	vm5 =	vmmov vm5;
	v13 =	vld.idx.msk [tilespmem:v29+s13+$0x0], $0xffff;
	v18 =	vor.u32 $0x300, v22  }
0x144: {  	v17 =	vor.u32 $0x380, v17;
	v19 =	vld.idx.msk [tilespmem:v28+s13+$0x0], $0xffff;
	vm6 =	vmmov vm7;
	[tilespmem:v20+s15+$0x0] =	vst.idx.msk vm3, v11  }
0x145: {  	vm6 =	vmmov vm6;
	v11 =	vld.idx.msk [tilespmem:v15+s13+$0x0], $0xffff;
	v15 =	vor.u32 $0x300, v36;
	[tilespmem:v5+s15+$0x0] =	vst.idx.msk vm7, v7  }
0x146: {  	[tilespmem:v6+s15+$0x0] =	vst.idx.msk vm1, v12;
	v6 =	vor.u32 $0x380, v37;
	vm0 =	vmmov vm0;
	v5 =	vor.u32 $0x300, v39;
	v7 =	vld.idx.msk [tilespmem:v16+s13+$0x0], $0xffff  }
0x147: {  	v12 =	vor.u32 $0x380, v38;
	v3 =	vor.u32 $0x380, v3;
	v4 =	vld.idx.msk [tilespmem:v4+s13+$0x0], $0xffff;
	[tilespmem:v14+s15+$0x0] =	vst.idx.msk vm8, v9  }
0x148: {  	vm1 =	vmmov vm2;
	v9 =	vld.idx.msk [tilespmem:v10+s13+$0x0], $0xffff;
	[tilespmem:v18+s15+$0x0] =	vst.idx.msk vm2, v13  }
0x149: {  	[tilespmem:v21+s15+$0x0] =	vst.idx.msk vm5, v19;
	v13 =	vor.u32 $0x380, v22;
	v10 =	vld.idx.msk [tilespmem:v17+s13+$0x0], $0xffff  }
0x14a: {  	v14 =	vor.u32 $0x380, v25;
	v16 =	vld.idx.msk [tilespmem:v32+s13+$0x0], $0xffff;
	[tilespmem:v15+s15+$0x0] =	vst.idx.msk vm3, v11  }
0x14b: {  	v11 =	vor.u32 $0x380, v36;
	v6 =	vld.idx.msk [tilespmem:v6+s13+$0x0], $0xffff;
	[tilespmem:v5+s15+$0x0] =	vst.idx.msk vm6, v7  }
0x14c: {  	[tilespmem:v3+s15+$0x0] =	vst.idx.msk vm0, v4;
	v5 =	vor.u32 $0x380, v39;
	v3 =	vld.idx.msk [tilespmem:v12+s13+$0x0], $0xffff  }
0x14d: {  	[tilespmem:v8+s15+$0x0] =	vst.idx.msk vm8, v9  }
0x14e: {  	[tilespmem:v13+s15+$0x0] =	vst.idx.msk vm1, v10  }
0x14f: {  	[tilespmem:v14+s15+$0x0] =	vst.idx.msk vm5, v16  }
0x150: {  	[tilespmem:v11+s15+$0x0] =	vst.idx.msk vm3, v6  }
0x151: {  	[tilespmem:v5+s15+$0x0] =	vst.idx.msk vm6, v3  }
0x152: {  	s26 =	sadd.s32 $0xC00000, s28;
	_ =	swait.ge [sflag:s16], $0x4000  }
0x153: {  	s1 =	sshrl.u32 s26, $0x3;
	[sflag:s16] =	ssyncset.done $0x0  }
0x154: {  	s29 =	simm.s32 $0x0;
	s1 =	sadd.s32 s20, s1;
	[sflag:s16] =	ssyncadd.s32 $0xFFFFC000  }
0x155: {  	[tilespmem:s13], [sflag:$0x1] =	stream.linear.gather [hbm4b:s1+s29], $0x4000, $0x38;
	[tilespmem:$0x1D400] =	vst v63  }
0x156: {  	v3 =	vld [tilespmem:s24+$0x0];
	_ =	sdelay $0x2  }
0x157: {  	v4 =	vld [tilespmem:s24+$0xFFFFFF60]  }
0x158: {  	v5 =	vld [tilespmem:s23+$0x0]  }
0x159: {  	v6 =	vshll.u32 v3, $0x3  }
0x15a: {  	v3 =	vand.u32 $0x7F, v3;
	v6 =	vand.u32 $0xFFFFFC00, v6  }
0x15b: {  	v6 =	vor.u32 v3, v6  }
0x15c: {  	v7 =	vshll.u32 v4, $0x3;
	v3 =	vld [tilespmem:s23+$0xFFFFFF60]  }
0x15d: {  	v4 =	vand.u32 $0x7F, v4;
	v8 =	vshll.u32 v5, $0x3;
	v7 =	vand.u32 $0xFFFFFC00, v7  }
0x15e: {  	s22 =	simm.s32 $0x800;
	v4 =	vor.u32 v4, v7;
	v7 =	vand.u32 $0xFFFFFC00, v8  }
0x15f: {  	vm0 =	vlt.s32 v5, $0x90;
	v5 =	vand.u32 $0x7F, v5;
	v7 =	vadd.s32 s22, v7  }
0x160: {  	s26 =	sadd.s32 $0x140, s24;
	v17 =	vor.u32 v5, v7;
	v8 =	vld.idx.msk [tilespmem:v6+s14+$0x0], $0xffff  }
0x161: {  	v10 =	vld [tilespmem:s26+$0x0];
	v7 =	vor.u32 $0x80, v6;
	v9 =	vshll.u32 v3, $0x3  }
0x162: {  	s25 =	simm.s32 $0x0;
	s29 =	sadd.s32 $0x140, s23;
	v12 =	vld [tilespmem:s26+$0xFFFFFF60];
	v5 =	vand.u32 $0xFFFFFC00, v9  }
0x163: {  	v13 =	vld [tilespmem:s29+$0x0];
	vm1 =	vlt.s32 v3, $0x90;
	v9 =	vand.u32 $0x7F, v3;
	v5 =	vadd.s32 s25, v5  }
0x164: {  	s1 =	sadd.s32 $0x140, s26;
	v3 =	vld.idx.msk [tilespmem:v4+s14+$0x0], $0xffff;
	v9 =	vor.u32 v9, v5  }
0x165: {  	v54 =	vld [tilespmem:s1+$0xFFFFFF60];
	v5 =	vor.u32 $0x80, v4;
	[tilespmem:v17+s15+$0x0] =	vst.idx.msk vm0, v8  }
0x166: {  	v8 =	vor.u32 $0x80, v17;
	v7 =	vld.idx.msk [tilespmem:v7+s14+$0x0], $0xffff  }
0x167: {  	v11 =	vor.u32 $0x100, v6  }
0x168: {  	vm4 =	vmmov vm8;
	vm2 =	vmmov vm3  }
0x169: {  	v16 =	vshll.u32 v10, $0x3;
	v18 =	vshll.u32 v12, $0x3;
	vm2 =	vmmov vm1;
	[tilespmem:v9+s15+$0x0] =	vst.idx.msk vm1, v3  }
0x16a: {  	v12 =	vand.u32 $0x7F, v12;
	v18 =	vand.u32 $0xFFFFFC00, v18;
	v3 =	vld.idx.msk [tilespmem:v5+s14+$0x0], $0xffff;
	v5 =	vor.u32 $0x80, v9  }
0x16b: {  	vm4 =	vlt.s32 v13, $0x90;
	v35 =	vand.u32 $0x7F, v54;
	v12 =	vor.u32 v12, v18;
	[tilespmem:v8+s15+$0x0] =	vst.idx.msk vm0, v7  }
0x16c: {  	v14 =	vor.u32 $0x100, v4;
	v7 =	vand.u32 $0x7F, v10;
	v8 =	vand.u32 $0xFFFFFC00, v16;
	v10 =	vld.idx.msk [tilespmem:v11+s14+$0x0], $0xffff  }
0x16d: {  	v19 =	vor.u32 $0x180, v6;
	v21 =	vor.u32 v7, v8;
	v7 =	vor.u32 $0x100, v17;
	v8 =	vld [tilespmem:s29+$0xFFFFFF60]  }
0x16e: {  	v20 =	vor.u32 $0x200, v4;
	v26 =	vor.u32 $0x200, v6;
	v29 =	vor.u32 $0x280, v4  }
0x16f: {  	v23 =	vor.u32 $0x300, v4;
	v22 =	vor.u32 $0x380, v4;
	[tilespmem:v5+s15+$0x0] =	vst.idx.msk vm2, v3;
	v3 =	vshll.u32 v13, $0x3  }
0x170: {  	s22 =	simm.s32 $0x1800;
	v52 =	vor.u32 $0x200, v12;
	v15 =	vor.u32 $0x100, v9;
	v3 =	vand.u32 $0xFFFFFC00, v3  }
0x171: {  	vm1 =	vmmov vm0;
	v5 =	vand.u32 $0x7F, v13;
	v14 =	vld.idx.msk [tilespmem:v14+s14+$0x0], $0xffff;
	v3 =	vadd.s32 s22, v3  }
0x172: {  	v11 =	vor.u32 $0x180, v4;
	v13 =	vld.idx.msk [tilespmem:v21+s14+$0x0], $0xffff;
	[tilespmem:v7+s15+$0x0] =	vst.idx.msk vm0, v10;
	v10 =	vshll.u32 v8, $0x3;
	v5 =	vor.u32 v5, v3  }
0x173: {  	s23 =	simm.s32 $0x1000;
	v18 =	vor.u32 $0x80, v21;
	v3 =	vld.idx.msk [tilespmem:v19+s14+$0x0], $0xffff;
	v10 =	vand.u32 $0xFFFFFC00, v10;
	v19 =	vor.u32 $0x180, v17  }
0x174: {  	v7 =	vand.u32 $0x7F, v8;
	vm0 =	vlt.s32 v8, $0x90;
	v10 =	vadd.s32 s23, v10  }
0x175: {  	v55 =	vor.u32 $0x280, v6;
	v59 =	vor.u32 $0x300, v6;
	v27 =	vld.idx.msk [tilespmem:v12+s14+$0x0], $0xffff;
	v10 =	vor.u32 v7, v10  }
0x176: {  	v53 =	vor.u32 $0x200, v17;
	v58 =	vor.u32 $0x280, v17;
	v4 =	vld [tilespmem:s1+$0x0];
	[tilespmem:v15+s15+$0x0] =	vst.idx.msk vm2, v14;
	v7 =	vor.u32 $0x80, v12  }
0x177: {  	v63 =	vor.u32 $0x300, v17;
	vm5 =	vmmov vm2;
	v16 =	vor.u32 $0x180, v9;
	v14 =	vld.idx.msk [tilespmem:v11+s14+$0x0], $0xffff;
	[tilespmem:v5+s15+$0x0] =	vst.idx.msk vm4, v13  }
0x178: {  	v25 =	vor.u32 $0x280, v9;
	vm3 =	vmmov vm1;
	v15 =	vld.idx.msk [tilespmem:v18+s14+$0x0], $0xffff;
	[tilespmem:v19+s15+$0x0] =	vst.idx.msk vm1, v3;
	v3 =	vor.u32 $0x80, v5  }
0x179: {  	v24 =	vor.u32 $0x300, v9;
	vm7 =	vmmov vm3;
	v31 =	vor.u32 $0x100, v21  }
0x17a: {  	v57 =	vor.u32 $0x180, v21;
	v62 =	vor.u32 $0x200, v21;
	v40 =	vor.u32 $0x380, v21;
	v30 =	vld.idx.msk [tilespmem:v26+s14+$0x0], $0xffff;
	[tilespmem:v10+s15+$0x0] =	vst.idx.msk vm0, v27  }
0x17b: {  	s21 =	sadd.s32 $0x140, s29;
	v8 =	vor.u32 $0x200, v9;
	v61 =	vor.u32 $0x180, v5;
	vm0 =	vmmov vm0;
	v56 =	vld.idx.msk [tilespmem:v7+s14+$0x0], $0xffff  }
0x17c: {  	v11 =	vor.u32 $0x380, v9;
	v9 =	vor.u32 $0x80, v10;
	v32 =	vor.u32 $0x180, v10;
	[tilespmem:v16+s15+$0x0] =	vst.idx.msk vm2, v14;
	v14 =	vld [tilespmem:s21+$0x0]  }
0x17d: {  	v28 =	vor.u32 $0x280, v10;
	v13 =	vor.u32 $0x100, v12;
	v16 =	vld.idx.msk [tilespmem:v20+s14+$0x0], $0xffff;
	v20 =	vshll.u32 v4, $0x3;
	[tilespmem:v3+s15+$0x0] =	vst.idx.msk vm4, v15  }
0x17e: {  	vm2 =	vmmov vm4;
	v3 =	vand.u32 $0x7F, v4;
	v4 =	vand.u32 $0xFFFFFC00, v20;
	v15 =	vld.idx.msk [tilespmem:v31+s14+$0x0], $0xffff  }
0x17f: {  	v18 =	vor.u32 $0x100, v10;
	[tilespmem:v53+s15+$0x0] =	vst.idx.msk vm1, v30;
	v4 =	vor.u32 v3, v4;
	v3 =	vor.u32 $0x100, v5;
	v30 =	vld [tilespmem:s21+$0xFFFFFF60]  }
0x180: {  	s1 =	sadd.s32 $0x140, s1;
	v19 =	vor.u32 $0x180, v12;
	v26 =	vor.u32 $0x200, v10;
	v20 =	vshll.u32 v54, $0x3;
	v31 =	vld.idx.msk [tilespmem:v55+s14+$0x0], $0xffff  }
0x181: {  	v27 =	vor.u32 $0x280, v12;
	v20 =	vand.u32 $0xFFFFFC00, v20;
	[tilespmem:v9+s15+$0x0] =	vst.idx.msk vm0, v56;
	v60 =	vshll.u32 v14, $0x3;
	v56 =	vld [tilespmem:s1+$0x0]  }
0x182: {  	s24 =	simm.s32 $0x2800;
	v35 =	vor.u32 v35, v20;
	vm4 =	vlt.s32 v14, $0x90;
	v13 =	vld.idx.msk [tilespmem:v13+s14+$0x0], $0xffff;
	[tilespmem:v8+s15+$0x0] =	vst.idx.msk vm5, v16;
	v8 =	vand.u32 $0xFFFFFC00, v60  }
0x183: {  	v14 =	vand.u32 $0x7F, v14;
	vm5 =	vmmov vm5;
	v60 =	vld [tilespmem:s1+$0xFFFFFF60];
	v8 =	vadd.s32 s24, v8  }
0x184: {  	v7 =	vor.u32 $0x300, v12;
	v29 =	vld.idx.msk [tilespmem:v29+s14+$0x0], $0xffff;
	[tilespmem:v3+s15+$0x0] =	vst.idx.msk vm2, v15;
	v3 =	vor.u32 v14, v8;
	v8 =	vshll.u32 v30, $0x3  }
0x185: {  	s25 =	simm.s32 $0x2000;
	v12 =	vor.u32 $0x380, v12;
	v16 =	vld.idx.msk [tilespmem:v4+s14+$0x0], $0xffff;
	v15 =	vand.u32 $0x7F, v30;
	v8 =	vand.u32 $0xFFFFFC00, v8  }
0x186: {  	v14 =	vld.idx.msk [tilespmem:v57+s14+$0x0], $0xffff;
	[tilespmem:v58+s15+$0x0] =	vst.idx.msk vm1, v31;
	v31 =	vor.u32 $0x80, v4;
	vm1 =	vlt.s32 v30, $0x90;
	v8 =	vadd.s32 s25, v8  }
0x187: {  	vm6 =	vmmov vm0;
	v54 =	vor.u32 $0x180, v4;
	v48 =	vld.idx.msk [tilespmem:v35+s14+$0x0], $0xffff;
	[tilespmem:v18+s15+$0x0] =	vst.idx.msk vm0, v13;
	v8 =	vor.u32 v15, v8  }
0x188: {  	v55 =	vor.u32 $0x280, v5;
	v9 =	vor.u32 $0x300, v10;
	v49 =	vor.u32 $0x80, v35;
	v30 =	vld.idx.msk [tilespmem:v19+s14+$0x0], $0xffff  }
0x189: {  	s23 =	sadd.s32 $0x140, s21;
	v50 =	vor.u32 $0x100, v35;
	v45 =	vor.u32 $0x180, v35;
	v57 =	vor.u32 $0x80, v3;
	v36 =	vld.idx.msk [tilespmem:v59+s14+$0x0], $0xffff;
	[tilespmem:v25+s15+$0x0] =	vst.idx.msk vm5, v29  }
0x18a: {  	v58 =	vor.u32 $0x100, v4;
	v59 =	vor.u32 $0x200, v5;
	v13 =	vor.u32 $0x380, v6;
	v29 =	vld [tilespmem:s23+$0xFFFFFF60];
	[tilespmem:v3+s15+$0x0] =	vst.idx.msk vm4, v16  }
0x18b: {  	v6 =	vor.u32 $0x380, v10;
	v10 =	vor.u32 $0x380, v35;
	v51 =	vor.u32 $0x80, v8;
	v31 =	vld.idx.msk [tilespmem:v31+s14+$0x0], $0xffff;
	[tilespmem:v61+s15+$0x0] =	vst.idx.msk vm2, v14  }
0x18c: {  	v44 =	vor.u32 $0x100, v8;
	v20 =	vor.u32 $0x180, v8;
	v19 =	vor.u32 $0x200, v35;
	v37 =	vld.idx.msk [tilespmem:v62+s14+$0x0], $0xffff;
	[tilespmem:v8+s15+$0x0] =	vst.idx.msk vm1, v48  }
0x18d: {  	v18 =	vor.u32 $0x200, v8;
	v15 =	vor.u32 $0x280, v8;
	v25 =	vshll.u32 v60, $0x3;
	v62 =	vld.idx.msk [tilespmem:v49+s14+$0x0], $0xffff;
	[tilespmem:v32+s15+$0x0] =	vst.idx.msk vm0, v30  }
0x18e: {  	v16 =	vor.u32 $0x280, v35;
	v61 =	vor.u32 $0x280, v21;
	vm1 =	vmmov vm1;
	v30 =	vld.idx.msk [tilespmem:v52+s14+$0x0], $0xffff  }
0x18f: {  	v25 =	vand.u32 $0xFFFFFC00, v25;
	v14 =	vor.u32 $0x300, v8;
	[tilespmem:v63+s15+$0x0] =	vst.idx.msk vm3, v36;
	v63 =	vor.u32 $0x380, v17;
	v52 =	vld [tilespmem:s23+$0x0]  }
0x190: {  	vm3 =	vmmov vm2;
	v17 =	vshll.u32 v56, $0x3;
	v46 =	vld.idx.msk [tilespmem:v13+s14+$0x0], $0xffff;
	v13 =	vor.u32 $0x300, v35;
	[tilespmem:v57+s15+$0x0] =	vst.idx.msk vm4, v31  }
0x191: {  	v17 =	vand.u32 $0xFFFFFC00, v17;
	vm0 =	vmmov vm4;
	v31 =	vand.u32 $0x7F, v56;
	v34 =	vld.idx.msk [tilespmem:v58+s14+$0x0], $0xffff  }
0x192: {  	v8 =	vor.u32 $0x380, v8;
	[tilespmem:v59+s15+$0x0] =	vst.idx.msk vm2, v37;
	v17 =	vor.u32 v31, v17;
	v31 =	vor.u32 $0x100, v3;
	v58 =	vld.idx.msk [tilespmem:v23+s14+$0x0], $0xffff  }
0x193: {  	s1 =	sadd.s32 $0x140, s1;
	vm4 =	vmmov vm5;
	v56 =	vand.u32 $0x7F, v60;
	v57 =	vor.u32 $0x300, v21;
	v53 =	vld.idx.msk [tilespmem:v61+s14+$0x0], $0xffff  }
0x194: {  	vm2 =	vmmov vm6;
	v47 =	vor.u32 v56, v25;
	v37 =	vld [tilespmem:s1+$0x0];
	[tilespmem:v51+s15+$0x0] =	vst.idx.msk vm1, v62;
	v23 =	vshll.u32 v52, $0x3  }
0x195: {  	s26 =	simm.s32 $0x3800;
	v32 =	vor.u32 $0x80, v47;
	v25 =	vor.u32 $0x100, v47;
	v41 =	vld.idx.msk [tilespmem:v50+s14+$0x0], $0xffff;
	[tilespmem:v26+s15+$0x0] =	vst.idx.msk vm6, v30;
	v23 =	vand.u32 $0xFFFFFC00, v23  }
0x196: {  	[tilespmem:v63+s15+$0x0] =	vst.idx.msk vm7, v46;
	vm6 =	vlt.s32 v52, $0x90;
	v26 =	vand.u32 $0x7F, v52;
	v30 =	vld.idx.msk [tilespmem:v27+s14+$0x0], $0xffff;
	v23 =	vadd.s32 s26, v23  }
0x197: {  	v61 =	vor.u32 $0x180, v3;
	v59 =	vld.idx.msk [tilespmem:v17+s14+$0x0], $0xffff;
	[tilespmem:v31+s15+$0x0] =	vst.idx.msk vm0, v34;
	v31 =	vshll.u32 v29, $0x3;
	v23 =	vor.u32 v26, v23  }
0x198: {  	v63 =	vor.u32 $0x300, v5;
	v60 =	vld.idx.msk [tilespmem:v54+s14+$0x0], $0xffff;
	[tilespmem:v55+s15+$0x0] =	vst.idx.msk vm3, v53;
	v26 =	vand.u32 $0xFFFFFC00, v31;
	v31 =	vor.u32 $0x80, v17  }
0x199: {  	s29 =	simm.s32 $0x3000;
	vm7 =	vlt.s32 v29, $0x90;
	v33 =	vor.u32 $0x200, v47;
	v62 =	vor.u32 $0x200, v4;
	[tilespmem:v24+s15+$0x0] =	vst.idx.msk vm5, v58;
	v38 =	vld.idx.msk [tilespmem:v57+s14+$0x0], $0xffff  }
0x19a: {  	v27 =	vand.u32 $0x7F, v29;
	v43 =	vld.idx.msk [tilespmem:v47+s14+$0x0], $0xffff;
	v29 =	vor.u32 $0x280, v47;
	v26 =	vadd.s32 s29, v26;
	[tilespmem:v44+s15+$0x0] =	vst.idx.msk vm1, v41  }
0x19b: {  	vm5 =	vmmov vm0;
	v46 =	vor.u32 $0x80, v23;
	v24 =	vor.u32 v27, v26;
	v41 =	vld.idx.msk [tilespmem:v22+s14+$0x0], $0xffff;
	[tilespmem:v28+s15+$0x0] =	vst.idx.msk vm2, v30  }
0x19c: {  	v26 =	vor.u32 $0x180, v47;
	v34 =	vor.u32 $0x80, v24;
	v27 =	vor.u32 $0x100, v24;
	v42 =	vld.idx.msk [tilespmem:v45+s14+$0x0], $0xffff;
	[tilespmem:v23+s15+$0x0] =	vst.idx.msk vm6, v59  }
0x19d: {  	v35 =	vor.u32 $0x180, v24;
	v30 =	vor.u32 $0x200, v24;
	v22 =	vor.u32 $0x280, v24;
	[tilespmem:v61+s15+$0x0] =	vst.idx.msk vm0, v60;
	v45 =	vld.idx.msk [tilespmem:v31+s14+$0x0], $0xffff  }
0x19e: {  	s22 =	simm.s32 $0xA;
	s21 =	simm.s32 $0x8;
	v28 =	vor.u32 $0x300, v47;
	v21 =	vor.u32 $0x300, v24;
	v31 =	vor.u32 $0x380, v47;
	v44 =	vld.idx.msk [tilespmem:v62+s14+$0x0], $0xffff;
	[tilespmem:v63+s15+$0x0] =	vst.idx.msk vm3, v38  }
.LBB2_9:
0x19f: {  	v38 =	vor.u32 $0x380, v24  }
0x1a0: {  	p1 =	slt.u32 s22, $0x1E;
	v39 =	vor.u32 $0x100, v17;
	v47 =	vor.u32 $0x200, v3;
	v40 =	vld.idx.msk [tilespmem:v40+s14+$0x0], $0xffff;
	v36 =	vmovc v10;
	v10 =	vmovc v31;
	vm9 =	vmmov vm3  }
0x1a1: {  	vm3 =	vmmov vm0;
	v31 =	vld [tilespmem:s1+$0xFFFFFF60];
	[tilespmem:v24+s15+$0x0] =	vst.idx.msk vm7, v43;
	v24 =	vor.u32 $0x280, v4;
	v43 =	vor.u32 $0x380, v5;
	v5 =	vmovc v3;
	v3 =	vmovc v23  }
0x1a2: {  	vm0 =	vmmov vm6;
	vm8 =	vmmov vm1;
	v23 =	vld.idx.msk [tilespmem:v32+s14+$0x0], $0xffff;
	[tilespmem:v20+s15+$0x0] =	vst.idx.msk vm1, v42;
	v20 =	vmovc v35;
	vm1 =	vmmov vm7  }
0x1a3: {  	s23 =	sadd.s32 $0x140, s23;
	v32 =	vld.idx.msk [tilespmem:v19+s14+$0x0], $0xffff;
	[tilespmem:v11+s15+$0x0] =	vst.idx.msk vm4, v41;
	v11 =	vmovc v6;
	v6 =	vmov v8;
	v8 =	vmov v38;
	v19 =	vmov v33  }
0x1a4: {  	v35 =	vshll.u32 v37, $0x3;
	vm4 =	vmmov vm2;
	vm2 =	vmmov vm8;
	v33 =	vld [tilespmem:s23+$0x0];
	[tilespmem:v46+s15+$0x0] =	vst.idx.msk vm6, v45  }
0x1a5: {  	v37 =	vand.u32 $0x7F, v37;
	v35 =	vand.u32 $0xFFFFFC00, v35;
	v38 =	vld.idx.msk [tilespmem:v39+s14+$0x0], $0xffff;
	[tilespmem:v47+s15+$0x0] =	vst.idx.msk vm5, v44;
	vm5 =	vmmov vm6  }
0x1a6: {  	v44 =	vor.u32 v37, v35;
	v35 =	vor.u32 $0x100, v3;
	v39 =	vshll.u32 v31, $0x3;
	v24 =	vld.idx.msk [tilespmem:v24+s14+$0x0], $0xffff;
	[tilespmem:v43+s15+$0x0] =	vst.idx.msk vm9, v40  }
0x1a7: {  	v41 =	vor.u32 $0x280, v5;
	v40 =	vor.u32 $0x180, v17;
	v37 =	vld [tilespmem:s23+$0xFFFFFF60];
	v39 =	vand.u32 $0xFFFFFC00, v39  }
0x1a8: {  	v31 =	vand.u32 $0x7F, v31;
	[tilespmem:v34+s15+$0x0] =	vst.idx.msk vm7, v23;
	v34 =	vor.u32 $0x300, v4;
	v42 =	vld.idx.msk [tilespmem:v7+s14+$0x0], $0xffff;
	v7 =	vmovc v13;
	v13 =	vmov v28  }
0x1a9: {  	s24 =	sshll.u32 s21, $0xB;
	s21 =	smov.u32 s22;
	v31 =	vor.u32 v31, v39;
	v23 =	vshll.u32 v33, $0x3;
	v28 =	vld.idx.msk [tilespmem:v25+s14+$0x0], $0xffff;
	[tilespmem:v18+s15+$0x0] =	vst.idx.msk vm8, v32;
	v18 =	vmov v30  }
0x1aa: {  	s25 =	sadd.s32 $0x800, s24;
	v32 =	vor.u32 $0x80, v31;
	v25 =	vor.u32 $0x100, v31;
	v23 =	vand.u32 $0xFFFFFC00, v23;
	v30 =	vld.idx.msk [tilespmem:v16+s14+$0x0], $0xffff;
	v16 =	vmovc v29  }
0x1ab: {  	vm6 =	vlt.s32 v33, $0x90;
	v33 =	vand.u32 $0x7F, v33;
	v29 =	vld.idx.msk [tilespmem:v44+s14+$0x0], $0xffff;
	v23 =	vadd.s32 s25, v23;
	[tilespmem:v35+s15+$0x0] =	vst.idx.msk vm0, v38  }
0x1ac: {  	v35 =	vand.u32 $0x7F, v37;
	v38 =	vshll.u32 v37, $0x3;
	v23 =	vor.u32 v33, v23;
	v39 =	vld.idx.msk [tilespmem:v40+s14+$0x0], $0xffff;
	[tilespmem:v41+s15+$0x0] =	vst.idx.msk vm3, v24  }
0x1ad: {  	v46 =	vor.u32 $0x180, v3;
	v24 =	vand.u32 $0xFFFFFC00, v38;
	v38 =	vor.u32 $0x80, v44;
	v47 =	vld.idx.msk [tilespmem:v34+s14+$0x0], $0xffff  }
0x1ae: {  	v48 =	vor.u32 $0x200, v17;
	v49 =	vor.u32 $0x300, v5;
	v43 =	vld.idx.msk [tilespmem:v31+s14+$0x0], $0xffff;
	v24 =	vadd.s32 s24, v24;
	[tilespmem:v9+s15+$0x0] =	vst.idx.msk vm4, v42;
	v9 =	vmovc v14  }
.Ltmp3:
0x1af: {  	vm7 =	vlt.s32 v37, $0x90;
	v40 =	vor.u32 $0x380, v4;
	v24 =	vor.u32 v35, v24;
	[tilespmem:v27+s15+$0x0] =	vst.idx.msk vm1, v28;
	v41 =	vld.idx.msk [tilespmem:v12+s14+$0x0], $0xffff;
	(pc) =	sbr.rel @p1 .LBB2_9-.Ltmp3, $4  }
0x1b0: {  	s1 =	sadd.s32 $0x140, s1;
	v4 =	vmovc v17;
	v34 =	vor.u32 $0x80, v24;
	v27 =	vor.u32 $0x100, v24;
	v42 =	vld.idx.msk [tilespmem:v26+s14+$0x0], $0xffff;
	v26 =	vor.u32 $0x180, v31;
	[tilespmem:v15+s15+$0x0] =	vst.idx.msk vm2, v30  }
0x1b1: {  	v33 =	vor.u32 $0x200, v31;
	v17 =	vmovc v44;
	v35 =	vor.u32 $0x180, v24;
	v30 =	vor.u32 $0x200, v24;
	v15 =	vmovc v22;
	v37 =	vld [tilespmem:s1+$0x0];
	[tilespmem:v23+s15+$0x0] =	vst.idx.msk vm6, v29  }
0x1b2: {  	v14 =	vmovc v21;
	v28 =	vor.u32 $0x300, v31;
	v22 =	vor.u32 $0x280, v24;
	v29 =	vor.u32 $0x280, v31;
	v45 =	vld.idx.msk [tilespmem:v38+s14+$0x0], $0xffff;
	[tilespmem:v46+s15+$0x0] =	vst.idx.msk vm0, v39  }
0x1b3: {  	s22 =	sadd.s32 $0x2, s22;
	v12 =	vmovc v36;
	v21 =	vor.u32 $0x300, v24;
	v31 =	vor.u32 $0x380, v31;
	v46 =	vor.u32 $0x80, v23;
	v44 =	vld.idx.msk [tilespmem:v48+s14+$0x0], $0xffff;
	[tilespmem:v49+s15+$0x0] =	vst.idx.msk vm3, v47  }
0x1b4: {  	v36 =	vld [tilespmem:s1+$0xFFFFFF60];
	_ =	sdelay $0x1  }
0x1b5: {  	s22 =	sadd.s32 $0x140, s23  }
0x1b6: {  	v39 =	vld [tilespmem:s22+$0x0]  }
0x1b7: {  	v47 =	vld [tilespmem:s22+$0xFFFFFF60];
	v38 =	vshll.u32 v37, $0x3  }
0x1b8: {  	v54 =	vand.u32 $0x7F, v37;
	v38 =	vand.u32 $0xFFFFFC00, v38;
	v48 =	vshll.u32 v36, $0x3  }
0x1b9: {  	v37 =	vor.u32 v54, v38;
	v36 =	vand.u32 $0x7F, v36;
	v55 =	vand.u32 $0xFFFFFC00, v48  }
0x1ba: {  	v38 =	vor.u32 v36, v55  }
0x1bb: {  	s23 =	sshll.u32 s21, $0xB;
	v56 =	vshll.u32 v39, $0x3;
	vm9 =	vlt.s32 v39, $0x90  }
0x1bc: {  	s21 =	sadd.s32 $0x800, s23;
	v39 =	vand.u32 $0x7F, v39;
	v57 =	vshll.u32 v47, $0x3;
	v36 =	vand.u32 $0xFFFFFC00, v56  }
0x1bd: {  	v49 =	vand.u32 $0x7F, v47;
	v48 =	vand.u32 $0xFFFFFC00, v57;
	v36 =	vadd.s32 s21, v36  }
0x1be: {  	vm10 =	vlt.s32 v47, $0x90;
	v58 =	vadd.s32 s23, v48;
	v50 =	vld.idx.msk [tilespmem:v37+s14+$0x0], $0xffff;
	v36 =	vor.u32 v39, v36  }
0x1bf: {  	v59 =	vor.u32 $0x80, v37;
	v39 =	vor.u32 v49, v58;
	v60 =	vld.idx.msk [tilespmem:v38+s14+$0x0], $0xffff  }
0x1c0: {  	v61 =	vor.u32 $0x80, v38;
	_ =	sdelay $0x1  }
0x1c1: {  	[tilespmem:v24+s15+$0x0] =	vst.idx.msk vm7, v43;
	vm8 =	vmmov vm7  }
0x1c2: {  	v62 =	vor.u32 $0x100, v17;
	v32 =	vld.idx.msk [tilespmem:v32+s14+$0x0], $0xffff;
	[tilespmem:v36+s15+$0x0] =	vst.idx.msk vm9, v50  }
0x1c3: {  	v63 =	vor.u32 $0x80, v36;
	v47 =	vld.idx.msk [tilespmem:v59+s14+$0x0], $0xffff;
	[tilespmem:v39+s15+$0x0] =	vst.idx.msk vm10, v60  }
0x1c4: {  	v51 =	vor.u32 $0x100, v37;
	v54 =	vor.u32 $0x80, v39;
	v49 =	vld.idx.msk [tilespmem:v61+s14+$0x0], $0xffff  }
0x1c5: {  	[tilespmem:v11+s15+$0x0] =	vst.idx.msk vm4, v41;
	vm14 =	vmmov vm3;
	v11 =	vor.u32 $0x100, v38  }
0x1c6: {  	v40 =	vld.idx.msk [tilespmem:v40+s14+$0x0], $0xffff;
	v5 =	vor.u32 $0x380, v5;
	[tilespmem:v46+s15+$0x0] =	vst.idx.msk vm6, v45;
	vm6 =	vmmov vm6  }
0x1c7: {  	[tilespmem:v34+s15+$0x0] =	vst.idx.msk vm8, v32;
	v56 =	vld.idx.msk [tilespmem:v62+s14+$0x0], $0xffff;
	v57 =	vor.u32 $0x100, v23  }
0x1c8: {  	v25 =	vld.idx.msk [tilespmem:v25+s14+$0x0], $0xffff;
	vm4 =	vmmov vm9;
	v58 =	vor.u32 $0x180, v17;
	[tilespmem:v63+s15+$0x0] =	vst.idx.msk vm9, v47  }
0x1c9: {  	v60 =	vor.u32 $0x100, v36;
	v59 =	vld.idx.msk [tilespmem:v51+s14+$0x0], $0xffff;
	[tilespmem:v54+s15+$0x0] =	vst.idx.msk vm10, v49  }
0x1ca: {  	vm3 =	vmmov vm1;
	[tilespmem:v20+s15+$0x0] =	vst.idx.msk vm1, v42;
	v20 =	vor.u32 $0x100, v39;
	v61 =	vor.u32 $0x180, v37;
	v11 =	vld.idx.msk [tilespmem:v11+s14+$0x0], $0xffff  }
0x1cb: {  	v19 =	vld.idx.msk [tilespmem:v19+s14+$0x0], $0xffff;
	[tilespmem:v5+s15+$0x0] =	vst.idx.msk vm14, v40;
	v62 =	vor.u32 $0x180, v38  }
0x1cc: {  	v55 =	vor.u32 $0x200, v3;
	[tilespmem:v57+s15+$0x0] =	vst.idx.msk vm6, v56  }
0x1cd: {  	[tilespmem:v27+s15+$0x0] =	vst.idx.msk vm8, v25;
	v32 =	vld.idx.msk [tilespmem:v58+s14+$0x0], $0xffff;
	v63 =	vor.u32 $0x280, v4;
	v47 =	vor.u32 $0x180, v23  }
0x1ce: {  	v25 =	vor.u32 $0x200, v17;
	v26 =	vld.idx.msk [tilespmem:v26+s14+$0x0], $0xffff;
	[tilespmem:v60+s15+$0x0] =	vst.idx.msk vm4, v59  }
0x1cf: {  	vm7 =	vmmov vm10;
	v48 =	vor.u32 $0x180, v36;
	v27 =	vld.idx.msk [tilespmem:v61+s14+$0x0], $0xffff;
	[tilespmem:v20+s15+$0x0] =	vst.idx.msk vm10, v11  }
0x1d0: {  	[tilespmem:v18+s15+$0x0] =	vst.idx.msk vm3, v19;
	v5 =	vor.u32 $0x180, v39;
	v11 =	vor.u32 $0x200, v37;
	v20 =	vld.idx.msk [tilespmem:v62+s14+$0x0], $0xffff  }
0x1d1: {  	vm0 =	vmmov vm0;
	v7 =	vld.idx.msk [tilespmem:v7+s14+$0x0], $0xffff;
	v18 =	vor.u32 $0x200, v38;
	[tilespmem:v55+s15+$0x0] =	vst.idx.msk vm5, v44  }
0x1d2: {  	v50 =	vor.u32 $0x280, v3;
	v49 =	vld.idx.msk [tilespmem:v63+s14+$0x0], $0xffff;
	[tilespmem:v47+s15+$0x0] =	vst.idx.msk vm6, v32  }
0x1d3: {  	v19 =	vor.u32 $0x300, v4;
	vm5 =	vmmov vm8;
	[tilespmem:v35+s15+$0x0] =	vst.idx.msk vm8, v26;
	v51 =	vor.u32 $0x200, v23;
	v25 =	vld.idx.msk [tilespmem:v25+s14+$0x0], $0xffff  }
0x1d4: {  	v26 =	vor.u32 $0x280, v17;
	v33 =	vld.idx.msk [tilespmem:v33+s14+$0x0], $0xffff;
	[tilespmem:v48+s15+$0x0] =	vst.idx.msk vm4, v27  }
0x1d5: {  	v27 =	vor.u32 $0x200, v36;
	v11 =	vld.idx.msk [tilespmem:v11+s14+$0x0], $0xffff;
	[tilespmem:v5+s15+$0x0] =	vst.idx.msk vm7, v20;
	vm7 =	vmmov vm7  }
0x1d6: {  	[tilespmem:v9+s15+$0x0] =	vst.idx.msk vm2, v7;
	vm8 =	vmmov vm3;
	v5 =	vor.u32 $0x200, v39;
	v20 =	vor.u32 $0x280, v37;
	v18 =	vld.idx.msk [tilespmem:v18+s14+$0x0], $0xffff  }
0x1d7: {  	v16 =	vld.idx.msk [tilespmem:v16+s14+$0x0], $0xffff;
	v7 =	vor.u32 $0x280, v38;
	[tilespmem:v50+s15+$0x0] =	vst.idx.msk vm0, v49  }
0x1d8: {  	vm1 =	vmmov vm2;
	vm2 =	vmmov vm6;
	v9 =	vld.idx.msk [tilespmem:v19+s14+$0x0], $0xffff;
	v19 =	vor.u32 $0x300, v3;
	[tilespmem:v51+s15+$0x0] =	vst.idx.msk vm6, v25  }
0x1d9: {  	[tilespmem:v30+s15+$0x0] =	vst.idx.msk vm5, v33;
	v25 =	vld.idx.msk [tilespmem:v26+s14+$0x0], $0xffff;
	v26 =	vor.u32 $0x280, v23  }
0x1da: {  	vm3 =	vmmov vm4;
	v30 =	vor.u32 $0x300, v17;
	v29 =	vld.idx.msk [tilespmem:v29+s14+$0x0], $0xffff;
	[tilespmem:v27+s15+$0x0] =	vst.idx.msk vm4, v11  }
0x1db: {  	v11 =	vld.idx.msk [tilespmem:v20+s14+$0x0], $0xffff;
	v20 =	vor.u32 $0x280, v36;
	[tilespmem:v5+s15+$0x0] =	vst.idx.msk vm7, v18  }
0x1dc: {  	[tilespmem:v15+s15+$0x0] =	vst.idx.msk vm8, v16;
	v15 =	vor.u32 $0x300, v37;
	v5 =	vor.u32 $0x280, v39;
	v7 =	vld.idx.msk [tilespmem:v7+s14+$0x0], $0xffff  }
0x1dd: {  	v12 =	vld.idx.msk [tilespmem:v12+s14+$0x0], $0xffff;
	v16 =	vor.u32 $0x300, v38;
	[tilespmem:v19+s15+$0x0] =	vst.idx.msk vm0, v9  }
0x1de: {  	v4 =	vor.u32 $0x380, v4;
	vm6 =	vmmov vm5;
	v9 =	vld.idx.msk [tilespmem:v13+s14+$0x0], $0xffff;
	[tilespmem:v26+s15+$0x0] =	vst.idx.msk vm2, v25  }
0x1df: {  	[tilespmem:v22+s15+$0x0] =	vst.idx.msk vm5, v29;
	vm5 =	vmmov vm6;
	v13 =	vld.idx.msk [tilespmem:v30+s14+$0x0], $0xffff;
	v18 =	vor.u32 $0x300, v23  }
0x1e0: {  	v17 =	vor.u32 $0x380, v17;
	v19 =	vld.idx.msk [tilespmem:v28+s14+$0x0], $0xffff;
	[tilespmem:v20+s15+$0x0] =	vst.idx.msk vm3, v11  }
0x1e1: {  	vm15 =	vmmov vm7;
	v11 =	vld.idx.msk [tilespmem:v15+s14+$0x0], $0xffff;
	v15 =	vor.u32 $0x300, v36;
	[tilespmem:v5+s15+$0x0] =	vst.idx.msk vm7, v7  }
0x1e2: {  	[tilespmem:v6+s15+$0x0] =	vst.idx.msk vm1, v12;
	v6 =	vor.u32 $0x380, v37;
	vm0 =	vmmov vm0;
	v5 =	vor.u32 $0x300, v39;
	v7 =	vld.idx.msk [tilespmem:v16+s14+$0x0], $0xffff  }
0x1e3: {  	v12 =	vor.u32 $0x380, v38;
	v3 =	vor.u32 $0x380, v3;
	v4 =	vld.idx.msk [tilespmem:v4+s14+$0x0], $0xffff;
	[tilespmem:v14+s15+$0x0] =	vst.idx.msk vm8, v9  }
0x1e4: {  	vm1 =	vmmov vm2;
	v9 =	vld.idx.msk [tilespmem:v10+s14+$0x0], $0xffff;
	[tilespmem:v18+s15+$0x0] =	vst.idx.msk vm2, v13  }
0x1e5: {  	[tilespmem:v21+s15+$0x0] =	vst.idx.msk vm5, v19;
	v13 =	vor.u32 $0x380, v23;
	v10 =	vld.idx.msk [tilespmem:v17+s14+$0x0], $0xffff  }
0x1e6: {  	v14 =	vor.u32 $0x380, v24;
	v16 =	vld.idx.msk [tilespmem:v31+s14+$0x0], $0xffff;
	[tilespmem:v15+s15+$0x0] =	vst.idx.msk vm3, v11  }
0x1e7: {  	v11 =	vor.u32 $0x380, v36;
	v6 =	vld.idx.msk [tilespmem:v6+s14+$0x0], $0xffff;
	[tilespmem:v5+s15+$0x0] =	vst.idx.msk vm15, v7  }
0x1e8: {  	[tilespmem:v3+s15+$0x0] =	vst.idx.msk vm0, v4;
	v5 =	vor.u32 $0x380, v39;
	v3 =	vld.idx.msk [tilespmem:v12+s14+$0x0], $0xffff  }
0x1e9: {  	[tilespmem:v8+s15+$0x0] =	vst.idx.msk vm8, v9  }
0x1ea: {  	[tilespmem:v13+s15+$0x0] =	vst.idx.msk vm1, v10  }
0x1eb: {  	[tilespmem:v14+s15+$0x0] =	vst.idx.msk vm5, v16  }
0x1ec: {  	[tilespmem:v11+s15+$0x0] =	vst.idx.msk vm3, v6  }
0x1ed: {  	[tilespmem:v5+s15+$0x0] =	vst.idx.msk vm15, v3  }
0x1ee: {  	s24 =	sadd.s32 $0x1200000, s28;
	_ =	swait.ge [sflag:s12], $0x4000  }
0x1ef: {  	s1 =	sshrl.u32 s24, $0x3;
	[sflag:s12] =	ssyncset.done $0x0  }
0x1f0: {  	s25 =	simm.s32 $0x0;
	s1 =	sadd.s32 s20, s1;
	[sflag:s12] =	ssyncadd.s32 $0xFFFFC000  }
0x1f1: {  	[tilespmem:s14], [sflag:$0x2] =	stream.linear.gather [hbm4b:s1+s25], $0x4000, $0x38;
	[tilespmem:$0x1D400] =	vst v63  }
0x1f2: {  	v3 =	vld [tilespmem:s7+$0x0];
	_ =	sdelay $0x2  }
0x1f3: {  	v4 =	vld [tilespmem:s7+$0xFFFFFF60]  }
0x1f4: {  	v5 =	vld [tilespmem:s18+$0x0]  }
0x1f5: {  	v6 =	vshll.u32 v3, $0x3  }
0x1f6: {  	v3 =	vand.u32 $0x7F, v3;
	v6 =	vand.u32 $0xFFFFFC00, v6  }
0x1f7: {  	v6 =	vor.u32 v3, v6  }
0x1f8: {  	v7 =	vshll.u32 v4, $0x3;
	v3 =	vld [tilespmem:s18+$0xFFFFFF60]  }
0x1f9: {  	v4 =	vand.u32 $0x7F, v4;
	v8 =	vshll.u32 v5, $0x3;
	v7 =	vand.u32 $0xFFFFFC00, v7  }
0x1fa: {  	s26 =	simm.s32 $0x800;
	v4 =	vor.u32 v4, v7;
	v7 =	vand.u32 $0xFFFFFC00, v8  }
0x1fb: {  	vm0 =	vlt.s32 v5, $0x90;
	v5 =	vand.u32 $0x7F, v5;
	v7 =	vadd.s32 s26, v7  }
0x1fc: {  	s21 =	sadd.s32 $0x140, s18;
	v17 =	vor.u32 v5, v7;
	v8 =	vld.idx.msk [tilespmem:v6+s13+$0x0], $0xffff  }
0x1fd: {  	s7 =	sadd.s32 $0x140, s7;
	v13 =	vld [tilespmem:s21+$0x0];
	v7 =	vor.u32 $0x80, v6;
	v9 =	vshll.u32 v3, $0x3  }
0x1fe: {  	s29 =	simm.s32 $0x0;
	v10 =	vld [tilespmem:s7+$0x0];
	v5 =	vand.u32 $0xFFFFFC00, v9  }
0x1ff: {  	v12 =	vld [tilespmem:s7+$0xFFFFFF60];
	vm1 =	vlt.s32 v3, $0x90;
	v9 =	vand.u32 $0x7F, v3;
	v5 =	vadd.s32 s29, v5  }
0x200: {  	s1 =	sadd.s32 $0x140, s7;
	v3 =	vld.idx.msk [tilespmem:v4+s13+$0x0], $0xffff;
	v9 =	vor.u32 v9, v5  }
0x201: {  	v54 =	vld [tilespmem:s1+$0xFFFFFF60];
	v5 =	vor.u32 $0x80, v4;
	[tilespmem:v17+s15+$0x0] =	vst.idx.msk vm0, v8  }
0x202: {  	v8 =	vor.u32 $0x80, v17;
	v7 =	vld.idx.msk [tilespmem:v7+s13+$0x0], $0xffff  }
0x203: {  	v11 =	vor.u32 $0x100, v6  }
0x204: {  	vm6 =	vmmov vm15;
	vm4 =	vmmov vm8;
	vm2 =	vmmov vm3  }
0x205: {  	vm4 =	vlt.s32 v13, $0x90;
	v16 =	vshll.u32 v10, $0x3;
	vm2 =	vmmov vm1;
	[tilespmem:v9+s15+$0x0] =	vst.idx.msk vm1, v3  }
0x206: {  	v18 =	vshll.u32 v12, $0x3;
	v12 =	vand.u32 $0x7F, v12;
	v3 =	vld.idx.msk [tilespmem:v5+s13+$0x0], $0xffff;
	v5 =	vor.u32 $0x80, v9  }
0x207: {  	v18 =	vand.u32 $0xFFFFFC00, v18;
	v35 =	vand.u32 $0x7F, v54;
	v14 =	vor.u32 $0x100, v4;
	[tilespmem:v8+s15+$0x0] =	vst.idx.msk vm0, v7  }
0x208: {  	v19 =	vor.u32 $0x180, v6;
	v7 =	vand.u32 $0x7F, v10;
	v8 =	vand.u32 $0xFFFFFC00, v16;
	v10 =	vld.idx.msk [tilespmem:v11+s13+$0x0], $0xffff  }
0x209: {  	v20 =	vor.u32 $0x200, v4;
	v21 =	vor.u32 v7, v8;
	v7 =	vor.u32 $0x100, v17;
	v8 =	vld [tilespmem:s21+$0xFFFFFF60]  }
0x20a: {  	v12 =	vor.u32 v12, v18;
	v26 =	vor.u32 $0x200, v6;
	v29 =	vor.u32 $0x280, v4  }
0x20b: {  	v23 =	vor.u32 $0x300, v4;
	v22 =	vor.u32 $0x380, v4;
	[tilespmem:v5+s15+$0x0] =	vst.idx.msk vm2, v3;
	v3 =	vshll.u32 v13, $0x3  }
0x20c: {  	s22 =	simm.s32 $0x1800;
	v55 =	vor.u32 $0x280, v6;
	v15 =	vor.u32 $0x100, v9;
	v3 =	vand.u32 $0xFFFFFC00, v3  }
0x20d: {  	vm1 =	vmmov vm0;
	v5 =	vand.u32 $0x7F, v13;
	v14 =	vld.idx.msk [tilespmem:v14+s13+$0x0], $0xffff;
	v3 =	vadd.s32 s22, v3  }
0x20e: {  	v11 =	vor.u32 $0x180, v4;
	v13 =	vld.idx.msk [tilespmem:v21+s13+$0x0], $0xffff;
	[tilespmem:v7+s15+$0x0] =	vst.idx.msk vm0, v10;
	v10 =	vshll.u32 v8, $0x3;
	v5 =	vor.u32 v5, v3  }
0x20f: {  	s23 =	simm.s32 $0x1000;
	v18 =	vor.u32 $0x80, v21;
	v3 =	vld.idx.msk [tilespmem:v19+s13+$0x0], $0xffff;
	v10 =	vand.u32 $0xFFFFFC00, v10;
	v19 =	vor.u32 $0x180, v17  }
0x210: {  	v7 =	vand.u32 $0x7F, v8;
	vm0 =	vlt.s32 v8, $0x90;
	v10 =	vadd.s32 s23, v10  }
0x211: {  	v59 =	vor.u32 $0x300, v6;
	v52 =	vor.u32 $0x200, v12;
	v27 =	vld.idx.msk [tilespmem:v12+s13+$0x0], $0xffff;
	v10 =	vor.u32 v7, v10  }
0x212: {  	v53 =	vor.u32 $0x200, v17;
	v58 =	vor.u32 $0x280, v17;
	v4 =	vld [tilespmem:s1+$0x0];
	[tilespmem:v15+s15+$0x0] =	vst.idx.msk vm2, v14;
	v7 =	vor.u32 $0x80, v12  }
0x213: {  	v63 =	vor.u32 $0x300, v17;
	vm5 =	vmmov vm2;
	v16 =	vor.u32 $0x180, v9;
	v14 =	vld.idx.msk [tilespmem:v11+s13+$0x0], $0xffff;
	[tilespmem:v5+s15+$0x0] =	vst.idx.msk vm4, v13  }
0x214: {  	v25 =	vor.u32 $0x280, v9;
	vm3 =	vmmov vm1;
	v15 =	vld.idx.msk [tilespmem:v18+s13+$0x0], $0xffff;
	[tilespmem:v19+s15+$0x0] =	vst.idx.msk vm1, v3;
	v3 =	vor.u32 $0x80, v5  }
0x215: {  	v24 =	vor.u32 $0x300, v9;
	vm7 =	vmmov vm3;
	v31 =	vor.u32 $0x100, v21  }
0x216: {  	v57 =	vor.u32 $0x180, v21;
	v62 =	vor.u32 $0x200, v21;
	v40 =	vor.u32 $0x380, v21;
	v30 =	vld.idx.msk [tilespmem:v26+s13+$0x0], $0xffff;
	[tilespmem:v10+s15+$0x0] =	vst.idx.msk vm0, v27  }
0x217: {  	s7 =	sadd.s32 $0x140, s21;
	v8 =	vor.u32 $0x200, v9;
	v61 =	vor.u32 $0x180, v5;
	vm0 =	vmmov vm0;
	v56 =	vld.idx.msk [tilespmem:v7+s13+$0x0], $0xffff  }
0x218: {  	v11 =	vor.u32 $0x380, v9;
	v9 =	vor.u32 $0x80, v10;
	v32 =	vor.u32 $0x180, v10;
	[tilespmem:v16+s15+$0x0] =	vst.idx.msk vm2, v14;
	v14 =	vld [tilespmem:s7+$0x0]  }
0x219: {  	v28 =	vor.u32 $0x280, v10;
	v13 =	vor.u32 $0x100, v12;
	v16 =	vld.idx.msk [tilespmem:v20+s13+$0x0], $0xffff;
	v20 =	vshll.u32 v4, $0x3;
	[tilespmem:v3+s15+$0x0] =	vst.idx.msk vm4, v15  }
0x21a: {  	vm2 =	vmmov vm4;
	v3 =	vand.u32 $0x7F, v4;
	v4 =	vand.u32 $0xFFFFFC00, v20;
	v15 =	vld.idx.msk [tilespmem:v31+s13+$0x0], $0xffff  }
0x21b: {  	v18 =	vor.u32 $0x100, v10;
	[tilespmem:v53+s15+$0x0] =	vst.idx.msk vm1, v30;
	v4 =	vor.u32 v3, v4;
	v3 =	vor.u32 $0x100, v5;
	v30 =	vld [tilespmem:s7+$0xFFFFFF60]  }
0x21c: {  	s1 =	sadd.s32 $0x140, s1;
	v19 =	vor.u32 $0x180, v12;
	v26 =	vor.u32 $0x200, v10;
	v20 =	vshll.u32 v54, $0x3;
	v31 =	vld.idx.msk [tilespmem:v55+s13+$0x0], $0xffff  }
0x21d: {  	v27 =	vor.u32 $0x280, v12;
	v20 =	vand.u32 $0xFFFFFC00, v20;
	[tilespmem:v9+s15+$0x0] =	vst.idx.msk vm0, v56;
	v60 =	vshll.u32 v14, $0x3;
	v56 =	vld [tilespmem:s1+$0x0]  }
0x21e: {  	s24 =	simm.s32 $0x2800;
	v35 =	vor.u32 v35, v20;
	vm4 =	vlt.s32 v14, $0x90;
	v13 =	vld.idx.msk [tilespmem:v13+s13+$0x0], $0xffff;
	[tilespmem:v8+s15+$0x0] =	vst.idx.msk vm5, v16;
	v8 =	vand.u32 $0xFFFFFC00, v60  }
0x21f: {  	v14 =	vand.u32 $0x7F, v14;
	vm5 =	vmmov vm5;
	v60 =	vld [tilespmem:s1+$0xFFFFFF60];
	v8 =	vadd.s32 s24, v8  }
0x220: {  	v7 =	vor.u32 $0x300, v12;
	v29 =	vld.idx.msk [tilespmem:v29+s13+$0x0], $0xffff;
	[tilespmem:v3+s15+$0x0] =	vst.idx.msk vm2, v15;
	v3 =	vor.u32 v14, v8;
	v8 =	vshll.u32 v30, $0x3  }
0x221: {  	s25 =	simm.s32 $0x2000;
	v12 =	vor.u32 $0x380, v12;
	v16 =	vld.idx.msk [tilespmem:v4+s13+$0x0], $0xffff;
	v15 =	vand.u32 $0x7F, v30;
	v8 =	vand.u32 $0xFFFFFC00, v8  }
0x222: {  	v14 =	vld.idx.msk [tilespmem:v57+s13+$0x0], $0xffff;
	[tilespmem:v58+s15+$0x0] =	vst.idx.msk vm1, v31;
	v31 =	vor.u32 $0x80, v4;
	vm1 =	vlt.s32 v30, $0x90;
	v8 =	vadd.s32 s25, v8  }
0x223: {  	vm6 =	vmmov vm0;
	v54 =	vor.u32 $0x180, v4;
	v48 =	vld.idx.msk [tilespmem:v35+s13+$0x0], $0xffff;
	[tilespmem:v18+s15+$0x0] =	vst.idx.msk vm0, v13;
	v8 =	vor.u32 v15, v8  }
0x224: {  	v55 =	vor.u32 $0x280, v5;
	v9 =	vor.u32 $0x300, v10;
	v49 =	vor.u32 $0x80, v35;
	v30 =	vld.idx.msk [tilespmem:v19+s13+$0x0], $0xffff  }
0x225: {  	s7 =	sadd.s32 $0x140, s7;
	v50 =	vor.u32 $0x100, v35;
	v45 =	vor.u32 $0x180, v35;
	v57 =	vor.u32 $0x80, v3;
	v36 =	vld.idx.msk [tilespmem:v59+s13+$0x0], $0xffff;
	[tilespmem:v25+s15+$0x0] =	vst.idx.msk vm5, v29  }
0x226: {  	v58 =	vor.u32 $0x100, v4;
	v59 =	vor.u32 $0x200, v5;
	v13 =	vor.u32 $0x380, v6;
	v29 =	vld [tilespmem:s7+$0xFFFFFF60];
	[tilespmem:v3+s15+$0x0] =	vst.idx.msk vm4, v16  }
0x227: {  	v6 =	vor.u32 $0x380, v10;
	v10 =	vor.u32 $0x380, v35;
	v51 =	vor.u32 $0x80, v8;
	v31 =	vld.idx.msk [tilespmem:v31+s13+$0x0], $0xffff;
	[tilespmem:v61+s15+$0x0] =	vst.idx.msk vm2, v14  }
0x228: {  	v44 =	vor.u32 $0x100, v8;
	v20 =	vor.u32 $0x180, v8;
	v19 =	vor.u32 $0x200, v35;
	v37 =	vld.idx.msk [tilespmem:v62+s13+$0x0], $0xffff;
	[tilespmem:v8+s15+$0x0] =	vst.idx.msk vm1, v48  }
0x229: {  	v18 =	vor.u32 $0x200, v8;
	v15 =	vor.u32 $0x280, v8;
	v25 =	vshll.u32 v60, $0x3;
	v62 =	vld.idx.msk [tilespmem:v49+s13+$0x0], $0xffff;
	[tilespmem:v32+s15+$0x0] =	vst.idx.msk vm0, v30  }
0x22a: {  	v16 =	vor.u32 $0x280, v35;
	v61 =	vor.u32 $0x280, v21;
	vm1 =	vmmov vm1;
	v30 =	vld.idx.msk [tilespmem:v52+s13+$0x0], $0xffff  }
0x22b: {  	v25 =	vand.u32 $0xFFFFFC00, v25;
	v14 =	vor.u32 $0x300, v8;
	[tilespmem:v63+s15+$0x0] =	vst.idx.msk vm3, v36;
	v63 =	vor.u32 $0x380, v17;
	v52 =	vld [tilespmem:s7+$0x0]  }
0x22c: {  	vm3 =	vmmov vm2;
	v17 =	vshll.u32 v56, $0x3;
	v46 =	vld.idx.msk [tilespmem:v13+s13+$0x0], $0xffff;
	v13 =	vor.u32 $0x300, v35;
	[tilespmem:v57+s15+$0x0] =	vst.idx.msk vm4, v31  }
0x22d: {  	v17 =	vand.u32 $0xFFFFFC00, v17;
	vm0 =	vmmov vm4;
	v31 =	vand.u32 $0x7F, v56;
	v34 =	vld.idx.msk [tilespmem:v58+s13+$0x0], $0xffff  }
0x22e: {  	v8 =	vor.u32 $0x380, v8;
	[tilespmem:v59+s15+$0x0] =	vst.idx.msk vm2, v37;
	v17 =	vor.u32 v31, v17;
	v31 =	vor.u32 $0x100, v3;
	v58 =	vld.idx.msk [tilespmem:v23+s13+$0x0], $0xffff  }
0x22f: {  	s1 =	sadd.s32 $0x140, s1;
	vm4 =	vmmov vm5;
	v56 =	vand.u32 $0x7F, v60;
	v57 =	vor.u32 $0x300, v21;
	v53 =	vld.idx.msk [tilespmem:v61+s13+$0x0], $0xffff  }
0x230: {  	vm2 =	vmmov vm6;
	v47 =	vor.u32 v56, v25;
	v37 =	vld [tilespmem:s1+$0x0];
	[tilespmem:v51+s15+$0x0] =	vst.idx.msk vm1, v62;
	v23 =	vshll.u32 v52, $0x3  }
0x231: {  	s26 =	simm.s32 $0x3800;
	v32 =	vor.u32 $0x80, v47;
	v25 =	vor.u32 $0x100, v47;
	v41 =	vld.idx.msk [tilespmem:v50+s13+$0x0], $0xffff;
	[tilespmem:v26+s15+$0x0] =	vst.idx.msk vm6, v30;
	v23 =	vand.u32 $0xFFFFFC00, v23  }
0x232: {  	[tilespmem:v63+s15+$0x0] =	vst.idx.msk vm7, v46;
	vm6 =	vlt.s32 v52, $0x90;
	v26 =	vand.u32 $0x7F, v52;
	v30 =	vld.idx.msk [tilespmem:v27+s13+$0x0], $0xffff;
	v23 =	vadd.s32 s26, v23  }
0x233: {  	v61 =	vor.u32 $0x180, v3;
	v59 =	vld.idx.msk [tilespmem:v17+s13+$0x0], $0xffff;
	[tilespmem:v31+s15+$0x0] =	vst.idx.msk vm0, v34;
	v31 =	vshll.u32 v29, $0x3;
	v23 =	vor.u32 v26, v23  }
0x234: {  	v63 =	vor.u32 $0x300, v5;
	v60 =	vld.idx.msk [tilespmem:v54+s13+$0x0], $0xffff;
	[tilespmem:v55+s15+$0x0] =	vst.idx.msk vm3, v53;
	v26 =	vand.u32 $0xFFFFFC00, v31;
	v31 =	vor.u32 $0x80, v17  }
0x235: {  	s29 =	simm.s32 $0x3000;
	vm7 =	vlt.s32 v29, $0x90;
	v33 =	vor.u32 $0x200, v47;
	v62 =	vor.u32 $0x200, v4;
	[tilespmem:v24+s15+$0x0] =	vst.idx.msk vm5, v58;
	v38 =	vld.idx.msk [tilespmem:v57+s13+$0x0], $0xffff  }
0x236: {  	v27 =	vand.u32 $0x7F, v29;
	v43 =	vld.idx.msk [tilespmem:v47+s13+$0x0], $0xffff;
	v29 =	vor.u32 $0x280, v47;
	v26 =	vadd.s32 s29, v26;
	[tilespmem:v44+s15+$0x0] =	vst.idx.msk vm1, v41  }
0x237: {  	vm5 =	vmmov vm0;
	v46 =	vor.u32 $0x80, v23;
	v24 =	vor.u32 v27, v26;
	v41 =	vld.idx.msk [tilespmem:v22+s13+$0x0], $0xffff;
	[tilespmem:v28+s15+$0x0] =	vst.idx.msk vm2, v30  }
0x238: {  	v26 =	vor.u32 $0x180, v47;
	v34 =	vor.u32 $0x80, v24;
	v27 =	vor.u32 $0x100, v24;
	v42 =	vld.idx.msk [tilespmem:v45+s13+$0x0], $0xffff;
	[tilespmem:v23+s15+$0x0] =	vst.idx.msk vm6, v59  }
0x239: {  	v35 =	vor.u32 $0x180, v24;
	v30 =	vor.u32 $0x200, v24;
	v22 =	vor.u32 $0x280, v24;
	[tilespmem:v61+s15+$0x0] =	vst.idx.msk vm0, v60;
	v45 =	vld.idx.msk [tilespmem:v31+s13+$0x0], $0xffff  }
0x23a: {  	s18 =	simm.s32 $0x8;
	s21 =	simm.s32 $0xA;
	v28 =	vor.u32 $0x300, v47;
	v21 =	vor.u32 $0x300, v24;
	v31 =	vor.u32 $0x380, v47;
	v44 =	vld.idx.msk [tilespmem:v62+s13+$0x0], $0xffff;
	[tilespmem:v63+s15+$0x0] =	vst.idx.msk vm3, v38  }
.LBB2_11:
0x23b: {  	v38 =	vor.u32 $0x380, v24  }
0x23c: {  	p1 =	slt.u32 s21, $0x1E;
	v39 =	vor.u32 $0x100, v17;
	v47 =	vor.u32 $0x200, v3;
	v40 =	vld.idx.msk [tilespmem:v40+s13+$0x0], $0xffff;
	v36 =	vmovc v10;
	v10 =	vmovc v31;
	vm9 =	vmmov vm3  }
0x23d: {  	vm3 =	vmmov vm0;
	v31 =	vld [tilespmem:s1+$0xFFFFFF60];
	[tilespmem:v24+s15+$0x0] =	vst.idx.msk vm7, v43;
	v24 =	vor.u32 $0x280, v4;
	v43 =	vor.u32 $0x380, v5;
	v5 =	vmovc v3;
	v3 =	vmovc v23  }
0x23e: {  	vm0 =	vmmov vm6;
	vm8 =	vmmov vm1;
	v23 =	vld.idx.msk [tilespmem:v32+s13+$0x0], $0xffff;
	[tilespmem:v20+s15+$0x0] =	vst.idx.msk vm1, v42;
	v20 =	vmovc v35;
	vm1 =	vmmov vm7  }
0x23f: {  	s7 =	sadd.s32 $0x140, s7;
	v32 =	vld.idx.msk [tilespmem:v19+s13+$0x0], $0xffff;
	[tilespmem:v11+s15+$0x0] =	vst.idx.msk vm4, v41;
	v11 =	vmovc v6;
	v6 =	vmov v8;
	v8 =	vmov v38;
	v19 =	vmov v33  }
0x240: {  	v35 =	vshll.u32 v37, $0x3;
	vm4 =	vmmov vm2;
	vm2 =	vmmov vm8;
	v33 =	vld [tilespmem:s7+$0x0];
	[tilespmem:v46+s15+$0x0] =	vst.idx.msk vm6, v45  }
0x241: {  	v37 =	vand.u32 $0x7F, v37;
	v35 =	vand.u32 $0xFFFFFC00, v35;
	v38 =	vld.idx.msk [tilespmem:v39+s13+$0x0], $0xffff;
	[tilespmem:v47+s15+$0x0] =	vst.idx.msk vm5, v44;
	vm5 =	vmmov vm6  }
0x242: {  	v44 =	vor.u32 v37, v35;
	v35 =	vor.u32 $0x100, v3;
	v39 =	vshll.u32 v31, $0x3;
	v24 =	vld.idx.msk [tilespmem:v24+s13+$0x0], $0xffff;
	[tilespmem:v43+s15+$0x0] =	vst.idx.msk vm9, v40  }
0x243: {  	v41 =	vor.u32 $0x280, v5;
	v40 =	vor.u32 $0x180, v17;
	v37 =	vld [tilespmem:s7+$0xFFFFFF60];
	v39 =	vand.u32 $0xFFFFFC00, v39  }
0x244: {  	v31 =	vand.u32 $0x7F, v31;
	[tilespmem:v34+s15+$0x0] =	vst.idx.msk vm7, v23;
	v34 =	vor.u32 $0x300, v4;
	v42 =	vld.idx.msk [tilespmem:v7+s13+$0x0], $0xffff;
	v7 =	vmovc v13;
	v13 =	vmov v28  }
0x245: {  	s22 =	sshll.u32 s18, $0xB;
	s18 =	smov.u32 s21;
	v31 =	vor.u32 v31, v39;
	v23 =	vshll.u32 v33, $0x3;
	v28 =	vld.idx.msk [tilespmem:v25+s13+$0x0], $0xffff;
	[tilespmem:v18+s15+$0x0] =	vst.idx.msk vm8, v32;
	v18 =	vmov v30  }
0x246: {  	s23 =	sadd.s32 $0x800, s22;
	v32 =	vor.u32 $0x80, v31;
	v25 =	vor.u32 $0x100, v31;
	v23 =	vand.u32 $0xFFFFFC00, v23;
	v30 =	vld.idx.msk [tilespmem:v16+s13+$0x0], $0xffff;
	v16 =	vmovc v29  }
0x247: {  	vm6 =	vlt.s32 v33, $0x90;
	v33 =	vand.u32 $0x7F, v33;
	v29 =	vld.idx.msk [tilespmem:v44+s13+$0x0], $0xffff;
	v23 =	vadd.s32 s23, v23;
	[tilespmem:v35+s15+$0x0] =	vst.idx.msk vm0, v38  }
0x248: {  	v35 =	vand.u32 $0x7F, v37;
	v38 =	vshll.u32 v37, $0x3;
	v23 =	vor.u32 v33, v23;
	v39 =	vld.idx.msk [tilespmem:v40+s13+$0x0], $0xffff;
	[tilespmem:v41+s15+$0x0] =	vst.idx.msk vm3, v24  }
0x249: {  	v46 =	vor.u32 $0x180, v3;
	v24 =	vand.u32 $0xFFFFFC00, v38;
	v38 =	vor.u32 $0x80, v44;
	v47 =	vld.idx.msk [tilespmem:v34+s13+$0x0], $0xffff  }
0x24a: {  	v48 =	vor.u32 $0x200, v17;
	v49 =	vor.u32 $0x300, v5;
	v43 =	vld.idx.msk [tilespmem:v31+s13+$0x0], $0xffff;
	v24 =	vadd.s32 s22, v24;
	[tilespmem:v9+s15+$0x0] =	vst.idx.msk vm4, v42;
	v9 =	vmovc v14  }
.Ltmp4:
0x24b: {  	vm7 =	vlt.s32 v37, $0x90;
	v40 =	vor.u32 $0x380, v4;
	v24 =	vor.u32 v35, v24;
	[tilespmem:v27+s15+$0x0] =	vst.idx.msk vm1, v28;
	v41 =	vld.idx.msk [tilespmem:v12+s13+$0x0], $0xffff;
	(pc) =	sbr.rel @p1 .LBB2_11-.Ltmp4, $4  }
0x24c: {  	s1 =	sadd.s32 $0x140, s1;
	v4 =	vmovc v17;
	v34 =	vor.u32 $0x80, v24;
	v27 =	vor.u32 $0x100, v24;
	v42 =	vld.idx.msk [tilespmem:v26+s13+$0x0], $0xffff;
	v26 =	vor.u32 $0x180, v31;
	[tilespmem:v15+s15+$0x0] =	vst.idx.msk vm2, v30  }
0x24d: {  	v33 =	vor.u32 $0x200, v31;
	v17 =	vmovc v44;
	v35 =	vor.u32 $0x180, v24;
	v30 =	vor.u32 $0x200, v24;
	v15 =	vmovc v22;
	v37 =	vld [tilespmem:s1+$0x0];
	[tilespmem:v23+s15+$0x0] =	vst.idx.msk vm6, v29  }
0x24e: {  	v14 =	vmovc v21;
	v28 =	vor.u32 $0x300, v31;
	v22 =	vor.u32 $0x280, v24;
	v29 =	vor.u32 $0x280, v31;
	v45 =	vld.idx.msk [tilespmem:v38+s13+$0x0], $0xffff;
	[tilespmem:v46+s15+$0x0] =	vst.idx.msk vm0, v39  }
0x24f: {  	s21 =	sadd.s32 $0x2, s21;
	v12 =	vmovc v36;
	v21 =	vor.u32 $0x300, v24;
	v31 =	vor.u32 $0x380, v31;
	v46 =	vor.u32 $0x80, v23;
	v44 =	vld.idx.msk [tilespmem:v48+s13+$0x0], $0xffff;
	[tilespmem:v49+s15+$0x0] =	vst.idx.msk vm3, v47  }
0x250: {  	v36 =	vld [tilespmem:s1+$0xFFFFFF60];
	_ =	sdelay $0x1  }
0x251: {  	s22 =	sadd.s32 $0x140, s7  }
0x252: {  	v39 =	vld [tilespmem:s22+$0x0]  }
0x253: {  	v47 =	vld [tilespmem:s22+$0xFFFFFF60];
	v38 =	vshll.u32 v37, $0x3  }
0x254: {  	v54 =	vand.u32 $0x7F, v37;
	v38 =	vand.u32 $0xFFFFFC00, v38;
	v48 =	vshll.u32 v36, $0x3  }
0x255: {  	v37 =	vor.u32 v54, v38;
	v36 =	vand.u32 $0x7F, v36;
	v55 =	vand.u32 $0xFFFFFC00, v48  }
0x256: {  	v38 =	vor.u32 v36, v55  }
0x257: {  	s23 =	sshll.u32 s18, $0xB;
	v56 =	vshll.u32 v39, $0x3;
	vm9 =	vlt.s32 v39, $0x90  }
0x258: {  	s24 =	sadd.s32 $0x800, s23;
	v39 =	vand.u32 $0x7F, v39;
	v57 =	vshll.u32 v47, $0x3;
	v36 =	vand.u32 $0xFFFFFC00, v56  }
0x259: {  	v49 =	vand.u32 $0x7F, v47;
	v48 =	vand.u32 $0xFFFFFC00, v57;
	v36 =	vadd.s32 s24, v36  }
0x25a: {  	vm10 =	vlt.s32 v47, $0x90;
	v58 =	vadd.s32 s23, v48;
	v50 =	vld.idx.msk [tilespmem:v37+s13+$0x0], $0xffff;
	v36 =	vor.u32 v39, v36  }
0x25b: {  	v59 =	vor.u32 $0x80, v37;
	v39 =	vor.u32 v49, v58;
	v60 =	vld.idx.msk [tilespmem:v38+s13+$0x0], $0xffff  }
0x25c: {  	v61 =	vor.u32 $0x80, v38;
	_ =	sdelay $0x1  }
0x25d: {  	[tilespmem:v24+s15+$0x0] =	vst.idx.msk vm7, v43;
	vm8 =	vmmov vm7  }
0x25e: {  	v62 =	vor.u32 $0x100, v17;
	v32 =	vld.idx.msk [tilespmem:v32+s13+$0x0], $0xffff;
	[tilespmem:v36+s15+$0x0] =	vst.idx.msk vm9, v50  }
0x25f: {  	v63 =	vor.u32 $0x80, v36;
	v47 =	vld.idx.msk [tilespmem:v59+s13+$0x0], $0xffff;
	[tilespmem:v39+s15+$0x0] =	vst.idx.msk vm10, v60  }
0x260: {  	v51 =	vor.u32 $0x100, v37;
	v54 =	vor.u32 $0x80, v39;
	v49 =	vld.idx.msk [tilespmem:v61+s13+$0x0], $0xffff  }
0x261: {  	[tilespmem:v11+s15+$0x0] =	vst.idx.msk vm4, v41;
	vm14 =	vmmov vm3;
	v11 =	vor.u32 $0x100, v38  }
0x262: {  	v40 =	vld.idx.msk [tilespmem:v40+s13+$0x0], $0xffff;
	v5 =	vor.u32 $0x380, v5;
	[tilespmem:v46+s15+$0x0] =	vst.idx.msk vm6, v45;
	vm6 =	vmmov vm6  }
0x263: {  	[tilespmem:v34+s15+$0x0] =	vst.idx.msk vm8, v32;
	v56 =	vld.idx.msk [tilespmem:v62+s13+$0x0], $0xffff;
	v57 =	vor.u32 $0x100, v23  }
0x264: {  	v25 =	vld.idx.msk [tilespmem:v25+s13+$0x0], $0xffff;
	vm4 =	vmmov vm9;
	v58 =	vor.u32 $0x180, v17;
	[tilespmem:v63+s15+$0x0] =	vst.idx.msk vm9, v47  }
0x265: {  	v60 =	vor.u32 $0x100, v36;
	v59 =	vld.idx.msk [tilespmem:v51+s13+$0x0], $0xffff;
	[tilespmem:v54+s15+$0x0] =	vst.idx.msk vm10, v49  }
0x266: {  	vm3 =	vmmov vm1;
	[tilespmem:v20+s15+$0x0] =	vst.idx.msk vm1, v42;
	v20 =	vor.u32 $0x100, v39;
	v61 =	vor.u32 $0x180, v37;
	v11 =	vld.idx.msk [tilespmem:v11+s13+$0x0], $0xffff  }
0x267: {  	v19 =	vld.idx.msk [tilespmem:v19+s13+$0x0], $0xffff;
	[tilespmem:v5+s15+$0x0] =	vst.idx.msk vm14, v40;
	v62 =	vor.u32 $0x180, v38  }
0x268: {  	v55 =	vor.u32 $0x200, v3;
	[tilespmem:v57+s15+$0x0] =	vst.idx.msk vm6, v56  }
0x269: {  	[tilespmem:v27+s15+$0x0] =	vst.idx.msk vm8, v25;
	v32 =	vld.idx.msk [tilespmem:v58+s13+$0x0], $0xffff;
	v63 =	vor.u32 $0x280, v4;
	v47 =	vor.u32 $0x180, v23  }
0x26a: {  	v25 =	vor.u32 $0x200, v17;
	v26 =	vld.idx.msk [tilespmem:v26+s13+$0x0], $0xffff;
	[tilespmem:v60+s15+$0x0] =	vst.idx.msk vm4, v59  }
0x26b: {  	vm7 =	vmmov vm10;
	v48 =	vor.u32 $0x180, v36;
	v27 =	vld.idx.msk [tilespmem:v61+s13+$0x0], $0xffff;
	[tilespmem:v20+s15+$0x0] =	vst.idx.msk vm10, v11  }
0x26c: {  	[tilespmem:v18+s15+$0x0] =	vst.idx.msk vm3, v19;
	v5 =	vor.u32 $0x180, v39;
	v11 =	vor.u32 $0x200, v37;
	v20 =	vld.idx.msk [tilespmem:v62+s13+$0x0], $0xffff  }
0x26d: {  	vm0 =	vmmov vm0;
	v7 =	vld.idx.msk [tilespmem:v7+s13+$0x0], $0xffff;
	v18 =	vor.u32 $0x200, v38;
	[tilespmem:v55+s15+$0x0] =	vst.idx.msk vm5, v44  }
0x26e: {  	v50 =	vor.u32 $0x280, v3;
	v49 =	vld.idx.msk [tilespmem:v63+s13+$0x0], $0xffff;
	[tilespmem:v47+s15+$0x0] =	vst.idx.msk vm6, v32  }
0x26f: {  	v19 =	vor.u32 $0x300, v4;
	vm5 =	vmmov vm8;
	[tilespmem:v35+s15+$0x0] =	vst.idx.msk vm8, v26;
	v51 =	vor.u32 $0x200, v23;
	v25 =	vld.idx.msk [tilespmem:v25+s13+$0x0], $0xffff  }
0x270: {  	v26 =	vor.u32 $0x280, v17;
	v33 =	vld.idx.msk [tilespmem:v33+s13+$0x0], $0xffff;
	[tilespmem:v48+s15+$0x0] =	vst.idx.msk vm4, v27  }
0x271: {  	v27 =	vor.u32 $0x200, v36;
	v11 =	vld.idx.msk [tilespmem:v11+s13+$0x0], $0xffff;
	[tilespmem:v5+s15+$0x0] =	vst.idx.msk vm7, v20;
	vm7 =	vmmov vm7  }
0x272: {  	[tilespmem:v9+s15+$0x0] =	vst.idx.msk vm2, v7;
	vm8 =	vmmov vm3;
	v5 =	vor.u32 $0x200, v39;
	v20 =	vor.u32 $0x280, v37;
	v18 =	vld.idx.msk [tilespmem:v18+s13+$0x0], $0xffff  }
0x273: {  	v16 =	vld.idx.msk [tilespmem:v16+s13+$0x0], $0xffff;
	v7 =	vor.u32 $0x280, v38;
	[tilespmem:v50+s15+$0x0] =	vst.idx.msk vm0, v49  }
0x274: {  	vm1 =	vmmov vm2;
	vm2 =	vmmov vm6;
	v9 =	vld.idx.msk [tilespmem:v19+s13+$0x0], $0xffff;
	v19 =	vor.u32 $0x300, v3;
	[tilespmem:v51+s15+$0x0] =	vst.idx.msk vm6, v25  }
0x275: {  	[tilespmem:v30+s15+$0x0] =	vst.idx.msk vm5, v33;
	v25 =	vld.idx.msk [tilespmem:v26+s13+$0x0], $0xffff;
	v26 =	vor.u32 $0x280, v23  }
0x276: {  	vm3 =	vmmov vm4;
	v30 =	vor.u32 $0x300, v17;
	v29 =	vld.idx.msk [tilespmem:v29+s13+$0x0], $0xffff;
	[tilespmem:v27+s15+$0x0] =	vst.idx.msk vm4, v11  }
0x277: {  	v11 =	vld.idx.msk [tilespmem:v20+s13+$0x0], $0xffff;
	v20 =	vor.u32 $0x280, v36;
	[tilespmem:v5+s15+$0x0] =	vst.idx.msk vm7, v18  }
0x278: {  	[tilespmem:v15+s15+$0x0] =	vst.idx.msk vm8, v16;
	v15 =	vor.u32 $0x300, v37;
	v5 =	vor.u32 $0x280, v39;
	v7 =	vld.idx.msk [tilespmem:v7+s13+$0x0], $0xffff  }
0x279: {  	v12 =	vld.idx.msk [tilespmem:v12+s13+$0x0], $0xffff;
	v16 =	vor.u32 $0x300, v38;
	[tilespmem:v19+s15+$0x0] =	vst.idx.msk vm0, v9  }
0x27a: {  	v4 =	vor.u32 $0x380, v4;
	vm6 =	vmmov vm5;
	v9 =	vld.idx.msk [tilespmem:v13+s13+$0x0], $0xffff;
	[tilespmem:v26+s15+$0x0] =	vst.idx.msk vm2, v25  }
0x27b: {  	[tilespmem:v22+s15+$0x0] =	vst.idx.msk vm5, v29;
	vm5 =	vmmov vm6;
	v13 =	vld.idx.msk [tilespmem:v30+s13+$0x0], $0xffff;
	v18 =	vor.u32 $0x300, v23  }
0x27c: {  	v17 =	vor.u32 $0x380, v17;
	v19 =	vld.idx.msk [tilespmem:v28+s13+$0x0], $0xffff;
	[tilespmem:v20+s15+$0x0] =	vst.idx.msk vm3, v11  }
0x27d: {  	vm15 =	vmmov vm7;
	v11 =	vld.idx.msk [tilespmem:v15+s13+$0x0], $0xffff;
	v15 =	vor.u32 $0x300, v36;
	[tilespmem:v5+s15+$0x0] =	vst.idx.msk vm7, v7  }
0x27e: {  	[tilespmem:v6+s15+$0x0] =	vst.idx.msk vm1, v12;
	v6 =	vor.u32 $0x380, v37;
	vm0 =	vmmov vm0;
	v5 =	vor.u32 $0x300, v39;
	v7 =	vld.idx.msk [tilespmem:v16+s13+$0x0], $0xffff  }
0x27f: {  	v12 =	vor.u32 $0x380, v38;
	v3 =	vor.u32 $0x380, v3;
	v4 =	vld.idx.msk [tilespmem:v4+s13+$0x0], $0xffff;
	[tilespmem:v14+s15+$0x0] =	vst.idx.msk vm8, v9  }
0x280: {  	vm1 =	vmmov vm2;
	v9 =	vld.idx.msk [tilespmem:v10+s13+$0x0], $0xffff;
	[tilespmem:v18+s15+$0x0] =	vst.idx.msk vm2, v13  }
0x281: {  	[tilespmem:v21+s15+$0x0] =	vst.idx.msk vm5, v19;
	v13 =	vor.u32 $0x380, v23;
	v10 =	vld.idx.msk [tilespmem:v17+s13+$0x0], $0xffff  }
0x282: {  	v14 =	vor.u32 $0x380, v24;
	v16 =	vld.idx.msk [tilespmem:v31+s13+$0x0], $0xffff;
	[tilespmem:v15+s15+$0x0] =	vst.idx.msk vm3, v11  }
0x283: {  	v11 =	vor.u32 $0x380, v36;
	v6 =	vld.idx.msk [tilespmem:v6+s13+$0x0], $0xffff;
	[tilespmem:v5+s15+$0x0] =	vst.idx.msk vm15, v7  }
0x284: {  	[tilespmem:v3+s15+$0x0] =	vst.idx.msk vm0, v4;
	v5 =	vor.u32 $0x380, v39;
	v3 =	vld.idx.msk [tilespmem:v12+s13+$0x0], $0xffff  }
0x285: {  	[tilespmem:v8+s15+$0x0] =	vst.idx.msk vm8, v9  }
0x286: {  	[tilespmem:v13+s15+$0x0] =	vst.idx.msk vm1, v10  }
0x287: {  	[tilespmem:v14+s15+$0x0] =	vst.idx.msk vm5, v16  }
0x288: {  	[tilespmem:v11+s15+$0x0] =	vst.idx.msk vm3, v6  }
0x289: {  	[tilespmem:v5+s15+$0x0] =	vst.idx.msk vm15, v3  }
0x28a: {  	s25 =	sadd.s32 $0x1800000, s28;
	_ =	swait.ge [sflag:s16], $0x4000  }
0x28b: {  	s1 =	sshrl.u32 s25, $0x3;
	[sflag:s16] =	ssyncset.done $0x0  }
0x28c: {  	s26 =	simm.s32 $0x0;
	s1 =	sadd.s32 s20, s1;
	[sflag:s16] =	ssyncadd.s32 $0xFFFFC000  }
0x28d: {  	[tilespmem:s13], [sflag:$0x1] =	stream.linear.gather [hbm4b:s1+s26], $0x4000, $0x38;
	[tilespmem:$0x1D400] =	vst v63  }
0x28e: {  	v3 =	vld [tilespmem:s10+$0x0];
	_ =	sdelay $0x2  }
0x28f: {  	v4 =	vld [tilespmem:s10+$0xFFFFFF60]  }
0x290: {  	v5 =	vld [tilespmem:s9+$0x0]  }
0x291: {  	v6 =	vshll.u32 v3, $0x3  }
0x292: {  	v3 =	vand.u32 $0x7F, v3;
	v6 =	vand.u32 $0xFFFFFC00, v6  }
0x293: {  	v6 =	vor.u32 v3, v6  }
0x294: {  	v7 =	vshll.u32 v4, $0x3;
	v3 =	vld [tilespmem:s9+$0xFFFFFF60]  }
0x295: {  	v4 =	vand.u32 $0x7F, v4;
	v8 =	vshll.u32 v5, $0x3;
	v7 =	vand.u32 $0xFFFFFC00, v7  }
0x296: {  	s29 =	simm.s32 $0x800;
	v4 =	vor.u32 v4, v7;
	v7 =	vand.u32 $0xFFFFFC00, v8  }
0x297: {  	vm0 =	vlt.s32 v5, $0x90;
	v5 =	vand.u32 $0x7F, v5;
	v7 =	vadd.s32 s29, v7  }
0x298: {  	s18 =	sadd.s32 $0x140, s10;
	v17 =	vor.u32 v5, v7;
	v8 =	vld.idx.msk [tilespmem:v6+s14+$0x0], $0xffff  }
0x299: {  	v10 =	vld [tilespmem:s18+$0x0];
	v7 =	vor.u32 $0x80, v6;
	v9 =	vshll.u32 v3, $0x3  }
0x29a: {  	s7 =	simm.s32 $0x0;
	s21 =	sadd.s32 $0x140, s9;
	v12 =	vld [tilespmem:s18+$0xFFFFFF60];
	v5 =	vand.u32 $0xFFFFFC00, v9  }
0x29b: {  	v13 =	vld [tilespmem:s21+$0x0];
	vm1 =	vlt.s32 v3, $0x90;
	v9 =	vand.u32 $0x7F, v3;
	v5 =	vadd.s32 s7, v5  }
0x29c: {  	s1 =	sadd.s32 $0x140, s18;
	v3 =	vld.idx.msk [tilespmem:v4+s14+$0x0], $0xffff;
	v9 =	vor.u32 v9, v5  }
0x29d: {  	v54 =	vld [tilespmem:s1+$0xFFFFFF60];
	v5 =	vor.u32 $0x80, v4;
	[tilespmem:v17+s15+$0x0] =	vst.idx.msk vm0, v8  }
0x29e: {  	v8 =	vor.u32 $0x80, v17;
	v7 =	vld.idx.msk [tilespmem:v7+s14+$0x0], $0xffff  }
0x29f: {  	v11 =	vor.u32 $0x100, v6  }
0x2a0: {  	vm6 =	vmmov vm15;
	vm4 =	vmmov vm8;
	vm2 =	vmmov vm3  }
0x2a1: {  	v16 =	vshll.u32 v10, $0x3;
	v18 =	vshll.u32 v12, $0x3;
	vm2 =	vmmov vm1;
	[tilespmem:v9+s15+$0x0] =	vst.idx.msk vm1, v3  }
0x2a2: {  	v12 =	vand.u32 $0x7F, v12;
	v18 =	vand.u32 $0xFFFFFC00, v18;
	v3 =	vld.idx.msk [tilespmem:v5+s14+$0x0], $0xffff;
	v5 =	vor.u32 $0x80, v9  }
0x2a3: {  	vm4 =	vlt.s32 v13, $0x90;
	v35 =	vand.u32 $0x7F, v54;
	v12 =	vor.u32 v12, v18;
	[tilespmem:v8+s15+$0x0] =	vst.idx.msk vm0, v7  }
0x2a4: {  	v14 =	vor.u32 $0x100, v4;
	v7 =	vand.u32 $0x7F, v10;
	v8 =	vand.u32 $0xFFFFFC00, v16;
	v10 =	vld.idx.msk [tilespmem:v11+s14+$0x0], $0xffff  }
0x2a5: {  	v19 =	vor.u32 $0x180, v6;
	v21 =	vor.u32 v7, v8;
	v7 =	vor.u32 $0x100, v17;
	v8 =	vld [tilespmem:s21+$0xFFFFFF60]  }
0x2a6: {  	v20 =	vor.u32 $0x200, v4;
	v26 =	vor.u32 $0x200, v6;
	v29 =	vor.u32 $0x280, v4  }
0x2a7: {  	v23 =	vor.u32 $0x300, v4;
	v22 =	vor.u32 $0x380, v4;
	[tilespmem:v5+s15+$0x0] =	vst.idx.msk vm2, v3;
	v3 =	vshll.u32 v13, $0x3  }
0x2a8: {  	s22 =	simm.s32 $0x1800;
	v52 =	vor.u32 $0x200, v12;
	v15 =	vor.u32 $0x100, v9;
	v3 =	vand.u32 $0xFFFFFC00, v3  }
0x2a9: {  	vm1 =	vmmov vm0;
	v5 =	vand.u32 $0x7F, v13;
	v14 =	vld.idx.msk [tilespmem:v14+s14+$0x0], $0xffff;
	v3 =	vadd.s32 s22, v3  }
0x2aa: {  	v11 =	vor.u32 $0x180, v4;
	v13 =	vld.idx.msk [tilespmem:v21+s14+$0x0], $0xffff;
	[tilespmem:v7+s15+$0x0] =	vst.idx.msk vm0, v10;
	v10 =	vshll.u32 v8, $0x3;
	v5 =	vor.u32 v5, v3  }
0x2ab: {  	s23 =	simm.s32 $0x1000;
	v18 =	vor.u32 $0x80, v21;
	v3 =	vld.idx.msk [tilespmem:v19+s14+$0x0], $0xffff;
	v10 =	vand.u32 $0xFFFFFC00, v10;
	v19 =	vor.u32 $0x180, v17  }
0x2ac: {  	v7 =	vand.u32 $0x7F, v8;
	vm0 =	vlt.s32 v8, $0x90;
	v10 =	vadd.s32 s23, v10  }
0x2ad: {  	v55 =	vor.u32 $0x280, v6;
	v59 =	vor.u32 $0x300, v6;
	v27 =	vld.idx.msk [tilespmem:v12+s14+$0x0], $0xffff;
	v10 =	vor.u32 v7, v10  }
0x2ae: {  	v53 =	vor.u32 $0x200, v17;
	v58 =	vor.u32 $0x280, v17;
	v4 =	vld [tilespmem:s1+$0x0];
	[tilespmem:v15+s15+$0x0] =	vst.idx.msk vm2, v14;
	v7 =	vor.u32 $0x80, v12  }
0x2af: {  	v63 =	vor.u32 $0x300, v17;
	vm5 =	vmmov vm2;
	v16 =	vor.u32 $0x180, v9;
	v14 =	vld.idx.msk [tilespmem:v11+s14+$0x0], $0xffff;
	[tilespmem:v5+s15+$0x0] =	vst.idx.msk vm4, v13  }
0x2b0: {  	v25 =	vor.u32 $0x280, v9;
	vm3 =	vmmov vm1;
	v15 =	vld.idx.msk [tilespmem:v18+s14+$0x0], $0xffff;
	[tilespmem:v19+s15+$0x0] =	vst.idx.msk vm1, v3;
	v3 =	vor.u32 $0x80, v5  }
0x2b1: {  	v24 =	vor.u32 $0x300, v9;
	vm7 =	vmmov vm3;
	v31 =	vor.u32 $0x100, v21  }
0x2b2: {  	v57 =	vor.u32 $0x180, v21;
	v62 =	vor.u32 $0x200, v21;
	v40 =	vor.u32 $0x380, v21;
	v30 =	vld.idx.msk [tilespmem:v26+s14+$0x0], $0xffff;
	[tilespmem:v10+s15+$0x0] =	vst.idx.msk vm0, v27  }
0x2b3: {  	s7 =	sadd.s32 $0x140, s21;
	v8 =	vor.u32 $0x200, v9;
	v61 =	vor.u32 $0x180, v5;
	vm0 =	vmmov vm0;
	v56 =	vld.idx.msk [tilespmem:v7+s14+$0x0], $0xffff  }
0x2b4: {  	v11 =	vor.u32 $0x380, v9;
	v9 =	vor.u32 $0x80, v10;
	v32 =	vor.u32 $0x180, v10;
	[tilespmem:v16+s15+$0x0] =	vst.idx.msk vm2, v14;
	v14 =	vld [tilespmem:s7+$0x0]  }
0x2b5: {  	v28 =	vor.u32 $0x280, v10;
	v13 =	vor.u32 $0x100, v12;
	v16 =	vld.idx.msk [tilespmem:v20+s14+$0x0], $0xffff;
	v20 =	vshll.u32 v4, $0x3;
	[tilespmem:v3+s15+$0x0] =	vst.idx.msk vm4, v15  }
0x2b6: {  	vm2 =	vmmov vm4;
	v3 =	vand.u32 $0x7F, v4;
	v4 =	vand.u32 $0xFFFFFC00, v20;
	v15 =	vld.idx.msk [tilespmem:v31+s14+$0x0], $0xffff  }
0x2b7: {  	v18 =	vor.u32 $0x100, v10;
	[tilespmem:v53+s15+$0x0] =	vst.idx.msk vm1, v30;
	v4 =	vor.u32 v3, v4;
	v3 =	vor.u32 $0x100, v5;
	v30 =	vld [tilespmem:s7+$0xFFFFFF60]  }
0x2b8: {  	s1 =	sadd.s32 $0x140, s1;
	v19 =	vor.u32 $0x180, v12;
	v26 =	vor.u32 $0x200, v10;
	v20 =	vshll.u32 v54, $0x3;
	v31 =	vld.idx.msk [tilespmem:v55+s14+$0x0], $0xffff  }
0x2b9: {  	v27 =	vor.u32 $0x280, v12;
	v20 =	vand.u32 $0xFFFFFC00, v20;
	[tilespmem:v9+s15+$0x0] =	vst.idx.msk vm0, v56;
	v60 =	vshll.u32 v14, $0x3;
	v56 =	vld [tilespmem:s1+$0x0]  }
0x2ba: {  	s24 =	simm.s32 $0x2800;
	v35 =	vor.u32 v35, v20;
	vm4 =	vlt.s32 v14, $0x90;
	v13 =	vld.idx.msk [tilespmem:v13+s14+$0x0], $0xffff;
	[tilespmem:v8+s15+$0x0] =	vst.idx.msk vm5, v16;
	v8 =	vand.u32 $0xFFFFFC00, v60  }
0x2bb: {  	v14 =	vand.u32 $0x7F, v14;
	vm5 =	vmmov vm5;
	v60 =	vld [tilespmem:s1+$0xFFFFFF60];
	v8 =	vadd.s32 s24, v8  }
0x2bc: {  	v7 =	vor.u32 $0x300, v12;
	v29 =	vld.idx.msk [tilespmem:v29+s14+$0x0], $0xffff;
	[tilespmem:v3+s15+$0x0] =	vst.idx.msk vm2, v15;
	v3 =	vor.u32 v14, v8;
	v8 =	vshll.u32 v30, $0x3  }
0x2bd: {  	s25 =	simm.s32 $0x2000;
	v12 =	vor.u32 $0x380, v12;
	v16 =	vld.idx.msk [tilespmem:v4+s14+$0x0], $0xffff;
	v15 =	vand.u32 $0x7F, v30;
	v8 =	vand.u32 $0xFFFFFC00, v8  }
0x2be: {  	v14 =	vld.idx.msk [tilespmem:v57+s14+$0x0], $0xffff;
	[tilespmem:v58+s15+$0x0] =	vst.idx.msk vm1, v31;
	v31 =	vor.u32 $0x80, v4;
	vm1 =	vlt.s32 v30, $0x90;
	v8 =	vadd.s32 s25, v8  }
0x2bf: {  	vm6 =	vmmov vm0;
	v54 =	vor.u32 $0x180, v4;
	v48 =	vld.idx.msk [tilespmem:v35+s14+$0x0], $0xffff;
	[tilespmem:v18+s15+$0x0] =	vst.idx.msk vm0, v13;
	v8 =	vor.u32 v15, v8  }
0x2c0: {  	v55 =	vor.u32 $0x280, v5;
	v9 =	vor.u32 $0x300, v10;
	v49 =	vor.u32 $0x80, v35;
	v30 =	vld.idx.msk [tilespmem:v19+s14+$0x0], $0xffff  }
0x2c1: {  	s7 =	sadd.s32 $0x140, s7;
	v50 =	vor.u32 $0x100, v35;
	v45 =	vor.u32 $0x180, v35;
	v57 =	vor.u32 $0x80, v3;
	v36 =	vld.idx.msk [tilespmem:v59+s14+$0x0], $0xffff;
	[tilespmem:v25+s15+$0x0] =	vst.idx.msk vm5, v29  }
0x2c2: {  	v58 =	vor.u32 $0x100, v4;
	v59 =	vor.u32 $0x200, v5;
	v13 =	vor.u32 $0x380, v6;
	v29 =	vld [tilespmem:s7+$0xFFFFFF60];
	[tilespmem:v3+s15+$0x0] =	vst.idx.msk vm4, v16  }
0x2c3: {  	v6 =	vor.u32 $0x380, v10;
	v10 =	vor.u32 $0x380, v35;
	v51 =	vor.u32 $0x80, v8;
	v31 =	vld.idx.msk [tilespmem:v31+s14+$0x0], $0xffff;
	[tilespmem:v61+s15+$0x0] =	vst.idx.msk vm2, v14  }
0x2c4: {  	v44 =	vor.u32 $0x100, v8;
	v20 =	vor.u32 $0x180, v8;
	v19 =	vor.u32 $0x200, v35;
	v37 =	vld.idx.msk [tilespmem:v62+s14+$0x0], $0xffff;
	[tilespmem:v8+s15+$0x0] =	vst.idx.msk vm1, v48  }
0x2c5: {  	v18 =	vor.u32 $0x200, v8;
	v15 =	vor.u32 $0x280, v8;
	v25 =	vshll.u32 v60, $0x3;
	v62 =	vld.idx.msk [tilespmem:v49+s14+$0x0], $0xffff;
	[tilespmem:v32+s15+$0x0] =	vst.idx.msk vm0, v30  }
0x2c6: {  	v16 =	vor.u32 $0x280, v35;
	v61 =	vor.u32 $0x280, v21;
	vm1 =	vmmov vm1;
	v30 =	vld.idx.msk [tilespmem:v52+s14+$0x0], $0xffff  }
0x2c7: {  	v25 =	vand.u32 $0xFFFFFC00, v25;
	v14 =	vor.u32 $0x300, v8;
	[tilespmem:v63+s15+$0x0] =	vst.idx.msk vm3, v36;
	v63 =	vor.u32 $0x380, v17;
	v52 =	vld [tilespmem:s7+$0x0]  }
0x2c8: {  	vm3 =	vmmov vm2;
	v17 =	vshll.u32 v56, $0x3;
	v46 =	vld.idx.msk [tilespmem:v13+s14+$0x0], $0xffff;
	v13 =	vor.u32 $0x300, v35;
	[tilespmem:v57+s15+$0x0] =	vst.idx.msk vm4, v31  }
0x2c9: {  	v17 =	vand.u32 $0xFFFFFC00, v17;
	vm0 =	vmmov vm4;
	v31 =	vand.u32 $0x7F, v56;
	v34 =	vld.idx.msk [tilespmem:v58+s14+$0x0], $0xffff  }
0x2ca: {  	v8 =	vor.u32 $0x380, v8;
	[tilespmem:v59+s15+$0x0] =	vst.idx.msk vm2, v37;
	v17 =	vor.u32 v31, v17;
	v31 =	vor.u32 $0x100, v3;
	v58 =	vld.idx.msk [tilespmem:v23+s14+$0x0], $0xffff  }
0x2cb: {  	s1 =	sadd.s32 $0x140, s1;
	vm4 =	vmmov vm5;
	v56 =	vand.u32 $0x7F, v60;
	v57 =	vor.u32 $0x300, v21;
	v53 =	vld.idx.msk [tilespmem:v61+s14+$0x0], $0xffff  }
0x2cc: {  	vm2 =	vmmov vm6;
	v47 =	vor.u32 v56, v25;
	v37 =	vld [tilespmem:s1+$0x0];
	[tilespmem:v51+s15+$0x0] =	vst.idx.msk vm1, v62;
	v23 =	vshll.u32 v52, $0x3  }
0x2cd: {  	s26 =	simm.s32 $0x3800;
	v32 =	vor.u32 $0x80, v47;
	v25 =	vor.u32 $0x100, v47;
	v41 =	vld.idx.msk [tilespmem:v50+s14+$0x0], $0xffff;
	[tilespmem:v26+s15+$0x0] =	vst.idx.msk vm6, v30;
	v23 =	vand.u32 $0xFFFFFC00, v23  }
0x2ce: {  	[tilespmem:v63+s15+$0x0] =	vst.idx.msk vm7, v46;
	vm6 =	vlt.s32 v52, $0x90;
	v26 =	vand.u32 $0x7F, v52;
	v30 =	vld.idx.msk [tilespmem:v27+s14+$0x0], $0xffff;
	v23 =	vadd.s32 s26, v23  }
0x2cf: {  	v61 =	vor.u32 $0x180, v3;
	v59 =	vld.idx.msk [tilespmem:v17+s14+$0x0], $0xffff;
	[tilespmem:v31+s15+$0x0] =	vst.idx.msk vm0, v34;
	v31 =	vshll.u32 v29, $0x3;
	v23 =	vor.u32 v26, v23  }
0x2d0: {  	v63 =	vor.u32 $0x300, v5;
	v60 =	vld.idx.msk [tilespmem:v54+s14+$0x0], $0xffff;
	[tilespmem:v55+s15+$0x0] =	vst.idx.msk vm3, v53;
	v26 =	vand.u32 $0xFFFFFC00, v31;
	v31 =	vor.u32 $0x80, v17  }
0x2d1: {  	s29 =	simm.s32 $0x3000;
	vm7 =	vlt.s32 v29, $0x90;
	v33 =	vor.u32 $0x200, v47;
	v62 =	vor.u32 $0x200, v4;
	[tilespmem:v24+s15+$0x0] =	vst.idx.msk vm5, v58;
	v38 =	vld.idx.msk [tilespmem:v57+s14+$0x0], $0xffff  }
0x2d2: {  	v27 =	vand.u32 $0x7F, v29;
	v43 =	vld.idx.msk [tilespmem:v47+s14+$0x0], $0xffff;
	v29 =	vor.u32 $0x280, v47;
	v26 =	vadd.s32 s29, v26;
	[tilespmem:v44+s15+$0x0] =	vst.idx.msk vm1, v41  }
0x2d3: {  	vm5 =	vmmov vm0;
	v46 =	vor.u32 $0x80, v23;
	v24 =	vor.u32 v27, v26;
	v41 =	vld.idx.msk [tilespmem:v22+s14+$0x0], $0xffff;
	[tilespmem:v28+s15+$0x0] =	vst.idx.msk vm2, v30  }
0x2d4: {  	v26 =	vor.u32 $0x180, v47;
	v34 =	vor.u32 $0x80, v24;
	v27 =	vor.u32 $0x100, v24;
	v42 =	vld.idx.msk [tilespmem:v45+s14+$0x0], $0xffff;
	[tilespmem:v23+s15+$0x0] =	vst.idx.msk vm6, v59  }
0x2d5: {  	v35 =	vor.u32 $0x180, v24;
	v30 =	vor.u32 $0x200, v24;
	v22 =	vor.u32 $0x280, v24;
	[tilespmem:v61+s15+$0x0] =	vst.idx.msk vm0, v60;
	v45 =	vld.idx.msk [tilespmem:v31+s14+$0x0], $0xffff  }
0x2d6: {  	s10 =	simm.s32 $0xA;
	s9 =	simm.s32 $0x8;
	v28 =	vor.u32 $0x300, v47;
	v21 =	vor.u32 $0x300, v24;
	v31 =	vor.u32 $0x380, v47;
	v44 =	vld.idx.msk [tilespmem:v62+s14+$0x0], $0xffff;
	[tilespmem:v63+s15+$0x0] =	vst.idx.msk vm3, v38  }
.LBB2_13:
0x2d7: {  	v38 =	vor.u32 $0x380, v24  }
0x2d8: {  	p1 =	slt.u32 s10, $0x1E;
	v39 =	vor.u32 $0x100, v17;
	v47 =	vor.u32 $0x200, v3;
	v40 =	vld.idx.msk [tilespmem:v40+s14+$0x0], $0xffff;
	v36 =	vmovc v10;
	v10 =	vmovc v31;
	vm9 =	vmmov vm3  }
0x2d9: {  	vm3 =	vmmov vm0;
	v31 =	vld [tilespmem:s1+$0xFFFFFF60];
	[tilespmem:v24+s15+$0x0] =	vst.idx.msk vm7, v43;
	v24 =	vor.u32 $0x280, v4;
	v43 =	vor.u32 $0x380, v5;
	v5 =	vmovc v3;
	v3 =	vmovc v23  }
0x2da: {  	vm0 =	vmmov vm6;
	vm8 =	vmmov vm1;
	v23 =	vld.idx.msk [tilespmem:v32+s14+$0x0], $0xffff;
	[tilespmem:v20+s15+$0x0] =	vst.idx.msk vm1, v42;
	v20 =	vmovc v35;
	vm1 =	vmmov vm7  }
0x2db: {  	s7 =	sadd.s32 $0x140, s7;
	v32 =	vld.idx.msk [tilespmem:v19+s14+$0x0], $0xffff;
	[tilespmem:v11+s15+$0x0] =	vst.idx.msk vm4, v41;
	v11 =	vmovc v6;
	v6 =	vmov v8;
	v8 =	vmov v38;
	v19 =	vmov v33  }
0x2dc: {  	v35 =	vshll.u32 v37, $0x3;
	vm4 =	vmmov vm2;
	vm2 =	vmmov vm8;
	v33 =	vld [tilespmem:s7+$0x0];
	[tilespmem:v46+s15+$0x0] =	vst.idx.msk vm6, v45  }
0x2dd: {  	v37 =	vand.u32 $0x7F, v37;
	v35 =	vand.u32 $0xFFFFFC00, v35;
	v38 =	vld.idx.msk [tilespmem:v39+s14+$0x0], $0xffff;
	[tilespmem:v47+s15+$0x0] =	vst.idx.msk vm5, v44;
	vm5 =	vmmov vm6  }
0x2de: {  	v44 =	vor.u32 v37, v35;
	v35 =	vor.u32 $0x100, v3;
	v39 =	vshll.u32 v31, $0x3;
	v24 =	vld.idx.msk [tilespmem:v24+s14+$0x0], $0xffff;
	[tilespmem:v43+s15+$0x0] =	vst.idx.msk vm9, v40  }
0x2df: {  	v41 =	vor.u32 $0x280, v5;
	v40 =	vor.u32 $0x180, v17;
	v37 =	vld [tilespmem:s7+$0xFFFFFF60];
	v39 =	vand.u32 $0xFFFFFC00, v39  }
0x2e0: {  	v31 =	vand.u32 $0x7F, v31;
	[tilespmem:v34+s15+$0x0] =	vst.idx.msk vm7, v23;
	v34 =	vor.u32 $0x300, v4;
	v42 =	vld.idx.msk [tilespmem:v7+s14+$0x0], $0xffff;
	v7 =	vmovc v13;
	v13 =	vmov v28  }
0x2e1: {  	s18 =	sshll.u32 s9, $0xB;
	s9 =	smov.u32 s10;
	v31 =	vor.u32 v31, v39;
	v23 =	vshll.u32 v33, $0x3;
	v28 =	vld.idx.msk [tilespmem:v25+s14+$0x0], $0xffff;
	[tilespmem:v18+s15+$0x0] =	vst.idx.msk vm8, v32;
	v18 =	vmov v30  }
0x2e2: {  	s21 =	sadd.s32 $0x800, s18;
	v32 =	vor.u32 $0x80, v31;
	v25 =	vor.u32 $0x100, v31;
	v23 =	vand.u32 $0xFFFFFC00, v23;
	v30 =	vld.idx.msk [tilespmem:v16+s14+$0x0], $0xffff;
	v16 =	vmovc v29  }
0x2e3: {  	vm6 =	vlt.s32 v33, $0x90;
	v33 =	vand.u32 $0x7F, v33;
	v29 =	vld.idx.msk [tilespmem:v44+s14+$0x0], $0xffff;
	v23 =	vadd.s32 s21, v23;
	[tilespmem:v35+s15+$0x0] =	vst.idx.msk vm0, v38  }
0x2e4: {  	v35 =	vand.u32 $0x7F, v37;
	v38 =	vshll.u32 v37, $0x3;
	v23 =	vor.u32 v33, v23;
	v39 =	vld.idx.msk [tilespmem:v40+s14+$0x0], $0xffff;
	[tilespmem:v41+s15+$0x0] =	vst.idx.msk vm3, v24  }
0x2e5: {  	v46 =	vor.u32 $0x180, v3;
	v24 =	vand.u32 $0xFFFFFC00, v38;
	v38 =	vor.u32 $0x80, v44;
	v47 =	vld.idx.msk [tilespmem:v34+s14+$0x0], $0xffff  }
0x2e6: {  	v48 =	vor.u32 $0x200, v17;
	v49 =	vor.u32 $0x300, v5;
	v43 =	vld.idx.msk [tilespmem:v31+s14+$0x0], $0xffff;
	v24 =	vadd.s32 s18, v24;
	[tilespmem:v9+s15+$0x0] =	vst.idx.msk vm4, v42;
	v9 =	vmovc v14  }
.Ltmp5:
0x2e7: {  	vm7 =	vlt.s32 v37, $0x90;
	v40 =	vor.u32 $0x380, v4;
	v24 =	vor.u32 v35, v24;
	[tilespmem:v27+s15+$0x0] =	vst.idx.msk vm1, v28;
	v41 =	vld.idx.msk [tilespmem:v12+s14+$0x0], $0xffff;
	(pc) =	sbr.rel @p1 .LBB2_13-.Ltmp5, $4  }
0x2e8: {  	s1 =	sadd.s32 $0x140, s1;
	v4 =	vmovc v17;
	v34 =	vor.u32 $0x80, v24;
	v27 =	vor.u32 $0x100, v24;
	v42 =	vld.idx.msk [tilespmem:v26+s14+$0x0], $0xffff;
	v26 =	vor.u32 $0x180, v31;
	[tilespmem:v15+s15+$0x0] =	vst.idx.msk vm2, v30  }
0x2e9: {  	v33 =	vor.u32 $0x200, v31;
	v17 =	vmovc v44;
	v35 =	vor.u32 $0x180, v24;
	v30 =	vor.u32 $0x200, v24;
	v15 =	vmovc v22;
	v37 =	vld [tilespmem:s1+$0x0];
	[tilespmem:v23+s15+$0x0] =	vst.idx.msk vm6, v29  }
0x2ea: {  	v14 =	vmovc v21;
	v28 =	vor.u32 $0x300, v31;
	v22 =	vor.u32 $0x280, v24;
	v29 =	vor.u32 $0x280, v31;
	v45 =	vld.idx.msk [tilespmem:v38+s14+$0x0], $0xffff;
	[tilespmem:v46+s15+$0x0] =	vst.idx.msk vm0, v39  }
0x2eb: {  	s10 =	sadd.s32 $0x2, s10;
	v12 =	vmovc v36;
	v21 =	vor.u32 $0x300, v24;
	v31 =	vor.u32 $0x380, v31;
	v46 =	vor.u32 $0x80, v23;
	v44 =	vld.idx.msk [tilespmem:v48+s14+$0x0], $0xffff;
	[tilespmem:v49+s15+$0x0] =	vst.idx.msk vm3, v47  }
0x2ec: {  	v36 =	vld [tilespmem:s1+$0xFFFFFF60];
	_ =	sdelay $0x1  }
0x2ed: {  	s23 =	sadd.s32 $0x140, s7  }
0x2ee: {  	v39 =	vld [tilespmem:s23+$0x0]  }
0x2ef: {  	v47 =	vld [tilespmem:s23+$0xFFFFFF60];
	v38 =	vshll.u32 v37, $0x3  }
0x2f0: {  	v54 =	vand.u32 $0x7F, v37;
	v38 =	vand.u32 $0xFFFFFC00, v38;
	v48 =	vshll.u32 v36, $0x3  }
0x2f1: {  	v37 =	vor.u32 v54, v38;
	v36 =	vand.u32 $0x7F, v36;
	v55 =	vand.u32 $0xFFFFFC00, v48  }
0x2f2: {  	v38 =	vor.u32 v36, v55  }
0x2f3: {  	s24 =	sshll.u32 s9, $0xB;
	v56 =	vshll.u32 v39, $0x3;
	vm9 =	vlt.s32 v39, $0x90  }
0x2f4: {  	s25 =	sadd.s32 $0x800, s24;
	v39 =	vand.u32 $0x7F, v39;
	v57 =	vshll.u32 v47, $0x3;
	v36 =	vand.u32 $0xFFFFFC00, v56  }
0x2f5: {  	v49 =	vand.u32 $0x7F, v47;
	v48 =	vand.u32 $0xFFFFFC00, v57;
	v36 =	vadd.s32 s25, v36  }
0x2f6: {  	vm10 =	vlt.s32 v47, $0x90;
	v58 =	vadd.s32 s24, v48;
	v50 =	vld.idx.msk [tilespmem:v37+s14+$0x0], $0xffff;
	v36 =	vor.u32 v39, v36  }
0x2f7: {  	v59 =	vor.u32 $0x80, v37;
	v39 =	vor.u32 v49, v58;
	v60 =	vld.idx.msk [tilespmem:v38+s14+$0x0], $0xffff  }
0x2f8: {  	v61 =	vor.u32 $0x80, v38;
	_ =	sdelay $0x1  }
0x2f9: {  	[tilespmem:v24+s15+$0x0] =	vst.idx.msk vm7, v43;
	vm8 =	vmmov vm7  }
0x2fa: {  	v62 =	vor.u32 $0x100, v17;
	v32 =	vld.idx.msk [tilespmem:v32+s14+$0x0], $0xffff;
	[tilespmem:v36+s15+$0x0] =	vst.idx.msk vm9, v50  }
0x2fb: {  	v63 =	vor.u32 $0x80, v36;
	v47 =	vld.idx.msk [tilespmem:v59+s14+$0x0], $0xffff;
	[tilespmem:v39+s15+$0x0] =	vst.idx.msk vm10, v60  }
0x2fc: {  	v51 =	vor.u32 $0x100, v37;
	v54 =	vor.u32 $0x80, v39;
	v49 =	vld.idx.msk [tilespmem:v61+s14+$0x0], $0xffff  }
0x2fd: {  	[tilespmem:v11+s15+$0x0] =	vst.idx.msk vm4, v41;
	vm14 =	vmmov vm3;
	v11 =	vor.u32 $0x100, v38  }
0x2fe: {  	v40 =	vld.idx.msk [tilespmem:v40+s14+$0x0], $0xffff;
	v5 =	vor.u32 $0x380, v5;
	[tilespmem:v46+s15+$0x0] =	vst.idx.msk vm6, v45;
	vm6 =	vmmov vm6  }
0x2ff: {  	[tilespmem:v34+s15+$0x0] =	vst.idx.msk vm8, v32;
	v56 =	vld.idx.msk [tilespmem:v62+s14+$0x0], $0xffff;
	v57 =	vor.u32 $0x100, v23  }
0x300: {  	v25 =	vld.idx.msk [tilespmem:v25+s14+$0x0], $0xffff;
	vm4 =	vmmov vm9;
	v58 =	vor.u32 $0x180, v17;
	[tilespmem:v63+s15+$0x0] =	vst.idx.msk vm9, v47  }
0x301: {  	v60 =	vor.u32 $0x100, v36;
	v59 =	vld.idx.msk [tilespmem:v51+s14+$0x0], $0xffff;
	[tilespmem:v54+s15+$0x0] =	vst.idx.msk vm10, v49  }
0x302: {  	vm3 =	vmmov vm1;
	[tilespmem:v20+s15+$0x0] =	vst.idx.msk vm1, v42;
	v20 =	vor.u32 $0x100, v39;
	v61 =	vor.u32 $0x180, v37;
	v11 =	vld.idx.msk [tilespmem:v11+s14+$0x0], $0xffff  }
0x303: {  	v19 =	vld.idx.msk [tilespmem:v19+s14+$0x0], $0xffff;
	[tilespmem:v5+s15+$0x0] =	vst.idx.msk vm14, v40;
	v62 =	vor.u32 $0x180, v38  }
0x304: {  	v55 =	vor.u32 $0x200, v3;
	[tilespmem:v57+s15+$0x0] =	vst.idx.msk vm6, v56  }
0x305: {  	[tilespmem:v27+s15+$0x0] =	vst.idx.msk vm8, v25;
	v32 =	vld.idx.msk [tilespmem:v58+s14+$0x0], $0xffff;
	v63 =	vor.u32 $0x280, v4;
	v47 =	vor.u32 $0x180, v23  }
0x306: {  	v25 =	vor.u32 $0x200, v17;
	v26 =	vld.idx.msk [tilespmem:v26+s14+$0x0], $0xffff;
	[tilespmem:v60+s15+$0x0] =	vst.idx.msk vm4, v59  }
0x307: {  	vm7 =	vmmov vm10;
	v48 =	vor.u32 $0x180, v36;
	v27 =	vld.idx.msk [tilespmem:v61+s14+$0x0], $0xffff;
	[tilespmem:v20+s15+$0x0] =	vst.idx.msk vm10, v11  }
0x308: {  	[tilespmem:v18+s15+$0x0] =	vst.idx.msk vm3, v19;
	v5 =	vor.u32 $0x180, v39;
	v11 =	vor.u32 $0x200, v37;
	v20 =	vld.idx.msk [tilespmem:v62+s14+$0x0], $0xffff  }
0x309: {  	vm0 =	vmmov vm0;
	v7 =	vld.idx.msk [tilespmem:v7+s14+$0x0], $0xffff;
	v18 =	vor.u32 $0x200, v38;
	[tilespmem:v55+s15+$0x0] =	vst.idx.msk vm5, v44  }
0x30a: {  	v50 =	vor.u32 $0x280, v3;
	v49 =	vld.idx.msk [tilespmem:v63+s14+$0x0], $0xffff;
	[tilespmem:v47+s15+$0x0] =	vst.idx.msk vm6, v32  }
0x30b: {  	v19 =	vor.u32 $0x300, v4;
	vm5 =	vmmov vm8;
	[tilespmem:v35+s15+$0x0] =	vst.idx.msk vm8, v26;
	v51 =	vor.u32 $0x200, v23;
	v25 =	vld.idx.msk [tilespmem:v25+s14+$0x0], $0xffff  }
0x30c: {  	v26 =	vor.u32 $0x280, v17;
	v33 =	vld.idx.msk [tilespmem:v33+s14+$0x0], $0xffff;
	[tilespmem:v48+s15+$0x0] =	vst.idx.msk vm4, v27  }
0x30d: {  	v27 =	vor.u32 $0x200, v36;
	v11 =	vld.idx.msk [tilespmem:v11+s14+$0x0], $0xffff;
	[tilespmem:v5+s15+$0x0] =	vst.idx.msk vm7, v20;
	vm7 =	vmmov vm7  }
0x30e: {  	[tilespmem:v9+s15+$0x0] =	vst.idx.msk vm2, v7;
	vm8 =	vmmov vm3;
	v5 =	vor.u32 $0x200, v39;
	v20 =	vor.u32 $0x280, v37;
	v18 =	vld.idx.msk [tilespmem:v18+s14+$0x0], $0xffff  }
0x30f: {  	v16 =	vld.idx.msk [tilespmem:v16+s14+$0x0], $0xffff;
	v7 =	vor.u32 $0x280, v38;
	[tilespmem:v50+s15+$0x0] =	vst.idx.msk vm0, v49  }
0x310: {  	vm1 =	vmmov vm2;
	vm2 =	vmmov vm6;
	v9 =	vld.idx.msk [tilespmem:v19+s14+$0x0], $0xffff;
	v19 =	vor.u32 $0x300, v3;
	[tilespmem:v51+s15+$0x0] =	vst.idx.msk vm6, v25  }
0x311: {  	[tilespmem:v30+s15+$0x0] =	vst.idx.msk vm5, v33;
	v25 =	vld.idx.msk [tilespmem:v26+s14+$0x0], $0xffff;
	v26 =	vor.u32 $0x280, v23  }
0x312: {  	vm3 =	vmmov vm4;
	v30 =	vor.u32 $0x300, v17;
	v29 =	vld.idx.msk [tilespmem:v29+s14+$0x0], $0xffff;
	[tilespmem:v27+s15+$0x0] =	vst.idx.msk vm4, v11  }
0x313: {  	v11 =	vld.idx.msk [tilespmem:v20+s14+$0x0], $0xffff;
	v20 =	vor.u32 $0x280, v36;
	[tilespmem:v5+s15+$0x0] =	vst.idx.msk vm7, v18  }
0x314: {  	[tilespmem:v15+s15+$0x0] =	vst.idx.msk vm8, v16;
	v15 =	vor.u32 $0x300, v37;
	v5 =	vor.u32 $0x280, v39;
	v7 =	vld.idx.msk [tilespmem:v7+s14+$0x0], $0xffff  }
0x315: {  	v12 =	vld.idx.msk [tilespmem:v12+s14+$0x0], $0xffff;
	v16 =	vor.u32 $0x300, v38;
	[tilespmem:v19+s15+$0x0] =	vst.idx.msk vm0, v9  }
0x316: {  	v4 =	vor.u32 $0x380, v4;
	vm6 =	vmmov vm5;
	v9 =	vld.idx.msk [tilespmem:v13+s14+$0x0], $0xffff;
	[tilespmem:v26+s15+$0x0] =	vst.idx.msk vm2, v25  }
0x317: {  	[tilespmem:v22+s15+$0x0] =	vst.idx.msk vm5, v29;
	vm5 =	vmmov vm6;
	v13 =	vld.idx.msk [tilespmem:v30+s14+$0x0], $0xffff;
	v18 =	vor.u32 $0x300, v23  }
0x318: {  	v17 =	vor.u32 $0x380, v17;
	v19 =	vld.idx.msk [tilespmem:v28+s14+$0x0], $0xffff;
	[tilespmem:v20+s15+$0x0] =	vst.idx.msk vm3, v11  }
0x319: {  	vm15 =	vmmov vm7;
	v11 =	vld.idx.msk [tilespmem:v15+s14+$0x0], $0xffff;
	v15 =	vor.u32 $0x300, v36;
	[tilespmem:v5+s15+$0x0] =	vst.idx.msk vm7, v7  }
0x31a: {  	[tilespmem:v6+s15+$0x0] =	vst.idx.msk vm1, v12;
	v6 =	vor.u32 $0x380, v37;
	vm0 =	vmmov vm0;
	v5 =	vor.u32 $0x300, v39;
	v7 =	vld.idx.msk [tilespmem:v16+s14+$0x0], $0xffff  }
0x31b: {  	v12 =	vor.u32 $0x380, v38;
	v3 =	vor.u32 $0x380, v3;
	v4 =	vld.idx.msk [tilespmem:v4+s14+$0x0], $0xffff;
	[tilespmem:v14+s15+$0x0] =	vst.idx.msk vm8, v9  }
0x31c: {  	vm1 =	vmmov vm2;
	v9 =	vld.idx.msk [tilespmem:v10+s14+$0x0], $0xffff;
	[tilespmem:v18+s15+$0x0] =	vst.idx.msk vm2, v13  }
0x31d: {  	[tilespmem:v21+s15+$0x0] =	vst.idx.msk vm5, v19;
	v13 =	vor.u32 $0x380, v23;
	v10 =	vld.idx.msk [tilespmem:v17+s14+$0x0], $0xffff  }
0x31e: {  	v14 =	vor.u32 $0x380, v24;
	v16 =	vld.idx.msk [tilespmem:v31+s14+$0x0], $0xffff;
	[tilespmem:v15+s15+$0x0] =	vst.idx.msk vm3, v11  }
0x31f: {  	v11 =	vor.u32 $0x380, v36;
	v6 =	vld.idx.msk [tilespmem:v6+s14+$0x0], $0xffff;
	[tilespmem:v5+s15+$0x0] =	vst.idx.msk vm15, v7  }
0x320: {  	[tilespmem:v3+s15+$0x0] =	vst.idx.msk vm0, v4;
	v5 =	vor.u32 $0x380, v39;
	v3 =	vld.idx.msk [tilespmem:v12+s14+$0x0], $0xffff  }
0x321: {  	[tilespmem:v8+s15+$0x0] =	vst.idx.msk vm8, v9  }
0x322: {  	[tilespmem:v13+s15+$0x0] =	vst.idx.msk vm1, v10  }
0x323: {  	[tilespmem:v14+s15+$0x0] =	vst.idx.msk vm5, v16  }
0x324: {  	[tilespmem:v11+s15+$0x0] =	vst.idx.msk vm3, v6  }
0x325: {  	[tilespmem:v5+s15+$0x0] =	vst.idx.msk vm15, v3  }
0x326: {  	s26 =	sadd.s32 $0x1E00000, s28;
	_ =	swait.ge [sflag:s12], $0x4000  }
0x327: {  	s1 =	sshrl.u32 s26, $0x3;
	[sflag:s12] =	ssyncset.done $0x0  }
0x328: {  	s29 =	simm.s32 $0x0;
	s1 =	sadd.s32 s20, s1;
	[sflag:s12] =	ssyncadd.s32 $0xFFFFC000  }
0x329: {  	[tilespmem:s14], [sflag:$0x2] =	stream.linear.gather [hbm4b:s1+s29], $0x4000, $0x38;
	[tilespmem:$0x1D400] =	vst v63  }
0x32a: {  	v3 =	vld [tilespmem:s8+$0x0];
	_ =	sdelay $0x2  }
0x32b: {  	v4 =	vld [tilespmem:s8+$0xFFFFFF60]  }
0x32c: {  	v5 =	vld [tilespmem:s6+$0x0]  }
0x32d: {  	v6 =	vshll.u32 v3, $0x3  }
0x32e: {  	v3 =	vand.u32 $0x7F, v3;
	v6 =	vand.u32 $0xFFFFFC00, v6  }
0x32f: {  	v6 =	vor.u32 v3, v6  }
0x330: {  	v7 =	vshll.u32 v4, $0x3;
	v3 =	vld [tilespmem:s6+$0xFFFFFF60]  }
0x331: {  	v4 =	vand.u32 $0x7F, v4;
	v8 =	vshll.u32 v5, $0x3;
	v7 =	vand.u32 $0xFFFFFC00, v7  }
0x332: {  	s9 =	simm.s32 $0x800;
	v4 =	vor.u32 v4, v7;
	v7 =	vand.u32 $0xFFFFFC00, v8  }
0x333: {  	vm0 =	vlt.s32 v5, $0x90;
	v5 =	vand.u32 $0x7F, v5;
	v7 =	vadd.s32 s9, v7  }
0x334: {  	s18 =	sadd.s32 $0x140, s8;
	v17 =	vor.u32 v5, v7;
	v8 =	vld.idx.msk [tilespmem:v6+s13+$0x0], $0xffff  }
0x335: {  	v10 =	vld [tilespmem:s18+$0x0];
	v7 =	vor.u32 $0x80, v6;
	v9 =	vshll.u32 v3, $0x3  }
0x336: {  	s10 =	simm.s32 $0x0;
	s21 =	sadd.s32 $0x140, s6;
	v12 =	vld [tilespmem:s18+$0xFFFFFF60];
	v5 =	vand.u32 $0xFFFFFC00, v9  }
0x337: {  	v13 =	vld [tilespmem:s21+$0x0];
	vm1 =	vlt.s32 v3, $0x90;
	v9 =	vand.u32 $0x7F, v3;
	v5 =	vadd.s32 s10, v5  }
0x338: {  	s1 =	sadd.s32 $0x140, s18;
	v3 =	vld.idx.msk [tilespmem:v4+s13+$0x0], $0xffff;
	v9 =	vor.u32 v9, v5  }
0x339: {  	v54 =	vld [tilespmem:s1+$0xFFFFFF60];
	v5 =	vor.u32 $0x80, v4;
	[tilespmem:v17+s15+$0x0] =	vst.idx.msk vm0, v8  }
0x33a: {  	v8 =	vor.u32 $0x80, v17;
	v7 =	vld.idx.msk [tilespmem:v7+s13+$0x0], $0xffff  }
0x33b: {  	v11 =	vor.u32 $0x100, v6  }
0x33c: {  	vm6 =	vmmov vm15;
	vm4 =	vmmov vm8;
	vm2 =	vmmov vm3  }
0x33d: {  	v16 =	vshll.u32 v10, $0x3;
	v18 =	vshll.u32 v12, $0x3;
	vm2 =	vmmov vm1;
	[tilespmem:v9+s15+$0x0] =	vst.idx.msk vm1, v3  }
0x33e: {  	v12 =	vand.u32 $0x7F, v12;
	v18 =	vand.u32 $0xFFFFFC00, v18;
	v3 =	vld.idx.msk [tilespmem:v5+s13+$0x0], $0xffff;
	v5 =	vor.u32 $0x80, v9  }
0x33f: {  	vm4 =	vlt.s32 v13, $0x90;
	v35 =	vand.u32 $0x7F, v54;
	v12 =	vor.u32 v12, v18;
	[tilespmem:v8+s15+$0x0] =	vst.idx.msk vm0, v7  }
0x340: {  	v14 =	vor.u32 $0x100, v4;
	v7 =	vand.u32 $0x7F, v10;
	v8 =	vand.u32 $0xFFFFFC00, v16;
	v10 =	vld.idx.msk [tilespmem:v11+s13+$0x0], $0xffff  }
0x341: {  	v19 =	vor.u32 $0x180, v6;
	v21 =	vor.u32 v7, v8;
	v7 =	vor.u32 $0x100, v17;
	v8 =	vld [tilespmem:s21+$0xFFFFFF60]  }
0x342: {  	v20 =	vor.u32 $0x200, v4;
	v26 =	vor.u32 $0x200, v6;
	v29 =	vor.u32 $0x280, v4  }
0x343: {  	v23 =	vor.u32 $0x300, v4;
	v22 =	vor.u32 $0x380, v4;
	[tilespmem:v5+s15+$0x0] =	vst.idx.msk vm2, v3;
	v3 =	vshll.u32 v13, $0x3  }
0x344: {  	s22 =	simm.s32 $0x1800;
	v52 =	vor.u32 $0x200, v12;
	v15 =	vor.u32 $0x100, v9;
	v3 =	vand.u32 $0xFFFFFC00, v3  }
0x345: {  	vm1 =	vmmov vm0;
	v5 =	vand.u32 $0x7F, v13;
	v14 =	vld.idx.msk [tilespmem:v14+s13+$0x0], $0xffff;
	v3 =	vadd.s32 s22, v3  }
0x346: {  	v11 =	vor.u32 $0x180, v4;
	v13 =	vld.idx.msk [tilespmem:v21+s13+$0x0], $0xffff;
	[tilespmem:v7+s15+$0x0] =	vst.idx.msk vm0, v10;
	v10 =	vshll.u32 v8, $0x3;
	v5 =	vor.u32 v5, v3  }
0x347: {  	s23 =	simm.s32 $0x1000;
	v18 =	vor.u32 $0x80, v21;
	v3 =	vld.idx.msk [tilespmem:v19+s13+$0x0], $0xffff;
	v10 =	vand.u32 $0xFFFFFC00, v10;
	v19 =	vor.u32 $0x180, v17  }
0x348: {  	v7 =	vand.u32 $0x7F, v8;
	vm0 =	vlt.s32 v8, $0x90;
	v10 =	vadd.s32 s23, v10  }
0x349: {  	v55 =	vor.u32 $0x280, v6;
	v59 =	vor.u32 $0x300, v6;
	v27 =	vld.idx.msk [tilespmem:v12+s13+$0x0], $0xffff;
	v10 =	vor.u32 v7, v10  }
0x34a: {  	v53 =	vor.u32 $0x200, v17;
	v58 =	vor.u32 $0x280, v17;
	v4 =	vld [tilespmem:s1+$0x0];
	[tilespmem:v15+s15+$0x0] =	vst.idx.msk vm2, v14;
	v7 =	vor.u32 $0x80, v12  }
0x34b: {  	v63 =	vor.u32 $0x300, v17;
	vm5 =	vmmov vm2;
	v16 =	vor.u32 $0x180, v9;
	v14 =	vld.idx.msk [tilespmem:v11+s13+$0x0], $0xffff;
	[tilespmem:v5+s15+$0x0] =	vst.idx.msk vm4, v13  }
0x34c: {  	v25 =	vor.u32 $0x280, v9;
	vm3 =	vmmov vm1;
	v15 =	vld.idx.msk [tilespmem:v18+s13+$0x0], $0xffff;
	[tilespmem:v19+s15+$0x0] =	vst.idx.msk vm1, v3;
	v3 =	vor.u32 $0x80, v5  }
0x34d: {  	v24 =	vor.u32 $0x300, v9;
	vm7 =	vmmov vm3;
	v31 =	vor.u32 $0x100, v21  }
0x34e: {  	v57 =	vor.u32 $0x180, v21;
	v62 =	vor.u32 $0x200, v21;
	v40 =	vor.u32 $0x380, v21;
	v30 =	vld.idx.msk [tilespmem:v26+s13+$0x0], $0xffff;
	[tilespmem:v10+s15+$0x0] =	vst.idx.msk vm0, v27  }
0x34f: {  	s6 =	sadd.s32 $0x140, s21;
	v8 =	vor.u32 $0x200, v9;
	v61 =	vor.u32 $0x180, v5;
	vm0 =	vmmov vm0;
	v56 =	vld.idx.msk [tilespmem:v7+s13+$0x0], $0xffff  }
0x350: {  	v11 =	vor.u32 $0x380, v9;
	v9 =	vor.u32 $0x80, v10;
	v32 =	vor.u32 $0x180, v10;
	[tilespmem:v16+s15+$0x0] =	vst.idx.msk vm2, v14;
	v14 =	vld [tilespmem:s6+$0x0]  }
0x351: {  	v28 =	vor.u32 $0x280, v10;
	v13 =	vor.u32 $0x100, v12;
	v16 =	vld.idx.msk [tilespmem:v20+s13+$0x0], $0xffff;
	v20 =	vshll.u32 v4, $0x3;
	[tilespmem:v3+s15+$0x0] =	vst.idx.msk vm4, v15  }
0x352: {  	vm2 =	vmmov vm4;
	v3 =	vand.u32 $0x7F, v4;
	v4 =	vand.u32 $0xFFFFFC00, v20;
	v15 =	vld.idx.msk [tilespmem:v31+s13+$0x0], $0xffff  }
0x353: {  	v18 =	vor.u32 $0x100, v10;
	[tilespmem:v53+s15+$0x0] =	vst.idx.msk vm1, v30;
	v4 =	vor.u32 v3, v4;
	v3 =	vor.u32 $0x100, v5;
	v30 =	vld [tilespmem:s6+$0xFFFFFF60]  }
0x354: {  	s1 =	sadd.s32 $0x140, s1;
	v19 =	vor.u32 $0x180, v12;
	v26 =	vor.u32 $0x200, v10;
	v20 =	vshll.u32 v54, $0x3;
	v31 =	vld.idx.msk [tilespmem:v55+s13+$0x0], $0xffff  }
0x355: {  	v27 =	vor.u32 $0x280, v12;
	v20 =	vand.u32 $0xFFFFFC00, v20;
	[tilespmem:v9+s15+$0x0] =	vst.idx.msk vm0, v56;
	v60 =	vshll.u32 v14, $0x3;
	v56 =	vld [tilespmem:s1+$0x0]  }
0x356: {  	s24 =	simm.s32 $0x2800;
	v35 =	vor.u32 v35, v20;
	vm4 =	vlt.s32 v14, $0x90;
	v13 =	vld.idx.msk [tilespmem:v13+s13+$0x0], $0xffff;
	[tilespmem:v8+s15+$0x0] =	vst.idx.msk vm5, v16;
	v8 =	vand.u32 $0xFFFFFC00, v60  }
0x357: {  	v14 =	vand.u32 $0x7F, v14;
	vm5 =	vmmov vm5;
	v60 =	vld [tilespmem:s1+$0xFFFFFF60];
	v8 =	vadd.s32 s24, v8  }
0x358: {  	v7 =	vor.u32 $0x300, v12;
	v29 =	vld.idx.msk [tilespmem:v29+s13+$0x0], $0xffff;
	[tilespmem:v3+s15+$0x0] =	vst.idx.msk vm2, v15;
	v3 =	vor.u32 v14, v8;
	v8 =	vshll.u32 v30, $0x3  }
0x359: {  	s25 =	simm.s32 $0x2000;
	v12 =	vor.u32 $0x380, v12;
	v16 =	vld.idx.msk [tilespmem:v4+s13+$0x0], $0xffff;
	v15 =	vand.u32 $0x7F, v30;
	v8 =	vand.u32 $0xFFFFFC00, v8  }
0x35a: {  	v14 =	vld.idx.msk [tilespmem:v57+s13+$0x0], $0xffff;
	[tilespmem:v58+s15+$0x0] =	vst.idx.msk vm1, v31;
	v31 =	vor.u32 $0x80, v4;
	vm1 =	vlt.s32 v30, $0x90;
	v8 =	vadd.s32 s25, v8  }
0x35b: {  	vm6 =	vmmov vm0;
	v54 =	vor.u32 $0x180, v4;
	v48 =	vld.idx.msk [tilespmem:v35+s13+$0x0], $0xffff;
	[tilespmem:v18+s15+$0x0] =	vst.idx.msk vm0, v13;
	v8 =	vor.u32 v15, v8  }
0x35c: {  	v55 =	vor.u32 $0x280, v5;
	v9 =	vor.u32 $0x300, v10;
	v49 =	vor.u32 $0x80, v35;
	v30 =	vld.idx.msk [tilespmem:v19+s13+$0x0], $0xffff  }
0x35d: {  	s6 =	sadd.s32 $0x140, s6;
	v50 =	vor.u32 $0x100, v35;
	v45 =	vor.u32 $0x180, v35;
	v57 =	vor.u32 $0x80, v3;
	v36 =	vld.idx.msk [tilespmem:v59+s13+$0x0], $0xffff;
	[tilespmem:v25+s15+$0x0] =	vst.idx.msk vm5, v29  }
0x35e: {  	v58 =	vor.u32 $0x100, v4;
	v59 =	vor.u32 $0x200, v5;
	v13 =	vor.u32 $0x380, v6;
	v29 =	vld [tilespmem:s6+$0xFFFFFF60];
	[tilespmem:v3+s15+$0x0] =	vst.idx.msk vm4, v16  }
0x35f: {  	v6 =	vor.u32 $0x380, v10;
	v10 =	vor.u32 $0x380, v35;
	v51 =	vor.u32 $0x80, v8;
	v31 =	vld.idx.msk [tilespmem:v31+s13+$0x0], $0xffff;
	[tilespmem:v61+s15+$0x0] =	vst.idx.msk vm2, v14  }
0x360: {  	v44 =	vor.u32 $0x100, v8;
	v20 =	vor.u32 $0x180, v8;
	v19 =	vor.u32 $0x200, v35;
	v37 =	vld.idx.msk [tilespmem:v62+s13+$0x0], $0xffff;
	[tilespmem:v8+s15+$0x0] =	vst.idx.msk vm1, v48  }
0x361: {  	v18 =	vor.u32 $0x200, v8;
	v15 =	vor.u32 $0x280, v8;
	v25 =	vshll.u32 v60, $0x3;
	v62 =	vld.idx.msk [tilespmem:v49+s13+$0x0], $0xffff;
	[tilespmem:v32+s15+$0x0] =	vst.idx.msk vm0, v30  }
0x362: {  	v16 =	vor.u32 $0x280, v35;
	v61 =	vor.u32 $0x280, v21;
	vm1 =	vmmov vm1;
	v30 =	vld.idx.msk [tilespmem:v52+s13+$0x0], $0xffff  }
0x363: {  	v25 =	vand.u32 $0xFFFFFC00, v25;
	v14 =	vor.u32 $0x300, v8;
	[tilespmem:v63+s15+$0x0] =	vst.idx.msk vm3, v36;
	v63 =	vor.u32 $0x380, v17;
	v52 =	vld [tilespmem:s6+$0x0]  }
0x364: {  	vm3 =	vmmov vm2;
	v17 =	vshll.u32 v56, $0x3;
	v46 =	vld.idx.msk [tilespmem:v13+s13+$0x0], $0xffff;
	v13 =	vor.u32 $0x300, v35;
	[tilespmem:v57+s15+$0x0] =	vst.idx.msk vm4, v31  }
0x365: {  	v17 =	vand.u32 $0xFFFFFC00, v17;
	vm0 =	vmmov vm4;
	v31 =	vand.u32 $0x7F, v56;
	v34 =	vld.idx.msk [tilespmem:v58+s13+$0x0], $0xffff  }
0x366: {  	v8 =	vor.u32 $0x380, v8;
	[tilespmem:v59+s15+$0x0] =	vst.idx.msk vm2, v37;
	v17 =	vor.u32 v31, v17;
	v31 =	vor.u32 $0x100, v3;
	v58 =	vld.idx.msk [tilespmem:v23+s13+$0x0], $0xffff  }
0x367: {  	s1 =	sadd.s32 $0x140, s1;
	vm4 =	vmmov vm5;
	v56 =	vand.u32 $0x7F, v60;
	v57 =	vor.u32 $0x300, v21;
	v53 =	vld.idx.msk [tilespmem:v61+s13+$0x0], $0xffff  }
0x368: {  	vm2 =	vmmov vm6;
	v47 =	vor.u32 v56, v25;
	v37 =	vld [tilespmem:s1+$0x0];
	[tilespmem:v51+s15+$0x0] =	vst.idx.msk vm1, v62;
	v23 =	vshll.u32 v52, $0x3  }
0x369: {  	s26 =	simm.s32 $0x3800;
	v32 =	vor.u32 $0x80, v47;
	v25 =	vor.u32 $0x100, v47;
	v41 =	vld.idx.msk [tilespmem:v50+s13+$0x0], $0xffff;
	[tilespmem:v26+s15+$0x0] =	vst.idx.msk vm6, v30;
	v23 =	vand.u32 $0xFFFFFC00, v23  }
0x36a: {  	[tilespmem:v63+s15+$0x0] =	vst.idx.msk vm7, v46;
	vm6 =	vlt.s32 v52, $0x90;
	v26 =	vand.u32 $0x7F, v52;
	v30 =	vld.idx.msk [tilespmem:v27+s13+$0x0], $0xffff;
	v23 =	vadd.s32 s26, v23  }
0x36b: {  	v61 =	vor.u32 $0x180, v3;
	v59 =	vld.idx.msk [tilespmem:v17+s13+$0x0], $0xffff;
	[tilespmem:v31+s15+$0x0] =	vst.idx.msk vm0, v34;
	v31 =	vshll.u32 v29, $0x3;
	v23 =	vor.u32 v26, v23  }
0x36c: {  	v63 =	vor.u32 $0x300, v5;
	v60 =	vld.idx.msk [tilespmem:v54+s13+$0x0], $0xffff;
	[tilespmem:v55+s15+$0x0] =	vst.idx.msk vm3, v53;
	v26 =	vand.u32 $0xFFFFFC00, v31;
	v31 =	vor.u32 $0x80, v17  }
0x36d: {  	s29 =	simm.s32 $0x3000;
	vm7 =	vlt.s32 v29, $0x90;
	v33 =	vor.u32 $0x200, v47;
	v62 =	vor.u32 $0x200, v4;
	[tilespmem:v24+s15+$0x0] =	vst.idx.msk vm5, v58;
	v38 =	vld.idx.msk [tilespmem:v57+s13+$0x0], $0xffff  }
0x36e: {  	v27 =	vand.u32 $0x7F, v29;
	v43 =	vld.idx.msk [tilespmem:v47+s13+$0x0], $0xffff;
	v29 =	vor.u32 $0x280, v47;
	v26 =	vadd.s32 s29, v26;
	[tilespmem:v44+s15+$0x0] =	vst.idx.msk vm1, v41  }
0x36f: {  	vm5 =	vmmov vm0;
	v46 =	vor.u32 $0x80, v23;
	v24 =	vor.u32 v27, v26;
	v41 =	vld.idx.msk [tilespmem:v22+s13+$0x0], $0xffff;
	[tilespmem:v28+s15+$0x0] =	vst.idx.msk vm2, v30  }
0x370: {  	v26 =	vor.u32 $0x180, v47;
	v34 =	vor.u32 $0x80, v24;
	v27 =	vor.u32 $0x100, v24;
	v42 =	vld.idx.msk [tilespmem:v45+s13+$0x0], $0xffff;
	[tilespmem:v23+s15+$0x0] =	vst.idx.msk vm6, v59  }
0x371: {  	v35 =	vor.u32 $0x180, v24;
	v30 =	vor.u32 $0x200, v24;
	v22 =	vor.u32 $0x280, v24;
	[tilespmem:v61+s15+$0x0] =	vst.idx.msk vm0, v60;
	v45 =	vld.idx.msk [tilespmem:v31+s13+$0x0], $0xffff  }
0x372: {  	s7 =	simm.s32 $0x8;
	s8 =	simm.s32 $0xA;
	v28 =	vor.u32 $0x300, v47;
	v21 =	vor.u32 $0x300, v24;
	v31 =	vor.u32 $0x380, v47;
	v44 =	vld.idx.msk [tilespmem:v62+s13+$0x0], $0xffff;
	[tilespmem:v63+s15+$0x0] =	vst.idx.msk vm3, v38  }
.LBB2_15:
0x373: {  	v38 =	vor.u32 $0x380, v24  }
0x374: {  	p1 =	slt.u32 s8, $0x1E;
	v39 =	vor.u32 $0x100, v17;
	v47 =	vor.u32 $0x200, v3;
	v40 =	vld.idx.msk [tilespmem:v40+s13+$0x0], $0xffff;
	v36 =	vmovc v10;
	v10 =	vmovc v31;
	vm9 =	vmmov vm3  }
0x375: {  	vm3 =	vmmov vm0;
	v31 =	vld [tilespmem:s1+$0xFFFFFF60];
	[tilespmem:v24+s15+$0x0] =	vst.idx.msk vm7, v43;
	v24 =	vor.u32 $0x280, v4;
	v43 =	vor.u32 $0x380, v5;
	v5 =	vmovc v3;
	v3 =	vmovc v23  }
0x376: {  	vm0 =	vmmov vm6;
	vm8 =	vmmov vm1;
	v23 =	vld.idx.msk [tilespmem:v32+s13+$0x0], $0xffff;
	[tilespmem:v20+s15+$0x0] =	vst.idx.msk vm1, v42;
	v20 =	vmovc v35;
	vm1 =	vmmov vm7  }
0x377: {  	s6 =	sadd.s32 $0x140, s6;
	v32 =	vld.idx.msk [tilespmem:v19+s13+$0x0], $0xffff;
	[tilespmem:v11+s15+$0x0] =	vst.idx.msk vm4, v41;
	v11 =	vmovc v6;
	v6 =	vmov v8;
	v8 =	vmov v38;
	v19 =	vmov v33  }
0x378: {  	v35 =	vshll.u32 v37, $0x3;
	vm4 =	vmmov vm2;
	vm2 =	vmmov vm8;
	v33 =	vld [tilespmem:s6+$0x0];
	[tilespmem:v46+s15+$0x0] =	vst.idx.msk vm6, v45  }
0x379: {  	v37 =	vand.u32 $0x7F, v37;
	v35 =	vand.u32 $0xFFFFFC00, v35;
	v38 =	vld.idx.msk [tilespmem:v39+s13+$0x0], $0xffff;
	[tilespmem:v47+s15+$0x0] =	vst.idx.msk vm5, v44;
	vm5 =	vmmov vm6  }
0x37a: {  	v44 =	vor.u32 v37, v35;
	v35 =	vor.u32 $0x100, v3;
	v39 =	vshll.u32 v31, $0x3;
	v24 =	vld.idx.msk [tilespmem:v24+s13+$0x0], $0xffff;
	[tilespmem:v43+s15+$0x0] =	vst.idx.msk vm9, v40  }
0x37b: {  	v41 =	vor.u32 $0x280, v5;
	v40 =	vor.u32 $0x180, v17;
	v37 =	vld [tilespmem:s6+$0xFFFFFF60];
	v39 =	vand.u32 $0xFFFFFC00, v39  }
0x37c: {  	v31 =	vand.u32 $0x7F, v31;
	[tilespmem:v34+s15+$0x0] =	vst.idx.msk vm7, v23;
	v34 =	vor.u32 $0x300, v4;
	v42 =	vld.idx.msk [tilespmem:v7+s13+$0x0], $0xffff;
	v7 =	vmovc v13;
	v13 =	vmov v28  }
0x37d: {  	s9 =	sshll.u32 s7, $0xB;
	s7 =	smov.u32 s8;
	v31 =	vor.u32 v31, v39;
	v23 =	vshll.u32 v33, $0x3;
	v28 =	vld.idx.msk [tilespmem:v25+s13+$0x0], $0xffff;
	[tilespmem:v18+s15+$0x0] =	vst.idx.msk vm8, v32;
	v18 =	vmov v30  }
0x37e: {  	s10 =	sadd.s32 $0x800, s9;
	v32 =	vor.u32 $0x80, v31;
	v25 =	vor.u32 $0x100, v31;
	v23 =	vand.u32 $0xFFFFFC00, v23;
	v30 =	vld.idx.msk [tilespmem:v16+s13+$0x0], $0xffff;
	v16 =	vmovc v29  }
0x37f: {  	vm6 =	vlt.s32 v33, $0x90;
	v33 =	vand.u32 $0x7F, v33;
	v29 =	vld.idx.msk [tilespmem:v44+s13+$0x0], $0xffff;
	v23 =	vadd.s32 s10, v23;
	[tilespmem:v35+s15+$0x0] =	vst.idx.msk vm0, v38  }
0x380: {  	v35 =	vand.u32 $0x7F, v37;
	v38 =	vshll.u32 v37, $0x3;
	v23 =	vor.u32 v33, v23;
	v39 =	vld.idx.msk [tilespmem:v40+s13+$0x0], $0xffff;
	[tilespmem:v41+s15+$0x0] =	vst.idx.msk vm3, v24  }
0x381: {  	v46 =	vor.u32 $0x180, v3;
	v24 =	vand.u32 $0xFFFFFC00, v38;
	v38 =	vor.u32 $0x80, v44;
	v47 =	vld.idx.msk [tilespmem:v34+s13+$0x0], $0xffff  }
0x382: {  	v48 =	vor.u32 $0x200, v17;
	v49 =	vor.u32 $0x300, v5;
	v43 =	vld.idx.msk [tilespmem:v31+s13+$0x0], $0xffff;
	v24 =	vadd.s32 s9, v24;
	[tilespmem:v9+s15+$0x0] =	vst.idx.msk vm4, v42;
	v9 =	vmovc v14  }
.Ltmp6:
0x383: {  	vm7 =	vlt.s32 v37, $0x90;
	v40 =	vor.u32 $0x380, v4;
	v24 =	vor.u32 v35, v24;
	[tilespmem:v27+s15+$0x0] =	vst.idx.msk vm1, v28;
	v41 =	vld.idx.msk [tilespmem:v12+s13+$0x0], $0xffff;
	(pc) =	sbr.rel @p1 .LBB2_15-.Ltmp6, $4  }
0x384: {  	s1 =	sadd.s32 $0x140, s1;
	v4 =	vmovc v17;
	v34 =	vor.u32 $0x80, v24;
	v27 =	vor.u32 $0x100, v24;
	v42 =	vld.idx.msk [tilespmem:v26+s13+$0x0], $0xffff;
	v26 =	vor.u32 $0x180, v31;
	[tilespmem:v15+s15+$0x0] =	vst.idx.msk vm2, v30  }
0x385: {  	v33 =	vor.u32 $0x200, v31;
	v17 =	vmovc v44;
	v35 =	vor.u32 $0x180, v24;
	v30 =	vor.u32 $0x200, v24;
	v15 =	vmovc v22;
	v37 =	vld [tilespmem:s1+$0x0];
	[tilespmem:v23+s15+$0x0] =	vst.idx.msk vm6, v29  }
0x386: {  	v14 =	vmovc v21;
	v28 =	vor.u32 $0x300, v31;
	v22 =	vor.u32 $0x280, v24;
	v29 =	vor.u32 $0x280, v31;
	v45 =	vld.idx.msk [tilespmem:v38+s13+$0x0], $0xffff;
	[tilespmem:v46+s15+$0x0] =	vst.idx.msk vm0, v39  }
0x387: {  	s8 =	sadd.s32 $0x2, s8;
	v12 =	vmovc v36;
	v21 =	vor.u32 $0x300, v24;
	v31 =	vor.u32 $0x380, v31;
	v46 =	vor.u32 $0x80, v23;
	v44 =	vld.idx.msk [tilespmem:v48+s13+$0x0], $0xffff;
	[tilespmem:v49+s15+$0x0] =	vst.idx.msk vm3, v47  }
0x388: {  	v36 =	vld [tilespmem:s1+$0xFFFFFF60];
	_ =	sdelay $0x1  }
0x389: {  	s25 =	sadd.s32 $0x140, s6  }
0x38a: {  	v39 =	vld [tilespmem:s25+$0x0]  }
0x38b: {  	v47 =	vld [tilespmem:s25+$0xFFFFFF60];
	v38 =	vshll.u32 v37, $0x3  }
0x38c: {  	v54 =	vand.u32 $0x7F, v37;
	v38 =	vand.u32 $0xFFFFFC00, v38;
	v48 =	vshll.u32 v36, $0x3  }
0x38d: {  	v37 =	vor.u32 v54, v38;
	v36 =	vand.u32 $0x7F, v36;
	v55 =	vand.u32 $0xFFFFFC00, v48  }
0x38e: {  	v38 =	vor.u32 v36, v55  }
0x38f: {  	s26 =	sshll.u32 s7, $0xB;
	v56 =	vshll.u32 v39, $0x3;
	vm9 =	vlt.s32 v39, $0x90  }
0x390: {  	s29 =	sadd.s32 $0x800, s26;
	v39 =	vand.u32 $0x7F, v39;
	v57 =	vshll.u32 v47, $0x3;
	v36 =	vand.u32 $0xFFFFFC00, v56  }
0x391: {  	v49 =	vand.u32 $0x7F, v47;
	v48 =	vand.u32 $0xFFFFFC00, v57;
	v36 =	vadd.s32 s29, v36  }
0x392: {  	vm10 =	vlt.s32 v47, $0x90;
	v58 =	vadd.s32 s26, v48;
	v50 =	vld.idx.msk [tilespmem:v37+s13+$0x0], $0xffff;
	v36 =	vor.u32 v39, v36  }
0x393: {  	v59 =	vor.u32 $0x80, v37;
	v39 =	vor.u32 v49, v58;
	v60 =	vld.idx.msk [tilespmem:v38+s13+$0x0], $0xffff  }
0x394: {  	v61 =	vor.u32 $0x80, v38;
	_ =	sdelay $0x1  }
0x395: {  	[tilespmem:v24+s15+$0x0] =	vst.idx.msk vm7, v43;
	vm8 =	vmmov vm7  }
0x396: {  	v62 =	vor.u32 $0x100, v17;
	v32 =	vld.idx.msk [tilespmem:v32+s13+$0x0], $0xffff;
	[tilespmem:v36+s15+$0x0] =	vst.idx.msk vm9, v50  }
0x397: {  	v63 =	vor.u32 $0x80, v36;
	v47 =	vld.idx.msk [tilespmem:v59+s13+$0x0], $0xffff;
	[tilespmem:v39+s15+$0x0] =	vst.idx.msk vm10, v60  }
0x398: {  	v51 =	vor.u32 $0x100, v37;
	v54 =	vor.u32 $0x80, v39;
	v49 =	vld.idx.msk [tilespmem:v61+s13+$0x0], $0xffff  }
0x399: {  	[tilespmem:v11+s15+$0x0] =	vst.idx.msk vm4, v41;
	vm14 =	vmmov vm3;
	v11 =	vor.u32 $0x100, v38  }
0x39a: {  	v40 =	vld.idx.msk [tilespmem:v40+s13+$0x0], $0xffff;
	v5 =	vor.u32 $0x380, v5;
	[tilespmem:v46+s15+$0x0] =	vst.idx.msk vm6, v45;
	vm6 =	vmmov vm6  }
0x39b: {  	[tilespmem:v34+s15+$0x0] =	vst.idx.msk vm8, v32;
	v56 =	vld.idx.msk [tilespmem:v62+s13+$0x0], $0xffff;
	v57 =	vor.u32 $0x100, v23  }
0x39c: {  	v25 =	vld.idx.msk [tilespmem:v25+s13+$0x0], $0xffff;
	vm4 =	vmmov vm9;
	v58 =	vor.u32 $0x180, v17;
	[tilespmem:v63+s15+$0x0] =	vst.idx.msk vm9, v47  }
0x39d: {  	v60 =	vor.u32 $0x100, v36;
	v59 =	vld.idx.msk [tilespmem:v51+s13+$0x0], $0xffff;
	[tilespmem:v54+s15+$0x0] =	vst.idx.msk vm10, v49  }
0x39e: {  	vm3 =	vmmov vm1;
	[tilespmem:v20+s15+$0x0] =	vst.idx.msk vm1, v42;
	v20 =	vor.u32 $0x100, v39;
	v61 =	vor.u32 $0x180, v37;
	v11 =	vld.idx.msk [tilespmem:v11+s13+$0x0], $0xffff  }
0x39f: {  	v19 =	vld.idx.msk [tilespmem:v19+s13+$0x0], $0xffff;
	[tilespmem:v5+s15+$0x0] =	vst.idx.msk vm14, v40;
	v62 =	vor.u32 $0x180, v38  }
0x3a0: {  	v55 =	vor.u32 $0x200, v3;
	[tilespmem:v57+s15+$0x0] =	vst.idx.msk vm6, v56  }
0x3a1: {  	[tilespmem:v27+s15+$0x0] =	vst.idx.msk vm8, v25;
	v32 =	vld.idx.msk [tilespmem:v58+s13+$0x0], $0xffff;
	v63 =	vor.u32 $0x280, v4;
	v47 =	vor.u32 $0x180, v23  }
0x3a2: {  	v25 =	vor.u32 $0x200, v17;
	v26 =	vld.idx.msk [tilespmem:v26+s13+$0x0], $0xffff;
	[tilespmem:v60+s15+$0x0] =	vst.idx.msk vm4, v59  }
0x3a3: {  	vm7 =	vmmov vm10;
	v48 =	vor.u32 $0x180, v36;
	v27 =	vld.idx.msk [tilespmem:v61+s13+$0x0], $0xffff;
	[tilespmem:v20+s15+$0x0] =	vst.idx.msk vm10, v11  }
0x3a4: {  	[tilespmem:v18+s15+$0x0] =	vst.idx.msk vm3, v19;
	v5 =	vor.u32 $0x180, v39;
	v11 =	vor.u32 $0x200, v37;
	v20 =	vld.idx.msk [tilespmem:v62+s13+$0x0], $0xffff  }
0x3a5: {  	vm0 =	vmmov vm0;
	v7 =	vld.idx.msk [tilespmem:v7+s13+$0x0], $0xffff;
	v18 =	vor.u32 $0x200, v38;
	[tilespmem:v55+s15+$0x0] =	vst.idx.msk vm5, v44  }
0x3a6: {  	v50 =	vor.u32 $0x280, v3;
	v49 =	vld.idx.msk [tilespmem:v63+s13+$0x0], $0xffff;
	[tilespmem:v47+s15+$0x0] =	vst.idx.msk vm6, v32  }
0x3a7: {  	v19 =	vor.u32 $0x300, v4;
	vm5 =	vmmov vm8;
	[tilespmem:v35+s15+$0x0] =	vst.idx.msk vm8, v26;
	v51 =	vor.u32 $0x200, v23;
	v25 =	vld.idx.msk [tilespmem:v25+s13+$0x0], $0xffff  }
0x3a8: {  	v26 =	vor.u32 $0x280, v17;
	v33 =	vld.idx.msk [tilespmem:v33+s13+$0x0], $0xffff;
	[tilespmem:v48+s15+$0x0] =	vst.idx.msk vm4, v27  }
0x3a9: {  	v27 =	vor.u32 $0x200, v36;
	v11 =	vld.idx.msk [tilespmem:v11+s13+$0x0], $0xffff;
	[tilespmem:v5+s15+$0x0] =	vst.idx.msk vm7, v20;
	vm7 =	vmmov vm7  }
0x3aa: {  	[tilespmem:v9+s15+$0x0] =	vst.idx.msk vm2, v7;
	vm8 =	vmmov vm3;
	v5 =	vor.u32 $0x200, v39;
	v20 =	vor.u32 $0x280, v37;
	v18 =	vld.idx.msk [tilespmem:v18+s13+$0x0], $0xffff  }
0x3ab: {  	v16 =	vld.idx.msk [tilespmem:v16+s13+$0x0], $0xffff;
	v7 =	vor.u32 $0x280, v38;
	[tilespmem:v50+s15+$0x0] =	vst.idx.msk vm0, v49  }
0x3ac: {  	vm1 =	vmmov vm2;
	vm2 =	vmmov vm6;
	v9 =	vld.idx.msk [tilespmem:v19+s13+$0x0], $0xffff;
	v19 =	vor.u32 $0x300, v3;
	[tilespmem:v51+s15+$0x0] =	vst.idx.msk vm6, v25  }
0x3ad: {  	[tilespmem:v30+s15+$0x0] =	vst.idx.msk vm5, v33;
	v25 =	vld.idx.msk [tilespmem:v26+s13+$0x0], $0xffff;
	v26 =	vor.u32 $0x280, v23  }
0x3ae: {  	vm3 =	vmmov vm4;
	v30 =	vor.u32 $0x300, v17;
	v29 =	vld.idx.msk [tilespmem:v29+s13+$0x0], $0xffff;
	[tilespmem:v27+s15+$0x0] =	vst.idx.msk vm4, v11  }
0x3af: {  	v11 =	vld.idx.msk [tilespmem:v20+s13+$0x0], $0xffff;
	v20 =	vor.u32 $0x280, v36;
	[tilespmem:v5+s15+$0x0] =	vst.idx.msk vm7, v18  }
0x3b0: {  	[tilespmem:v15+s15+$0x0] =	vst.idx.msk vm8, v16;
	v15 =	vor.u32 $0x300, v37;
	v5 =	vor.u32 $0x280, v39;
	v7 =	vld.idx.msk [tilespmem:v7+s13+$0x0], $0xffff  }
0x3b1: {  	v12 =	vld.idx.msk [tilespmem:v12+s13+$0x0], $0xffff;
	v16 =	vor.u32 $0x300, v38;
	[tilespmem:v19+s15+$0x0] =	vst.idx.msk vm0, v9  }
0x3b2: {  	v4 =	vor.u32 $0x380, v4;
	vm6 =	vmmov vm5;
	v9 =	vld.idx.msk [tilespmem:v13+s13+$0x0], $0xffff;
	[tilespmem:v26+s15+$0x0] =	vst.idx.msk vm2, v25  }
0x3b3: {  	[tilespmem:v22+s15+$0x0] =	vst.idx.msk vm5, v29;
	vm5 =	vmmov vm6;
	v13 =	vld.idx.msk [tilespmem:v30+s13+$0x0], $0xffff;
	v18 =	vor.u32 $0x300, v23  }
0x3b4: {  	v17 =	vor.u32 $0x380, v17;
	v19 =	vld.idx.msk [tilespmem:v28+s13+$0x0], $0xffff;
	[tilespmem:v20+s15+$0x0] =	vst.idx.msk vm3, v11  }
0x3b5: {  	vm15 =	vmmov vm7;
	v11 =	vld.idx.msk [tilespmem:v15+s13+$0x0], $0xffff;
	v15 =	vor.u32 $0x300, v36;
	[tilespmem:v5+s15+$0x0] =	vst.idx.msk vm7, v7  }
0x3b6: {  	[tilespmem:v6+s15+$0x0] =	vst.idx.msk vm1, v12;
	v6 =	vor.u32 $0x380, v37;
	vm0 =	vmmov vm0;
	v5 =	vor.u32 $0x300, v39;
	v7 =	vld.idx.msk [tilespmem:v16+s13+$0x0], $0xffff  }
0x3b7: {  	v12 =	vor.u32 $0x380, v38;
	v3 =	vor.u32 $0x380, v3;
	v4 =	vld.idx.msk [tilespmem:v4+s13+$0x0], $0xffff;
	[tilespmem:v14+s15+$0x0] =	vst.idx.msk vm8, v9  }
0x3b8: {  	vm1 =	vmmov vm2;
	v9 =	vld.idx.msk [tilespmem:v10+s13+$0x0], $0xffff;
	[tilespmem:v18+s15+$0x0] =	vst.idx.msk vm2, v13  }
0x3b9: {  	[tilespmem:v21+s15+$0x0] =	vst.idx.msk vm5, v19;
	v13 =	vor.u32 $0x380, v23;
	v10 =	vld.idx.msk [tilespmem:v17+s13+$0x0], $0xffff  }
0x3ba: {  	v14 =	vor.u32 $0x380, v24;
	v16 =	vld.idx.msk [tilespmem:v31+s13+$0x0], $0xffff;
	[tilespmem:v15+s15+$0x0] =	vst.idx.msk vm3, v11  }
0x3bb: {  	v11 =	vor.u32 $0x380, v36;
	v6 =	vld.idx.msk [tilespmem:v6+s13+$0x0], $0xffff;
	[tilespmem:v5+s15+$0x0] =	vst.idx.msk vm15, v7  }
0x3bc: {  	[tilespmem:v3+s15+$0x0] =	vst.idx.msk vm0, v4;
	v5 =	vor.u32 $0x380, v39;
	v3 =	vld.idx.msk [tilespmem:v12+s13+$0x0], $0xffff  }
0x3bd: {  	[tilespmem:v8+s15+$0x0] =	vst.idx.msk vm8, v9  }
0x3be: {  	[tilespmem:v13+s15+$0x0] =	vst.idx.msk vm1, v10  }
0x3bf: {  	[tilespmem:v14+s15+$0x0] =	vst.idx.msk vm5, v16  }
0x3c0: {  	[tilespmem:v11+s15+$0x0] =	vst.idx.msk vm3, v6  }
0x3c1: {  	[tilespmem:v5+s15+$0x0] =	vst.idx.msk vm15, v3  }
0x3c2: {  	s7 =	sadd.s32 $0x2400000, s28;
	_ =	swait.ge [sflag:s16], $0x4000  }
0x3c3: {  	s1 =	sshrl.u32 s7, $0x3;
	[sflag:s16] =	ssyncset.done $0x0  }
0x3c4: {  	s8 =	simm.s32 $0x0;
	s1 =	sadd.s32 s20, s1;
	[sflag:s16] =	ssyncadd.s32 $0xFFFFC000  }
0x3c5: {  	[tilespmem:s13], [sflag:$0x1] =	stream.linear.gather [hbm4b:s1+s8], $0x4000, $0x38;
	[tilespmem:$0x1D400] =	vst v63  }
0x3c6: {  	v3 =	vld [tilespmem:s5+$0x0];
	_ =	sdelay $0x2  }
0x3c7: {  	v4 =	vld [tilespmem:s5+$0xFFFFFF60]  }
0x3c8: {  	v5 =	vld [tilespmem:s11+$0x0]  }
0x3c9: {  	v6 =	vshll.u32 v3, $0x3  }
0x3ca: {  	v3 =	vand.u32 $0x7F, v3;
	v6 =	vand.u32 $0xFFFFFC00, v6  }
0x3cb: {  	v6 =	vor.u32 v3, v6  }
0x3cc: {  	v7 =	vshll.u32 v4, $0x3;
	v3 =	vld [tilespmem:s11+$0xFFFFFF60]  }
0x3cd: {  	v4 =	vand.u32 $0x7F, v4;
	v8 =	vshll.u32 v5, $0x3;
	v7 =	vand.u32 $0xFFFFFC00, v7  }
0x3ce: {  	s9 =	simm.s32 $0x800;
	v4 =	vor.u32 v4, v7;
	v7 =	vand.u32 $0xFFFFFC00, v8  }
0x3cf: {  	vm0 =	vlt.s32 v5, $0x90;
	v5 =	vand.u32 $0x7F, v5;
	v7 =	vadd.s32 s9, v7  }
0x3d0: {  	s18 =	sadd.s32 $0x140, s5;
	v17 =	vor.u32 v5, v7;
	v8 =	vld.idx.msk [tilespmem:v6+s14+$0x0], $0xffff  }
0x3d1: {  	v10 =	vld [tilespmem:s18+$0x0];
	v7 =	vor.u32 $0x80, v6;
	v9 =	vshll.u32 v3, $0x3  }
0x3d2: {  	s10 =	simm.s32 $0x0;
	s21 =	sadd.s32 $0x140, s11;
	v12 =	vld [tilespmem:s18+$0xFFFFFF60];
	v5 =	vand.u32 $0xFFFFFC00, v9  }
0x3d3: {  	v13 =	vld [tilespmem:s21+$0x0];
	vm1 =	vlt.s32 v3, $0x90;
	v9 =	vand.u32 $0x7F, v3;
	v5 =	vadd.s32 s10, v5  }
0x3d4: {  	s1 =	sadd.s32 $0x140, s18;
	v3 =	vld.idx.msk [tilespmem:v4+s14+$0x0], $0xffff;
	v9 =	vor.u32 v9, v5  }
0x3d5: {  	v54 =	vld [tilespmem:s1+$0xFFFFFF60];
	v5 =	vor.u32 $0x80, v4;
	[tilespmem:v17+s15+$0x0] =	vst.idx.msk vm0, v8  }
0x3d6: {  	v8 =	vor.u32 $0x80, v17;
	v7 =	vld.idx.msk [tilespmem:v7+s14+$0x0], $0xffff  }
0x3d7: {  	v11 =	vor.u32 $0x100, v6  }
0x3d8: {  	vm6 =	vmmov vm15;
	vm4 =	vmmov vm8;
	vm2 =	vmmov vm3  }
0x3d9: {  	v16 =	vshll.u32 v10, $0x3;
	v18 =	vshll.u32 v12, $0x3;
	vm2 =	vmmov vm1;
	[tilespmem:v9+s15+$0x0] =	vst.idx.msk vm1, v3  }
0x3da: {  	v12 =	vand.u32 $0x7F, v12;
	v18 =	vand.u32 $0xFFFFFC00, v18;
	v3 =	vld.idx.msk [tilespmem:v5+s14+$0x0], $0xffff;
	v5 =	vor.u32 $0x80, v9  }
0x3db: {  	vm4 =	vlt.s32 v13, $0x90;
	v35 =	vand.u32 $0x7F, v54;
	v12 =	vor.u32 v12, v18;
	[tilespmem:v8+s15+$0x0] =	vst.idx.msk vm0, v7  }
0x3dc: {  	v14 =	vor.u32 $0x100, v4;
	v7 =	vand.u32 $0x7F, v10;
	v8 =	vand.u32 $0xFFFFFC00, v16;
	v10 =	vld.idx.msk [tilespmem:v11+s14+$0x0], $0xffff  }
0x3dd: {  	v19 =	vor.u32 $0x180, v6;
	v21 =	vor.u32 v7, v8;
	v7 =	vor.u32 $0x100, v17;
	v8 =	vld [tilespmem:s21+$0xFFFFFF60]  }
0x3de: {  	v20 =	vor.u32 $0x200, v4;
	v26 =	vor.u32 $0x200, v6;
	v29 =	vor.u32 $0x280, v4  }
0x3df: {  	v23 =	vor.u32 $0x300, v4;
	v22 =	vor.u32 $0x380, v4;
	[tilespmem:v5+s15+$0x0] =	vst.idx.msk vm2, v3;
	v3 =	vshll.u32 v13, $0x3  }
0x3e0: {  	s22 =	simm.s32 $0x1800;
	v52 =	vor.u32 $0x200, v12;
	v15 =	vor.u32 $0x100, v9;
	v3 =	vand.u32 $0xFFFFFC00, v3  }
0x3e1: {  	vm1 =	vmmov vm0;
	v5 =	vand.u32 $0x7F, v13;
	v14 =	vld.idx.msk [tilespmem:v14+s14+$0x0], $0xffff;
	v3 =	vadd.s32 s22, v3  }
0x3e2: {  	v11 =	vor.u32 $0x180, v4;
	v13 =	vld.idx.msk [tilespmem:v21+s14+$0x0], $0xffff;
	[tilespmem:v7+s15+$0x0] =	vst.idx.msk vm0, v10;
	v10 =	vshll.u32 v8, $0x3;
	v5 =	vor.u32 v5, v3  }
0x3e3: {  	s23 =	simm.s32 $0x1000;
	v18 =	vor.u32 $0x80, v21;
	v3 =	vld.idx.msk [tilespmem:v19+s14+$0x0], $0xffff;
	v10 =	vand.u32 $0xFFFFFC00, v10;
	v19 =	vor.u32 $0x180, v17  }
0x3e4: {  	v7 =	vand.u32 $0x7F, v8;
	vm0 =	vlt.s32 v8, $0x90;
	v10 =	vadd.s32 s23, v10  }
0x3e5: {  	v55 =	vor.u32 $0x280, v6;
	v59 =	vor.u32 $0x300, v6;
	v27 =	vld.idx.msk [tilespmem:v12+s14+$0x0], $0xffff;
	v10 =	vor.u32 v7, v10  }
0x3e6: {  	v53 =	vor.u32 $0x200, v17;
	v58 =	vor.u32 $0x280, v17;
	v4 =	vld [tilespmem:s1+$0x0];
	[tilespmem:v15+s15+$0x0] =	vst.idx.msk vm2, v14;
	v7 =	vor.u32 $0x80, v12  }
0x3e7: {  	v63 =	vor.u32 $0x300, v17;
	vm5 =	vmmov vm2;
	v16 =	vor.u32 $0x180, v9;
	v14 =	vld.idx.msk [tilespmem:v11+s14+$0x0], $0xffff;
	[tilespmem:v5+s15+$0x0] =	vst.idx.msk vm4, v13  }
0x3e8: {  	v25 =	vor.u32 $0x280, v9;
	vm3 =	vmmov vm1;
	v15 =	vld.idx.msk [tilespmem:v18+s14+$0x0], $0xffff;
	[tilespmem:v19+s15+$0x0] =	vst.idx.msk vm1, v3;
	v3 =	vor.u32 $0x80, v5  }
0x3e9: {  	v24 =	vor.u32 $0x300, v9;
	vm7 =	vmmov vm3;
	v31 =	vor.u32 $0x100, v21  }
0x3ea: {  	v57 =	vor.u32 $0x180, v21;
	v62 =	vor.u32 $0x200, v21;
	v40 =	vor.u32 $0x380, v21;
	v30 =	vld.idx.msk [tilespmem:v26+s14+$0x0], $0xffff;
	[tilespmem:v10+s15+$0x0] =	vst.idx.msk vm0, v27  }
0x3eb: {  	s5 =	sadd.s32 $0x140, s21;
	v8 =	vor.u32 $0x200, v9;
	v61 =	vor.u32 $0x180, v5;
	vm0 =	vmmov vm0;
	v56 =	vld.idx.msk [tilespmem:v7+s14+$0x0], $0xffff  }
0x3ec: {  	v11 =	vor.u32 $0x380, v9;
	v9 =	vor.u32 $0x80, v10;
	v32 =	vor.u32 $0x180, v10;
	[tilespmem:v16+s15+$0x0] =	vst.idx.msk vm2, v14;
	v14 =	vld [tilespmem:s5+$0x0]  }
0x3ed: {  	v28 =	vor.u32 $0x280, v10;
	v13 =	vor.u32 $0x100, v12;
	v16 =	vld.idx.msk [tilespmem:v20+s14+$0x0], $0xffff;
	v20 =	vshll.u32 v4, $0x3;
	[tilespmem:v3+s15+$0x0] =	vst.idx.msk vm4, v15  }
0x3ee: {  	vm2 =	vmmov vm4;
	v3 =	vand.u32 $0x7F, v4;
	v4 =	vand.u32 $0xFFFFFC00, v20;
	v15 =	vld.idx.msk [tilespmem:v31+s14+$0x0], $0xffff  }
0x3ef: {  	v18 =	vor.u32 $0x100, v10;
	[tilespmem:v53+s15+$0x0] =	vst.idx.msk vm1, v30;
	v4 =	vor.u32 v3, v4;
	v3 =	vor.u32 $0x100, v5;
	v30 =	vld [tilespmem:s5+$0xFFFFFF60]  }
0x3f0: {  	s1 =	sadd.s32 $0x140, s1;
	v19 =	vor.u32 $0x180, v12;
	v26 =	vor.u32 $0x200, v10;
	v20 =	vshll.u32 v54, $0x3;
	v31 =	vld.idx.msk [tilespmem:v55+s14+$0x0], $0xffff  }
0x3f1: {  	v27 =	vor.u32 $0x280, v12;
	v20 =	vand.u32 $0xFFFFFC00, v20;
	[tilespmem:v9+s15+$0x0] =	vst.idx.msk vm0, v56;
	v60 =	vshll.u32 v14, $0x3;
	v56 =	vld [tilespmem:s1+$0x0]  }
0x3f2: {  	s24 =	simm.s32 $0x2800;
	v35 =	vor.u32 v35, v20;
	vm4 =	vlt.s32 v14, $0x90;
	v13 =	vld.idx.msk [tilespmem:v13+s14+$0x0], $0xffff;
	[tilespmem:v8+s15+$0x0] =	vst.idx.msk vm5, v16;
	v8 =	vand.u32 $0xFFFFFC00, v60  }
0x3f3: {  	v14 =	vand.u32 $0x7F, v14;
	vm5 =	vmmov vm5;
	v60 =	vld [tilespmem:s1+$0xFFFFFF60];
	v8 =	vadd.s32 s24, v8  }
0x3f4: {  	v7 =	vor.u32 $0x300, v12;
	v29 =	vld.idx.msk [tilespmem:v29+s14+$0x0], $0xffff;
	[tilespmem:v3+s15+$0x0] =	vst.idx.msk vm2, v15;
	v3 =	vor.u32 v14, v8;
	v8 =	vshll.u32 v30, $0x3  }
0x3f5: {  	s25 =	simm.s32 $0x2000;
	v12 =	vor.u32 $0x380, v12;
	v16 =	vld.idx.msk [tilespmem:v4+s14+$0x0], $0xffff;
	v15 =	vand.u32 $0x7F, v30;
	v8 =	vand.u32 $0xFFFFFC00, v8  }
0x3f6: {  	v14 =	vld.idx.msk [tilespmem:v57+s14+$0x0], $0xffff;
	[tilespmem:v58+s15+$0x0] =	vst.idx.msk vm1, v31;
	v31 =	vor.u32 $0x80, v4;
	vm1 =	vlt.s32 v30, $0x90;
	v8 =	vadd.s32 s25, v8  }
0x3f7: {  	vm6 =	vmmov vm0;
	v54 =	vor.u32 $0x180, v4;
	v48 =	vld.idx.msk [tilespmem:v35+s14+$0x0], $0xffff;
	[tilespmem:v18+s15+$0x0] =	vst.idx.msk vm0, v13;
	v8 =	vor.u32 v15, v8  }
0x3f8: {  	v55 =	vor.u32 $0x280, v5;
	v9 =	vor.u32 $0x300, v10;
	v49 =	vor.u32 $0x80, v35;
	v30 =	vld.idx.msk [tilespmem:v19+s14+$0x0], $0xffff  }
0x3f9: {  	s5 =	sadd.s32 $0x140, s5;
	v50 =	vor.u32 $0x100, v35;
	v45 =	vor.u32 $0x180, v35;
	v57 =	vor.u32 $0x80, v3;
	v36 =	vld.idx.msk [tilespmem:v59+s14+$0x0], $0xffff;
	[tilespmem:v25+s15+$0x0] =	vst.idx.msk vm5, v29  }
0x3fa: {  	v58 =	vor.u32 $0x100, v4;
	v59 =	vor.u32 $0x200, v5;
	v13 =	vor.u32 $0x380, v6;
	v29 =	vld [tilespmem:s5+$0xFFFFFF60];
	[tilespmem:v3+s15+$0x0] =	vst.idx.msk vm4, v16  }
0x3fb: {  	v6 =	vor.u32 $0x380, v10;
	v10 =	vor.u32 $0x380, v35;
	v51 =	vor.u32 $0x80, v8;
	v31 =	vld.idx.msk [tilespmem:v31+s14+$0x0], $0xffff;
	[tilespmem:v61+s15+$0x0] =	vst.idx.msk vm2, v14  }
0x3fc: {  	v44 =	vor.u32 $0x100, v8;
	v20 =	vor.u32 $0x180, v8;
	v19 =	vor.u32 $0x200, v35;
	v37 =	vld.idx.msk [tilespmem:v62+s14+$0x0], $0xffff;
	[tilespmem:v8+s15+$0x0] =	vst.idx.msk vm1, v48  }
0x3fd: {  	v18 =	vor.u32 $0x200, v8;
	v15 =	vor.u32 $0x280, v8;
	v25 =	vshll.u32 v60, $0x3;
	v62 =	vld.idx.msk [tilespmem:v49+s14+$0x0], $0xffff;
	[tilespmem:v32+s15+$0x0] =	vst.idx.msk vm0, v30  }
0x3fe: {  	v16 =	vor.u32 $0x280, v35;
	v61 =	vor.u32 $0x280, v21;
	vm1 =	vmmov vm1;
	v30 =	vld.idx.msk [tilespmem:v52+s14+$0x0], $0xffff  }
0x3ff: {  	v25 =	vand.u32 $0xFFFFFC00, v25;
	v14 =	vor.u32 $0x300, v8;
	[tilespmem:v63+s15+$0x0] =	vst.idx.msk vm3, v36;
	v63 =	vor.u32 $0x380, v17;
	v52 =	vld [tilespmem:s5+$0x0]  }
0x400: {  	vm3 =	vmmov vm2;
	v17 =	vshll.u32 v56, $0x3;
	v46 =	vld.idx.msk [tilespmem:v13+s14+$0x0], $0xffff;
	v13 =	vor.u32 $0x300, v35;
	[tilespmem:v57+s15+$0x0] =	vst.idx.msk vm4, v31  }
0x401: {  	v17 =	vand.u32 $0xFFFFFC00, v17;
	vm0 =	vmmov vm4;
	v31 =	vand.u32 $0x7F, v56;
	v34 =	vld.idx.msk [tilespmem:v58+s14+$0x0], $0xffff  }
0x402: {  	v8 =	vor.u32 $0x380, v8;
	[tilespmem:v59+s15+$0x0] =	vst.idx.msk vm2, v37;
	v17 =	vor.u32 v31, v17;
	v31 =	vor.u32 $0x100, v3;
	v58 =	vld.idx.msk [tilespmem:v23+s14+$0x0], $0xffff  }
0x403: {  	s1 =	sadd.s32 $0x140, s1;
	vm4 =	vmmov vm5;
	v56 =	vand.u32 $0x7F, v60;
	v57 =	vor.u32 $0x300, v21;
	v53 =	vld.idx.msk [tilespmem:v61+s14+$0x0], $0xffff  }
0x404: {  	vm2 =	vmmov vm6;
	v47 =	vor.u32 v56, v25;
	v37 =	vld [tilespmem:s1+$0x0];
	[tilespmem:v51+s15+$0x0] =	vst.idx.msk vm1, v62;
	v23 =	vshll.u32 v52, $0x3  }
0x405: {  	s26 =	simm.s32 $0x3800;
	v32 =	vor.u32 $0x80, v47;
	v25 =	vor.u32 $0x100, v47;
	v41 =	vld.idx.msk [tilespmem:v50+s14+$0x0], $0xffff;
	[tilespmem:v26+s15+$0x0] =	vst.idx.msk vm6, v30;
	v23 =	vand.u32 $0xFFFFFC00, v23  }
0x406: {  	[tilespmem:v63+s15+$0x0] =	vst.idx.msk vm7, v46;
	vm6 =	vlt.s32 v52, $0x90;
	v26 =	vand.u32 $0x7F, v52;
	v30 =	vld.idx.msk [tilespmem:v27+s14+$0x0], $0xffff;
	v23 =	vadd.s32 s26, v23  }
0x407: {  	v61 =	vor.u32 $0x180, v3;
	v59 =	vld.idx.msk [tilespmem:v17+s14+$0x0], $0xffff;
	[tilespmem:v31+s15+$0x0] =	vst.idx.msk vm0, v34;
	v31 =	vshll.u32 v29, $0x3;
	v23 =	vor.u32 v26, v23  }
0x408: {  	v63 =	vor.u32 $0x300, v5;
	v60 =	vld.idx.msk [tilespmem:v54+s14+$0x0], $0xffff;
	[tilespmem:v55+s15+$0x0] =	vst.idx.msk vm3, v53;
	v26 =	vand.u32 $0xFFFFFC00, v31;
	v31 =	vor.u32 $0x80, v17  }
0x409: {  	s29 =	simm.s32 $0x3000;
	vm7 =	vlt.s32 v29, $0x90;
	v33 =	vor.u32 $0x200, v47;
	v62 =	vor.u32 $0x200, v4;
	[tilespmem:v24+s15+$0x0] =	vst.idx.msk vm5, v58;
	v38 =	vld.idx.msk [tilespmem:v57+s14+$0x0], $0xffff  }
0x40a: {  	v27 =	vand.u32 $0x7F, v29;
	v43 =	vld.idx.msk [tilespmem:v47+s14+$0x0], $0xffff;
	v29 =	vor.u32 $0x280, v47;
	v26 =	vadd.s32 s29, v26;
	[tilespmem:v44+s15+$0x0] =	vst.idx.msk vm1, v41  }
0x40b: {  	vm5 =	vmmov vm0;
	v46 =	vor.u32 $0x80, v23;
	v24 =	vor.u32 v27, v26;
	v41 =	vld.idx.msk [tilespmem:v22+s14+$0x0], $0xffff;
	[tilespmem:v28+s15+$0x0] =	vst.idx.msk vm2, v30  }
0x40c: {  	v26 =	vor.u32 $0x180, v47;
	v34 =	vor.u32 $0x80, v24;
	v27 =	vor.u32 $0x100, v24;
	v42 =	vld.idx.msk [tilespmem:v45+s14+$0x0], $0xffff;
	[tilespmem:v23+s15+$0x0] =	vst.idx.msk vm6, v59  }
0x40d: {  	v35 =	vor.u32 $0x180, v24;
	v30 =	vor.u32 $0x200, v24;
	v22 =	vor.u32 $0x280, v24;
	[tilespmem:v61+s15+$0x0] =	vst.idx.msk vm0, v60;
	v45 =	vld.idx.msk [tilespmem:v31+s14+$0x0], $0xffff  }
0x40e: {  	s6 =	simm.s32 $0x8;
	s7 =	simm.s32 $0xA;
	v28 =	vor.u32 $0x300, v47;
	v21 =	vor.u32 $0x300, v24;
	v31 =	vor.u32 $0x380, v47;
	v44 =	vld.idx.msk [tilespmem:v62+s14+$0x0], $0xffff;
	[tilespmem:v63+s15+$0x0] =	vst.idx.msk vm3, v38  }
.LBB2_17:
0x40f: {  	v38 =	vor.u32 $0x380, v24  }
0x410: {  	p1 =	slt.u32 s7, $0x1E;
	v39 =	vor.u32 $0x100, v17;
	v47 =	vor.u32 $0x200, v3;
	v40 =	vld.idx.msk [tilespmem:v40+s14+$0x0], $0xffff;
	v36 =	vmovc v10;
	v10 =	vmovc v31;
	vm9 =	vmmov vm3  }
0x411: {  	vm3 =	vmmov vm0;
	v31 =	vld [tilespmem:s1+$0xFFFFFF60];
	[tilespmem:v24+s15+$0x0] =	vst.idx.msk vm7, v43;
	v24 =	vor.u32 $0x280, v4;
	v43 =	vor.u32 $0x380, v5;
	v5 =	vmovc v3;
	v3 =	vmovc v23  }
0x412: {  	vm0 =	vmmov vm6;
	vm8 =	vmmov vm1;
	v23 =	vld.idx.msk [tilespmem:v32+s14+$0x0], $0xffff;
	[tilespmem:v20+s15+$0x0] =	vst.idx.msk vm1, v42;
	v20 =	vmovc v35;
	vm1 =	vmmov vm7  }
0x413: {  	s5 =	sadd.s32 $0x140, s5;
	v32 =	vld.idx.msk [tilespmem:v19+s14+$0x0], $0xffff;
	[tilespmem:v11+s15+$0x0] =	vst.idx.msk vm4, v41;
	v11 =	vmovc v6;
	v6 =	vmov v8;
	v8 =	vmov v38;
	v19 =	vmov v33  }
0x414: {  	v35 =	vshll.u32 v37, $0x3;
	vm4 =	vmmov vm2;
	vm2 =	vmmov vm8;
	v33 =	vld [tilespmem:s5+$0x0];
	[tilespmem:v46+s15+$0x0] =	vst.idx.msk vm6, v45  }
0x415: {  	v37 =	vand.u32 $0x7F, v37;
	v35 =	vand.u32 $0xFFFFFC00, v35;
	v38 =	vld.idx.msk [tilespmem:v39+s14+$0x0], $0xffff;
	[tilespmem:v47+s15+$0x0] =	vst.idx.msk vm5, v44;
	vm5 =	vmmov vm6  }
0x416: {  	v44 =	vor.u32 v37, v35;
	v35 =	vor.u32 $0x100, v3;
	v39 =	vshll.u32 v31, $0x3;
	v24 =	vld.idx.msk [tilespmem:v24+s14+$0x0], $0xffff;
	[tilespmem:v43+s15+$0x0] =	vst.idx.msk vm9, v40  }
0x417: {  	v41 =	vor.u32 $0x280, v5;
	v40 =	vor.u32 $0x180, v17;
	v37 =	vld [tilespmem:s5+$0xFFFFFF60];
	v39 =	vand.u32 $0xFFFFFC00, v39  }
0x418: {  	v31 =	vand.u32 $0x7F, v31;
	[tilespmem:v34+s15+$0x0] =	vst.idx.msk vm7, v23;
	v34 =	vor.u32 $0x300, v4;
	v42 =	vld.idx.msk [tilespmem:v7+s14+$0x0], $0xffff;
	v7 =	vmovc v13;
	v13 =	vmov v28  }
0x419: {  	s8 =	sshll.u32 s6, $0xB;
	s6 =	smov.u32 s7;
	v31 =	vor.u32 v31, v39;
	v23 =	vshll.u32 v33, $0x3;
	v28 =	vld.idx.msk [tilespmem:v25+s14+$0x0], $0xffff;
	[tilespmem:v18+s15+$0x0] =	vst.idx.msk vm8, v32;
	v18 =	vmov v30  }
0x41a: {  	s9 =	sadd.s32 $0x800, s8;
	v32 =	vor.u32 $0x80, v31;
	v25 =	vor.u32 $0x100, v31;
	v23 =	vand.u32 $0xFFFFFC00, v23;
	v30 =	vld.idx.msk [tilespmem:v16+s14+$0x0], $0xffff;
	v16 =	vmovc v29  }
0x41b: {  	vm6 =	vlt.s32 v33, $0x90;
	v33 =	vand.u32 $0x7F, v33;
	v29 =	vld.idx.msk [tilespmem:v44+s14+$0x0], $0xffff;
	v23 =	vadd.s32 s9, v23;
	[tilespmem:v35+s15+$0x0] =	vst.idx.msk vm0, v38  }
0x41c: {  	v35 =	vand.u32 $0x7F, v37;
	v38 =	vshll.u32 v37, $0x3;
	v23 =	vor.u32 v33, v23;
	v39 =	vld.idx.msk [tilespmem:v40+s14+$0x0], $0xffff;
	[tilespmem:v41+s15+$0x0] =	vst.idx.msk vm3, v24  }
0x41d: {  	v46 =	vor.u32 $0x180, v3;
	v24 =	vand.u32 $0xFFFFFC00, v38;
	v38 =	vor.u32 $0x80, v44;
	v47 =	vld.idx.msk [tilespmem:v34+s14+$0x0], $0xffff  }
0x41e: {  	v48 =	vor.u32 $0x200, v17;
	v49 =	vor.u32 $0x300, v5;
	v43 =	vld.idx.msk [tilespmem:v31+s14+$0x0], $0xffff;
	v24 =	vadd.s32 s8, v24;
	[tilespmem:v9+s15+$0x0] =	vst.idx.msk vm4, v42;
	v9 =	vmovc v14  }
.Ltmp7:
0x41f: {  	vm7 =	vlt.s32 v37, $0x90;
	v40 =	vor.u32 $0x380, v4;
	v24 =	vor.u32 v35, v24;
	[tilespmem:v27+s15+$0x0] =	vst.idx.msk vm1, v28;
	v41 =	vld.idx.msk [tilespmem:v12+s14+$0x0], $0xffff;
	(pc) =	sbr.rel @p1 .LBB2_17-.Ltmp7, $4  }
0x420: {  	s1 =	sadd.s32 $0x140, s1;
	v4 =	vmovc v17;
	v34 =	vor.u32 $0x80, v24;
	v27 =	vor.u32 $0x100, v24;
	v42 =	vld.idx.msk [tilespmem:v26+s14+$0x0], $0xffff;
	v26 =	vor.u32 $0x180, v31;
	[tilespmem:v15+s15+$0x0] =	vst.idx.msk vm2, v30  }
0x421: {  	v33 =	vor.u32 $0x200, v31;
	v17 =	vmovc v44;
	v35 =	vor.u32 $0x180, v24;
	v30 =	vor.u32 $0x200, v24;
	v15 =	vmovc v22;
	v37 =	vld [tilespmem:s1+$0x0];
	[tilespmem:v23+s15+$0x0] =	vst.idx.msk vm6, v29  }
0x422: {  	v14 =	vmovc v21;
	v28 =	vor.u32 $0x300, v31;
	v22 =	vor.u32 $0x280, v24;
	v29 =	vor.u32 $0x280, v31;
	v45 =	vld.idx.msk [tilespmem:v38+s14+$0x0], $0xffff;
	[tilespmem:v46+s15+$0x0] =	vst.idx.msk vm0, v39  }
0x423: {  	s7 =	sadd.s32 $0x2, s7;
	v12 =	vmovc v36;
	v21 =	vor.u32 $0x300, v24;
	v31 =	vor.u32 $0x380, v31;
	v46 =	vor.u32 $0x80, v23;
	v44 =	vld.idx.msk [tilespmem:v48+s14+$0x0], $0xffff;
	[tilespmem:v49+s15+$0x0] =	vst.idx.msk vm3, v47  }
0x424: {  	v36 =	vld [tilespmem:s1+$0xFFFFFF60];
	_ =	sdelay $0x1  }
0x425: {  	s5 =	sadd.s32 $0x140, s5  }
0x426: {  	v39 =	vld [tilespmem:s5+$0x0]  }
0x427: {  	v47 =	vld [tilespmem:s5+$0xFFFFFF60];
	v38 =	vshll.u32 v37, $0x3  }
0x428: {  	v54 =	vand.u32 $0x7F, v37;
	v38 =	vand.u32 $0xFFFFFC00, v38;
	v48 =	vshll.u32 v36, $0x3  }
0x429: {  	v37 =	vor.u32 v54, v38;
	v36 =	vand.u32 $0x7F, v36;
	v55 =	vand.u32 $0xFFFFFC00, v48  }
0x42a: {  	v38 =	vor.u32 v36, v55  }
0x42b: {  	s6 =	sshll.u32 s6, $0xB;
	v56 =	vshll.u32 v39, $0x3;
	vm9 =	vlt.s32 v39, $0x90  }
0x42c: {  	s7 =	sadd.s32 $0x800, s6;
	v39 =	vand.u32 $0x7F, v39;
	v57 =	vshll.u32 v47, $0x3;
	v36 =	vand.u32 $0xFFFFFC00, v56  }
0x42d: {  	v49 =	vand.u32 $0x7F, v47;
	v48 =	vand.u32 $0xFFFFFC00, v57;
	v36 =	vadd.s32 s7, v36  }
0x42e: {  	vm10 =	vlt.s32 v47, $0x90;
	v58 =	vadd.s32 s6, v48;
	v50 =	vld.idx.msk [tilespmem:v37+s14+$0x0], $0xffff;
	v36 =	vor.u32 v39, v36  }
0x42f: {  	v59 =	vor.u32 $0x80, v37;
	v39 =	vor.u32 v49, v58;
	v60 =	vld.idx.msk [tilespmem:v38+s14+$0x0], $0xffff  }
0x430: {  	v61 =	vor.u32 $0x80, v38;
	_ =	sdelay $0x1  }
0x431: {  	[tilespmem:v24+s15+$0x0] =	vst.idx.msk vm7, v43;
	vm8 =	vmmov vm7  }
0x432: {  	v62 =	vor.u32 $0x100, v17;
	v32 =	vld.idx.msk [tilespmem:v32+s14+$0x0], $0xffff;
	[tilespmem:v36+s15+$0x0] =	vst.idx.msk vm9, v50  }
0x433: {  	v63 =	vor.u32 $0x80, v36;
	v47 =	vld.idx.msk [tilespmem:v59+s14+$0x0], $0xffff;
	[tilespmem:v39+s15+$0x0] =	vst.idx.msk vm10, v60  }
0x434: {  	v51 =	vor.u32 $0x100, v37;
	v54 =	vor.u32 $0x80, v39;
	v49 =	vld.idx.msk [tilespmem:v61+s14+$0x0], $0xffff  }
0x435: {  	[tilespmem:v11+s15+$0x0] =	vst.idx.msk vm4, v41;
	vm14 =	vmmov vm3;
	v11 =	vor.u32 $0x100, v38  }
0x436: {  	v40 =	vld.idx.msk [tilespmem:v40+s14+$0x0], $0xffff;
	v5 =	vor.u32 $0x380, v5;
	[tilespmem:v46+s15+$0x0] =	vst.idx.msk vm6, v45;
	vm6 =	vmmov vm6  }
0x437: {  	[tilespmem:v34+s15+$0x0] =	vst.idx.msk vm8, v32;
	v56 =	vld.idx.msk [tilespmem:v62+s14+$0x0], $0xffff;
	v57 =	vor.u32 $0x100, v23  }
0x438: {  	v25 =	vld.idx.msk [tilespmem:v25+s14+$0x0], $0xffff;
	vm4 =	vmmov vm9;
	v58 =	vor.u32 $0x180, v17;
	[tilespmem:v63+s15+$0x0] =	vst.idx.msk vm9, v47  }
0x439: {  	v60 =	vor.u32 $0x100, v36;
	v59 =	vld.idx.msk [tilespmem:v51+s14+$0x0], $0xffff;
	[tilespmem:v54+s15+$0x0] =	vst.idx.msk vm10, v49  }
0x43a: {  	vm3 =	vmmov vm1;
	[tilespmem:v20+s15+$0x0] =	vst.idx.msk vm1, v42;
	v20 =	vor.u32 $0x100, v39;
	v61 =	vor.u32 $0x180, v37;
	v11 =	vld.idx.msk [tilespmem:v11+s14+$0x0], $0xffff  }
0x43b: {  	v19 =	vld.idx.msk [tilespmem:v19+s14+$0x0], $0xffff;
	[tilespmem:v5+s15+$0x0] =	vst.idx.msk vm14, v40;
	v62 =	vor.u32 $0x180, v38  }
0x43c: {  	v55 =	vor.u32 $0x200, v3;
	[tilespmem:v57+s15+$0x0] =	vst.idx.msk vm6, v56  }
0x43d: {  	[tilespmem:v27+s15+$0x0] =	vst.idx.msk vm8, v25;
	v32 =	vld.idx.msk [tilespmem:v58+s14+$0x0], $0xffff;
	v63 =	vor.u32 $0x280, v4;
	v47 =	vor.u32 $0x180, v23  }
0x43e: {  	v25 =	vor.u32 $0x200, v17;
	v26 =	vld.idx.msk [tilespmem:v26+s14+$0x0], $0xffff;
	[tilespmem:v60+s15+$0x0] =	vst.idx.msk vm4, v59  }
0x43f: {  	vm7 =	vmmov vm10;
	v48 =	vor.u32 $0x180, v36;
	v27 =	vld.idx.msk [tilespmem:v61+s14+$0x0], $0xffff;
	[tilespmem:v20+s15+$0x0] =	vst.idx.msk vm10, v11  }
0x440: {  	[tilespmem:v18+s15+$0x0] =	vst.idx.msk vm3, v19;
	v5 =	vor.u32 $0x180, v39;
	v11 =	vor.u32 $0x200, v37;
	v20 =	vld.idx.msk [tilespmem:v62+s14+$0x0], $0xffff  }
0x441: {  	vm0 =	vmmov vm0;
	v7 =	vld.idx.msk [tilespmem:v7+s14+$0x0], $0xffff;
	v18 =	vor.u32 $0x200, v38;
	[tilespmem:v55+s15+$0x0] =	vst.idx.msk vm5, v44  }
0x442: {  	v50 =	vor.u32 $0x280, v3;
	v49 =	vld.idx.msk [tilespmem:v63+s14+$0x0], $0xffff;
	[tilespmem:v47+s15+$0x0] =	vst.idx.msk vm6, v32  }
0x443: {  	v19 =	vor.u32 $0x300, v4;
	vm5 =	vmmov vm8;
	[tilespmem:v35+s15+$0x0] =	vst.idx.msk vm8, v26;
	v51 =	vor.u32 $0x200, v23;
	v25 =	vld.idx.msk [tilespmem:v25+s14+$0x0], $0xffff  }
0x444: {  	v26 =	vor.u32 $0x280, v17;
	v33 =	vld.idx.msk [tilespmem:v33+s14+$0x0], $0xffff;
	[tilespmem:v48+s15+$0x0] =	vst.idx.msk vm4, v27  }
0x445: {  	v27 =	vor.u32 $0x200, v36;
	v11 =	vld.idx.msk [tilespmem:v11+s14+$0x0], $0xffff;
	[tilespmem:v5+s15+$0x0] =	vst.idx.msk vm7, v20;
	vm7 =	vmmov vm7  }
0x446: {  	[tilespmem:v9+s15+$0x0] =	vst.idx.msk vm2, v7;
	vm8 =	vmmov vm3;
	v5 =	vor.u32 $0x200, v39;
	v20 =	vor.u32 $0x280, v37;
	v18 =	vld.idx.msk [tilespmem:v18+s14+$0x0], $0xffff  }
0x447: {  	v16 =	vld.idx.msk [tilespmem:v16+s14+$0x0], $0xffff;
	v7 =	vor.u32 $0x280, v38;
	[tilespmem:v50+s15+$0x0] =	vst.idx.msk vm0, v49  }
0x448: {  	vm1 =	vmmov vm2;
	vm2 =	vmmov vm6;
	v9 =	vld.idx.msk [tilespmem:v19+s14+$0x0], $0xffff;
	v19 =	vor.u32 $0x300, v3;
	[tilespmem:v51+s15+$0x0] =	vst.idx.msk vm6, v25  }
0x449: {  	[tilespmem:v30+s15+$0x0] =	vst.idx.msk vm5, v33;
	v25 =	vld.idx.msk [tilespmem:v26+s14+$0x0], $0xffff;
	v26 =	vor.u32 $0x280, v23  }
0x44a: {  	vm3 =	vmmov vm4;
	v30 =	vor.u32 $0x300, v17;
	v29 =	vld.idx.msk [tilespmem:v29+s14+$0x0], $0xffff;
	[tilespmem:v27+s15+$0x0] =	vst.idx.msk vm4, v11  }
0x44b: {  	v11 =	vld.idx.msk [tilespmem:v20+s14+$0x0], $0xffff;
	v20 =	vor.u32 $0x280, v36;
	[tilespmem:v5+s15+$0x0] =	vst.idx.msk vm7, v18  }
0x44c: {  	[tilespmem:v15+s15+$0x0] =	vst.idx.msk vm8, v16;
	v15 =	vor.u32 $0x300, v37;
	v5 =	vor.u32 $0x280, v39;
	v7 =	vld.idx.msk [tilespmem:v7+s14+$0x0], $0xffff  }
0x44d: {  	v12 =	vld.idx.msk [tilespmem:v12+s14+$0x0], $0xffff;
	v16 =	vor.u32 $0x300, v38;
	[tilespmem:v19+s15+$0x0] =	vst.idx.msk vm0, v9  }
0x44e: {  	v4 =	vor.u32 $0x380, v4;
	vm6 =	vmmov vm5;
	v9 =	vld.idx.msk [tilespmem:v13+s14+$0x0], $0xffff;
	[tilespmem:v26+s15+$0x0] =	vst.idx.msk vm2, v25  }
0x44f: {  	[tilespmem:v22+s15+$0x0] =	vst.idx.msk vm5, v29;
	vm5 =	vmmov vm6;
	v13 =	vld.idx.msk [tilespmem:v30+s14+$0x0], $0xffff;
	v18 =	vor.u32 $0x300, v23  }
0x450: {  	v17 =	vor.u32 $0x380, v17;
	v19 =	vld.idx.msk [tilespmem:v28+s14+$0x0], $0xffff;
	[tilespmem:v20+s15+$0x0] =	vst.idx.msk vm3, v11  }
0x451: {  	vm15 =	vmmov vm7;
	v11 =	vld.idx.msk [tilespmem:v15+s14+$0x0], $0xffff;
	v15 =	vor.u32 $0x300, v36;
	[tilespmem:v5+s15+$0x0] =	vst.idx.msk vm7, v7  }
0x452: {  	[tilespmem:v6+s15+$0x0] =	vst.idx.msk vm1, v12;
	v6 =	vor.u32 $0x380, v37;
	vm0 =	vmmov vm0;
	v5 =	vor.u32 $0x300, v39;
	v7 =	vld.idx.msk [tilespmem:v16+s14+$0x0], $0xffff  }
0x453: {  	v12 =	vor.u32 $0x380, v38;
	v3 =	vor.u32 $0x380, v3;
	v4 =	vld.idx.msk [tilespmem:v4+s14+$0x0], $0xffff;
	[tilespmem:v14+s15+$0x0] =	vst.idx.msk vm8, v9  }
0x454: {  	vm1 =	vmmov vm2;
	v9 =	vld.idx.msk [tilespmem:v10+s14+$0x0], $0xffff;
	[tilespmem:v18+s15+$0x0] =	vst.idx.msk vm2, v13  }
0x455: {  	[tilespmem:v21+s15+$0x0] =	vst.idx.msk vm5, v19;
	v13 =	vor.u32 $0x380, v23;
	v10 =	vld.idx.msk [tilespmem:v17+s14+$0x0], $0xffff  }
0x456: {  	v14 =	vor.u32 $0x380, v24;
	v16 =	vld.idx.msk [tilespmem:v31+s14+$0x0], $0xffff;
	[tilespmem:v15+s15+$0x0] =	vst.idx.msk vm3, v11  }
0x457: {  	v11 =	vor.u32 $0x380, v36;
	v6 =	vld.idx.msk [tilespmem:v6+s14+$0x0], $0xffff;
	[tilespmem:v5+s15+$0x0] =	vst.idx.msk vm15, v7  }
0x458: {  	[tilespmem:v3+s15+$0x0] =	vst.idx.msk vm0, v4;
	v5 =	vor.u32 $0x380, v39;
	v3 =	vld.idx.msk [tilespmem:v12+s14+$0x0], $0xffff  }
0x459: {  	[tilespmem:v8+s15+$0x0] =	vst.idx.msk vm8, v9  }
0x45a: {  	[tilespmem:v13+s15+$0x0] =	vst.idx.msk vm1, v10  }
0x45b: {  	[tilespmem:v14+s15+$0x0] =	vst.idx.msk vm5, v16  }
0x45c: {  	[tilespmem:v11+s15+$0x0] =	vst.idx.msk vm3, v6  }
0x45d: {  	[tilespmem:v5+s15+$0x0] =	vst.idx.msk vm15, v3  }
0x45e: {  	s8 =	sadd.s32 $0x2A00000, s28;
	_ =	swait.ge [sflag:s12], $0x4000  }
0x45f: {  	s1 =	sshrl.u32 s8, $0x3;
	[sflag:s12] =	ssyncset.done $0x0  }
0x460: {  	s9 =	simm.s32 $0x0;
	s1 =	sadd.s32 s20, s1;
	[sflag:s12] =	ssyncadd.s32 $0xFFFFC000  }
0x461: {  	[tilespmem:s14], [sflag:$0x2] =	stream.linear.gather [hbm4b:s1+s9], $0x4000, $0x38;
	[tilespmem:$0x1D400] =	vst v63  }
0x462: {  	v3 =	vld [tilespmem:s3+$0x0];
	_ =	sdelay $0x2  }
0x463: {  	v4 =	vld [tilespmem:s3+$0xFFFFFF60]  }
0x464: {  	v5 =	vld [tilespmem:s0+$0x0]  }
0x465: {  	v6 =	vshll.u32 v3, $0x3  }
0x466: {  	v3 =	vand.u32 $0x7F, v3;
	v6 =	vand.u32 $0xFFFFFC00, v6  }
0x467: {  	v6 =	vor.u32 v3, v6  }
0x468: {  	v7 =	vshll.u32 v4, $0x3;
	v3 =	vld [tilespmem:s0+$0xFFFFFF60]  }
0x469: {  	v4 =	vand.u32 $0x7F, v4;
	v8 =	vshll.u32 v5, $0x3;
	v7 =	vand.u32 $0xFFFFFC00, v7  }
0x46a: {  	s10 =	simm.s32 $0x800;
	v4 =	vor.u32 v4, v7;
	v7 =	vand.u32 $0xFFFFFC00, v8  }
0x46b: {  	vm0 =	vlt.s32 v5, $0x90;
	v5 =	vand.u32 $0x7F, v5;
	v7 =	vadd.s32 s10, v7  }
0x46c: {  	s18 =	sadd.s32 $0x140, s3;
	v17 =	vor.u32 v5, v7;
	v8 =	vld.idx.msk [tilespmem:v6+s13+$0x0], $0xffff  }
0x46d: {  	v10 =	vld [tilespmem:s18+$0x0];
	v7 =	vor.u32 $0x80, v6;
	v9 =	vshll.u32 v3, $0x3  }
0x46e: {  	s11 =	simm.s32 $0x0;
	s21 =	sadd.s32 $0x140, s0;
	v12 =	vld [tilespmem:s18+$0xFFFFFF60];
	v5 =	vand.u32 $0xFFFFFC00, v9  }
0x46f: {  	v13 =	vld [tilespmem:s21+$0x0];
	vm1 =	vlt.s32 v3, $0x90;
	v9 =	vand.u32 $0x7F, v3;
	v5 =	vadd.s32 s11, v5  }
0x470: {  	s1 =	sadd.s32 $0x140, s18;
	v3 =	vld.idx.msk [tilespmem:v4+s13+$0x0], $0xffff;
	v9 =	vor.u32 v9, v5  }
0x471: {  	v54 =	vld [tilespmem:s1+$0xFFFFFF60];
	v5 =	vor.u32 $0x80, v4;
	[tilespmem:v17+s15+$0x0] =	vst.idx.msk vm0, v8  }
0x472: {  	v8 =	vor.u32 $0x80, v17;
	v7 =	vld.idx.msk [tilespmem:v7+s13+$0x0], $0xffff  }
0x473: {  	v11 =	vor.u32 $0x100, v6  }
0x474: {  	vm6 =	vmmov vm15;
	vm4 =	vmmov vm8;
	vm2 =	vmmov vm3  }
0x475: {  	v16 =	vshll.u32 v10, $0x3;
	v18 =	vshll.u32 v12, $0x3;
	vm2 =	vmmov vm1;
	[tilespmem:v9+s15+$0x0] =	vst.idx.msk vm1, v3  }
0x476: {  	v12 =	vand.u32 $0x7F, v12;
	v18 =	vand.u32 $0xFFFFFC00, v18;
	v3 =	vld.idx.msk [tilespmem:v5+s13+$0x0], $0xffff;
	v5 =	vor.u32 $0x80, v9  }
0x477: {  	vm4 =	vlt.s32 v13, $0x90;
	v35 =	vand.u32 $0x7F, v54;
	v12 =	vor.u32 v12, v18;
	[tilespmem:v8+s15+$0x0] =	vst.idx.msk vm0, v7  }
0x478: {  	v14 =	vor.u32 $0x100, v4;
	v7 =	vand.u32 $0x7F, v10;
	v8 =	vand.u32 $0xFFFFFC00, v16;
	v10 =	vld.idx.msk [tilespmem:v11+s13+$0x0], $0xffff  }
0x479: {  	v19 =	vor.u32 $0x180, v6;
	v21 =	vor.u32 v7, v8;
	v7 =	vor.u32 $0x100, v17;
	v8 =	vld [tilespmem:s21+$0xFFFFFF60]  }
0x47a: {  	v20 =	vor.u32 $0x200, v4;
	v26 =	vor.u32 $0x200, v6;
	v29 =	vor.u32 $0x280, v4  }
0x47b: {  	v23 =	vor.u32 $0x300, v4;
	v22 =	vor.u32 $0x380, v4;
	[tilespmem:v5+s15+$0x0] =	vst.idx.msk vm2, v3;
	v3 =	vshll.u32 v13, $0x3  }
0x47c: {  	s22 =	simm.s32 $0x1800;
	v52 =	vor.u32 $0x200, v12;
	v15 =	vor.u32 $0x100, v9;
	v3 =	vand.u32 $0xFFFFFC00, v3  }
0x47d: {  	vm1 =	vmmov vm0;
	v5 =	vand.u32 $0x7F, v13;
	v14 =	vld.idx.msk [tilespmem:v14+s13+$0x0], $0xffff;
	v3 =	vadd.s32 s22, v3  }
0x47e: {  	v11 =	vor.u32 $0x180, v4;
	v13 =	vld.idx.msk [tilespmem:v21+s13+$0x0], $0xffff;
	[tilespmem:v7+s15+$0x0] =	vst.idx.msk vm0, v10;
	v10 =	vshll.u32 v8, $0x3;
	v5 =	vor.u32 v5, v3  }
0x47f: {  	s23 =	simm.s32 $0x1000;
	v18 =	vor.u32 $0x80, v21;
	v3 =	vld.idx.msk [tilespmem:v19+s13+$0x0], $0xffff;
	v10 =	vand.u32 $0xFFFFFC00, v10;
	v19 =	vor.u32 $0x180, v17  }
0x480: {  	v7 =	vand.u32 $0x7F, v8;
	vm0 =	vlt.s32 v8, $0x90;
	v10 =	vadd.s32 s23, v10  }
0x481: {  	v55 =	vor.u32 $0x280, v6;
	v59 =	vor.u32 $0x300, v6;
	v27 =	vld.idx.msk [tilespmem:v12+s13+$0x0], $0xffff;
	v10 =	vor.u32 v7, v10  }
0x482: {  	v53 =	vor.u32 $0x200, v17;
	v58 =	vor.u32 $0x280, v17;
	v4 =	vld [tilespmem:s1+$0x0];
	[tilespmem:v15+s15+$0x0] =	vst.idx.msk vm2, v14;
	v7 =	vor.u32 $0x80, v12  }
0x483: {  	v63 =	vor.u32 $0x300, v17;
	vm5 =	vmmov vm2;
	v16 =	vor.u32 $0x180, v9;
	v14 =	vld.idx.msk [tilespmem:v11+s13+$0x0], $0xffff;
	[tilespmem:v5+s15+$0x0] =	vst.idx.msk vm4, v13  }
0x484: {  	v25 =	vor.u32 $0x280, v9;
	vm3 =	vmmov vm1;
	v15 =	vld.idx.msk [tilespmem:v18+s13+$0x0], $0xffff;
	[tilespmem:v19+s15+$0x0] =	vst.idx.msk vm1, v3;
	v3 =	vor.u32 $0x80, v5  }
0x485: {  	v24 =	vor.u32 $0x300, v9;
	vm7 =	vmmov vm3;
	v31 =	vor.u32 $0x100, v21  }
0x486: {  	v57 =	vor.u32 $0x180, v21;
	v62 =	vor.u32 $0x200, v21;
	v40 =	vor.u32 $0x380, v21;
	v30 =	vld.idx.msk [tilespmem:v26+s13+$0x0], $0xffff;
	[tilespmem:v10+s15+$0x0] =	vst.idx.msk vm0, v27  }
0x487: {  	s0 =	sadd.s32 $0x140, s21;
	v8 =	vor.u32 $0x200, v9;
	v61 =	vor.u32 $0x180, v5;
	vm0 =	vmmov vm0;
	v56 =	vld.idx.msk [tilespmem:v7+s13+$0x0], $0xffff  }
0x488: {  	v11 =	vor.u32 $0x380, v9;
	v9 =	vor.u32 $0x80, v10;
	v32 =	vor.u32 $0x180, v10;
	[tilespmem:v16+s15+$0x0] =	vst.idx.msk vm2, v14;
	v14 =	vld [tilespmem:s0+$0x0]  }
0x489: {  	v28 =	vor.u32 $0x280, v10;
	v13 =	vor.u32 $0x100, v12;
	v16 =	vld.idx.msk [tilespmem:v20+s13+$0x0], $0xffff;
	v20 =	vshll.u32 v4, $0x3;
	[tilespmem:v3+s15+$0x0] =	vst.idx.msk vm4, v15  }
0x48a: {  	vm2 =	vmmov vm4;
	v3 =	vand.u32 $0x7F, v4;
	v4 =	vand.u32 $0xFFFFFC00, v20;
	v15 =	vld.idx.msk [tilespmem:v31+s13+$0x0], $0xffff  }
0x48b: {  	v18 =	vor.u32 $0x100, v10;
	[tilespmem:v53+s15+$0x0] =	vst.idx.msk vm1, v30;
	v4 =	vor.u32 v3, v4;
	v3 =	vor.u32 $0x100, v5;
	v30 =	vld [tilespmem:s0+$0xFFFFFF60]  }
0x48c: {  	s1 =	sadd.s32 $0x140, s1;
	v19 =	vor.u32 $0x180, v12;
	v26 =	vor.u32 $0x200, v10;
	v20 =	vshll.u32 v54, $0x3;
	v31 =	vld.idx.msk [tilespmem:v55+s13+$0x0], $0xffff  }
0x48d: {  	v27 =	vor.u32 $0x280, v12;
	v20 =	vand.u32 $0xFFFFFC00, v20;
	[tilespmem:v9+s15+$0x0] =	vst.idx.msk vm0, v56;
	v60 =	vshll.u32 v14, $0x3;
	v56 =	vld [tilespmem:s1+$0x0]  }
0x48e: {  	s24 =	simm.s32 $0x2800;
	v35 =	vor.u32 v35, v20;
	vm4 =	vlt.s32 v14, $0x90;
	v13 =	vld.idx.msk [tilespmem:v13+s13+$0x0], $0xffff;
	[tilespmem:v8+s15+$0x0] =	vst.idx.msk vm5, v16;
	v8 =	vand.u32 $0xFFFFFC00, v60  }
0x48f: {  	v14 =	vand.u32 $0x7F, v14;
	vm5 =	vmmov vm5;
	v60 =	vld [tilespmem:s1+$0xFFFFFF60];
	v8 =	vadd.s32 s24, v8  }
0x490: {  	v7 =	vor.u32 $0x300, v12;
	v29 =	vld.idx.msk [tilespmem:v29+s13+$0x0], $0xffff;
	[tilespmem:v3+s15+$0x0] =	vst.idx.msk vm2, v15;
	v3 =	vor.u32 v14, v8;
	v8 =	vshll.u32 v30, $0x3  }
0x491: {  	s25 =	simm.s32 $0x2000;
	v12 =	vor.u32 $0x380, v12;
	v16 =	vld.idx.msk [tilespmem:v4+s13+$0x0], $0xffff;
	v15 =	vand.u32 $0x7F, v30;
	v8 =	vand.u32 $0xFFFFFC00, v8  }
0x492: {  	v14 =	vld.idx.msk [tilespmem:v57+s13+$0x0], $0xffff;
	[tilespmem:v58+s15+$0x0] =	vst.idx.msk vm1, v31;
	v31 =	vor.u32 $0x80, v4;
	vm1 =	vlt.s32 v30, $0x90;
	v8 =	vadd.s32 s25, v8  }
0x493: {  	vm6 =	vmmov vm0;
	v54 =	vor.u32 $0x180, v4;
	v48 =	vld.idx.msk [tilespmem:v35+s13+$0x0], $0xffff;
	[tilespmem:v18+s15+$0x0] =	vst.idx.msk vm0, v13;
	v8 =	vor.u32 v15, v8  }
0x494: {  	v55 =	vor.u32 $0x280, v5;
	v9 =	vor.u32 $0x300, v10;
	v49 =	vor.u32 $0x80, v35;
	v30 =	vld.idx.msk [tilespmem:v19+s13+$0x0], $0xffff  }
0x495: {  	s0 =	sadd.s32 $0x140, s0;
	v50 =	vor.u32 $0x100, v35;
	v45 =	vor.u32 $0x180, v35;
	v57 =	vor.u32 $0x80, v3;
	v36 =	vld.idx.msk [tilespmem:v59+s13+$0x0], $0xffff;
	[tilespmem:v25+s15+$0x0] =	vst.idx.msk vm5, v29  }
0x496: {  	v58 =	vor.u32 $0x100, v4;
	v59 =	vor.u32 $0x200, v5;
	v13 =	vor.u32 $0x380, v6;
	v29 =	vld [tilespmem:s0+$0xFFFFFF60];
	[tilespmem:v3+s15+$0x0] =	vst.idx.msk vm4, v16  }
0x497: {  	v6 =	vor.u32 $0x380, v10;
	v10 =	vor.u32 $0x380, v35;
	v51 =	vor.u32 $0x80, v8;
	v31 =	vld.idx.msk [tilespmem:v31+s13+$0x0], $0xffff;
	[tilespmem:v61+s15+$0x0] =	vst.idx.msk vm2, v14  }
0x498: {  	v44 =	vor.u32 $0x100, v8;
	v20 =	vor.u32 $0x180, v8;
	v19 =	vor.u32 $0x200, v35;
	v37 =	vld.idx.msk [tilespmem:v62+s13+$0x0], $0xffff;
	[tilespmem:v8+s15+$0x0] =	vst.idx.msk vm1, v48  }
0x499: {  	v18 =	vor.u32 $0x200, v8;
	v15 =	vor.u32 $0x280, v8;
	v25 =	vshll.u32 v60, $0x3;
	v62 =	vld.idx.msk [tilespmem:v49+s13+$0x0], $0xffff;
	[tilespmem:v32+s15+$0x0] =	vst.idx.msk vm0, v30  }
0x49a: {  	v16 =	vor.u32 $0x280, v35;
	v61 =	vor.u32 $0x280, v21;
	vm1 =	vmmov vm1;
	v30 =	vld.idx.msk [tilespmem:v52+s13+$0x0], $0xffff  }
0x49b: {  	v25 =	vand.u32 $0xFFFFFC00, v25;
	v14 =	vor.u32 $0x300, v8;
	[tilespmem:v63+s15+$0x0] =	vst.idx.msk vm3, v36;
	v63 =	vor.u32 $0x380, v17;
	v52 =	vld [tilespmem:s0+$0x0]  }
0x49c: {  	vm3 =	vmmov vm2;
	v17 =	vshll.u32 v56, $0x3;
	v46 =	vld.idx.msk [tilespmem:v13+s13+$0x0], $0xffff;
	v13 =	vor.u32 $0x300, v35;
	[tilespmem:v57+s15+$0x0] =	vst.idx.msk vm4, v31  }
0x49d: {  	v17 =	vand.u32 $0xFFFFFC00, v17;
	vm0 =	vmmov vm4;
	v31 =	vand.u32 $0x7F, v56;
	v34 =	vld.idx.msk [tilespmem:v58+s13+$0x0], $0xffff  }
0x49e: {  	v8 =	vor.u32 $0x380, v8;
	[tilespmem:v59+s15+$0x0] =	vst.idx.msk vm2, v37;
	v17 =	vor.u32 v31, v17;
	v31 =	vor.u32 $0x100, v3;
	v58 =	vld.idx.msk [tilespmem:v23+s13+$0x0], $0xffff  }
0x49f: {  	s1 =	sadd.s32 $0x140, s1;
	vm4 =	vmmov vm5;
	v56 =	vand.u32 $0x7F, v60;
	v57 =	vor.u32 $0x300, v21;
	v53 =	vld.idx.msk [tilespmem:v61+s13+$0x0], $0xffff  }
0x4a0: {  	vm2 =	vmmov vm6;
	v47 =	vor.u32 v56, v25;
	v37 =	vld [tilespmem:s1+$0x0];
	[tilespmem:v51+s15+$0x0] =	vst.idx.msk vm1, v62;
	v23 =	vshll.u32 v52, $0x3  }
0x4a1: {  	s26 =	simm.s32 $0x3800;
	v32 =	vor.u32 $0x80, v47;
	v25 =	vor.u32 $0x100, v47;
	v41 =	vld.idx.msk [tilespmem:v50+s13+$0x0], $0xffff;
	[tilespmem:v26+s15+$0x0] =	vst.idx.msk vm6, v30;
	v23 =	vand.u32 $0xFFFFFC00, v23  }
0x4a2: {  	[tilespmem:v63+s15+$0x0] =	vst.idx.msk vm7, v46;
	vm6 =	vlt.s32 v52, $0x90;
	v26 =	vand.u32 $0x7F, v52;
	v30 =	vld.idx.msk [tilespmem:v27+s13+$0x0], $0xffff;
	v23 =	vadd.s32 s26, v23  }
0x4a3: {  	v61 =	vor.u32 $0x180, v3;
	v59 =	vld.idx.msk [tilespmem:v17+s13+$0x0], $0xffff;
	[tilespmem:v31+s15+$0x0] =	vst.idx.msk vm0, v34;
	v31 =	vshll.u32 v29, $0x3;
	v23 =	vor.u32 v26, v23  }
0x4a4: {  	v63 =	vor.u32 $0x300, v5;
	v60 =	vld.idx.msk [tilespmem:v54+s13+$0x0], $0xffff;
	[tilespmem:v55+s15+$0x0] =	vst.idx.msk vm3, v53;
	v26 =	vand.u32 $0xFFFFFC00, v31;
	v31 =	vor.u32 $0x80, v17  }
0x4a5: {  	s29 =	simm.s32 $0x3000;
	vm7 =	vlt.s32 v29, $0x90;
	v33 =	vor.u32 $0x200, v47;
	v62 =	vor.u32 $0x200, v4;
	[tilespmem:v24+s15+$0x0] =	vst.idx.msk vm5, v58;
	v38 =	vld.idx.msk [tilespmem:v57+s13+$0x0], $0xffff  }
0x4a6: {  	v27 =	vand.u32 $0x7F, v29;
	v43 =	vld.idx.msk [tilespmem:v47+s13+$0x0], $0xffff;
	v29 =	vor.u32 $0x280, v47;
	v26 =	vadd.s32 s29, v26;
	[tilespmem:v44+s15+$0x0] =	vst.idx.msk vm1, v41  }
0x4a7: {  	vm5 =	vmmov vm0;
	v46 =	vor.u32 $0x80, v23;
	v24 =	vor.u32 v27, v26;
	v41 =	vld.idx.msk [tilespmem:v22+s13+$0x0], $0xffff;
	[tilespmem:v28+s15+$0x0] =	vst.idx.msk vm2, v30  }
0x4a8: {  	v26 =	vor.u32 $0x180, v47;
	v34 =	vor.u32 $0x80, v24;
	v27 =	vor.u32 $0x100, v24;
	v42 =	vld.idx.msk [tilespmem:v45+s13+$0x0], $0xffff;
	[tilespmem:v23+s15+$0x0] =	vst.idx.msk vm6, v59  }
0x4a9: {  	v35 =	vor.u32 $0x180, v24;
	v30 =	vor.u32 $0x200, v24;
	v22 =	vor.u32 $0x280, v24;
	[tilespmem:v61+s15+$0x0] =	vst.idx.msk vm0, v60;
	v45 =	vld.idx.msk [tilespmem:v31+s13+$0x0], $0xffff  }
0x4aa: {  	s5 =	simm.s32 $0xA;
	s3 =	simm.s32 $0x8;
	v28 =	vor.u32 $0x300, v47;
	v21 =	vor.u32 $0x300, v24;
	v31 =	vor.u32 $0x380, v47;
	v44 =	vld.idx.msk [tilespmem:v62+s13+$0x0], $0xffff;
	[tilespmem:v63+s15+$0x0] =	vst.idx.msk vm3, v38  }
.LBB2_19:
0x4ab: {  	v38 =	vor.u32 $0x380, v24  }
0x4ac: {  	p1 =	slt.u32 s5, $0x1E;
	v39 =	vor.u32 $0x100, v17;
	v47 =	vor.u32 $0x200, v3;
	v40 =	vld.idx.msk [tilespmem:v40+s13+$0x0], $0xffff;
	v36 =	vmovc v10;
	v10 =	vmovc v31;
	vm9 =	vmmov vm3  }
0x4ad: {  	vm3 =	vmmov vm0;
	v31 =	vld [tilespmem:s1+$0xFFFFFF60];
	[tilespmem:v24+s15+$0x0] =	vst.idx.msk vm7, v43;
	v24 =	vor.u32 $0x280, v4;
	v43 =	vor.u32 $0x380, v5;
	v5 =	vmovc v3;
	v3 =	vmovc v23  }
0x4ae: {  	vm0 =	vmmov vm6;
	vm8 =	vmmov vm1;
	v23 =	vld.idx.msk [tilespmem:v32+s13+$0x0], $0xffff;
	[tilespmem:v20+s15+$0x0] =	vst.idx.msk vm1, v42;
	v20 =	vmovc v35;
	vm1 =	vmmov vm7  }
0x4af: {  	s0 =	sadd.s32 $0x140, s0;
	v32 =	vld.idx.msk [tilespmem:v19+s13+$0x0], $0xffff;
	[tilespmem:v11+s15+$0x0] =	vst.idx.msk vm4, v41;
	v11 =	vmovc v6;
	v6 =	vmov v8;
	v8 =	vmov v38;
	v19 =	vmov v33  }
0x4b0: {  	v35 =	vshll.u32 v37, $0x3;
	vm4 =	vmmov vm2;
	vm2 =	vmmov vm8;
	v33 =	vld [tilespmem:s0+$0x0];
	[tilespmem:v46+s15+$0x0] =	vst.idx.msk vm6, v45  }
0x4b1: {  	v37 =	vand.u32 $0x7F, v37;
	v35 =	vand.u32 $0xFFFFFC00, v35;
	v38 =	vld.idx.msk [tilespmem:v39+s13+$0x0], $0xffff;
	[tilespmem:v47+s15+$0x0] =	vst.idx.msk vm5, v44;
	vm5 =	vmmov vm6  }
0x4b2: {  	v44 =	vor.u32 v37, v35;
	v35 =	vor.u32 $0x100, v3;
	v39 =	vshll.u32 v31, $0x3;
	v24 =	vld.idx.msk [tilespmem:v24+s13+$0x0], $0xffff;
	[tilespmem:v43+s15+$0x0] =	vst.idx.msk vm9, v40  }
0x4b3: {  	v41 =	vor.u32 $0x280, v5;
	v40 =	vor.u32 $0x180, v17;
	v37 =	vld [tilespmem:s0+$0xFFFFFF60];
	v39 =	vand.u32 $0xFFFFFC00, v39  }
0x4b4: {  	v31 =	vand.u32 $0x7F, v31;
	[tilespmem:v34+s15+$0x0] =	vst.idx.msk vm7, v23;
	v34 =	vor.u32 $0x300, v4;
	v42 =	vld.idx.msk [tilespmem:v7+s13+$0x0], $0xffff;
	v7 =	vmovc v13;
	v13 =	vmov v28  }
0x4b5: {  	s6 =	sshll.u32 s3, $0xB;
	s3 =	smov.u32 s5;
	v31 =	vor.u32 v31, v39;
	v23 =	vshll.u32 v33, $0x3;
	v28 =	vld.idx.msk [tilespmem:v25+s13+$0x0], $0xffff;
	[tilespmem:v18+s15+$0x0] =	vst.idx.msk vm8, v32;
	v18 =	vmov v30  }
0x4b6: {  	s7 =	sadd.s32 $0x800, s6;
	v32 =	vor.u32 $0x80, v31;
	v25 =	vor.u32 $0x100, v31;
	v23 =	vand.u32 $0xFFFFFC00, v23;
	v30 =	vld.idx.msk [tilespmem:v16+s13+$0x0], $0xffff;
	v16 =	vmovc v29  }
0x4b7: {  	vm6 =	vlt.s32 v33, $0x90;
	v33 =	vand.u32 $0x7F, v33;
	v29 =	vld.idx.msk [tilespmem:v44+s13+$0x0], $0xffff;
	v23 =	vadd.s32 s7, v23;
	[tilespmem:v35+s15+$0x0] =	vst.idx.msk vm0, v38  }
0x4b8: {  	v35 =	vand.u32 $0x7F, v37;
	v38 =	vshll.u32 v37, $0x3;
	v23 =	vor.u32 v33, v23;
	v39 =	vld.idx.msk [tilespmem:v40+s13+$0x0], $0xffff;
	[tilespmem:v41+s15+$0x0] =	vst.idx.msk vm3, v24  }
0x4b9: {  	v46 =	vor.u32 $0x180, v3;
	v24 =	vand.u32 $0xFFFFFC00, v38;
	v38 =	vor.u32 $0x80, v44;
	v47 =	vld.idx.msk [tilespmem:v34+s13+$0x0], $0xffff  }
0x4ba: {  	v48 =	vor.u32 $0x200, v17;
	v49 =	vor.u32 $0x300, v5;
	v43 =	vld.idx.msk [tilespmem:v31+s13+$0x0], $0xffff;
	v24 =	vadd.s32 s6, v24;
	[tilespmem:v9+s15+$0x0] =	vst.idx.msk vm4, v42;
	v9 =	vmovc v14  }
.Ltmp8:
0x4bb: {  	vm7 =	vlt.s32 v37, $0x90;
	v40 =	vor.u32 $0x380, v4;
	v24 =	vor.u32 v35, v24;
	[tilespmem:v27+s15+$0x0] =	vst.idx.msk vm1, v28;
	v41 =	vld.idx.msk [tilespmem:v12+s13+$0x0], $0xffff;
	(pc) =	sbr.rel @p1 .LBB2_19-.Ltmp8, $4  }
0x4bc: {  	s1 =	sadd.s32 $0x140, s1;
	v4 =	vmovc v17;
	v34 =	vor.u32 $0x80, v24;
	v27 =	vor.u32 $0x100, v24;
	v42 =	vld.idx.msk [tilespmem:v26+s13+$0x0], $0xffff;
	v26 =	vor.u32 $0x180, v31;
	[tilespmem:v15+s15+$0x0] =	vst.idx.msk vm2, v30  }
0x4bd: {  	v33 =	vor.u32 $0x200, v31;
	v17 =	vmovc v44;
	v35 =	vor.u32 $0x180, v24;
	v30 =	vor.u32 $0x200, v24;
	v15 =	vmovc v22;
	v37 =	vld [tilespmem:s1+$0x0];
	[tilespmem:v23+s15+$0x0] =	vst.idx.msk vm6, v29  }
0x4be: {  	v14 =	vmovc v21;
	v28 =	vor.u32 $0x300, v31;
	v22 =	vor.u32 $0x280, v24;
	v29 =	vor.u32 $0x280, v31;
	v45 =	vld.idx.msk [tilespmem:v38+s13+$0x0], $0xffff;
	[tilespmem:v46+s15+$0x0] =	vst.idx.msk vm0, v39  }
0x4bf: {  	s5 =	sadd.s32 $0x2, s5;
	v12 =	vmovc v36;
	v21 =	vor.u32 $0x300, v24;
	v31 =	vor.u32 $0x380, v31;
	v46 =	vor.u32 $0x80, v23;
	v44 =	vld.idx.msk [tilespmem:v48+s13+$0x0], $0xffff;
	[tilespmem:v49+s15+$0x0] =	vst.idx.msk vm3, v47  }
0x4c0: {  	v36 =	vld [tilespmem:s1+$0xFFFFFF60];
	_ =	sdelay $0x1  }
0x4c1: {  	s0 =	sadd.s32 $0x140, s0  }
0x4c2: {  	v39 =	vld [tilespmem:s0+$0x0]  }
0x4c3: {  	v47 =	vld [tilespmem:s0+$0xFFFFFF60];
	v38 =	vshll.u32 v37, $0x3  }
0x4c4: {  	v54 =	vand.u32 $0x7F, v37;
	v38 =	vand.u32 $0xFFFFFC00, v38;
	v48 =	vshll.u32 v36, $0x3  }
0x4c5: {  	v37 =	vor.u32 v54, v38;
	v36 =	vand.u32 $0x7F, v36;
	v55 =	vand.u32 $0xFFFFFC00, v48  }
0x4c6: {  	v38 =	vor.u32 v36, v55  }
0x4c7: {  	s8 =	sshll.u32 s3, $0xB;
	v56 =	vshll.u32 v39, $0x3;
	vm9 =	vlt.s32 v39, $0x90  }
0x4c8: {  	s9 =	sadd.s32 $0x800, s8;
	v39 =	vand.u32 $0x7F, v39;
	v57 =	vshll.u32 v47, $0x3;
	v36 =	vand.u32 $0xFFFFFC00, v56  }
0x4c9: {  	v49 =	vand.u32 $0x7F, v47;
	v48 =	vand.u32 $0xFFFFFC00, v57;
	v36 =	vadd.s32 s9, v36  }
0x4ca: {  	vm10 =	vlt.s32 v47, $0x90;
	v58 =	vadd.s32 s8, v48;
	v50 =	vld.idx.msk [tilespmem:v37+s13+$0x0], $0xffff;
	v36 =	vor.u32 v39, v36  }
0x4cb: {  	v59 =	vor.u32 $0x80, v37;
	v39 =	vor.u32 v49, v58;
	v60 =	vld.idx.msk [tilespmem:v38+s13+$0x0], $0xffff  }
0x4cc: {  	v61 =	vor.u32 $0x80, v38;
	_ =	sdelay $0x1  }
0x4cd: {  	[tilespmem:v24+s15+$0x0] =	vst.idx.msk vm7, v43;
	vm8 =	vmmov vm7  }
0x4ce: {  	v62 =	vor.u32 $0x100, v17;
	v32 =	vld.idx.msk [tilespmem:v32+s13+$0x0], $0xffff;
	[tilespmem:v36+s15+$0x0] =	vst.idx.msk vm9, v50  }
0x4cf: {  	v63 =	vor.u32 $0x80, v36;
	v47 =	vld.idx.msk [tilespmem:v59+s13+$0x0], $0xffff;
	[tilespmem:v39+s15+$0x0] =	vst.idx.msk vm10, v60  }
0x4d0: {  	v51 =	vor.u32 $0x100, v37;
	v54 =	vor.u32 $0x80, v39;
	v49 =	vld.idx.msk [tilespmem:v61+s13+$0x0], $0xffff  }
0x4d1: {  	[tilespmem:v11+s15+$0x0] =	vst.idx.msk vm4, v41;
	vm14 =	vmmov vm3;
	v11 =	vor.u32 $0x100, v38  }
0x4d2: {  	v40 =	vld.idx.msk [tilespmem:v40+s13+$0x0], $0xffff;
	v5 =	vor.u32 $0x380, v5;
	[tilespmem:v46+s15+$0x0] =	vst.idx.msk vm6, v45;
	vm6 =	vmmov vm6  }
0x4d3: {  	[tilespmem:v34+s15+$0x0] =	vst.idx.msk vm8, v32;
	v56 =	vld.idx.msk [tilespmem:v62+s13+$0x0], $0xffff;
	v57 =	vor.u32 $0x100, v23  }
0x4d4: {  	v25 =	vld.idx.msk [tilespmem:v25+s13+$0x0], $0xffff;
	vm4 =	vmmov vm9;
	v58 =	vor.u32 $0x180, v17;
	[tilespmem:v63+s15+$0x0] =	vst.idx.msk vm9, v47  }
0x4d5: {  	v60 =	vor.u32 $0x100, v36;
	v59 =	vld.idx.msk [tilespmem:v51+s13+$0x0], $0xffff;
	[tilespmem:v54+s15+$0x0] =	vst.idx.msk vm10, v49  }
0x4d6: {  	vm3 =	vmmov vm1;
	[tilespmem:v20+s15+$0x0] =	vst.idx.msk vm1, v42;
	v20 =	vor.u32 $0x100, v39;
	v61 =	vor.u32 $0x180, v37;
	v11 =	vld.idx.msk [tilespmem:v11+s13+$0x0], $0xffff  }
0x4d7: {  	v19 =	vld.idx.msk [tilespmem:v19+s13+$0x0], $0xffff;
	[tilespmem:v5+s15+$0x0] =	vst.idx.msk vm14, v40;
	v62 =	vor.u32 $0x180, v38  }
0x4d8: {  	v55 =	vor.u32 $0x200, v3;
	[tilespmem:v57+s15+$0x0] =	vst.idx.msk vm6, v56  }
0x4d9: {  	[tilespmem:v27+s15+$0x0] =	vst.idx.msk vm8, v25;
	v32 =	vld.idx.msk [tilespmem:v58+s13+$0x0], $0xffff;
	v63 =	vor.u32 $0x280, v4;
	v47 =	vor.u32 $0x180, v23  }
0x4da: {  	v25 =	vor.u32 $0x200, v17;
	v26 =	vld.idx.msk [tilespmem:v26+s13+$0x0], $0xffff;
	[tilespmem:v60+s15+$0x0] =	vst.idx.msk vm4, v59  }
0x4db: {  	vm7 =	vmmov vm10;
	v48 =	vor.u32 $0x180, v36;
	v27 =	vld.idx.msk [tilespmem:v61+s13+$0x0], $0xffff;
	[tilespmem:v20+s15+$0x0] =	vst.idx.msk vm10, v11  }
0x4dc: {  	[tilespmem:v18+s15+$0x0] =	vst.idx.msk vm3, v19;
	v5 =	vor.u32 $0x180, v39;
	v11 =	vor.u32 $0x200, v37;
	v20 =	vld.idx.msk [tilespmem:v62+s13+$0x0], $0xffff  }
0x4dd: {  	vm0 =	vmmov vm0;
	v7 =	vld.idx.msk [tilespmem:v7+s13+$0x0], $0xffff;
	v18 =	vor.u32 $0x200, v38;
	[tilespmem:v55+s15+$0x0] =	vst.idx.msk vm5, v44  }
0x4de: {  	v50 =	vor.u32 $0x280, v3;
	v49 =	vld.idx.msk [tilespmem:v63+s13+$0x0], $0xffff;
	[tilespmem:v47+s15+$0x0] =	vst.idx.msk vm6, v32  }
0x4df: {  	v19 =	vor.u32 $0x300, v4;
	vm5 =	vmmov vm8;
	[tilespmem:v35+s15+$0x0] =	vst.idx.msk vm8, v26;
	v51 =	vor.u32 $0x200, v23;
	v25 =	vld.idx.msk [tilespmem:v25+s13+$0x0], $0xffff  }
0x4e0: {  	v26 =	vor.u32 $0x280, v17;
	v33 =	vld.idx.msk [tilespmem:v33+s13+$0x0], $0xffff;
	[tilespmem:v48+s15+$0x0] =	vst.idx.msk vm4, v27  }
0x4e1: {  	v27 =	vor.u32 $0x200, v36;
	v11 =	vld.idx.msk [tilespmem:v11+s13+$0x0], $0xffff;
	[tilespmem:v5+s15+$0x0] =	vst.idx.msk vm7, v20;
	vm7 =	vmmov vm7  }
0x4e2: {  	[tilespmem:v9+s15+$0x0] =	vst.idx.msk vm2, v7;
	vm8 =	vmmov vm3;
	v5 =	vor.u32 $0x200, v39;
	v20 =	vor.u32 $0x280, v37;
	v18 =	vld.idx.msk [tilespmem:v18+s13+$0x0], $0xffff  }
0x4e3: {  	v16 =	vld.idx.msk [tilespmem:v16+s13+$0x0], $0xffff;
	v7 =	vor.u32 $0x280, v38;
	[tilespmem:v50+s15+$0x0] =	vst.idx.msk vm0, v49  }
0x4e4: {  	vm1 =	vmmov vm2;
	vm2 =	vmmov vm6;
	v9 =	vld.idx.msk [tilespmem:v19+s13+$0x0], $0xffff;
	v19 =	vor.u32 $0x300, v3;
	[tilespmem:v51+s15+$0x0] =	vst.idx.msk vm6, v25  }
0x4e5: {  	[tilespmem:v30+s15+$0x0] =	vst.idx.msk vm5, v33;
	v25 =	vld.idx.msk [tilespmem:v26+s13+$0x0], $0xffff;
	v26 =	vor.u32 $0x280, v23  }
0x4e6: {  	vm3 =	vmmov vm4;
	v30 =	vor.u32 $0x300, v17;
	v29 =	vld.idx.msk [tilespmem:v29+s13+$0x0], $0xffff;
	[tilespmem:v27+s15+$0x0] =	vst.idx.msk vm4, v11  }
0x4e7: {  	v11 =	vld.idx.msk [tilespmem:v20+s13+$0x0], $0xffff;
	v20 =	vor.u32 $0x280, v36;
	[tilespmem:v5+s15+$0x0] =	vst.idx.msk vm7, v18  }
0x4e8: {  	[tilespmem:v15+s15+$0x0] =	vst.idx.msk vm8, v16;
	v15 =	vor.u32 $0x300, v37;
	v5 =	vor.u32 $0x280, v39;
	v7 =	vld.idx.msk [tilespmem:v7+s13+$0x0], $0xffff  }
0x4e9: {  	v12 =	vld.idx.msk [tilespmem:v12+s13+$0x0], $0xffff;
	v16 =	vor.u32 $0x300, v38;
	[tilespmem:v19+s15+$0x0] =	vst.idx.msk vm0, v9  }
0x4ea: {  	v4 =	vor.u32 $0x380, v4;
	vm6 =	vmmov vm5;
	v9 =	vld.idx.msk [tilespmem:v13+s13+$0x0], $0xffff;
	[tilespmem:v26+s15+$0x0] =	vst.idx.msk vm2, v25  }
0x4eb: {  	[tilespmem:v22+s15+$0x0] =	vst.idx.msk vm5, v29;
	vm5 =	vmmov vm6;
	v13 =	vld.idx.msk [tilespmem:v30+s13+$0x0], $0xffff;
	v18 =	vor.u32 $0x300, v23  }
0x4ec: {  	v17 =	vor.u32 $0x380, v17;
	v19 =	vld.idx.msk [tilespmem:v28+s13+$0x0], $0xffff;
	[tilespmem:v20+s15+$0x0] =	vst.idx.msk vm3, v11  }
0x4ed: {  	vm15 =	vmmov vm7;
	v11 =	vld.idx.msk [tilespmem:v15+s13+$0x0], $0xffff;
	v15 =	vor.u32 $0x300, v36;
	[tilespmem:v5+s15+$0x0] =	vst.idx.msk vm7, v7  }
0x4ee: {  	[tilespmem:v6+s15+$0x0] =	vst.idx.msk vm1, v12;
	v6 =	vor.u32 $0x380, v37;
	vm0 =	vmmov vm0;
	v5 =	vor.u32 $0x300, v39;
	v7 =	vld.idx.msk [tilespmem:v16+s13+$0x0], $0xffff  }
0x4ef: {  	v12 =	vor.u32 $0x380, v38;
	v3 =	vor.u32 $0x380, v3;
	v4 =	vld.idx.msk [tilespmem:v4+s13+$0x0], $0xffff;
	[tilespmem:v14+s15+$0x0] =	vst.idx.msk vm8, v9  }
0x4f0: {  	vm1 =	vmmov vm2;
	v9 =	vld.idx.msk [tilespmem:v10+s13+$0x0], $0xffff;
	[tilespmem:v18+s15+$0x0] =	vst.idx.msk vm2, v13  }
0x4f1: {  	[tilespmem:v21+s15+$0x0] =	vst.idx.msk vm5, v19;
	v13 =	vor.u32 $0x380, v23;
	v10 =	vld.idx.msk [tilespmem:v17+s13+$0x0], $0xffff  }
0x4f2: {  	v14 =	vor.u32 $0x380, v24;
	v16 =	vld.idx.msk [tilespmem:v31+s13+$0x0], $0xffff;
	[tilespmem:v15+s15+$0x0] =	vst.idx.msk vm3, v11  }
0x4f3: {  	v11 =	vor.u32 $0x380, v36;
	v6 =	vld.idx.msk [tilespmem:v6+s13+$0x0], $0xffff;
	[tilespmem:v5+s15+$0x0] =	vst.idx.msk vm15, v7  }
0x4f4: {  	[tilespmem:v3+s15+$0x0] =	vst.idx.msk vm0, v4;
	v5 =	vor.u32 $0x380, v39;
	v3 =	vld.idx.msk [tilespmem:v12+s13+$0x0], $0xffff  }
0x4f5: {  	[tilespmem:v8+s15+$0x0] =	vst.idx.msk vm8, v9  }
0x4f6: {  	[tilespmem:v13+s15+$0x0] =	vst.idx.msk vm1, v10  }
0x4f7: {  	[tilespmem:v14+s15+$0x0] =	vst.idx.msk vm5, v16  }
0x4f8: {  	[tilespmem:v11+s15+$0x0] =	vst.idx.msk vm3, v6  }
0x4f9: {  	[tilespmem:v5+s15+$0x0] =	vst.idx.msk vm15, v3  }
0x4fa: {  	s10 =	sadd.s32 $0x3000000, s28;
	_ =	swait.ge [sflag:s16], $0x4000  }
0x4fb: {  	s0 =	sshrl.u32 s10, $0x3;
	[sflag:s16] =	ssyncset.done $0x0  }
0x4fc: {  	s11 =	simm.s32 $0x0;
	s0 =	sadd.s32 s20, s0;
	[sflag:s16] =	ssyncadd.s32 $0xFFFFC000  }
0x4fd: {  	[tilespmem:s13], [sflag:$0x1] =	stream.linear.gather [hbm4b:s0+s11], $0x4000, $0x38;
	[tilespmem:$0x1D400] =	vst v63  }
0x4fe: {  	v3 =	vld [tilespmem:s31+$0x0];
	_ =	sdelay $0x2  }
0x4ff: {  	v4 =	vld [tilespmem:s31+$0xFFFFFF60]  }
0x500: {  	v5 =	vld [tilespmem:s30+$0x0]  }
0x501: {  	v6 =	vshll.u32 v3, $0x3  }
0x502: {  	v3 =	vand.u32 $0x7F, v3;
	v6 =	vand.u32 $0xFFFFFC00, v6  }
0x503: {  	v6 =	vor.u32 v3, v6  }
0x504: {  	v7 =	vshll.u32 v4, $0x3;
	v3 =	vld [tilespmem:s30+$0xFFFFFF60]  }
0x505: {  	v4 =	vand.u32 $0x7F, v4;
	v8 =	vshll.u32 v5, $0x3;
	v7 =	vand.u32 $0xFFFFFC00, v7  }
0x506: {  	s18 =	simm.s32 $0x800;
	v4 =	vor.u32 v4, v7;
	v7 =	vand.u32 $0xFFFFFC00, v8  }
0x507: {  	vm0 =	vlt.s32 v5, $0x90;
	v5 =	vand.u32 $0x7F, v5;
	v7 =	vadd.s32 s18, v7  }
0x508: {  	s22 =	sadd.s32 $0x140, s31;
	v17 =	vor.u32 v5, v7;
	v8 =	vld.idx.msk [tilespmem:v6+s14+$0x0], $0xffff  }
0x509: {  	v10 =	vld [tilespmem:s22+$0x0];
	v7 =	vor.u32 $0x80, v6;
	v9 =	vshll.u32 v3, $0x3  }
0x50a: {  	s21 =	simm.s32 $0x0;
	s23 =	sadd.s32 $0x140, s30;
	v12 =	vld [tilespmem:s22+$0xFFFFFF60];
	v5 =	vand.u32 $0xFFFFFC00, v9  }
0x50b: {  	v13 =	vld [tilespmem:s23+$0x0];
	vm1 =	vlt.s32 v3, $0x90;
	v9 =	vand.u32 $0x7F, v3;
	v5 =	vadd.s32 s21, v5  }
0x50c: {  	s1 =	sadd.s32 $0x140, s22;
	v3 =	vld.idx.msk [tilespmem:v4+s14+$0x0], $0xffff;
	v9 =	vor.u32 v9, v5  }
0x50d: {  	v54 =	vld [tilespmem:s1+$0xFFFFFF60];
	v5 =	vor.u32 $0x80, v4;
	[tilespmem:v17+s15+$0x0] =	vst.idx.msk vm0, v8  }
0x50e: {  	v8 =	vor.u32 $0x80, v17;
	v7 =	vld.idx.msk [tilespmem:v7+s14+$0x0], $0xffff  }
0x50f: {  	v11 =	vor.u32 $0x100, v6  }
0x510: {  	vm6 =	vmmov vm15;
	vm4 =	vmmov vm8;
	vm2 =	vmmov vm3  }
0x511: {  	v16 =	vshll.u32 v10, $0x3;
	v18 =	vshll.u32 v12, $0x3;
	vm2 =	vmmov vm1;
	[tilespmem:v9+s15+$0x0] =	vst.idx.msk vm1, v3  }
0x512: {  	v12 =	vand.u32 $0x7F, v12;
	v18 =	vand.u32 $0xFFFFFC00, v18;
	v3 =	vld.idx.msk [tilespmem:v5+s14+$0x0], $0xffff;
	v5 =	vor.u32 $0x80, v9  }
0x513: {  	vm4 =	vlt.s32 v13, $0x90;
	v35 =	vand.u32 $0x7F, v54;
	v12 =	vor.u32 v12, v18;
	[tilespmem:v8+s15+$0x0] =	vst.idx.msk vm0, v7  }
0x514: {  	v14 =	vor.u32 $0x100, v4;
	v7 =	vand.u32 $0x7F, v10;
	v8 =	vand.u32 $0xFFFFFC00, v16;
	v10 =	vld.idx.msk [tilespmem:v11+s14+$0x0], $0xffff  }
0x515: {  	v19 =	vor.u32 $0x180, v6;
	v21 =	vor.u32 v7, v8;
	v7 =	vor.u32 $0x100, v17;
	v8 =	vld [tilespmem:s23+$0xFFFFFF60]  }
0x516: {  	v20 =	vor.u32 $0x200, v4;
	v26 =	vor.u32 $0x200, v6;
	v29 =	vor.u32 $0x280, v4  }
0x517: {  	v23 =	vor.u32 $0x300, v4;
	v22 =	vor.u32 $0x380, v4;
	[tilespmem:v5+s15+$0x0] =	vst.idx.msk vm2, v3;
	v3 =	vshll.u32 v13, $0x3  }
0x518: {  	s24 =	simm.s32 $0x1800;
	v52 =	vor.u32 $0x200, v12;
	v15 =	vor.u32 $0x100, v9;
	v3 =	vand.u32 $0xFFFFFC00, v3  }
0x519: {  	vm1 =	vmmov vm0;
	v5 =	vand.u32 $0x7F, v13;
	v14 =	vld.idx.msk [tilespmem:v14+s14+$0x0], $0xffff;
	v3 =	vadd.s32 s24, v3  }
0x51a: {  	v11 =	vor.u32 $0x180, v4;
	v13 =	vld.idx.msk [tilespmem:v21+s14+$0x0], $0xffff;
	[tilespmem:v7+s15+$0x0] =	vst.idx.msk vm0, v10;
	v10 =	vshll.u32 v8, $0x3;
	v5 =	vor.u32 v5, v3  }
0x51b: {  	s25 =	simm.s32 $0x1000;
	v18 =	vor.u32 $0x80, v21;
	v3 =	vld.idx.msk [tilespmem:v19+s14+$0x0], $0xffff;
	v10 =	vand.u32 $0xFFFFFC00, v10;
	v19 =	vor.u32 $0x180, v17  }
0x51c: {  	v7 =	vand.u32 $0x7F, v8;
	vm0 =	vlt.s32 v8, $0x90;
	v10 =	vadd.s32 s25, v10  }
0x51d: {  	v55 =	vor.u32 $0x280, v6;
	v59 =	vor.u32 $0x300, v6;
	v27 =	vld.idx.msk [tilespmem:v12+s14+$0x0], $0xffff;
	v10 =	vor.u32 v7, v10  }
0x51e: {  	v53 =	vor.u32 $0x200, v17;
	v58 =	vor.u32 $0x280, v17;
	v4 =	vld [tilespmem:s1+$0x0];
	[tilespmem:v15+s15+$0x0] =	vst.idx.msk vm2, v14;
	v7 =	vor.u32 $0x80, v12  }
0x51f: {  	v63 =	vor.u32 $0x300, v17;
	vm5 =	vmmov vm2;
	v16 =	vor.u32 $0x180, v9;
	v14 =	vld.idx.msk [tilespmem:v11+s14+$0x0], $0xffff;
	[tilespmem:v5+s15+$0x0] =	vst.idx.msk vm4, v13  }
0x520: {  	v25 =	vor.u32 $0x280, v9;
	vm3 =	vmmov vm1;
	v15 =	vld.idx.msk [tilespmem:v18+s14+$0x0], $0xffff;
	[tilespmem:v19+s15+$0x0] =	vst.idx.msk vm1, v3;
	v3 =	vor.u32 $0x80, v5  }
0x521: {  	v24 =	vor.u32 $0x300, v9;
	vm7 =	vmmov vm3;
	v31 =	vor.u32 $0x100, v21  }
0x522: {  	v57 =	vor.u32 $0x180, v21;
	v62 =	vor.u32 $0x200, v21;
	v40 =	vor.u32 $0x380, v21;
	v30 =	vld.idx.msk [tilespmem:v26+s14+$0x0], $0xffff;
	[tilespmem:v10+s15+$0x0] =	vst.idx.msk vm0, v27  }
0x523: {  	s0 =	sadd.s32 $0x140, s23;
	v8 =	vor.u32 $0x200, v9;
	v61 =	vor.u32 $0x180, v5;
	vm0 =	vmmov vm0;
	v56 =	vld.idx.msk [tilespmem:v7+s14+$0x0], $0xffff  }
0x524: {  	v11 =	vor.u32 $0x380, v9;
	v9 =	vor.u32 $0x80, v10;
	v32 =	vor.u32 $0x180, v10;
	[tilespmem:v16+s15+$0x0] =	vst.idx.msk vm2, v14;
	v14 =	vld [tilespmem:s0+$0x0]  }
0x525: {  	v28 =	vor.u32 $0x280, v10;
	v13 =	vor.u32 $0x100, v12;
	v16 =	vld.idx.msk [tilespmem:v20+s14+$0x0], $0xffff;
	v20 =	vshll.u32 v4, $0x3;
	[tilespmem:v3+s15+$0x0] =	vst.idx.msk vm4, v15  }
0x526: {  	vm2 =	vmmov vm4;
	v3 =	vand.u32 $0x7F, v4;
	v4 =	vand.u32 $0xFFFFFC00, v20;
	v15 =	vld.idx.msk [tilespmem:v31+s14+$0x0], $0xffff  }
0x527: {  	v18 =	vor.u32 $0x100, v10;
	[tilespmem:v53+s15+$0x0] =	vst.idx.msk vm1, v30;
	v4 =	vor.u32 v3, v4;
	v3 =	vor.u32 $0x100, v5;
	v30 =	vld [tilespmem:s0+$0xFFFFFF60]  }
0x528: {  	s1 =	sadd.s32 $0x140, s1;
	v19 =	vor.u32 $0x180, v12;
	v26 =	vor.u32 $0x200, v10;
	v20 =	vshll.u32 v54, $0x3;
	v31 =	vld.idx.msk [tilespmem:v55+s14+$0x0], $0xffff  }
0x529: {  	v27 =	vor.u32 $0x280, v12;
	v20 =	vand.u32 $0xFFFFFC00, v20;
	[tilespmem:v9+s15+$0x0] =	vst.idx.msk vm0, v56;
	v60 =	vshll.u32 v14, $0x3;
	v56 =	vld [tilespmem:s1+$0x0]  }
0x52a: {  	s26 =	simm.s32 $0x2800;
	v35 =	vor.u32 v35, v20;
	vm4 =	vlt.s32 v14, $0x90;
	v13 =	vld.idx.msk [tilespmem:v13+s14+$0x0], $0xffff;
	[tilespmem:v8+s15+$0x0] =	vst.idx.msk vm5, v16;
	v8 =	vand.u32 $0xFFFFFC00, v60  }
0x52b: {  	v14 =	vand.u32 $0x7F, v14;
	vm5 =	vmmov vm5;
	v60 =	vld [tilespmem:s1+$0xFFFFFF60];
	v8 =	vadd.s32 s26, v8  }
0x52c: {  	v7 =	vor.u32 $0x300, v12;
	v29 =	vld.idx.msk [tilespmem:v29+s14+$0x0], $0xffff;
	[tilespmem:v3+s15+$0x0] =	vst.idx.msk vm2, v15;
	v3 =	vor.u32 v14, v8;
	v8 =	vshll.u32 v30, $0x3  }
0x52d: {  	s29 =	simm.s32 $0x2000;
	v12 =	vor.u32 $0x380, v12;
	v16 =	vld.idx.msk [tilespmem:v4+s14+$0x0], $0xffff;
	v15 =	vand.u32 $0x7F, v30;
	v8 =	vand.u32 $0xFFFFFC00, v8  }
0x52e: {  	v14 =	vld.idx.msk [tilespmem:v57+s14+$0x0], $0xffff;
	[tilespmem:v58+s15+$0x0] =	vst.idx.msk vm1, v31;
	v31 =	vor.u32 $0x80, v4;
	vm1 =	vlt.s32 v30, $0x90;
	v8 =	vadd.s32 s29, v8  }
0x52f: {  	vm6 =	vmmov vm0;
	v54 =	vor.u32 $0x180, v4;
	v48 =	vld.idx.msk [tilespmem:v35+s14+$0x0], $0xffff;
	[tilespmem:v18+s15+$0x0] =	vst.idx.msk vm0, v13;
	v8 =	vor.u32 v15, v8  }
0x530: {  	v55 =	vor.u32 $0x280, v5;
	v9 =	vor.u32 $0x300, v10;
	v49 =	vor.u32 $0x80, v35;
	v30 =	vld.idx.msk [tilespmem:v19+s14+$0x0], $0xffff  }
0x531: {  	s0 =	sadd.s32 $0x140, s0;
	v50 =	vor.u32 $0x100, v35;
	v45 =	vor.u32 $0x180, v35;
	v57 =	vor.u32 $0x80, v3;
	v36 =	vld.idx.msk [tilespmem:v59+s14+$0x0], $0xffff;
	[tilespmem:v25+s15+$0x0] =	vst.idx.msk vm5, v29  }
0x532: {  	v58 =	vor.u32 $0x100, v4;
	v59 =	vor.u32 $0x200, v5;
	v13 =	vor.u32 $0x380, v6;
	v29 =	vld [tilespmem:s0+$0xFFFFFF60];
	[tilespmem:v3+s15+$0x0] =	vst.idx.msk vm4, v16  }
0x533: {  	v6 =	vor.u32 $0x380, v10;
	v10 =	vor.u32 $0x380, v35;
	v51 =	vor.u32 $0x80, v8;
	v31 =	vld.idx.msk [tilespmem:v31+s14+$0x0], $0xffff;
	[tilespmem:v61+s15+$0x0] =	vst.idx.msk vm2, v14  }
0x534: {  	v44 =	vor.u32 $0x100, v8;
	v20 =	vor.u32 $0x180, v8;
	v19 =	vor.u32 $0x200, v35;
	v37 =	vld.idx.msk [tilespmem:v62+s14+$0x0], $0xffff;
	[tilespmem:v8+s15+$0x0] =	vst.idx.msk vm1, v48  }
0x535: {  	v18 =	vor.u32 $0x200, v8;
	v15 =	vor.u32 $0x280, v8;
	v25 =	vshll.u32 v60, $0x3;
	v62 =	vld.idx.msk [tilespmem:v49+s14+$0x0], $0xffff;
	[tilespmem:v32+s15+$0x0] =	vst.idx.msk vm0, v30  }
0x536: {  	v16 =	vor.u32 $0x280, v35;
	v61 =	vor.u32 $0x280, v21;
	vm1 =	vmmov vm1;
	v30 =	vld.idx.msk [tilespmem:v52+s14+$0x0], $0xffff  }
0x537: {  	v25 =	vand.u32 $0xFFFFFC00, v25;
	v14 =	vor.u32 $0x300, v8;
	[tilespmem:v63+s15+$0x0] =	vst.idx.msk vm3, v36;
	v63 =	vor.u32 $0x380, v17;
	v52 =	vld [tilespmem:s0+$0x0]  }
0x538: {  	vm3 =	vmmov vm2;
	v17 =	vshll.u32 v56, $0x3;
	v46 =	vld.idx.msk [tilespmem:v13+s14+$0x0], $0xffff;
	v13 =	vor.u32 $0x300, v35;
	[tilespmem:v57+s15+$0x0] =	vst.idx.msk vm4, v31  }
0x539: {  	v17 =	vand.u32 $0xFFFFFC00, v17;
	vm0 =	vmmov vm4;
	v31 =	vand.u32 $0x7F, v56;
	v34 =	vld.idx.msk [tilespmem:v58+s14+$0x0], $0xffff  }
0x53a: {  	v8 =	vor.u32 $0x380, v8;
	[tilespmem:v59+s15+$0x0] =	vst.idx.msk vm2, v37;
	v17 =	vor.u32 v31, v17;
	v31 =	vor.u32 $0x100, v3;
	v58 =	vld.idx.msk [tilespmem:v23+s14+$0x0], $0xffff  }
0x53b: {  	s1 =	sadd.s32 $0x140, s1;
	vm4 =	vmmov vm5;
	v56 =	vand.u32 $0x7F, v60;
	v57 =	vor.u32 $0x300, v21;
	v53 =	vld.idx.msk [tilespmem:v61+s14+$0x0], $0xffff  }
0x53c: {  	vm2 =	vmmov vm6;
	v47 =	vor.u32 v56, v25;
	v37 =	vld [tilespmem:s1+$0x0];
	[tilespmem:v51+s15+$0x0] =	vst.idx.msk vm1, v62;
	v23 =	vshll.u32 v52, $0x3  }
0x53d: {  	s30 =	simm.s32 $0x3800;
	v32 =	vor.u32 $0x80, v47;
	v25 =	vor.u32 $0x100, v47;
	v41 =	vld.idx.msk [tilespmem:v50+s14+$0x0], $0xffff;
	[tilespmem:v26+s15+$0x0] =	vst.idx.msk vm6, v30;
	v23 =	vand.u32 $0xFFFFFC00, v23  }
0x53e: {  	[tilespmem:v63+s15+$0x0] =	vst.idx.msk vm7, v46;
	vm6 =	vlt.s32 v52, $0x90;
	v26 =	vand.u32 $0x7F, v52;
	v30 =	vld.idx.msk [tilespmem:v27+s14+$0x0], $0xffff;
	v23 =	vadd.s32 s30, v23  }
0x53f: {  	v61 =	vor.u32 $0x180, v3;
	v59 =	vld.idx.msk [tilespmem:v17+s14+$0x0], $0xffff;
	[tilespmem:v31+s15+$0x0] =	vst.idx.msk vm0, v34;
	v31 =	vshll.u32 v29, $0x3;
	v23 =	vor.u32 v26, v23  }
0x540: {  	v63 =	vor.u32 $0x300, v5;
	v60 =	vld.idx.msk [tilespmem:v54+s14+$0x0], $0xffff;
	[tilespmem:v55+s15+$0x0] =	vst.idx.msk vm3, v53;
	v26 =	vand.u32 $0xFFFFFC00, v31;
	v31 =	vor.u32 $0x80, v17  }
0x541: {  	s31 =	simm.s32 $0x3000;
	vm7 =	vlt.s32 v29, $0x90;
	v33 =	vor.u32 $0x200, v47;
	v62 =	vor.u32 $0x200, v4;
	[tilespmem:v24+s15+$0x0] =	vst.idx.msk vm5, v58;
	v38 =	vld.idx.msk [tilespmem:v57+s14+$0x0], $0xffff  }
0x542: {  	v27 =	vand.u32 $0x7F, v29;
	v43 =	vld.idx.msk [tilespmem:v47+s14+$0x0], $0xffff;
	v29 =	vor.u32 $0x280, v47;
	v26 =	vadd.s32 s31, v26;
	[tilespmem:v44+s15+$0x0] =	vst.idx.msk vm1, v41  }
0x543: {  	vm5 =	vmmov vm0;
	v46 =	vor.u32 $0x80, v23;
	v24 =	vor.u32 v27, v26;
	v41 =	vld.idx.msk [tilespmem:v22+s14+$0x0], $0xffff;
	[tilespmem:v28+s15+$0x0] =	vst.idx.msk vm2, v30  }
0x544: {  	v26 =	vor.u32 $0x180, v47;
	v34 =	vor.u32 $0x80, v24;
	v27 =	vor.u32 $0x100, v24;
	v42 =	vld.idx.msk [tilespmem:v45+s14+$0x0], $0xffff;
	[tilespmem:v23+s15+$0x0] =	vst.idx.msk vm6, v59  }
0x545: {  	v35 =	vor.u32 $0x180, v24;
	v30 =	vor.u32 $0x200, v24;
	v22 =	vor.u32 $0x280, v24;
	[tilespmem:v61+s15+$0x0] =	vst.idx.msk vm0, v60;
	v45 =	vld.idx.msk [tilespmem:v31+s14+$0x0], $0xffff  }
0x546: {  	s3 =	simm.s32 $0x8;
	s5 =	simm.s32 $0xA;
	v28 =	vor.u32 $0x300, v47;
	v21 =	vor.u32 $0x300, v24;
	v31 =	vor.u32 $0x380, v47;
	v44 =	vld.idx.msk [tilespmem:v62+s14+$0x0], $0xffff;
	[tilespmem:v63+s15+$0x0] =	vst.idx.msk vm3, v38  }
.LBB2_21:
0x547: {  	v38 =	vor.u32 $0x380, v24  }
0x548: {  	p1 =	slt.u32 s5, $0x1E;
	v39 =	vor.u32 $0x100, v17;
	v47 =	vor.u32 $0x200, v3;
	v40 =	vld.idx.msk [tilespmem:v40+s14+$0x0], $0xffff;
	v36 =	vmovc v10;
	v10 =	vmovc v31;
	vm9 =	vmmov vm3  }
0x549: {  	vm3 =	vmmov vm0;
	v31 =	vld [tilespmem:s1+$0xFFFFFF60];
	[tilespmem:v24+s15+$0x0] =	vst.idx.msk vm7, v43;
	v24 =	vor.u32 $0x280, v4;
	v43 =	vor.u32 $0x380, v5;
	v5 =	vmovc v3;
	v3 =	vmovc v23  }
0x54a: {  	vm0 =	vmmov vm6;
	vm8 =	vmmov vm1;
	v23 =	vld.idx.msk [tilespmem:v32+s14+$0x0], $0xffff;
	[tilespmem:v20+s15+$0x0] =	vst.idx.msk vm1, v42;
	v20 =	vmovc v35;
	vm1 =	vmmov vm7  }
0x54b: {  	s0 =	sadd.s32 $0x140, s0;
	v32 =	vld.idx.msk [tilespmem:v19+s14+$0x0], $0xffff;
	[tilespmem:v11+s15+$0x0] =	vst.idx.msk vm4, v41;
	v11 =	vmovc v6;
	v6 =	vmov v8;
	v8 =	vmov v38;
	v19 =	vmov v33  }
0x54c: {  	v35 =	vshll.u32 v37, $0x3;
	vm4 =	vmmov vm2;
	vm2 =	vmmov vm8;
	v33 =	vld [tilespmem:s0+$0x0];
	[tilespmem:v46+s15+$0x0] =	vst.idx.msk vm6, v45  }
0x54d: {  	v37 =	vand.u32 $0x7F, v37;
	v35 =	vand.u32 $0xFFFFFC00, v35;
	v38 =	vld.idx.msk [tilespmem:v39+s14+$0x0], $0xffff;
	[tilespmem:v47+s15+$0x0] =	vst.idx.msk vm5, v44;
	vm5 =	vmmov vm6  }
0x54e: {  	v44 =	vor.u32 v37, v35;
	v35 =	vor.u32 $0x100, v3;
	v39 =	vshll.u32 v31, $0x3;
	v24 =	vld.idx.msk [tilespmem:v24+s14+$0x0], $0xffff;
	[tilespmem:v43+s15+$0x0] =	vst.idx.msk vm9, v40  }
0x54f: {  	v41 =	vor.u32 $0x280, v5;
	v40 =	vor.u32 $0x180, v17;
	v37 =	vld [tilespmem:s0+$0xFFFFFF60];
	v39 =	vand.u32 $0xFFFFFC00, v39  }
0x550: {  	v31 =	vand.u32 $0x7F, v31;
	[tilespmem:v34+s15+$0x0] =	vst.idx.msk vm7, v23;
	v34 =	vor.u32 $0x300, v4;
	v42 =	vld.idx.msk [tilespmem:v7+s14+$0x0], $0xffff;
	v7 =	vmovc v13;
	v13 =	vmov v28  }
0x551: {  	s6 =	sshll.u32 s3, $0xB;
	s3 =	smov.u32 s5;
	v31 =	vor.u32 v31, v39;
	v23 =	vshll.u32 v33, $0x3;
	v28 =	vld.idx.msk [tilespmem:v25+s14+$0x0], $0xffff;
	[tilespmem:v18+s15+$0x0] =	vst.idx.msk vm8, v32;
	v18 =	vmov v30  }
0x552: {  	s7 =	sadd.s32 $0x800, s6;
	v32 =	vor.u32 $0x80, v31;
	v25 =	vor.u32 $0x100, v31;
	v23 =	vand.u32 $0xFFFFFC00, v23;
	v30 =	vld.idx.msk [tilespmem:v16+s14+$0x0], $0xffff;
	v16 =	vmovc v29  }
0x553: {  	vm6 =	vlt.s32 v33, $0x90;
	v33 =	vand.u32 $0x7F, v33;
	v29 =	vld.idx.msk [tilespmem:v44+s14+$0x0], $0xffff;
	v23 =	vadd.s32 s7, v23;
	[tilespmem:v35+s15+$0x0] =	vst.idx.msk vm0, v38  }
0x554: {  	v35 =	vand.u32 $0x7F, v37;
	v38 =	vshll.u32 v37, $0x3;
	v23 =	vor.u32 v33, v23;
	v39 =	vld.idx.msk [tilespmem:v40+s14+$0x0], $0xffff;
	[tilespmem:v41+s15+$0x0] =	vst.idx.msk vm3, v24  }
0x555: {  	v46 =	vor.u32 $0x180, v3;
	v24 =	vand.u32 $0xFFFFFC00, v38;
	v38 =	vor.u32 $0x80, v44;
	v47 =	vld.idx.msk [tilespmem:v34+s14+$0x0], $0xffff  }
0x556: {  	v48 =	vor.u32 $0x200, v17;
	v49 =	vor.u32 $0x300, v5;
	v43 =	vld.idx.msk [tilespmem:v31+s14+$0x0], $0xffff;
	v24 =	vadd.s32 s6, v24;
	[tilespmem:v9+s15+$0x0] =	vst.idx.msk vm4, v42;
	v9 =	vmovc v14  }
.Ltmp9:
0x557: {  	vm7 =	vlt.s32 v37, $0x90;
	v40 =	vor.u32 $0x380, v4;
	v24 =	vor.u32 v35, v24;
	[tilespmem:v27+s15+$0x0] =	vst.idx.msk vm1, v28;
	v41 =	vld.idx.msk [tilespmem:v12+s14+$0x0], $0xffff;
	(pc) =	sbr.rel @p1 .LBB2_21-.Ltmp9, $4  }
0x558: {  	s1 =	sadd.s32 $0x140, s1;
	v4 =	vmovc v17;
	v34 =	vor.u32 $0x80, v24;
	v27 =	vor.u32 $0x100, v24;
	v42 =	vld.idx.msk [tilespmem:v26+s14+$0x0], $0xffff;
	v26 =	vor.u32 $0x180, v31;
	[tilespmem:v15+s15+$0x0] =	vst.idx.msk vm2, v30  }
0x559: {  	v33 =	vor.u32 $0x200, v31;
	v17 =	vmovc v44;
	v35 =	vor.u32 $0x180, v24;
	v30 =	vor.u32 $0x200, v24;
	v15 =	vmovc v22;
	v37 =	vld [tilespmem:s1+$0x0];
	[tilespmem:v23+s15+$0x0] =	vst.idx.msk vm6, v29  }
0x55a: {  	v14 =	vmovc v21;
	v28 =	vor.u32 $0x300, v31;
	v22 =	vor.u32 $0x280, v24;
	v29 =	vor.u32 $0x280, v31;
	v45 =	vld.idx.msk [tilespmem:v38+s14+$0x0], $0xffff;
	[tilespmem:v46+s15+$0x0] =	vst.idx.msk vm0, v39  }
0x55b: {  	s5 =	sadd.s32 $0x2, s5;
	v12 =	vmovc v36;
	v21 =	vor.u32 $0x300, v24;
	v31 =	vor.u32 $0x380, v31;
	v46 =	vor.u32 $0x80, v23;
	v44 =	vld.idx.msk [tilespmem:v48+s14+$0x0], $0xffff;
	[tilespmem:v49+s15+$0x0] =	vst.idx.msk vm3, v47  }
0x55c: {  	v36 =	vld [tilespmem:s1+$0xFFFFFF60];
	_ =	sdelay $0x1  }
0x55d: {  	s0 =	sadd.s32 $0x140, s0  }
0x55e: {  	v39 =	vld [tilespmem:s0+$0x0]  }
0x55f: {  	v47 =	vld [tilespmem:s0+$0xFFFFFF60];
	v38 =	vshll.u32 v37, $0x3  }
0x560: {  	v60 =	vand.u32 $0x7F, v37;
	v38 =	vand.u32 $0xFFFFFC00, v38;
	v48 =	vshll.u32 v36, $0x3  }
0x561: {  	v37 =	vor.u32 v60, v38;
	v36 =	vand.u32 $0x7F, v36;
	v61 =	vand.u32 $0xFFFFFC00, v48  }
0x562: {  	v38 =	vor.u32 v36, v61  }
0x563: {  	s5 =	sshll.u32 s3, $0xB;
	v56 =	vor.u32 $0x100, v17;
	v62 =	vshll.u32 v39, $0x3;
	vm9 =	vlt.s32 v39, $0x90  }
0x564: {  	s6 =	sadd.s32 $0x800, s5;
	v39 =	vand.u32 $0x7F, v39;
	v63 =	vshll.u32 v47, $0x3;
	v36 =	vand.u32 $0xFFFFFC00, v62  }
0x565: {  	v49 =	vand.u32 $0x7F, v47;
	v48 =	vand.u32 $0xFFFFFC00, v63;
	v36 =	vadd.s32 s6, v36  }
0x566: {  	vm10 =	vlt.s32 v47, $0x90;
	v52 =	vadd.s32 s5, v48;
	v50 =	vld.idx.msk [tilespmem:v37+s14+$0x0], $0xffff;
	v36 =	vor.u32 v39, v36  }
0x567: {  	v53 =	vor.u32 $0x80, v37;
	v39 =	vor.u32 v49, v52;
	v54 =	vld.idx.msk [tilespmem:v38+s14+$0x0], $0xffff  }
0x568: {  	v55 =	vor.u32 $0x80, v38  }
0x569: {  	[tilespmem:v24+s15+$0x0] =	vst.idx.msk vm7, v43;
	vm8 =	vmmov vm7  }
0x56a: {  	v32 =	vld.idx.msk [tilespmem:v32+s14+$0x0], $0xffff;
	[tilespmem:v46+s15+$0x0] =	vst.idx.msk vm6, v45;
	vm6 =	vmmov vm6  }
0x56b: {  	v60 =	vld.idx.msk [tilespmem:v56+s14+$0x0], $0xffff;
	v61 =	vor.u32 $0x100, v23;
	[tilespmem:v36+s15+$0x0] =	vst.idx.msk vm9, v50  }
0x56c: {  	v62 =	vor.u32 $0x180, v17;
	v57 =	vor.u32 $0x80, v36;
	v47 =	vld.idx.msk [tilespmem:v53+s14+$0x0], $0xffff;
	[tilespmem:v39+s15+$0x0] =	vst.idx.msk vm10, v54  }
0x56d: {  	v51 =	vor.u32 $0x100, v37;
	v58 =	vor.u32 $0x80, v39;
	v49 =	vld.idx.msk [tilespmem:v55+s14+$0x0], $0xffff  }
0x56e: {  	[tilespmem:v11+s15+$0x0] =	vst.idx.msk vm4, v41;
	v11 =	vor.u32 $0x100, v38  }
0x56f: {  	[tilespmem:v34+s15+$0x0] =	vst.idx.msk vm8, v32  }
0x570: {  	v25 =	vld.idx.msk [tilespmem:v25+s14+$0x0], $0xffff;
	[tilespmem:v61+s15+$0x0] =	vst.idx.msk vm6, v60  }
0x571: {  	vm4 =	vmmov vm9;
	v52 =	vor.u32 $0x180, v23;
	v32 =	vld.idx.msk [tilespmem:v62+s14+$0x0], $0xffff;
	[tilespmem:v57+s15+$0x0] =	vst.idx.msk vm9, v47  }
0x572: {  	v48 =	vor.u32 $0x100, v36;
	v63 =	vld.idx.msk [tilespmem:v51+s14+$0x0], $0xffff;
	[tilespmem:v58+s15+$0x0] =	vst.idx.msk vm10, v49  }
0x573: {  	[tilespmem:v20+s15+$0x0] =	vst.idx.msk vm1, v42;
	v20 =	vor.u32 $0x100, v39;
	vm9 =	vmmov vm3;
	v49 =	vor.u32 $0x180, v37;
	v11 =	vld.idx.msk [tilespmem:v11+s14+$0x0], $0xffff  }
0x574: {  	v40 =	vld.idx.msk [tilespmem:v40+s14+$0x0], $0xffff;
	v5 =	vor.u32 $0x380, v5;
	v50 =	vor.u32 $0x180, v38;
	vm3 =	vmmov vm1  }
0x575: {  	v19 =	vld.idx.msk [tilespmem:v19+s14+$0x0], $0xffff;
	[tilespmem:v27+s15+$0x0] =	vst.idx.msk vm8, v25  }
0x576: {  	v59 =	vor.u32 $0x200, v3;
	v25 =	vor.u32 $0x200, v17;
	[tilespmem:v52+s15+$0x0] =	vst.idx.msk vm6, v32  }
0x577: {  	v26 =	vld.idx.msk [tilespmem:v26+s14+$0x0], $0xffff;
	v51 =	vor.u32 $0x280, v4;
	[tilespmem:v48+s15+$0x0] =	vst.idx.msk vm4, v63  }
0x578: {  	vm7 =	vmmov vm10;
	v53 =	vor.u32 $0x180, v36;
	v27 =	vld.idx.msk [tilespmem:v49+s14+$0x0], $0xffff;
	[tilespmem:v20+s15+$0x0] =	vst.idx.msk vm10, v11  }
0x579: {  	[tilespmem:v5+s15+$0x0] =	vst.idx.msk vm9, v40;
	v5 =	vor.u32 $0x180, v39;
	v11 =	vor.u32 $0x200, v37;
	v20 =	vld.idx.msk [tilespmem:v50+s14+$0x0], $0xffff  }
0x57a: {  	v7 =	vld.idx.msk [tilespmem:v7+s14+$0x0], $0xffff;
	[tilespmem:v18+s15+$0x0] =	vst.idx.msk vm3, v19;
	v18 =	vor.u32 $0x200, v38  }
0x57b: {  	vm0 =	vmmov vm0;
	[tilespmem:v59+s15+$0x0] =	vst.idx.msk vm5, v44;
	v56 =	vor.u32 $0x200, v23;
	v25 =	vld.idx.msk [tilespmem:v25+s14+$0x0], $0xffff  }
0x57c: {  	vm5 =	vmmov vm8;
	v55 =	vor.u32 $0x280, v3;
	[tilespmem:v35+s15+$0x0] =	vst.idx.msk vm8, v26;
	v26 =	vor.u32 $0x280, v17;
	v54 =	vld.idx.msk [tilespmem:v51+s14+$0x0], $0xffff  }
0x57d: {  	v33 =	vld.idx.msk [tilespmem:v33+s14+$0x0], $0xffff;
	v19 =	vor.u32 $0x300, v4;
	[tilespmem:v53+s15+$0x0] =	vst.idx.msk vm4, v27  }
0x57e: {  	v27 =	vor.u32 $0x200, v36;
	v11 =	vld.idx.msk [tilespmem:v11+s14+$0x0], $0xffff;
	[tilespmem:v5+s15+$0x0] =	vst.idx.msk vm7, v20;
	vm7 =	vmmov vm7  }
0x57f: {  	[tilespmem:v9+s15+$0x0] =	vst.idx.msk vm2, v7;
	vm8 =	vmmov vm3;
	v5 =	vor.u32 $0x200, v39;
	v20 =	vor.u32 $0x280, v37;
	v18 =	vld.idx.msk [tilespmem:v18+s14+$0x0], $0xffff  }
0x580: {  	v7 =	vor.u32 $0x280, v38;
	vm1 =	vmmov vm2;
	vm2 =	vmmov vm6;
	[tilespmem:v56+s15+$0x0] =	vst.idx.msk vm6, v25;
	v16 =	vld.idx.msk [tilespmem:v16+s14+$0x0], $0xffff  }
0x581: {  	v25 =	vld.idx.msk [tilespmem:v26+s14+$0x0], $0xffff;
	v26 =	vor.u32 $0x280, v23;
	[tilespmem:v55+s15+$0x0] =	vst.idx.msk vm0, v54  }
0x582: {  	[tilespmem:v30+s15+$0x0] =	vst.idx.msk vm5, v33;
	v9 =	vld.idx.msk [tilespmem:v19+s14+$0x0], $0xffff;
	v19 =	vor.u32 $0x300, v3  }
0x583: {  	v30 =	vor.u32 $0x300, v17;
	v29 =	vld.idx.msk [tilespmem:v29+s14+$0x0], $0xffff;
	vm3 =	vmmov vm4;
	[tilespmem:v27+s15+$0x0] =	vst.idx.msk vm4, v11  }
0x584: {  	v11 =	vld.idx.msk [tilespmem:v20+s14+$0x0], $0xffff;
	v20 =	vor.u32 $0x280, v36;
	[tilespmem:v5+s15+$0x0] =	vst.idx.msk vm7, v18  }
0x585: {  	[tilespmem:v15+s15+$0x0] =	vst.idx.msk vm8, v16;
	v15 =	vor.u32 $0x300, v37;
	v5 =	vor.u32 $0x280, v39;
	v7 =	vld.idx.msk [tilespmem:v7+s14+$0x0], $0xffff  }
0x586: {  	v12 =	vld.idx.msk [tilespmem:v12+s14+$0x0], $0xffff;
	[tilespmem:v26+s15+$0x0] =	vst.idx.msk vm2, v25;
	v16 =	vor.u32 $0x300, v38  }
0x587: {  	vm6 =	vmmov vm5;
	v4 =	vor.u32 $0x380, v4;
	[tilespmem:v19+s15+$0x0] =	vst.idx.msk vm0, v9;
	v9 =	vld.idx.msk [tilespmem:v13+s14+$0x0], $0xffff  }
0x588: {  	[tilespmem:v22+s15+$0x0] =	vst.idx.msk vm5, v29;
	vm5 =	vmmov vm6;
	v13 =	vld.idx.msk [tilespmem:v30+s14+$0x0], $0xffff;
	v18 =	vor.u32 $0x300, v23  }
0x589: {  	v17 =	vor.u32 $0x380, v17;
	v19 =	vld.idx.msk [tilespmem:v28+s14+$0x0], $0xffff;
	[tilespmem:v20+s15+$0x0] =	vst.idx.msk vm3, v11  }
0x58a: {  	vm9 =	vmmov vm7;
	v11 =	vld.idx.msk [tilespmem:v15+s14+$0x0], $0xffff;
	v15 =	vor.u32 $0x300, v36;
	[tilespmem:v5+s15+$0x0] =	vst.idx.msk vm7, v7  }
0x58b: {  	[tilespmem:v6+s15+$0x0] =	vst.idx.msk vm1, v12;
	v6 =	vor.u32 $0x380, v37;
	vm0 =	vmmov vm0;
	v5 =	vor.u32 $0x300, v39;
	v7 =	vld.idx.msk [tilespmem:v16+s14+$0x0], $0xffff  }
0x58c: {  	v12 =	vor.u32 $0x380, v38;
	v3 =	vor.u32 $0x380, v3;
	v4 =	vld.idx.msk [tilespmem:v4+s14+$0x0], $0xffff;
	[tilespmem:v14+s15+$0x0] =	vst.idx.msk vm8, v9  }
0x58d: {  	vm1 =	vmmov vm2;
	v9 =	vld.idx.msk [tilespmem:v10+s14+$0x0], $0xffff;
	[tilespmem:v18+s15+$0x0] =	vst.idx.msk vm2, v13  }
0x58e: {  	[tilespmem:v21+s15+$0x0] =	vst.idx.msk vm5, v19;
	v13 =	vor.u32 $0x380, v23;
	v10 =	vld.idx.msk [tilespmem:v17+s14+$0x0], $0xffff  }
0x58f: {  	v14 =	vor.u32 $0x380, v24;
	v16 =	vld.idx.msk [tilespmem:v31+s14+$0x0], $0xffff;
	[tilespmem:v15+s15+$0x0] =	vst.idx.msk vm3, v11  }
0x590: {  	v11 =	vor.u32 $0x380, v36;
	v6 =	vld.idx.msk [tilespmem:v6+s14+$0x0], $0xffff;
	[tilespmem:v5+s15+$0x0] =	vst.idx.msk vm9, v7  }
0x591: {  	[tilespmem:v3+s15+$0x0] =	vst.idx.msk vm0, v4;
	v5 =	vor.u32 $0x380, v39;
	v3 =	vld.idx.msk [tilespmem:v12+s14+$0x0], $0xffff  }
0x592: {  	[tilespmem:v8+s15+$0x0] =	vst.idx.msk vm8, v9  }
0x593: {  	[tilespmem:v13+s15+$0x0] =	vst.idx.msk vm1, v10  }
0x594: {  	[tilespmem:v14+s15+$0x0] =	vst.idx.msk vm5, v16  }
0x595: {  	[tilespmem:v11+s15+$0x0] =	vst.idx.msk vm3, v6  }
0x596: {  	[tilespmem:v5+s15+$0x0] =	vst.idx.msk vm9, v3  }
0x597: {  	s7 =	sadd.s32 $0x3600000, s28;
	s8 =	simm.s32 $0x0;
	_ =	swait.ge [sflag:s12], $0x4000  }
0x598: {  	s0 =	sshrl.u32 s7, $0x3;
	[sflag:s12] =	ssyncset.done $0x0;
	s9 =	rddreg [dreg:$0x11]  }
0x599: {  	s0 =	sadd.s32 s20, s0;
	[sflag:s12] =	ssyncadd.s32 $0xFFFFC000;
	s10 =	sand.u32 $0x3FE0, s9  }
0x59a: {  	[tilespmem:s14], [sflag:$0x2] =	stream.linear.gather [hbm4b:s0+s8], $0x4000, $0x38;
	[tilespmem:$0x1D400] =	vst v63  }
0x59b: {  	s11 =	sadd.s32 $0xFFFFFF60, s9;
	v3 =	vld [tilespmem:s10+$0x480]  }
0x59c: {  	s1 =	sand.u32 $0x3FC0, s11  }
0x59d: {  	v4 =	vld [tilespmem:s1+$0x480];
	_ =	sdelay $0x1  }
0x59e: {  	v5 =	vld [tilespmem:s10+$0x2C80]  }
0x59f: {  	v6 =	vshll.u32 v3, $0x3  }
0x5a0: {  	v9 =	vld [tilespmem:s1+$0x2C80];
	v3 =	vand.u32 $0x7F, v3;
	v6 =	vand.u32 $0xFFFFFC00, v6  }
0x5a1: {  	v7 =	vshll.u32 v4, $0x3;
	v8 =	vor.u32 v3, v6  }
0x5a2: {  	v4 =	vand.u32 $0x7F, v4;
	v6 =	vand.u32 $0xFFFFFC00, v7  }
0x5a3: {  	vm0 =	vlt.s32 v5, $0x90;
	v3 =	vshll.u32 v5, $0x3;
	v10 =	vor.u32 v4, v6  }
0x5a4: {  	s12 =	simm.s32 $0x800;
	vm1 =	vmmov vm0;
	v3 =	vand.u32 $0xFFFFFC00, v3  }
0x5a5: {  	s21 =	sadd.s32 $0x140, s9;
	v5 =	vand.u32 $0x7F, v5;
	v4 =	vshll.u32 v9, $0x3;
	v3 =	vadd.s32 s12, v3  }
0x5a6: {  	s18 =	simm.s32 $0x0;
	s22 =	sand.u32 $0x3FE0, s21;
	vm0 =	vlt.s32 v9, $0x90;
	v4 =	vand.u32 $0xFFFFFC00, v4;
	v7 =	vor.u32 v5, v3;
	v3 =	vld.idx.msk [tilespmem:v8+s13+$0x0], $0xffff  }
0x5a7: {  	s3 =	sadd.s32 $0xFFFFFF60, s21;
	s0 =	sadd.s32 $0x140, s21;
	v12 =	vld [tilespmem:s22+$0x2C80];
	v6 =	vor.u32 $0x80, v8;
	v5 =	vand.u32 $0x7F, v9;
	v4 =	vadd.s32 s18, v4  }
0x5a8: {  	s23 =	sand.u32 $0x3FC0, s3;
	s26 =	sadd.s32 $0xFFFFFF60, s0;
	v9 =	vor.u32 v5, v4;
	v11 =	vld.idx.msk [tilespmem:v10+s13+$0x0], $0xffff  }
0x5a9: {  	v16 =	vld [tilespmem:s23+$0x2C80];
	s3 =	sand.u32 $0x3FC0, s26;
	v4 =	vor.u32 $0x80, v10  }
0x5aa: {  	v22 =	vld [tilespmem:s3+$0x2C80]  }
0x5ab: {  	v5 =	vld [tilespmem:s22+$0x480];
	[tilespmem:v7+s15+$0x0] =	vst.idx.msk vm1, v3  }
0x5ac: {  	vm6 =	vmmov vm9;
	v3 =	vld.idx.msk [tilespmem:v6+s13+$0x0], $0xffff;
	v6 =	vor.u32 $0x80, v7  }
0x5ad: {  	vm4 =	vmmov vm8;
	vm2 =	vmmov vm3;
	s6 =	sadd.s32 $0x140, s0;
	v13 =	vld [tilespmem:s23+$0x480];
	[tilespmem:v9+s15+$0x0] =	vst.idx.msk vm0, v11;
	v11 =	vor.u32 $0x100, v8  }
0x5ae: {  	s25 =	sand.u32 $0x3FE0, s0;
	s0 =	sand.u32 $0x3FE0, s6;
	vm7 =	vlt.s32 v16, $0x90;
	vm2 =	vmmov vm1;
	v15 =	vor.u32 $0x80, v9;
	v14 =	vld.idx.msk [tilespmem:v4+s13+$0x0], $0xffff  }
0x5af: {  	v58 =	vld [tilespmem:s0+$0x2C80];
	vm5 =	vmmov vm0;
	v17 =	vor.u32 $0x100, v10;
	v4 =	vshll.u32 v12, $0x3  }
0x5b0: {  	s24 =	simm.s32 $0x1800;
	v26 =	vshll.u32 v22, $0x3;
	v19 =	vshll.u32 v5, $0x3;
	v4 =	vand.u32 $0xFFFFFC00, v4  }
0x5b1: {  	v20 =	vadd.s32 s24, v4;
	v4 =	vand.u32 $0x7F, v5;
	v5 =	vand.u32 $0xFFFFFC00, v19;
	[tilespmem:v6+s15+$0x0] =	vst.idx.msk vm1, v3  }
0x5b2: {  	v4 =	vor.u32 v4, v5;
	v3 =	vshll.u32 v13, $0x3;
	v6 =	vld.idx.msk [tilespmem:v11+s13+$0x0], $0xffff;
	v11 =	vor.u32 $0x100, v7  }
0x5b3: {  	v19 =	vld [tilespmem:s25+$0x2C80];
	v5 =	vand.u32 $0x7F, v13;
	v3 =	vand.u32 $0xFFFFFC00, v3;
	[tilespmem:v15+s15+$0x0] =	vst.idx.msk vm0, v14;
	v14 =	vor.u32 $0x180, v8  }
0x5b4: {  	vm10 =	vlt.s32 v58, $0x90;
	v5 =	vor.u32 v5, v3;
	v15 =	vld.idx.msk [tilespmem:v17+s13+$0x0], $0xffff;
	v17 =	vor.u32 $0x100, v9  }
0x5b5: {  	vm0 =	vlt.s32 v12, $0x90;
	v3 =	vand.u32 $0x7F, v12;
	v12 =	vor.u32 $0x180, v10  }
0x5b6: {  	v26 =	vand.u32 $0xFFFFFC00, v26;
	vm9 =	vmmov vm5;
	v13 =	vshll.u32 v16, $0x3  }
0x5b7: {  	s5 =	simm.s32 $0x1000;
	v16 =	vand.u32 $0x7F, v16;
	v21 =	vand.u32 $0xFFFFFC00, v13;
	v3 =	vor.u32 v3, v20;
	v20 =	vld.idx.msk [tilespmem:v4+s13+$0x0], $0xffff;
	[tilespmem:v11+s15+$0x0] =	vst.idx.msk vm2, v6  }
0x5b8: {  	v6 =	vadd.s32 s5, v21;
	v21 =	vor.u32 $0x80, v4;
	v11 =	vld.idx.msk [tilespmem:v14+s13+$0x0], $0xffff;
	v14 =	vor.u32 $0x180, v7  }
0x5b9: {  	v24 =	vshll.u32 v19, $0x3;
	v23 =	vld.idx.msk [tilespmem:v5+s13+$0x0], $0xffff;
	v6 =	vor.u32 v16, v6;
	v16 =	vor.u32 $0x200, v8;
	[tilespmem:v17+s15+$0x0] =	vst.idx.msk vm5, v15  }
0x5ba: {  	v25 =	vor.u32 $0x80, v5;
	v15 =	vand.u32 $0xFFFFFC00, v24;
	v24 =	vor.u32 $0x180, v9;
	v12 =	vld.idx.msk [tilespmem:v12+s13+$0x0], $0xffff  }
0x5bb: {  	v28 =	vld [tilespmem:s25+$0x480];
	v60 =	vor.u32 $0x300, v8;
	v18 =	vor.u32 $0x200, v10;
	v57 =	vor.u32 $0x280, v10  }
0x5bc: {  	v27 =	vld [tilespmem:s3+$0x480];
	v63 =	vor.u32 $0x300, v10;
	v30 =	vor.u32 $0x200, v9;
	vm4 =	vmmov vm0;
	[tilespmem:v3+s15+$0x0] =	vst.idx.msk vm0, v20  }
0x5bd: {  	v62 =	vor.u32 $0x280, v9;
	vm2 =	vmmov vm2;
	v20 =	vld.idx.msk [tilespmem:v21+s13+$0x0], $0xffff;
	[tilespmem:v14+s15+$0x0] =	vst.idx.msk vm1, v11;
	v14 =	vor.u32 $0x80, v3  }
0x5be: {  	vm3 =	vlt.s32 v19, $0x90;
	v21 =	vor.u32 $0x200, v7;
	[tilespmem:v6+s15+$0x0] =	vst.idx.msk vm7, v23;
	vm7 =	vmmov vm7;
	v16 =	vld.idx.msk [tilespmem:v16+s13+$0x0], $0xffff  }
0x5bf: {  	s28 =	simm.s32 $0x2800;
	v19 =	vand.u32 $0x7F, v19;
	v29 =	vor.u32 $0x80, v6;
	v23 =	vor.u32 $0x100, v4;
	v25 =	vld.idx.msk [tilespmem:v25+s13+$0x0], $0xffff;
	[tilespmem:v24+s15+$0x0] =	vst.idx.msk vm5, v12  }
0x5c0: {  	vm6 =	vmmov vm4;
	v15 =	vadd.s32 s28, v15;
	v24 =	vor.u32 $0x280, v8;
	v18 =	vld.idx.msk [tilespmem:v18+s13+$0x0], $0xffff  }
0x5c1: {  	s29 =	sadd.s32 $0xFFFFFF60, s6;
	v31 =	vor.u32 $0x100, v5;
	v11 =	vor.u32 v19, v15;
	v15 =	vshll.u32 v27, $0x3  }
0x5c2: {  	s3 =	sand.u32 $0x3FC0, s29;
	v19 =	vshll.u32 v28, $0x3;
	v27 =	vand.u32 $0x7F, v27;
	v15 =	vand.u32 $0xFFFFFC00, v15;
	[tilespmem:v14+s15+$0x0] =	vst.idx.msk vm4, v20  }
0x5c3: {  	v19 =	vand.u32 $0xFFFFFC00, v19;
	v15 =	vor.u32 v27, v15;
	v14 =	vand.u32 $0x7F, v28;
	v20 =	vld [tilespmem:s3+$0x2C80];
	[tilespmem:v21+s15+$0x0] =	vst.idx.msk vm2, v16  }
0x5c4: {  	v13 =	vor.u32 $0x300, v9;
	v23 =	vld.idx.msk [tilespmem:v23+s13+$0x0], $0xffff;
	v14 =	vor.u32 v14, v19;
	[tilespmem:v29+s15+$0x0] =	vst.idx.msk vm7, v25;
	v21 =	vor.u32 $0x100, v3  }
0x5c5: {  	v61 =	vor.u32 $0x180, v5;
	v28 =	vor.u32 $0x180, v4;
	v24 =	vld.idx.msk [tilespmem:v24+s13+$0x0], $0xffff;
	[tilespmem:v30+s15+$0x0] =	vst.idx.msk vm5, v18;
	v18 =	vor.u32 $0x280, v7  }
0x5c6: {  	vm8 =	vmmov vm3;
	v27 =	vld.idx.msk [tilespmem:v31+s13+$0x0], $0xffff;
	v31 =	vor.u32 $0x100, v6;
	vm5 =	vmmov vm9  }
0x5c7: {  	v17 =	vor.u32 $0x200, v5;
	v12 =	vor.u32 $0x300, v6;
	vm11 =	vmmov vm7;
	v59 =	vld.idx.msk [tilespmem:v57+s13+$0x0], $0xffff  }
0x5c8: {  	s30 =	simm.s32 $0x2000;
	v35 =	vor.u32 $0x80, v15;
	v19 =	vor.u32 $0x200, v15;
	v16 =	vand.u32 $0x7F, v22;
	v33 =	vld.idx.msk [tilespmem:v15+s13+$0x0], $0xffff  }
0x5c9: {  	v25 =	vor.u32 $0x300, v7;
	vm9 =	vlt.s32 v22, $0x90;
	v22 =	vadd.s32 s30, v26;
	v32 =	vld.idx.msk [tilespmem:v14+s13+$0x0], $0xffff;
	[tilespmem:v21+s15+$0x0] =	vst.idx.msk vm6, v23  }
0x5ca: {  	v26 =	vshll.u32 v58, $0x3;
	v30 =	vor.u32 $0x180, v3;
	v34 =	vor.u32 $0x80, v14;
	v29 =	vld.idx.msk [tilespmem:v28+s13+$0x0], $0xffff;
	[tilespmem:v18+s15+$0x0] =	vst.idx.msk vm2, v24  }
0x5cb: {  	s31 =	simm.s32 $0x3800;
	v16 =	vor.u32 v16, v22;
	v22 =	vand.u32 $0x7F, v58;
	v21 =	vand.u32 $0xFFFFFC00, v26;
	[tilespmem:v31+s15+$0x0] =	vst.idx.msk vm7, v27;
	v31 =	vld.idx.msk [tilespmem:v60+s13+$0x0], $0xffff  }
0x5cc: {  	v23 =	vor.u32 $0x200, v4;
	v18 =	vadd.s32 s31, v21;
	v21 =	vshll.u32 v20, $0x3;
	v27 =	vld.idx.msk [tilespmem:v61+s13+$0x0], $0xffff;
	[tilespmem:v62+s15+$0x0] =	vst.idx.msk vm5, v59  }
0x5cd: {  	s1 =	simm.s32 $0x3000;
	s6 =	sadd.s32 $0x140, s6;
	s5 =	simm.s32 $0x8;
	v26 =	vor.u32 $0x180, v6;
	v24 =	vand.u32 $0xFFFFFC00, v21;
	v18 =	vor.u32 v22, v18;
	v28 =	vld.idx.msk [tilespmem:v63+s13+$0x0], $0xffff  }
.LBB2_23:
0x5ce: {  	vm13 =	vmmov vm0;
	vm0 =	vmmov vm3;
	vm3 =	vmmov vm10  }
0x5cf: {  	s8 =	sadd.s32 $0xFFFFFF60, s6;
	v22 =	vor.u32 $0x300, v16;
	vm12 =	vmmov vm7;
	vm7 =	vmmov vm9  }
0x5d0: {  	p1 =	slt.u32 s5, $0x1E;
	vm10 =	vmmov vm2;
	vm2 =	vmmov vm6;
	vm6 =	vmmov vm8;
	s7 =	smov.u32 s5;
	s5 =	sadd.s32 $0x2, s5;
	v21 =	vld [tilespmem:s3+$0x480];
	[tilespmem:v16+s15+$0x0] =	vst.idx.msk vm9, v33  }
0x5d1: {  	s3 =	sand.u32 $0x3FC0, s8;
	v33 =	vld [tilespmem:s0+$0x480];
	[tilespmem:v11+s15+$0x0] =	vst.idx.msk vm8, v32;
	v32 =	vor.u32 $0x380, v10;
	v10 =	vmovc v5;
	v5 =	vmov v15;
	vm8 =	vmmov vm3  }
0x5d2: {  	v15 =	vld.idx.msk [tilespmem:v34+s13+$0x0], $0xffff;
	[tilespmem:v30+s15+$0x0] =	vst.idx.msk vm4, v29;
	v29 =	vor.u32 $0x380, v8;
	v8 =	vmovc v4;
	v4 =	vmov v14;
	vm4 =	vmmov vm0  }
0x5d3: {  	v30 =	vor.u32 $0x80, v11;
	v34 =	vor.u32 $0x200, v3;
	v23 =	vld.idx.msk [tilespmem:v23+s13+$0x0], $0xffff;
	[tilespmem:v25+s15+$0x0] =	vst.idx.msk vm1, v31;
	vm1 =	vmmov vm13  }
0x5d4: {  	s0 =	sand.u32 $0x3FE0, s6;
	v31 =	vor.u32 $0x100, v4;
	v25 =	vld.idx.msk [tilespmem:v35+s13+$0x0], $0xffff;
	[tilespmem:v26+s15+$0x0] =	vst.idx.msk vm11, v27;
	v26 =	vor.u32 $0x200, v6;
	v27 =	vor.u32 $0x280, v8  }
0x5d5: {  	v36 =	vor.u32 $0x100, v5;
	v35 =	vor.u32 $0x80, v16;
	v14 =	vshll.u32 v21, $0x3;
	v37 =	vld.idx.msk [tilespmem:v17+s13+$0x0], $0xffff;
	[tilespmem:v13+s15+$0x0] =	vst.idx.msk vm5, v28;
	v13 =	vmovc v12  }
0x5d6: {  	v12 =	vmovc v22;
	v17 =	vmovc v19;
	v28 =	vand.u32 $0xFFFFFC00, v14;
	v14 =	vand.u32 $0x7F, v33;
	v33 =	vshll.u32 v33, $0x3;
	v32 =	vld.idx.msk [tilespmem:v32+s13+$0x0], $0xffff  }
0x5d7: {  	v38 =	vor.u32 $0x380, v9;
	v9 =	vmovc v6;
	v6 =	vmovc v16;
	v22 =	vld [tilespmem:s0+$0x2C80];
	v19 =	vand.u32 $0xFFFFFC00, v33;
	v33 =	vor.u32 $0x280, v10  }
0x5d8: {  	v16 =	vand.u32 $0x7F, v21;
	v14 =	vor.u32 v14, v19;
	[tilespmem:v30+s15+$0x0] =	vst.idx.msk vm6, v15;
	v21 =	vld.idx.msk [tilespmem:v29+s13+$0x0], $0xffff;
	v29 =	vor.u32 $0x380, v7  }
0x5d9: {  	v15 =	vor.u32 v16, v28;
	v7 =	vmov v3;
	v3 =	vmov v11;
	v28 =	vld.idx.msk [tilespmem:v31+s13+$0x0], $0xffff;
	[tilespmem:v34+s15+$0x0] =	vst.idx.msk vm2, v23  }
0x5da: {  	vm11 =	vmmov vm9;
	v11 =	vmovc v18;
	v19 =	vor.u32 $0x200, v15;
	v23 =	vor.u32 $0x100, v3;
	[tilespmem:v35+s15+$0x0] =	vst.idx.msk vm7, v25;
	v27 =	vld.idx.msk [tilespmem:v27+s13+$0x0], $0xffff  }
0x5db: {  	v30 =	vor.u32 $0x180, v4;
	v18 =	vld.idx.msk [tilespmem:v36+s13+$0x0], $0xffff;
	[tilespmem:v26+s15+$0x0] =	vst.idx.msk vm12, v37;
	v26 =	vor.u32 $0x280, v7  }
0x5dc: {  	v31 =	vor.u32 $0x100, v6;
	v36 =	vor.u32 $0x300, v8;
	v35 =	vld.idx.msk [tilespmem:v33+s13+$0x0], $0xffff;
	[tilespmem:v38+s15+$0x0] =	vst.idx.msk vm5, v32;
	vm5 =	vmmov vm12  }
0x5dd: {  	v39 =	vor.u32 $0x280, v9;
	v40 =	vor.u32 $0x300, v10;
	v38 =	vor.u32 $0x180, v5;
	v37 =	vld [tilespmem:s3+$0x2C80]  }
0x5de: {  	vm9 =	vlt.s32 v20, $0x90;
	v16 =	vand.u32 $0x7F, v20;
	v20 =	vadd.s32 s1, v24;
	v33 =	vld.idx.msk [tilespmem:v15+s13+$0x0], $0xffff;
	[tilespmem:v29+s15+$0x0] =	vst.idx.msk vm10, v21  }
.Ltmp10:
0x5df: {  	s1 =	sshll.u32 s7, $0xB;
	v16 =	vor.u32 v16, v20;
	v25 =	vor.u32 $0x300, v7;
	v21 =	vshll.u32 v22, $0x3;
	v32 =	vld.idx.msk [tilespmem:v14+s13+$0x0], $0xffff;
	[tilespmem:v23+s15+$0x0] =	vst.idx.msk vm6, v28;
	(pc) =	sbr.rel @p1 .LBB2_23-.Ltmp10, $4  }
0x5e0: {  	s7 =	sadd.s32 $0x800, s1;
	v24 =	vand.u32 $0xFFFFFC00, v21;
	v23 =	vor.u32 $0x200, v4;
	v29 =	vld.idx.msk [tilespmem:v30+s13+$0x0], $0xffff;
	v30 =	vor.u32 $0x180, v3;
	[tilespmem:v26+s15+$0x0] =	vst.idx.msk vm2, v27  }
0x5e1: {  	v34 =	vor.u32 $0x80, v14;
	v21 =	vadd.s32 s7, v24;
	v26 =	vor.u32 $0x180, v6;
	[tilespmem:v31+s15+$0x0] =	vst.idx.msk vm7, v18;
	v31 =	vld.idx.msk [tilespmem:v36+s13+$0x0], $0xffff  }
0x5e2: {  	vm10 =	vlt.s32 v22, $0x90;
	v22 =	vand.u32 $0x7F, v22;
	v18 =	vshll.u32 v37, $0x3;
	v27 =	vld.idx.msk [tilespmem:v38+s13+$0x0], $0xffff;
	[tilespmem:v39+s15+$0x0] =	vst.idx.msk vm12, v35;
	v20 =	vmovc v37  }
0x5e3: {  	s6 =	sadd.s32 $0x140, s6;
	v35 =	vor.u32 $0x80, v15;
	v24 =	vand.u32 $0xFFFFFC00, v18;
	v18 =	vor.u32 v22, v21;
	v28 =	vld.idx.msk [tilespmem:v40+s13+$0x0], $0xffff  }
0x5e4: {  	v21 =	vld [tilespmem:s3+$0x480]  }
0x5e5: {  	v22 =	vld [tilespmem:s0+$0x480];
	_ =	sdelay $0x3  }
0x5e6: {  	v36 =	vshll.u32 v21, $0x3  }
0x5e7: {  	v37 =	vshll.u32 v22, $0x3;
	v21 =	vand.u32 $0x7F, v21;
	v36 =	vand.u32 $0xFFFFFC00, v36  }
0x5e8: {  	v38 =	vand.u32 $0x7F, v22;
	v37 =	vand.u32 $0xFFFFFC00, v37;
	v22 =	vor.u32 v21, v36  }
0x5e9: {  	v21 =	vor.u32 v38, v37;
	_ =	sdelay $0x2  }
0x5ea: {  	vm14 =	vlt.s32 v20, $0x90;
	v20 =	vand.u32 $0x7F, v20;
	v24 =	vadd.s32 s1, v24  }
0x5eb: {  	vm10 =	vmmov vm10;
	v20 =	vor.u32 v20, v24;
	v36 =	vld.idx.msk [tilespmem:v22+s13+$0x0], $0xffff  }
0x5ec: {  	v44 =	vor.u32 $0x80, v22;
	v24 =	vld.idx.msk [tilespmem:v21+s13+$0x0], $0xffff  }
0x5ed: {  	v38 =	vor.u32 $0x80, v21  }
0x5ee: {  	[tilespmem:v16+s15+$0x0] =	vst.idx.msk vm9, v33;
	vm13 =	vmmov vm9  }
0x5ef: {  	vm12 =	vmmov vm8;
	[tilespmem:v11+s15+$0x0] =	vst.idx.msk vm8, v32;
	v46 =	vor.u32 $0x80, v16;
	v45 =	vld.idx.msk [tilespmem:v35+s13+$0x0], $0xffff  }
0x5f0: {  	v47 =	vor.u32 $0x80, v11;
	v39 =	vor.u32 $0x100, v15;
	v34 =	vld.idx.msk [tilespmem:v34+s13+$0x0], $0xffff;
	[tilespmem:v20+s15+$0x0] =	vst.idx.msk vm14, v36  }
0x5f1: {  	v48 =	vor.u32 $0x100, v14;
	v49 =	vor.u32 $0x80, v20;
	[tilespmem:v18+s15+$0x0] =	vst.idx.msk vm10, v24;
	v24 =	vld.idx.msk [tilespmem:v44+s13+$0x0], $0xffff  }
0x5f2: {  	[tilespmem:v30+s15+$0x0] =	vst.idx.msk vm4, v29;
	v30 =	vor.u32 $0x80, v18;
	v50 =	vor.u32 $0x100, v22;
	v29 =	vld.idx.msk [tilespmem:v38+s13+$0x0], $0xffff  }
0x5f3: {  	[tilespmem:v25+s15+$0x0] =	vst.idx.msk vm1, v31;
	v25 =	vor.u32 $0x100, v21  }
0x5f4: {  	[tilespmem:v46+s15+$0x0] =	vst.idx.msk vm13, v45  }
0x5f5: {  	v51 =	vor.u32 $0x100, v16;
	[tilespmem:v47+s15+$0x0] =	vst.idx.msk vm12, v34;
	v31 =	vld.idx.msk [tilespmem:v39+s13+$0x0], $0xffff  }
0x5f6: {  	v53 =	vor.u32 $0x100, v11;
	v52 =	vld.idx.msk [tilespmem:v48+s13+$0x0], $0xffff;
	[tilespmem:v49+s15+$0x0] =	vst.idx.msk vm14, v24;
	v24 =	vor.u32 $0x180, v15  }
0x5f7: {  	v54 =	vor.u32 $0x180, v14;
	[tilespmem:v30+s15+$0x0] =	vst.idx.msk vm10, v29;
	v30 =	vor.u32 $0x100, v20;
	v29 =	vld.idx.msk [tilespmem:v50+s13+$0x0], $0xffff  }
0x5f8: {  	vm1 =	vmmov vm6;
	[tilespmem:v26+s15+$0x0] =	vst.idx.msk vm11, v27;
	v26 =	vor.u32 $0x100, v18;
	v27 =	vor.u32 $0x180, v22;
	v25 =	vld.idx.msk [tilespmem:v25+s13+$0x0], $0xffff  }
0x5f9: {  	v55 =	vor.u32 $0x200, v3;
	vm6 =	vmmov vm7;
	v23 =	vld.idx.msk [tilespmem:v23+s13+$0x0], $0xffff;
	[tilespmem:v13+s15+$0x0] =	vst.idx.msk vm5, v28;
	v13 =	vor.u32 $0x180, v21  }
0x5fa: {  	v10 =	vor.u32 $0x380, v10;
	v28 =	vor.u32 $0x200, v6;
	v17 =	vld.idx.msk [tilespmem:v17+s13+$0x0], $0xffff;
	[tilespmem:v51+s15+$0x0] =	vst.idx.msk vm13, v31  }
0x5fb: {  	v8 =	vor.u32 $0x380, v8;
	vm3 =	vmmov vm3;
	[tilespmem:v53+s15+$0x0] =	vst.idx.msk vm12, v52;
	v31 =	vor.u32 $0x180, v16;
	v24 =	vld.idx.msk [tilespmem:v24+s13+$0x0], $0xffff  }
0x5fc: {  	v57 =	vor.u32 $0x180, v11;
	vm8 =	vmmov vm14;
	v56 =	vld.idx.msk [tilespmem:v54+s13+$0x0], $0xffff;
	[tilespmem:v30+s15+$0x0] =	vst.idx.msk vm14, v29  }
0x5fd: {  	v29 =	vor.u32 $0x200, v14;
	[tilespmem:v26+s15+$0x0] =	vst.idx.msk vm10, v25;
	v25 =	vor.u32 $0x180, v20;
	v26 =	vld.idx.msk [tilespmem:v27+s13+$0x0], $0xffff  }
0x5fe: {  	[tilespmem:v55+s15+$0x0] =	vst.idx.msk vm1, v23;
	v23 =	vor.u32 $0x200, v22;
	v13 =	vld.idx.msk [tilespmem:v13+s13+$0x0], $0xffff;
	v27 =	vor.u32 $0x180, v18  }
0x5ff: {  	v9 =	vor.u32 $0x380, v9;
	vm7 =	vmmov vm2;
	v10 =	vld.idx.msk [tilespmem:v10+s13+$0x0], $0xffff;
	[tilespmem:v28+s15+$0x0] =	vst.idx.msk vm6, v17;
	v17 =	vor.u32 $0x200, v21  }
0x600: {  	v7 =	vor.u32 $0x380, v7;
	v8 =	vld.idx.msk [tilespmem:v8+s13+$0x0], $0xffff;
	v28 =	vor.u32 $0x280, v5;
	[tilespmem:v31+s15+$0x0] =	vst.idx.msk vm13, v24  }
0x601: {  	vm2 =	vmmov vm12;
	[tilespmem:v57+s15+$0x0] =	vst.idx.msk vm3, v56;
	v30 =	vor.u32 $0x200, v16;
	v24 =	vor.u32 $0x280, v4;
	v19 =	vld.idx.msk [tilespmem:v19+s13+$0x0], $0xffff  }
0x602: {  	v58 =	vor.u32 $0x280, v15;
	v31 =	vor.u32 $0x200, v11;
	v29 =	vld.idx.msk [tilespmem:v29+s13+$0x0], $0xffff;
	[tilespmem:v25+s15+$0x0] =	vst.idx.msk vm8, v26  }
0x603: {  	vm9 =	vmmov vm10;
	v25 =	vor.u32 $0x280, v14;
	[tilespmem:v27+s15+$0x0] =	vst.idx.msk vm10, v13;
	v13 =	vor.u32 $0x200, v20;
	v23 =	vld.idx.msk [tilespmem:v23+s13+$0x0], $0xffff  }
0x604: {  	[tilespmem:v9+s15+$0x0] =	vst.idx.msk vm5, v10;
	vm5 =	vmmov vm6;
	v10 =	vor.u32 $0x200, v18;
	v9 =	vld.idx.msk [tilespmem:v17+s13+$0x0], $0xffff;
	v17 =	vor.u32 $0x280, v22  }
0x605: {  	[tilespmem:v7+s15+$0x0] =	vst.idx.msk vm7, v8;
	v7 =	vor.u32 $0x280, v21;
	v26 =	vld.idx.msk [tilespmem:v28+s13+$0x0], $0xffff;
	v27 =	vor.u32 $0x280, v6  }
0x606: {  	vm11 =	vmmov vm13;
	v28 =	vor.u32 $0x300, v5;
	v8 =	vld.idx.msk [tilespmem:v24+s13+$0x0], $0xffff;
	v24 =	vor.u32 $0x280, v3;
	[tilespmem:v30+s15+$0x0] =	vst.idx.msk vm13, v19  }
0x607: {  	v19 =	vor.u32 $0x300, v4;
	[tilespmem:v31+s15+$0x0] =	vst.idx.msk vm2, v29;
	v30 =	vor.u32 $0x280, v16;
	v29 =	vld.idx.msk [tilespmem:v58+s13+$0x0], $0xffff  }
0x608: {  	v59 =	vor.u32 $0x300, v15;
	vm12 =	vmmov vm8;
	v31 =	vor.u32 $0x280, v11;
	v25 =	vld.idx.msk [tilespmem:v25+s13+$0x0], $0xffff;
	[tilespmem:v13+s15+$0x0] =	vst.idx.msk vm8, v23  }
0x609: {  	vm4 =	vmmov vm9;
	v13 =	vor.u32 $0x300, v14;
	[tilespmem:v10+s15+$0x0] =	vst.idx.msk vm9, v9;
	v10 =	vor.u32 $0x280, v20;
	v9 =	vld.idx.msk [tilespmem:v17+s13+$0x0], $0xffff  }
0x60a: {  	[tilespmem:v27+s15+$0x0] =	vst.idx.msk vm5, v26;
	v23 =	vor.u32 $0x300, v22;
	v7 =	vld.idx.msk [tilespmem:v7+s13+$0x0], $0xffff;
	v17 =	vor.u32 $0x280, v18  }
0x60b: {  	vm0 =	vmmov vm0;
	[tilespmem:v24+s15+$0x0] =	vst.idx.msk vm1, v8;
	v8 =	vld.idx.msk [tilespmem:v28+s13+$0x0], $0xffff;
	v24 =	vor.u32 $0x300, v21  }
0x60c: {  	v5 =	vor.u32 $0x380, v5;
	v26 =	vor.u32 $0x300, v3;
	v19 =	vld.idx.msk [tilespmem:v19+s13+$0x0], $0xffff;
	[tilespmem:v30+s15+$0x0] =	vst.idx.msk vm11, v29  }
0x60d: {  	v4 =	vor.u32 $0x380, v4;
	v27 =	vor.u32 $0x300, v16;
	[tilespmem:v31+s15+$0x0] =	vst.idx.msk vm2, v25;
	v25 =	vld.idx.msk [tilespmem:v59+s13+$0x0], $0xffff  }
0x60e: {  	v15 =	vor.u32 $0x380, v15;
	v28 =	vor.u32 $0x300, v11;
	v13 =	vld.idx.msk [tilespmem:v13+s13+$0x0], $0xffff;
	[tilespmem:v10+s15+$0x0] =	vst.idx.msk vm12, v9  }
0x60f: {  	v9 =	vor.u32 $0x300, v20;
	v10 =	vor.u32 $0x380, v14;
	[tilespmem:v17+s15+$0x0] =	vst.idx.msk vm4, v7;
	v7 =	vld.idx.msk [tilespmem:v23+s13+$0x0], $0xffff  }
0x610: {  	v14 =	vor.u32 $0x380, v22;
	[tilespmem:v12+s15+$0x0] =	vst.idx.msk vm5, v8;
	v8 =	vor.u32 $0x300, v18;
	v12 =	vld.idx.msk [tilespmem:v24+s13+$0x0], $0xffff  }
0x611: {  	v6 =	vor.u32 $0x380, v6;
	vm1 =	vmmov vm1;
	v17 =	vor.u32 $0x380, v21;
	[tilespmem:v26+s15+$0x0] =	vst.idx.msk vm0, v19;
	v5 =	vld.idx.msk [tilespmem:v5+s13+$0x0], $0xffff  }
0x612: {  	vm6 =	vmmov vm11;
	v3 =	vor.u32 $0x380, v3;
	v4 =	vld.idx.msk [tilespmem:v4+s13+$0x0], $0xffff;
	[tilespmem:v27+s15+$0x0] =	vst.idx.msk vm11, v25  }
0x613: {  	vm0 =	vmmov vm2;
	[tilespmem:v28+s15+$0x0] =	vst.idx.msk vm3, v13;
	v13 =	vld.idx.msk [tilespmem:v15+s13+$0x0], $0xffff;
	v15 =	vor.u32 $0x380, v16  }
0x614: {  	vm7 =	vmmov vm12;
	v11 =	vor.u32 $0x380, v11;
	v10 =	vld.idx.msk [tilespmem:v10+s13+$0x0], $0xffff;
	[tilespmem:v9+s15+$0x0] =	vst.idx.msk vm12, v7  }
0x615: {  	[tilespmem:v8+s15+$0x0] =	vst.idx.msk vm10, v12;
	v8 =	vor.u32 $0x380, v20;
	v7 =	vld.idx.msk [tilespmem:v14+s13+$0x0], $0xffff  }
0x616: {  	[tilespmem:v6+s15+$0x0] =	vst.idx.msk vm5, v5;
	v5 =	vld.idx.msk [tilespmem:v17+s13+$0x0], $0xffff;
	v6 =	vor.u32 $0x380, v18  }
0x617: {  	[tilespmem:v3+s15+$0x0] =	vst.idx.msk vm1, v4  }
0x618: {  	[tilespmem:v15+s15+$0x0] =	vst.idx.msk vm6, v13  }
0x619: {  	[tilespmem:v11+s15+$0x0] =	vst.idx.msk vm0, v10  }
0x61a: {  	[tilespmem:v8+s15+$0x0] =	vst.idx.msk vm7, v7  }
0x61b: {  	[tilespmem:v6+s15+$0x0] =	vst.idx.msk vm4, v5  }
0x61c: {  	_ =	swait.ge [sflag:s16], $0x4000  }
0x61d: {  	[sflag:s16] =	ssyncset.done $0x0  }
0x61e: {  	s11 =	rddreg [dreg:$0xc];
	[sflag:s16] =	ssyncadd.s32 $0xFFFFC000  }
0x61f: {  	v3 =	vld [tilespmem:s11+$0xFFFFFF60];
	_ =	sdelay $0x2  }
0x620: {  	s21 =	rddreg [dreg:$0xb]  }
0x621: {  	v4 =	vld [tilespmem:s21+$0xFFFFFF60]  }
0x622: {  	v5 =	vshll.u32 v3, $0x3  }
0x623: {  	v3 =	vand.u32 $0x7F, v3;
	v5 =	vand.u32 $0xFFFFFC00, v5  }
0x624: {  	v3 =	vor.u32 v3, v5;
	_ =	sdelay $0x1  }
0x625: {  	v5 =	vshll.u32 v4, $0x3  }
0x626: {  	s22 =	simm.s32 $0x0;
	v5 =	vand.u32 $0xFFFFFC00, v5  }
0x627: {  	vm0 =	vlt.s32 v4, $0x90;
	v4 =	vand.u32 $0x7F, v4;
	v5 =	vadd.s32 s22, v5  }
0x628: {  	v4 =	vor.u32 v4, v5;
	v6 =	vld.idx.msk [tilespmem:v3+s14+$0x0], $0xffff  }
0x629: {  	v5 =	vor.u32 $0x80, v3;
	_ =	sdelay $0x2  }
0x62a: {  	s5 =	sadd.s32 $0x140, s11  }
0x62b: {  	v7 =	vld [tilespmem:s5+$0xFFFFFF60];
	[tilespmem:v4+s15+$0x0] =	vst.idx.msk vm0, v6  }
0x62c: {  	v6 =	vor.u32 $0x80, v4;
	v5 =	vld.idx.msk [tilespmem:v5+s14+$0x0], $0xffff  }
0x62d: {  	v8 =	vor.u32 $0x100, v3  }
0x62e: {  	s10 =	sadd.s32 $0x140, s21  }
0x62f: {  	v9 =	vld [tilespmem:s10+$0xFFFFFF60]  }
0x630: {  	v10 =	vshll.u32 v7, $0x3  }
0x631: {  	v7 =	vand.u32 $0x7F, v7;
	v10 =	vand.u32 $0xFFFFFC00, v10;
	[tilespmem:v6+s15+$0x0] =	vst.idx.msk vm0, v5  }
0x632: {  	v7 =	vor.u32 v7, v10;
	v6 =	vor.u32 $0x100, v4;
	v5 =	vld.idx.msk [tilespmem:v8+s14+$0x0], $0xffff  }
0x633: {  	v8 =	vor.u32 $0x180, v3  }
0x634: {  	v10 =	vshll.u32 v9, $0x3  }
0x635: {  	s23 =	simm.s32 $0x1000;
	vm2 =	vmmov vm4;
	v10 =	vand.u32 $0xFFFFFC00, v10  }
0x636: {  	vm2 =	vlt.s32 v9, $0x90;
	v9 =	vand.u32 $0x7F, v9;
	v10 =	vadd.s32 s23, v10  }
0x637: {  	v9 =	vor.u32 v9, v10;
	v11 =	vld.idx.msk [tilespmem:v7+s14+$0x0], $0xffff;
	[tilespmem:v6+s15+$0x0] =	vst.idx.msk vm0, v5  }
0x638: {  	v5 =	vor.u32 $0x80, v7;
	v6 =	vld.idx.msk [tilespmem:v8+s14+$0x0], $0xffff;
	v8 =	vor.u32 $0x180, v4  }
0x639: {  	v10 =	vor.u32 $0x200, v3;
	_ =	sdelay $0x1  }
0x63a: {  	s23 =	sadd.s32 $0x140, s5  }
0x63b: {  	v12 =	vld [tilespmem:s23+$0xFFFFFF60];
	[tilespmem:v9+s15+$0x0] =	vst.idx.msk vm2, v11  }
0x63c: {  	vm1 =	vmmov vm0;
	v11 =	vor.u32 $0x80, v9;
	v5 =	vld.idx.msk [tilespmem:v5+s14+$0x0], $0xffff;
	[tilespmem:v8+s15+$0x0] =	vst.idx.msk vm0, v6  }
0x63d: {  	v6 =	vor.u32 $0x100, v7;
	v8 =	vld.idx.msk [tilespmem:v10+s14+$0x0], $0xffff;
	v10 =	vor.u32 $0x200, v4  }
0x63e: {  	s9 =	sadd.s32 $0x140, s10;
	v14 =	vor.u32 $0x280, v3  }
0x63f: {  	v13 =	vld [tilespmem:s9+$0xFFFFFF60]  }
0x640: {  	v15 =	vshll.u32 v12, $0x3  }
0x641: {  	[tilespmem:v11+s15+$0x0] =	vst.idx.msk vm2, v5;
	v5 =	vand.u32 $0x7F, v12;
	v11 =	vand.u32 $0xFFFFFC00, v15  }
0x642: {  	v6 =	vld.idx.msk [tilespmem:v6+s14+$0x0], $0xffff;
	v5 =	vor.u32 v5, v11;
	v11 =	vor.u32 $0x100, v9;
	[tilespmem:v10+s15+$0x0] =	vst.idx.msk vm1, v8  }
0x643: {  	v12 =	vor.u32 $0x280, v4;
	v8 =	vor.u32 $0x180, v7;
	v10 =	vld.idx.msk [tilespmem:v14+s14+$0x0], $0xffff  }
0x644: {  	v15 =	vor.u32 $0x300, v3;
	v14 =	vshll.u32 v13, $0x3  }
0x645: {  	s24 =	simm.s32 $0x2000;
	v14 =	vand.u32 $0xFFFFFC00, v14  }
0x646: {  	vm3 =	vlt.s32 v13, $0x90;
	v13 =	vand.u32 $0x7F, v13;
	v14 =	vadd.s32 s24, v14  }
0x647: {  	vm0 =	vmmov vm2;
	v16 =	vld.idx.msk [tilespmem:v5+s14+$0x0], $0xffff;
	[tilespmem:v11+s15+$0x0] =	vst.idx.msk vm2, v6;
	v6 =	vor.u32 v13, v14  }
0x648: {  	v11 =	vor.u32 $0x80, v5;
	v13 =	vor.u32 $0x180, v9;
	v8 =	vld.idx.msk [tilespmem:v8+s14+$0x0], $0xffff;
	[tilespmem:v12+s15+$0x0] =	vst.idx.msk vm1, v10  }
0x649: {  	v14 =	vor.u32 $0x300, v4;
	v12 =	vld.idx.msk [tilespmem:v15+s14+$0x0], $0xffff  }
0x64a: {  	v10 =	vor.u32 $0x200, v7  }
0x64b: {  	s8 =	sadd.s32 $0x140, s23  }
0x64c: {  	v3 =	vor.u32 $0x380, v3;
	v15 =	vld [tilespmem:s8+$0xFFFFFF60];
	[tilespmem:v6+s15+$0x0] =	vst.idx.msk vm3, v16  }
0x64d: {  	v11 =	vld.idx.msk [tilespmem:v11+s14+$0x0], $0xffff;
	[tilespmem:v13+s15+$0x0] =	vst.idx.msk vm0, v8;
	v8 =	vor.u32 $0x80, v6  }
0x64e: {  	[tilespmem:v14+s15+$0x0] =	vst.idx.msk vm1, v12  }
0x64f: {  	s6 =	sadd.s32 $0x140, s9;
	v10 =	vld.idx.msk [tilespmem:v10+s14+$0x0], $0xffff;
	s25 =	rddreg [dreg:$0xf]  }
0x650: {  	vm2 =	vmmov vm1;
	v16 =	vor.u32 $0x200, v9;
	v13 =	vor.u32 $0x100, v5;
	v14 =	vld [tilespmem:s6+$0xFFFFFF60];
	s26 =	rddreg [dreg:$0x10]  }
0x651: {  	v17 =	vor.u32 $0x280, v7;
	v4 =	vor.u32 $0x380, v4;
	v12 =	vld.idx.msk [tilespmem:v3+s14+$0x0], $0xffff;
	s0 =	sadd.s32 s26, s25  }
0x652: {  	v3 =	vshll.u32 v15, $0x3;
	s31 =	rddreg [dreg:$0xd];
	s0 =	sshll.u32 s0, $0xD;
	[tilespmem:v8+s15+$0x0] =	vst.idx.msk vm3, v11  }
0x653: {  	v3 =	vand.u32 $0xFFFFFC00, v3;
	v8 =	vand.u32 $0x7F, v15;
	s0 =	sadd.s32 s0, s31;
	s7 =	rddreg [dreg:$0xe]  }
0x654: {  	vm1 =	vmmov vm3;
	v3 =	vor.u32 v8, v3;
	s7 =	sadd.s32 s7, s0  }
0x655: {  	s12 =	smov.u32 s20;
	v11 =	vld.idx.msk [tilespmem:v13+s14+$0x0], $0xffff;
	[tilespmem:v16+s15+$0x0] =	vst.idx.msk vm0, v10;
	v8 =	vor.u32 $0x100, v6;
	s0 =	sshrl.u32 s7, $0x3  }
0x656: {  	s18 =	simm.s32 $0xD400;
	s20 =	simm.s32 $0x3000;
	v15 =	vor.u32 $0x280, v9;
	v13 =	vor.u32 $0x180, v5;
	v10 =	vld.idx.msk [tilespmem:v17+s14+$0x0], $0xffff;
	[tilespmem:v4+s15+$0x0] =	vst.idx.msk vm2, v12;
	v4 =	vshll.u32 v14, $0x3;
	s0 =	sadd.s32 s2, s0  }
0x657: {  	v12 =	vor.u32 $0x300, v7;
	v4 =	vand.u32 $0xFFFFFC00, v4;
	[hbm4b:s0+s4] =	stream.linear.scatter [tilespmem:s18], [sflag:$0x3], $0x800, $0x38;
	[tilespmem:$0x1D400] =	vst v63  }
0x658: {  	vm3 =	vlt.s32 v14, $0x90;
	v14 =	vand.u32 $0x7F, v14;
	v4 =	vadd.s32 s20, v4;
	v16 =	vld [tilespmem:s11+$0x0]  }
0x659: {  	v17 =	vld.idx.msk [tilespmem:v3+s14+$0x0], $0xffff;
	v4 =	vor.u32 v14, v4  }
0x65a: {  	[tilespmem:v8+s15+$0x0] =	vst.idx.msk vm1, v11;
	v11 =	vor.u32 $0x80, v3;
	v18 =	vld [tilespmem:s21+$0x0]  }
0x65b: {  	v8 =	vld.idx.msk [tilespmem:v13+s14+$0x0], $0xffff;
	[tilespmem:v15+s15+$0x0] =	vst.idx.msk vm0, v10;
	v13 =	vor.u32 $0x180, v6  }
0x65c: {  	v14 =	vor.u32 $0x200, v5;
	v15 =	vor.u32 $0x300, v9;
	v12 =	vld.idx.msk [tilespmem:v12+s14+$0x0], $0xffff  }
0x65d: {  	v7 =	vor.u32 $0x380, v7;
	v10 =	vshll.u32 v16, $0x3  }
0x65e: {  	v16 =	vand.u32 $0x7F, v16;
	[tilespmem:v4+s15+$0x0] =	vst.idx.msk vm3, v17;
	v10 =	vand.u32 $0xFFFFFC00, v10  }
0x65f: {  	s0 =	sadd.s32 $0x140, s8;
	v17 =	vld.idx.msk [tilespmem:v11+s14+$0x0], $0xffff;
	v10 =	vor.u32 v16, v10  }
0x660: {  	vm2 =	vmmov vm0;
	[tilespmem:v13+s15+$0x0] =	vst.idx.msk vm1, v8;
	v8 =	vor.u32 $0x80, v4;
	v16 =	vld [tilespmem:s0+$0xFFFFFF60]  }
0x661: {  	v9 =	vor.u32 $0x380, v9;
	v11 =	vshll.u32 v18, $0x3;
	v14 =	vld.idx.msk [tilespmem:v14+s14+$0x0], $0xffff;
	[tilespmem:v15+s15+$0x0] =	vst.idx.msk vm0, v12;
	v12 =	vor.u32 $0x200, v6  }
0x662: {  	s3 =	sadd.s32 $0x140, s6;
	s21 =	simm.s32 $0x800;
	vm4 =	vlt.s32 v18, $0x90;
	v13 =	vor.u32 $0x100, v3;
	v19 =	vld.idx.msk [tilespmem:v7+s14+$0x0], $0xffff;
	v7 =	vand.u32 $0xFFFFFC00, v11  }
0x663: {  	v20 =	vld [tilespmem:s3+$0xFFFFFF60];
	v15 =	vor.u32 $0x280, v5;
	v11 =	vand.u32 $0x7F, v18;
	v7 =	vadd.s32 s21, v7  }
0x664: {  	v11 =	vor.u32 v11, v7;
	v18 =	vld.idx.msk [tilespmem:v10+s14+$0x0], $0xffff  }
0x665: {  	s22 =	sadd.s32 $0x180000, s7;
	v21 =	vor.u32 $0x80, v10;
	[tilespmem:v8+s15+$0x0] =	vst.idx.msk vm3, v17;
	v7 =	vshll.u32 v16, $0x3  }
0x666: {  	s24 =	sshrl.u32 s22, $0x3;
	v8 =	vand.u32 $0x7F, v16;
	[tilespmem:v12+s15+$0x0] =	vst.idx.msk vm1, v14;
	v7 =	vand.u32 $0xFFFFFC00, v7  }
0x667: {  	s18 =	simm.s32 $0xE400;
	s11 =	sadd.s32 s2, s24;
	v13 =	vld.idx.msk [tilespmem:v13+s14+$0x0], $0xffff;
	[tilespmem:v9+s15+$0x0] =	vst.idx.msk vm2, v19;
	v7 =	vor.u32 v8, v7;
	v8 =	vor.u32 $0x100, v4  }
0x668: {  	v17 =	vshll.u32 v20, $0x3;
	v14 =	vor.u32 $0x280, v6;
	v12 =	vld.idx.msk [tilespmem:v15+s14+$0x0], $0xffff;
	v9 =	vor.u32 $0x180, v3;
	[hbm4b:s11+s4] =	stream.linear.scatter [tilespmem:s18], [sflag:$0x3], $0x800, $0x38  }
0x669: {  	vm5 =	vlt.s32 v20, $0x90;
	v17 =	vand.u32 $0xFFFFFC00, v17;
	v15 =	vor.u32 $0x300, v5;
	v16 =	vld [tilespmem:s5+$0x0];
	s5 =	simm.s32 $0x4000;
	[tilespmem:v11+s15+$0x0] =	vst.idx.msk vm4, v18  }
0x66a: {  	v20 =	vand.u32 $0x7F, v20;
	v19 =	vor.u32 $0x80, v11;
	v17 =	vadd.s32 s5, v17;
	v18 =	vld.idx.msk [tilespmem:v21+s14+$0x0], $0xffff  }
0x66b: {  	v17 =	vor.u32 v20, v17;
	v20 =	vld [tilespmem:s10+$0x0];
	v21 =	vor.u32 $0x100, v10  }
0x66c: {  	vm0 =	vmmov vm3;
	v22 =	vld.idx.msk [tilespmem:v7+s14+$0x0], $0xffff;
	[tilespmem:v8+s15+$0x0] =	vst.idx.msk vm3, v13  }
0x66d: {  	[tilespmem:v14+s15+$0x0] =	vst.idx.msk vm1, v12;
	v12 =	vor.u32 $0x180, v4;
	v8 =	vld.idx.msk [tilespmem:v9+s14+$0x0], $0xffff;
	v9 =	vor.u32 $0x80, v7  }
0x66e: {  	v14 =	vor.u32 $0x200, v3;
	v13 =	vld.idx.msk [tilespmem:v15+s14+$0x0], $0xffff;
	v15 =	vor.u32 $0x300, v6  }
0x66f: {  	v23 =	vshll.u32 v16, $0x3;
	[tilespmem:v19+s15+$0x0] =	vst.idx.msk vm4, v18;
	v18 =	vor.u32 $0x380, v5  }
0x670: {  	s10 =	sadd.s32 $0x140, s0;
	v5 =	vand.u32 $0x7F, v16;
	v16 =	vand.u32 $0xFFFFFC00, v23;
	v19 =	vld.idx.msk [tilespmem:v21+s14+$0x0], $0xffff  }
0x671: {  	v5 =	vor.u32 v5, v16;
	v16 =	vor.u32 $0x100, v11;
	v21 =	vld [tilespmem:s10+$0xFFFFFF60];
	[tilespmem:v17+s15+$0x0] =	vst.idx.msk vm5, v22  }
0x672: {  	v24 =	vor.u32 $0x380, v6;
	v22 =	vor.u32 $0x180, v10;
	v9 =	vld.idx.msk [tilespmem:v9+s14+$0x0], $0xffff;
	[tilespmem:v12+s15+$0x0] =	vst.idx.msk vm0, v8;
	v8 =	vor.u32 $0x80, v17  }
0x673: {  	vm6 =	vmmov vm1;
	[tilespmem:v15+s15+$0x0] =	vst.idx.msk vm1, v13;
	v13 =	vshll.u32 v20, $0x3;
	v15 =	vor.u32 $0x200, v4;
	v14 =	vld.idx.msk [tilespmem:v14+s14+$0x0], $0xffff  }
0x674: {  	s25 =	simm.s32 $0x1800;
	s18 =	sadd.s32 $0x140, s3;
	vm2 =	vlt.s32 v20, $0x90;
	v23 =	vor.u32 $0x100, v7;
	v6 =	vand.u32 $0xFFFFFC00, v13;
	v18 =	vld.idx.msk [tilespmem:v18+s14+$0x0], $0xffff  }
0x675: {  	v20 =	vand.u32 $0x7F, v20;
	v12 =	vor.u32 $0x280, v3;
	v13 =	vld [tilespmem:s18+$0xFFFFFF60];
	v6 =	vadd.s32 s25, v6  }
0x676: {  	v6 =	vor.u32 v20, v6;
	v25 =	vld.idx.msk [tilespmem:v5+s14+$0x0], $0xffff;
	[tilespmem:v16+s15+$0x0] =	vst.idx.msk vm4, v19  }
0x677: {  	s1 =	sadd.s32 $0x180000, s22;
	s11 =	sadd.s32 $0x140, s18;
	v20 =	vor.u32 $0x180, v11;
	v19 =	vor.u32 $0x80, v5;
	v16 =	vld.idx.msk [tilespmem:v22+s14+$0x0], $0xffff;
	[tilespmem:v8+s15+$0x0] =	vst.idx.msk vm5, v9  }
0x678: {  	s21 =	sshrl.u32 s1, $0x3;
	v26 =	vld [tilespmem:s11+$0xFFFFFF60];
	v22 =	vshll.u32 v21, $0x3;
	v9 =	vor.u32 $0x200, v10;
	[tilespmem:v15+s15+$0x0] =	vst.idx.msk vm0, v14  }
0x679: {  	s22 =	simm.s32 $0xF400;
	s21 =	sadd.s32 s2, s21;
	vm1 =	vmmov vm5;
	v8 =	vand.u32 $0x7F, v21;
	v21 =	vand.u32 $0xFFFFFC00, v22;
	v14 =	vld.idx.msk [tilespmem:v23+s14+$0x0], $0xffff;
	[tilespmem:v24+s15+$0x0] =	vst.idx.msk vm6, v18  }
0x67a: {  	v15 =	vor.u32 $0x100, v17;
	v8 =	vor.u32 v8, v21;
	v12 =	vld.idx.msk [tilespmem:v12+s14+$0x0], $0xffff;
	[hbm4b:s21+s4] =	stream.linear.scatter [tilespmem:s22], [sflag:$0x3], $0x800, $0x38  }
0x67b: {  	vm3 =	vmmov vm4;
	v21 =	vor.u32 $0x280, v4;
	v18 =	vor.u32 $0x180, v7;
	[tilespmem:v6+s15+$0x0] =	vst.idx.msk vm2, v25;
	v22 =	vld [tilespmem:s23+$0x0]  }
0x67c: {  	vm5 =	vlt.s32 v13, $0x90;
	v23 =	vor.u32 $0x300, v3;
	v19 =	vld.idx.msk [tilespmem:v19+s14+$0x0], $0xffff;
	[tilespmem:v20+s15+$0x0] =	vst.idx.msk vm4, v16;
	v16 =	vshll.u32 v13, $0x3  }
0x67d: {  	s21 =	simm.s32 $0x5000;
	v25 =	vor.u32 $0x200, v11;
	v20 =	vor.u32 $0x80, v6;
	v24 =	vld.idx.msk [tilespmem:v9+s14+$0x0], $0xffff;
	v9 =	vand.u32 $0xFFFFFC00, v16  }
0x67e: {  	v13 =	vand.u32 $0x7F, v13;
	v28 =	vld [tilespmem:s9+$0x0];
	v16 =	vor.u32 $0x100, v5;
	v9 =	vadd.s32 s21, v9  }
0x67f: {  	[tilespmem:v15+s15+$0x0] =	vst.idx.msk vm1, v14;
	v14 =	vor.u32 $0x280, v10;
	v27 =	vld.idx.msk [tilespmem:v8+s14+$0x0], $0xffff;
	v9 =	vor.u32 v13, v9  }
0x680: {  	v15 =	vor.u32 $0x180, v17;
	[tilespmem:v21+s15+$0x0] =	vst.idx.msk vm0, v12;
	v12 =	vor.u32 $0x80, v8;
	v13 =	vld.idx.msk [tilespmem:v18+s14+$0x0], $0xffff  }
0x681: {  	s22 =	sadd.s32 $0x140, s10;
	v21 =	vor.u32 $0x200, v7;
	v18 =	vld.idx.msk [tilespmem:v23+s14+$0x0], $0xffff;
	v23 =	vor.u32 $0x300, v4;
	v29 =	vshll.u32 v22, $0x3  }
0x682: {  	[tilespmem:v20+s15+$0x0] =	vst.idx.msk vm2, v19;
	v19 =	vor.u32 $0x380, v3;
	v3 =	vand.u32 $0x7F, v22;
	v22 =	vld [tilespmem:s22+$0xFFFFFF60];
	v20 =	vand.u32 $0xFFFFFC00, v29  }
0x683: {  	v16 =	vld.idx.msk [tilespmem:v16+s14+$0x0], $0xffff;
	[tilespmem:v25+s15+$0x0] =	vst.idx.msk vm3, v24;
	v3 =	vor.u32 v3, v20;
	v20 =	vor.u32 $0x100, v6  }
0x684: {  	v24 =	vor.u32 $0x180, v5;
	v25 =	vor.u32 $0x280, v11;
	v14 =	vld.idx.msk [tilespmem:v14+s14+$0x0], $0xffff;
	[tilespmem:v9+s15+$0x0] =	vst.idx.msk vm5, v27  }
0x685: {  	v30 =	vor.u32 $0x380, v4;
	[tilespmem:v15+s15+$0x0] =	vst.idx.msk vm1, v13;
	v13 =	vor.u32 $0x300, v10;
	v15 =	vor.u32 $0x80, v9;
	v12 =	vld.idx.msk [tilespmem:v12+s14+$0x0], $0xffff  }
0x686: {  	vm6 =	vmmov vm0;
	[tilespmem:v23+s15+$0x0] =	vst.idx.msk vm0, v18;
	v18 =	vshll.u32 v28, $0x3;
	v23 =	vor.u32 $0x200, v17;
	v21 =	vld.idx.msk [tilespmem:v21+s14+$0x0], $0xffff  }
0x687: {  	s26 =	simm.s32 $0x2800;
	v29 =	vor.u32 $0x100, v8;
	v27 =	vor.u32 $0x280, v7;
	v4 =	vand.u32 $0xFFFFFC00, v18;
	v19 =	vld.idx.msk [tilespmem:v19+s14+$0x0], $0xffff  }
0x688: {  	vm0 =	vlt.s32 v28, $0x90;
	v28 =	vand.u32 $0x7F, v28;
	v4 =	vadd.s32 s26, v4;
	v18 =	vld.idx.msk [tilespmem:v3+s14+$0x0], $0xffff;
	[tilespmem:v20+s15+$0x0] =	vst.idx.msk vm2, v16  }
0x689: {  	v4 =	vor.u32 v28, v4;
	[tilespmem:v25+s15+$0x0] =	vst.idx.msk vm3, v14;
	v16 =	vld.idx.msk [tilespmem:v24+s14+$0x0], $0xffff  }
0x68a: {  	s28 =	sadd.s32 $0x140, s11;
	s25 =	sadd.s32 $0x180000, s1;
	vm2 =	vmmov vm2;
	vm3 =	vmmov vm3;
	v14 =	vor.u32 $0x80, v3;
	v24 =	vld.idx.msk [tilespmem:v13+s14+$0x0], $0xffff;
	[tilespmem:v15+s15+$0x0] =	vst.idx.msk vm5, v12  }
0x68b: {  	s1 =	sshrl.u32 s25, $0x3;
	v20 =	vor.u32 $0x180, v6;
	v25 =	vor.u32 $0x300, v11;
	v13 =	vld [tilespmem:s28+$0xFFFFFF60];
	v12 =	vshll.u32 v22, $0x3;
	[tilespmem:v23+s15+$0x0] =	vst.idx.msk vm1, v21  }
0x68c: {  	s31 =	simm.s32 $0x10400;
	s1 =	sadd.s32 s2, s1;
	v15 =	vor.u32 $0x200, v5;
	v21 =	vand.u32 $0x7F, v22;
	v12 =	vand.u32 $0xFFFFFC00, v12;
	v22 =	vld.idx.msk [tilespmem:v29+s14+$0x0], $0xffff;
	[tilespmem:v30+s15+$0x0] =	vst.idx.msk vm6, v19  }
0x68d: {  	v23 =	vor.u32 $0x380, v10;
	v19 =	vld.idx.msk [tilespmem:v27+s14+$0x0], $0xffff;
	v10 =	vor.u32 v21, v12;
	v12 =	vor.u32 $0x100, v9;
	[hbm4b:s1+s4] =	stream.linear.scatter [tilespmem:s31], [sflag:$0x3], $0x800, $0x38  }
0x68e: {  	vm9 =	vlt.s32 v26, $0x90;
	v28 =	vld [tilespmem:s8+$0x0]  }
0x68f: {  	v27 =	vor.u32 $0x280, v17;
	v21 =	vor.u32 $0x180, v8;
	[tilespmem:v4+s15+$0x0] =	vst.idx.msk vm0, v18;
	v18 =	vor.u32 $0x300, v7;
	v60 =	vld [tilespmem:s6+$0x0]  }
0x690: {  	v14 =	vld.idx.msk [tilespmem:v14+s14+$0x0], $0xffff;
	[tilespmem:v20+s15+$0x0] =	vst.idx.msk vm2, v16;
	v16 =	vand.u32 $0x7F, v26;
	v20 =	vshll.u32 v26, $0x3;
	v26 =	vor.u32 $0x80, v4  }
0x691: {  	s23 =	simm.s32 $0x6000;
	[tilespmem:v25+s15+$0x0] =	vst.idx.msk vm3, v24;
	v24 =	vor.u32 $0x100, v3;
	v25 =	vor.u32 $0x200, v6;
	v15 =	vld.idx.msk [tilespmem:v15+s14+$0x0], $0xffff;
	v20 =	vand.u32 $0xFFFFFC00, v20  }
0x692: {  	v61 =	vor.u32 $0x380, v7;
	v23 =	vld.idx.msk [tilespmem:v23+s14+$0x0], $0xffff;
	v20 =	vadd.s32 s23, v20;
	[tilespmem:v12+s15+$0x0] =	vst.idx.msk vm5, v22;
	v22 =	vor.u32 $0x380, v11  }
0x693: {  	vm4 =	vmmov vm5;
	v29 =	vld.idx.msk [tilespmem:v10+s14+$0x0], $0xffff;
	v12 =	vor.u32 $0x280, v5;
	v11 =	vor.u32 v16, v20  }
0x694: {  	[tilespmem:v27+s15+$0x0] =	vst.idx.msk vm1, v19;
	v19 =	vor.u32 $0x80, v10;
	vm5 =	vmmov vm1;
	v20 =	vld.idx.msk [tilespmem:v21+s14+$0x0], $0xffff;
	v21 =	vor.u32 $0x180, v9  }
0x695: {  	v31 =	vor.u32 $0x300, v17;
	v30 =	vor.u32 $0x200, v8;
	v18 =	vld.idx.msk [tilespmem:v18+s14+$0x0], $0xffff;
	v16 =	vshll.u32 v28, $0x3;
	[tilespmem:v26+s15+$0x0] =	vst.idx.msk vm0, v14  }
0x696: {  	vm7 =	vmmov vm9;
	s24 =	sadd.s32 $0x140, s22;
	v7 =	vand.u32 $0x7F, v28;
	v14 =	vand.u32 $0xFFFFFC00, v16;
	v62 =	vld.idx.msk [tilespmem:v24+s14+$0x0], $0xffff;
	[tilespmem:v25+s15+$0x0] =	vst.idx.msk vm2, v15  }
0x697: {  	vm8 =	vmmov vm4;
	v63 =	vor.u32 $0x100, v4;
	v7 =	vor.u32 v7, v14;
	v24 =	vld [tilespmem:s24+$0xFFFFFF60];
	[tilespmem:v22+s15+$0x0] =	vst.idx.msk vm3, v23  }
0x698: {  	s30 =	simm.s32 $0xE;
	s29 =	simm.s32 $0x10C00;
	s20 =	sadd.s32 $0xC0000, s7;
	v27 =	vor.u32 $0x100, v10;
	vm1 =	vmmov vm0;
	v28 =	vor.u32 $0x80, v11;
	v12 =	vld.idx.msk [tilespmem:v12+s14+$0x0], $0xffff;
	[tilespmem:v11+s15+$0x0] =	vst.idx.msk vm9, v29  }
0x699: {  	s7 =	simm.s32 $0xFC00;
	s9 =	simm.s32 $0x10C00;
	s1 =	sshrl.u32 s20, $0x3;
	vm6 =	vlt.s32 v60, $0x90;
	v16 =	vor.u32 $0x180, v3;
	v14 =	vor.u32 $0x280, v6;
	v26 =	vld.idx.msk [tilespmem:v19+s14+$0x0], $0xffff;
	[tilespmem:v21+s15+$0x0] =	vst.idx.msk vm4, v20  }
0x69a: {  	s26 =	simm.s32 $0xDC00;
	s31 =	simm.s32 $0x3800;
	s6 =	sadd.s32 s1, s2;
	v15 =	vor.u32 $0x300, v5;
	v25 =	vor.u32 $0x200, v9;
	[tilespmem:v31+s15+$0x0] =	vst.idx.msk vm5, v18;
	v21 =	vshll.u32 v60, $0x3;
	v23 =	vld.idx.msk [tilespmem:v30+s14+$0x0], $0xffff  }
0x69b: {  	vm3 =	vmmov vm2;
	v20 =	vor.u32 $0x280, v8;
	[hbm4b:s6+s4] =	stream.linear.scatter [tilespmem:s26], [sflag:$0x3], $0x800, $0x38;
	v18 =	vld.idx.msk [tilespmem:v61+s14+$0x0], $0xffff;
	v22 =	vand.u32 $0xFFFFFC00, v21  }
0x69c: {  	s8 =	simm.s32 $0xEC00;
	s1 =	simm.s32 $0x10;
	v19 =	vor.u32 $0x380, v17;
	s26 =	smov.u32 s28;
	v21 =	vand.u32 $0x7F, v60;
	v17 =	vld.idx.msk [tilespmem:v7+s14+$0x0], $0xffff;
	v22 =	vadd.s32 s31, v22;
	[tilespmem:v63+s15+$0x0] =	vst.idx.msk vm0, v62  }
.LBB2_25:
0x69d: {  	vm10 =	vmmov vm9;
	_ =	sdelay $0x2  }
0x69e: {  	vm9 =	vmmov vm0;
	vm0 =	vmmov vm6  }
0x69f: {  	p1 =	slt.u32 s1, $0x1E;
	v21 =	vor.u32 v21, v22;
	v16 =	vld.idx.msk [tilespmem:v16+s14+$0x0], $0xffff;
	[tilespmem:v14+s15+$0x0] =	vst.idx.msk vm2, v12;
	vm2 =	vmmov vm9  }
0x6a0: {  	s28 =	sadd.s32 $0x140, s28;
	s25 =	sadd.s32 $0x180000, s25;
	v12 =	vor.u32 $0x80, v7;
	v14 =	vor.u32 $0x180, v4;
	v15 =	vld.idx.msk [tilespmem:v15+s14+$0x0], $0xffff  }
0x6a1: {  	v29 =	vshll.u32 v24, $0x3;
	s29 =	sadd.s32 $0x1000, s29;
	s31 =	sshrl.u32 s25, $0x3;
	v22 =	vld [tilespmem:s28+$0xFFFFFF60];
	[tilespmem:v28+s15+$0x0] =	vst.idx.msk vm10, v26;
	v26 =	vor.u32 $0x200, v3;
	v28 =	vor.u32 $0x300, v6  }
0x6a2: {  	v24 =	vand.u32 $0x7F, v24;
	v29 =	vand.u32 $0xFFFFFC00, v29;
	s20 =	sadd.s32 $0xFFFFF800, s29;
	s31 =	sadd.s32 s2, s31;
	v27 =	vld.idx.msk [tilespmem:v27+s14+$0x0], $0xffff;
	[tilespmem:v25+s15+$0x0] =	vst.idx.msk vm4, v23;
	v23 =	vor.u32 $0x380, v5;
	v5 =	vmovc v3  }
0x6a3: {  	v20 =	vld.idx.msk [tilespmem:v20+s14+$0x0], $0xffff;
	[tilespmem:v19+s15+$0x0] =	vst.idx.msk vm5, v18  }
0x6a4: {  	v24 =	vor.u32 v24, v29;
	v25 =	vor.u32 $0x100, v11;
	v3 =	vmov v7;
	[hbm4b:s31+s4] =	stream.linear.scatter [tilespmem:s20], [sflag:$0x3], $0x800, $0x38;
	[tilespmem:$0x1D400] =	vst v63  }
0x6a5: {  	v7 =	vor.u32 $0x180, v10;
	v18 =	vor.u32 $0x280, v9;
	vm5 =	vmmov vm4;
	v19 =	vld [tilespmem:s0+$0x0];
	[tilespmem:v21+s15+$0x0] =	vst.idx.msk vm6, v17;
	s0 =	smov.u32 s10;
	s10 =	smov.u32 s22;
	s22 =	smov.u32 s24  }
0x6a6: {  	vm9 =	vlt.s32 v13, $0x90;
	vm4 =	vmmov vm10;
	v17 =	vor.u32 $0x300, v8;
	v12 =	vld.idx.msk [tilespmem:v12+s14+$0x0], $0xffff;
	[tilespmem:v14+s15+$0x0] =	vst.idx.msk vm1, v16  }
0x6a7: {  	v29 =	vor.u32 $0x80, v21;
	v14 =	vand.u32 $0x7F, v13;
	v16 =	vshll.u32 v13, $0x3;
	v13 =	vmovc v22;
	v26 =	vld.idx.msk [tilespmem:v26+s14+$0x0], $0xffff;
	[tilespmem:v28+s15+$0x0] =	vst.idx.msk vm3, v15  }
0x6a8: {  	s31 =	sshll.u32 s30, $0xB;
	s30 =	smov.u32 s1;
	v22 =	vor.u32 $0x200, v4;
	v15 =	vand.u32 $0xFFFFFC00, v16;
	v16 =	vor.u32 $0x100, v3;
	v23 =	vld.idx.msk [tilespmem:v23+s14+$0x0], $0xffff  }
0x6a9: {  	v15 =	vadd.s32 s31, v15;
	v28 =	vld.idx.msk [tilespmem:v24+s14+$0x0], $0xffff;
	[tilespmem:v25+s15+$0x0] =	vst.idx.msk vm7, v27;
	v25 =	vor.u32 $0x280, v5;
	v27 =	vor.u32 $0x380, v6;
	v6 =	vmovc v4  }
0x6aa: {  	v30 =	vor.u32 v14, v15;
	v4 =	vmov v21;
	v15 =	vld.idx.msk [tilespmem:v7+s14+$0x0], $0xffff;
	[tilespmem:v18+s15+$0x0] =	vst.idx.msk vm8, v20;
	vm8 =	vmmov vm10  }
0x6ab: {  	vm7 =	vmmov vm9;
	v18 =	vor.u32 $0x80, v24;
	v20 =	vor.u32 $0x180, v11;
	v17 =	vld.idx.msk [tilespmem:v17+s14+$0x0], $0xffff  }
0x6ac: {  	v31 =	vor.u32 $0x300, v9;
	v21 =	vor.u32 $0x200, v10;
	v7 =	vshll.u32 v19, $0x3;
	v32 =	vld [tilespmem:s3+$0x0];
	[tilespmem:v29+s15+$0x0] =	vst.idx.msk vm6, v12;
	s3 =	smov.u32 s18;
	s18 =	smov.u32 s11;
	s11 =	smov.u32 s26  }
0x6ad: {  	s6 =	sadd.s32 $0x30000, s6;
	s24 =	sadd.s32 $0x140, s24;
	v7 =	vand.u32 $0xFFFFFC00, v7;
	v29 =	vor.u32 $0x380, v8;
	v12 =	vand.u32 $0x7F, v19;
	v8 =	vmovc v10;
	s26 =	smov.u32 s28;
	v33 =	vld.idx.msk [tilespmem:v16+s14+$0x0], $0xffff;
	[tilespmem:v22+s15+$0x0] =	vst.idx.msk vm1, v26  }
0x6ae: {  	v7 =	vor.u32 v12, v7;
	v12 =	vld.idx.msk [tilespmem:v25+s14+$0x0], $0xffff;
	[tilespmem:v27+s15+$0x0] =	vst.idx.msk vm3, v23  }
0x6af: {  	v34 =	vor.u32 $0x100, v4;
	v10 =	vmov v24;
	[hbm4b:s6+s4] =	stream.linear.scatter [tilespmem:s8], [sflag:$0x3], $0x800, $0x38;
	[tilespmem:$0x1D400] =	vst v63  }
.Ltmp11:
0x6b0: {  	v14 =	vor.u32 $0x280, v6;
	v16 =	vor.u32 $0x180, v3;
	vm3 =	vmmov vm1;
	s8 =	smov.u32 s7;
	s7 =	smov.u32 s9;
	v24 =	vld [tilespmem:s24+$0xFFFFFF60];
	[tilespmem:v30+s15+$0x0] =	vst.idx.msk vm9, v28;
	(pc) =	sbr.rel @p1 .LBB2_25-.Ltmp11, $4  }
0x6b1: {  	vm1 =	vmmov vm6;
	s9 =	smov.u32 s29;
	v26 =	vld.idx.msk [tilespmem:v18+s14+$0x0], $0xffff;
	[tilespmem:v20+s15+$0x0] =	vst.idx.msk vm4, v15;
	v20 =	vor.u32 $0x280, v8;
	v15 =	vor.u32 $0x300, v5  }
0x6b2: {  	v27 =	vor.u32 $0x100, v10;
	v28 =	vor.u32 $0x80, v30;
	v23 =	vld.idx.msk [tilespmem:v21+s14+$0x0], $0xffff;
	[tilespmem:v31+s15+$0x0] =	vst.idx.msk vm5, v17;
	v17 =	vshll.u32 v32, $0x3  }
0x6b3: {  	s20 =	sadd.s32 $0x800, s5;
	s5 =	smov.u32 s21;
	s21 =	smov.u32 s23;
	v19 =	vor.u32 $0x380, v9;
	v9 =	vmovc v11;
	v25 =	vor.u32 $0x200, v11;
	v11 =	vmovc v30;
	v18 =	vld.idx.msk [tilespmem:v29+s14+$0x0], $0xffff;
	v22 =	vand.u32 $0xFFFFFC00, v17  }
0x6b4: {  	s1 =	sadd.s32 $0x2, s1;
	s23 =	smov.u32 s31;
	v21 =	vand.u32 $0x7F, v32;
	v17 =	vld.idx.msk [tilespmem:v7+s14+$0x0], $0xffff;
	v22 =	vadd.s32 s20, v22;
	[tilespmem:v34+s15+$0x0] =	vst.idx.msk vm6, v33;
	vm6 =	vlt.s32 v32, $0x90  }
0x6b5: {  	v29 =	vshll.u32 v24, $0x3  }
0x6b6: {  	v40 =	vand.u32 $0x7F, v24;
	v29 =	vand.u32 $0xFFFFFC00, v29  }
0x6b7: {  	v24 =	vor.u32 v40, v29;
	_ =	sdelay $0x1  }
0x6b8: {  	v41 =	vshll.u32 v13, $0x3  }
0x6b9: {  	s1 =	sshll.u32 s30, $0xB;
	v29 =	vand.u32 $0xFFFFFC00, v41  }
0x6ba: {  	vm10 =	vlt.s32 v13, $0x90;
	v42 =	vand.u32 $0x7F, v13;
	v29 =	vadd.s32 s1, v29  }
0x6bb: {  	v13 =	vor.u32 v42, v29;
	v30 =	vld.idx.msk [tilespmem:v24+s14+$0x0], $0xffff  }
0x6bc: {  	v43 =	vor.u32 $0x80, v24;
	_ =	sdelay $0x3  }
0x6bd: {  	[tilespmem:v13+s15+$0x0] =	vst.idx.msk vm10, v30  }
0x6be: {  	v44 =	vor.u32 $0x80, v13;
	v29 =	vld.idx.msk [tilespmem:v43+s14+$0x0], $0xffff  }
0x6bf: {  	v45 =	vor.u32 $0x100, v24  }
0x6c0: {  	[tilespmem:v28+s15+$0x0] =	vst.idx.msk vm9, v26  }
0x6c1: {  	v46 =	vor.u32 $0x100, v11;
	v27 =	vld.idx.msk [tilespmem:v27+s14+$0x0], $0xffff  }
0x6c2: {  	v31 =	vor.u32 $0x180, v10  }
0x6c3: {  	[tilespmem:v44+s15+$0x0] =	vst.idx.msk vm10, v29;
	vm10 =	vmmov vm10  }
0x6c4: {  	v47 =	vor.u32 $0x100, v13;
	v26 =	vld.idx.msk [tilespmem:v45+s14+$0x0], $0xffff  }
0x6c5: {  	v48 =	vor.u32 $0x180, v24  }
0x6c6: {  	[tilespmem:v46+s15+$0x0] =	vst.idx.msk vm7, v27  }
0x6c7: {  	v49 =	vor.u32 $0x180, v11;
	v28 =	vld.idx.msk [tilespmem:v31+s14+$0x0], $0xffff  }
0x6c8: {  	v50 =	vor.u32 $0x200, v10  }
0x6c9: {  	[tilespmem:v47+s15+$0x0] =	vst.idx.msk vm10, v26  }
0x6ca: {  	v51 =	vor.u32 $0x180, v13;
	v26 =	vld.idx.msk [tilespmem:v48+s14+$0x0], $0xffff  }
0x6cb: {  	v52 =	vor.u32 $0x200, v24  }
0x6cc: {  	[tilespmem:v49+s15+$0x0] =	vst.idx.msk vm9, v28  }
0x6cd: {  	v54 =	vor.u32 $0x200, v11;
	[tilespmem:v25+s15+$0x0] =	vst.idx.msk vm4, v23;
	v53 =	vld.idx.msk [tilespmem:v50+s14+$0x0], $0xffff  }
0x6ce: {  	v55 =	vor.u32 $0x280, v10;
	v56 =	vor.u32 $0x280, v9;
	v20 =	vld.idx.msk [tilespmem:v20+s14+$0x0], $0xffff  }
0x6cf: {  	v57 =	vor.u32 $0x300, v8;
	[tilespmem:v51+s15+$0x0] =	vst.idx.msk vm10, v26  }
0x6d0: {  	v58 =	vor.u32 $0x200, v13;
	v27 =	vld.idx.msk [tilespmem:v52+s14+$0x0], $0xffff  }
0x6d1: {  	v59 =	vor.u32 $0x280, v24  }
0x6d2: {  	vm11 =	vmmov vm9;
	[tilespmem:v54+s15+$0x0] =	vst.idx.msk vm9, v53  }
0x6d3: {  	v60 =	vor.u32 $0x280, v11;
	[tilespmem:v56+s15+$0x0] =	vst.idx.msk vm8, v20;
	v23 =	vld.idx.msk [tilespmem:v55+s14+$0x0], $0xffff  }
0x6d4: {  	v61 =	vor.u32 $0x300, v10;
	v62 =	vor.u32 $0x300, v9;
	v25 =	vld.idx.msk [tilespmem:v57+s14+$0x0], $0xffff  }
0x6d5: {  	v63 =	vor.u32 $0x380, v8;
	[tilespmem:v58+s15+$0x0] =	vst.idx.msk vm10, v27  }
0x6d6: {  	v32 =	vor.u32 $0x280, v13;
	v27 =	vld.idx.msk [tilespmem:v59+s14+$0x0], $0xffff  }
0x6d7: {  	v33 =	vor.u32 $0x300, v24  }
0x6d8: {  	[tilespmem:v60+s15+$0x0] =	vst.idx.msk vm11, v23  }
0x6d9: {  	vm14 =	vmmov vm4;
	v34 =	vor.u32 $0x300, v11;
	[tilespmem:v62+s15+$0x0] =	vst.idx.msk vm4, v25;
	v20 =	vld.idx.msk [tilespmem:v61+s14+$0x0], $0xffff  }
0x6da: {  	s20 =	sadd.s32 $0x180000, s25;
	v35 =	vor.u32 $0x380, v10;
	v36 =	vor.u32 $0x380, v9;
	v8 =	vld.idx.msk [tilespmem:v63+s14+$0x0], $0xffff  }
0x6db: {  	s25 =	sadd.s32 $0x1000, s29;
	s28 =	sshrl.u32 s20, $0x3;
	[tilespmem:v32+s15+$0x0] =	vst.idx.msk vm10, v27  }
0x6dc: {  	s29 =	sadd.s32 $0xFFFFF800, s25;
	s20 =	sadd.s32 $0x180000, s20;
	s28 =	sadd.s32 s2, s28;
	[tilespmem:v19+s15+$0x0] =	vst.idx.msk vm5, v18;
	v38 =	vor.u32 $0x300, v13;
	v37 =	vld.idx.msk [tilespmem:v33+s14+$0x0], $0xffff  }
0x6dd: {  	v39 =	vor.u32 $0x380, v24;
	[hbm4b:s28+s4] =	stream.linear.scatter [tilespmem:s29], [sflag:$0x3], $0x800, $0x38;
	[tilespmem:$0x1D400] =	vst v63  }
0x6de: {  	s30 =	sshrl.u32 s20, $0x3;
	s28 =	sadd.s32 $0x1000, s25;
	v41 =	vld [tilespmem:s0+$0x0];
	[tilespmem:v34+s15+$0x0] =	vst.idx.msk vm11, v20  }
0x6df: {  	v40 =	vor.u32 $0x380, v11;
	s29 =	sadd.s32 s2, s30;
	s31 =	sadd.s32 $0xFFFFF800, s28;
	[tilespmem:v36+s15+$0x0] =	vst.idx.msk vm14, v8;
	v10 =	vld.idx.msk [tilespmem:v35+s14+$0x0], $0xffff  }
0x6e0: {  	v42 =	vld [tilespmem:s3+$0x0];
	[hbm4b:s29+s4] =	stream.linear.scatter [tilespmem:s31], [sflag:$0x3], $0x800, $0x38  }
0x6e1: {  	v45 =	vld [tilespmem:s10+$0x0];
	[tilespmem:v38+s15+$0x0] =	vst.idx.msk vm10, v37  }
0x6e2: {  	s0 =	sadd.s32 $0x180000, s20;
	v13 =	vor.u32 $0x380, v13;
	v18 =	vld.idx.msk [tilespmem:v39+s14+$0x0], $0xffff  }
0x6e3: {  	s30 =	sadd.s32 $0x1000, s28;
	s20 =	sshrl.u32 s0, $0x3;
	v47 =	vld [tilespmem:s18+$0x0];
	v48 =	vshll.u32 v41, $0x3  }
0x6e4: {  	s3 =	sadd.s32 $0x180000, s0;
	s20 =	sadd.s32 s2, s20;
	v24 =	vor.u32 $0x100, v7;
	v9 =	vand.u32 $0x7F, v41;
	s31 =	sadd.s32 $0xFFFFF800, s30;
	v50 =	vand.u32 $0xFFFFFC00, v48;
	[tilespmem:v40+s15+$0x0] =	vst.idx.msk vm11, v10  }
0x6e5: {  	v46 =	vshll.u32 v42, $0x3;
	v8 =	vor.u32 v21, v22;
	v19 =	vor.u32 v9, v50;
	[hbm4b:s20+s4] =	stream.linear.scatter [tilespmem:s31], [sflag:$0x3], $0x800, $0x38;
	[tilespmem:$0x1D400] =	vst v63  }
0x6e6: {  	s5 =	sadd.s32 $0x800, s5;
	vm12 =	vlt.s32 v42, $0x90;
	v11 =	vand.u32 $0xFFFFFC00, v46;
	v43 =	vor.u32 $0x80, v7;
	s18 =	sshrl.u32 s3, $0x3;
	s20 =	sadd.s32 $0x1000, s30;
	v49 =	vld [tilespmem:s22+$0x0]  }
0x6e7: {  	v11 =	vadd.s32 s5, v11;
	v44 =	vor.u32 $0x180, v4;
	v22 =	vor.u32 $0x80, v8;
	s10 =	sadd.s32 s2, s18;
	s22 =	sadd.s32 $0xFFFFF800, s20;
	[tilespmem:v13+s15+$0x0] =	vst.idx.msk vm10, v18  }
0x6e8: {  	v55 =	vshll.u32 v45, $0x3;
	v53 =	vor.u32 $0x80, v19;
	v56 =	vshll.u32 v47, $0x3;
	v57 =	vld [tilespmem:s11+$0x0];
	[hbm4b:s10+s4] =	stream.linear.scatter [tilespmem:s22], [sflag:$0x3], $0x800, $0x38  }
0x6e9: {  	vm4 =	vlt.s32 v47, $0x90;
	v25 =	vand.u32 $0x7F, v47;
	v51 =	vand.u32 $0x7F, v42;
	v52 =	vld [tilespmem:s24+$0x0]  }
0x6ea: {  	[tilespmem:v8+s15+$0x0] =	vst.idx.msk vm6, v17;
	v9 =	vor.u32 v51, v11;
	v61 =	vld.idx.msk [tilespmem:v19+s14+$0x0], $0xffff;
	v10 =	vand.u32 $0x7F, v45;
	v13 =	vand.u32 $0xFFFFFC00, v55  }
0x6eb: {  	v20 =	vld.idx.msk [tilespmem:v43+s14+$0x0], $0xffff;
	v43 =	vor.u32 $0x100, v19;
	v59 =	vshll.u32 v49, $0x3;
	v13 =	vor.u32 v10, v13  }
0x6ec: {  	v51 =	vor.u32 $0x180, v7;
	v26 =	vand.u32 $0x7F, v49;
	v18 =	vand.u32 $0xFFFFFC00, v59  }
0x6ed: {  	v54 =	vor.u32 $0x80, v9;
	v58 =	vand.u32 $0xFFFFFC00, v56;
	v18 =	vor.u32 v26, v18;
	v60 =	vld [tilespmem:s26+$0x0]  }
0x6ee: {  	v33 =	vshll.u32 v57, $0x3;
	vm7 =	vlt.s32 v57, $0x90;
	s24 =	sadd.s32 $0x800, s21;
	v62 =	vshll.u32 v52, $0x3  }
0x6ef: {  	v63 =	vld.idx.msk [tilespmem:v16+s14+$0x0], $0xffff;
	[tilespmem:v9+s15+$0x0] =	vst.idx.msk vm12, v61;
	v10 =	vadd.s32 s24, v58;
	v11 =	vand.u32 $0x7F, v52;
	v26 =	vand.u32 $0xFFFFFC00, v62  }
0x6f0: {  	v16 =	vand.u32 $0xFFFFFC00, v33;
	s26 =	sadd.s32 $0x800, s23;
	v10 =	vor.u32 v25, v10;
	v34 =	vld.idx.msk [tilespmem:v13+s14+$0x0], $0xffff;
	v11 =	vor.u32 v11, v26  }
0x6f1: {  	v40 =	vld.idx.msk [tilespmem:v53+s14+$0x0], $0xffff;
	v36 =	vand.u32 $0x7F, v57;
	v35 =	vor.u32 $0x80, v13;
	v16 =	vadd.s32 s26, v16  }
0x6f2: {  	[tilespmem:v22+s15+$0x0] =	vst.idx.msk vm6, v20;
	v45 =	vor.u32 $0x300, v6;
	v16 =	vor.u32 v36, v16;
	v38 =	vld.idx.msk [tilespmem:v18+s14+$0x0], $0xffff;
	v37 =	vshll.u32 v60, $0x3  }
0x6f3: {  	[tilespmem:v14+s15+$0x0] =	vst.idx.msk vm2, v12;
	s1 =	sadd.s32 $0x800, s1;
	v24 =	vld.idx.msk [tilespmem:v24+s14+$0x0], $0xffff;
	v49 =	vor.u32 $0x100, v8;
	v39 =	vor.u32 $0x80, v18;
	v28 =	vand.u32 $0xFFFFFC00, v37  }
0x6f4: {  	v15 =	vld.idx.msk [tilespmem:v15+s14+$0x0], $0xffff;
	[tilespmem:v44+s15+$0x0] =	vst.idx.msk vm1, v63;
	vm13 =	vlt.s32 v60, $0x90;
	v41 =	vand.u32 $0x7F, v60;
	v42 =	vadd.s32 s1, v28  }
0x6f5: {  	v5 =	vor.u32 $0x380, v5;
	v12 =	vor.u32 v41, v42;
	[tilespmem:v10+s15+$0x0] =	vst.idx.msk vm4, v34;
	v44 =	vld.idx.msk [tilespmem:v11+s14+$0x0], $0xffff  }
0x6f6: {  	[tilespmem:v54+s15+$0x0] =	vst.idx.msk vm12, v40;
	v48 =	vor.u32 $0x80, v10;
	v46 =	vor.u32 $0x80, v11;
	v47 =	vld.idx.msk [tilespmem:v35+s14+$0x0], $0xffff  }
0x6f7: {  	vm8 =	vmmov vm10;
	v54 =	vor.u32 $0x100, v9;
	v21 =	vld.idx.msk [tilespmem:v43+s14+$0x0], $0xffff;
	v50 =	vor.u32 $0x100, v13;
	[tilespmem:v16+s15+$0x0] =	vst.idx.msk vm7, v38  }
0x6f8: {  	vm8 =	vmmov vm6;
	v56 =	vor.u32 $0x180, v19;
	[tilespmem:v49+s15+$0x0] =	vst.idx.msk vm6, v24;
	v53 =	vor.u32 $0x80, v16;
	v52 =	vld.idx.msk [tilespmem:v39+s14+$0x0], $0xffff  }
0x6f9: {  	[tilespmem:v45+s15+$0x0] =	vst.idx.msk vm3, v15;
	v33 =	vor.u32 $0x180, v8;
	v63 =	vld.idx.msk [tilespmem:v51+s14+$0x0], $0xffff;
	v55 =	vor.u32 $0x100, v18  }
0x6fa: {  	v5 =	vld.idx.msk [tilespmem:v5+s14+$0x0], $0xffff;
	v58 =	vor.u32 $0x380, v6;
	v60 =	vor.u32 $0x200, v3;
	[tilespmem:v12+s15+$0x0] =	vst.idx.msk vm13, v44  }
0x6fb: {  	v57 =	vor.u32 $0x80, v12;
	v35 =	vor.u32 $0x200, v7;
	[tilespmem:v48+s15+$0x0] =	vst.idx.msk vm4, v47;
	v17 =	vld.idx.msk [tilespmem:v46+s14+$0x0], $0xffff  }
0x6fc: {  	[tilespmem:v54+s15+$0x0] =	vst.idx.msk vm12, v21;
	v62 =	vor.u32 $0x100, v10;
	v59 =	vor.u32 $0x100, v11;
	v61 =	vld.idx.msk [tilespmem:v50+s14+$0x0], $0xffff  }
0x6fd: {  	v15 =	vld.idx.msk [tilespmem:v56+s14+$0x0], $0xffff;
	v34 =	vor.u32 $0x180, v13;
	v38 =	vor.u32 $0x180, v9;
	[tilespmem:v53+s15+$0x0] =	vst.idx.msk vm7, v52  }
0x6fe: {  	v40 =	vor.u32 $0x200, v19;
	[tilespmem:v33+s15+$0x0] =	vst.idx.msk vm8, v63;
	v37 =	vor.u32 $0x100, v16;
	v36 =	vld.idx.msk [tilespmem:v55+s14+$0x0], $0xffff  }
0x6ff: {  	v43 =	vor.u32 $0x200, v4;
	[tilespmem:v58+s15+$0x0] =	vst.idx.msk vm3, v5;
	v39 =	vor.u32 $0x180, v18;
	v22 =	vld.idx.msk [tilespmem:v60+s14+$0x0], $0xffff  }
0x700: {  	v45 =	vor.u32 $0x280, v3;
	v26 =	vld.idx.msk [tilespmem:v35+s14+$0x0], $0xffff;
	v47 =	vor.u32 $0x200, v8;
	[tilespmem:v57+s15+$0x0] =	vst.idx.msk vm13, v17  }
0x701: {  	v49 =	vor.u32 $0x280, v7;
	v42 =	vor.u32 $0x100, v12;
	[tilespmem:v62+s15+$0x0] =	vst.idx.msk vm4, v61;
	v41 =	vld.idx.msk [tilespmem:v59+s14+$0x0], $0xffff  }
0x702: {  	vm6 =	vmmov vm12;
	[tilespmem:v38+s15+$0x0] =	vst.idx.msk vm12, v15;
	v44 =	vor.u32 $0x180, v11;
	v46 =	vor.u32 $0x180, v10;
	v14 =	vld.idx.msk [tilespmem:v34+s14+$0x0], $0xffff  }
0x703: {  	v48 =	vor.u32 $0x200, v13;
	v5 =	vld.idx.msk [tilespmem:v40+s14+$0x0], $0xffff;
	v52 =	vor.u32 $0x200, v9;
	[tilespmem:v37+s15+$0x0] =	vst.idx.msk vm7, v36  }
0x704: {  	vm0 =	vmmov vm0;
	v54 =	vor.u32 $0x280, v19;
	v51 =	vor.u32 $0x180, v16;
	[tilespmem:v43+s15+$0x0] =	vst.idx.msk vm1, v22;
	v50 =	vld.idx.msk [tilespmem:v39+s14+$0x0], $0xffff  }
0x705: {  	v58 =	vor.u32 $0x280, v4;
	v53 =	vor.u32 $0x200, v18;
	[tilespmem:v47+s15+$0x0] =	vst.idx.msk vm8, v26;
	v57 =	vld.idx.msk [tilespmem:v45+s14+$0x0], $0xffff  }
0x706: {  	v60 =	vor.u32 $0x300, v3;
	v27 =	vld.idx.msk [tilespmem:v49+s14+$0x0], $0xffff;
	v62 =	vor.u32 $0x280, v8;
	[tilespmem:v42+s15+$0x0] =	vst.idx.msk vm13, v41  }
0x707: {  	vm14 =	vmmov vm4;
	v32 =	vor.u32 $0x300, v7;
	v56 =	vor.u32 $0x180, v12;
	[tilespmem:v46+s15+$0x0] =	vst.idx.msk vm4, v14;
	v55 =	vld.idx.msk [tilespmem:v44+s14+$0x0], $0xffff  }
0x708: {  	vm5 =	vmmov vm12;
	[tilespmem:v52+s15+$0x0] =	vst.idx.msk vm6, v5;
	v61 =	vor.u32 $0x200, v10;
	v59 =	vor.u32 $0x200, v11;
	v21 =	vld.idx.msk [tilespmem:v48+s14+$0x0], $0xffff  }
0x709: {  	vm10 =	vmmov vm7;
	v63 =	vor.u32 $0x280, v13;
	v20 =	vld.idx.msk [tilespmem:v54+s14+$0x0], $0xffff;
	v34 =	vor.u32 $0x280, v9;
	[tilespmem:v51+s15+$0x0] =	vst.idx.msk vm7, v50  }
0x70a: {  	v33 =	vor.u32 $0x200, v16;
	v36 =	vor.u32 $0x300, v19;
	v6 =	vld.idx.msk [tilespmem:v53+s14+$0x0], $0xffff;
	[tilespmem:v58+s15+$0x0] =	vst.idx.msk vm0, v57;
	vm0 =	vmmov vm1  }
0x70b: {  	vm15 =	vmmov vm11;
	v35 =	vor.u32 $0x280, v18;
	v39 =	vor.u32 $0x300, v4;
	[tilespmem:v62+s15+$0x0] =	vst.idx.msk vm8, v27;
	v26 =	vld.idx.msk [tilespmem:v60+s14+$0x0], $0xffff  }
0x70c: {  	vm9 =	vmmov vm13;
	v3 =	vor.u32 $0x380, v3;
	v43 =	vor.u32 $0x300, v8;
	v5 =	vld.idx.msk [tilespmem:v32+s14+$0x0], $0xffff;
	[tilespmem:v56+s15+$0x0] =	vst.idx.msk vm13, v55  }
0x70d: {  	vm15 =	vmmov vm4;
	v38 =	vor.u32 $0x200, v12;
	v45 =	vor.u32 $0x380, v7;
	[tilespmem:v61+s15+$0x0] =	vst.idx.msk vm14, v21;
	v37 =	vld.idx.msk [tilespmem:v59+s14+$0x0], $0xffff  }
0x70e: {  	v40 =	vor.u32 $0x280, v11;
	[tilespmem:v34+s15+$0x0] =	vst.idx.msk vm5, v20;
	v42 =	vor.u32 $0x280, v10;
	v41 =	vld.idx.msk [tilespmem:v63+s14+$0x0], $0xffff  }
0x70f: {  	vm7 =	vmmov vm7;
	v14 =	vld.idx.msk [tilespmem:v36+s14+$0x0], $0xffff;
	v48 =	vor.u32 $0x300, v9;
	v44 =	vor.u32 $0x300, v13;
	[tilespmem:v33+s15+$0x0] =	vst.idx.msk vm10, v6  }
0x710: {  	v47 =	vor.u32 $0x280, v16;
	v46 =	vld.idx.msk [tilespmem:v35+s14+$0x0], $0xffff;
	[tilespmem:v39+s15+$0x0] =	vst.idx.msk vm0, v26  }
0x711: {  	v52 =	vor.u32 $0x380, v4;
	v49 =	vor.u32 $0x300, v18;
	vm1 =	vmmov vm8;
	[tilespmem:v43+s15+$0x0] =	vst.idx.msk vm8, v5;
	v3 =	vld.idx.msk [tilespmem:v3+s14+$0x0], $0xffff  }
0x712: {  	vm12 =	vmmov vm13;
	v19 =	vor.u32 $0x380, v19;
	v8 =	vor.u32 $0x380, v8;
	v7 =	vld.idx.msk [tilespmem:v45+s14+$0x0], $0xffff;
	[tilespmem:v38+s15+$0x0] =	vst.idx.msk vm9, v37  }
0x713: {  	s29 =	sadd.s32 $0x30000, s6;
	v51 =	vor.u32 $0x280, v12;
	vm13 =	vmmov vm14;
	[tilespmem:v42+s15+$0x0] =	vst.idx.msk vm15, v41;
	v50 =	vld.idx.msk [tilespmem:v40+s14+$0x0], $0xffff  }
0x714: {  	[hbm4b:s29+s4] =	stream.linear.scatter [tilespmem:s8], [sflag:$0x3], $0x800, $0x38;
	v53 =	vor.u32 $0x300, v11;
	[tilespmem:v48+s15+$0x0] =	vst.idx.msk vm6, v14;
	v55 =	vor.u32 $0x300, v10;
	v54 =	vld.idx.msk [tilespmem:v44+s14+$0x0], $0xffff  }
0x715: {  	v13 =	vor.u32 $0x380, v13;
	[tilespmem:v47+s15+$0x0] =	vst.idx.msk vm7, v46  }
0x716: {  	s1 =	sadd.s32 $0x30000, s29;
	vm4 =	vmmov vm6;
	v57 =	vor.u32 $0x300, v16;
	v56 =	vld.idx.msk [tilespmem:v49+s14+$0x0], $0xffff;
	[tilespmem:v52+s15+$0x0] =	vst.idx.msk vm0, v3  }
0x717: {  	v18 =	vor.u32 $0x380, v18;
	v9 =	vor.u32 $0x380, v9;
	[tilespmem:v8+s15+$0x0] =	vst.idx.msk vm1, v7;
	v19 =	vld.idx.msk [tilespmem:v19+s14+$0x0], $0xffff;
	[hbm4b:s1+s4] =	stream.linear.scatter [tilespmem:s7], [sflag:$0x3], $0x800, $0x38  }
0x718: {  	[tilespmem:v51+s15+$0x0] =	vst.idx.msk vm12, v50  }
0x719: {  	v58 =	vor.u32 $0x300, v12;
	s1 =	sadd.s32 $0x30000, s1;
	[tilespmem:v55+s15+$0x0] =	vst.idx.msk vm13, v54;
	v3 =	vld.idx.msk [tilespmem:v53+s14+$0x0], $0xffff  }
0x71a: {  	v60 =	vor.u32 $0x380, v10;
	v59 =	vor.u32 $0x380, v11;
	[hbm4b:s1+s4] =	stream.linear.scatter [tilespmem:s9], [sflag:$0x3], $0x800, $0x38;
	v6 =	vld.idx.msk [tilespmem:v13+s14+$0x0], $0xffff  }
0x71b: {  	[tilespmem:v57+s15+$0x0] =	vst.idx.msk vm10, v56  }
0x71c: {  	v62 =	vor.u32 $0x380, v16;
	[tilespmem:v9+s15+$0x0] =	vst.idx.msk vm4, v19;
	s1 =	sadd.s32 $0x30000, s1;
	v61 =	vld.idx.msk [tilespmem:v18+s14+$0x0], $0xffff  }
0x71d: {  	[hbm4b:s1+s4] =	stream.linear.scatter [tilespmem:s25], [sflag:$0x3], $0x800, $0x38;
	[tilespmem:$0x1D400] =	vst v63  }
0x71e: {  	[tilespmem:v58+s15+$0x0] =	vst.idx.msk vm9, v3  }
0x71f: {  	s19 =	sadd.s32 $0x1, s19;
	v63 =	vor.u32 $0x380, v12;
	s1 =	sadd.s32 $0x30000, s1;
	[tilespmem:v60+s15+$0x0] =	vst.idx.msk vm13, v6;
	v3 =	vld.idx.msk [tilespmem:v59+s14+$0x0], $0xffff  }
0x720: {  	[hbm4b:s1+s4] =	stream.linear.scatter [tilespmem:s28], [sflag:$0x3], $0x800, $0x38;
	[tilespmem:$0x1D400] =	vst v63  }
0x721: {  	p1 =	sne.s32 s19, $0x18;
	[tilespmem:v62+s15+$0x0] =	vst.idx.msk vm10, v61;
	s1 =	sadd.s32 $0x30000, s1  }
0x722: {  	[hbm4b:s1+s4] =	stream.linear.scatter [tilespmem:s30], [sflag:$0x3], $0x800, $0x38;
	[tilespmem:$0x1D400] =	vst v63  }
.Ltmp12:
0x723: {  	_ = 	snop;
	(pc) =	sbr.rel @p1 .LBB2_4-.Ltmp12, $4  }
0x724: {  	s30 =	sadd.s32 $0x30000, s1;
	[tilespmem:v63+s15+$0x0] =	vst.idx.msk vm9, v3  }
0x725: {  	[hbm4b:s30+s4] =	stream.linear.scatter [tilespmem:s20], [sflag:$0x3], $0x800, $0x38;
	[tilespmem:$0x1D400] =	vst v63  }
0x726: {  	p0 =	por !p0, !p0;
	s31 =	rddreg [dreg:$0xa]  }
0x727: {  	vm14 =	vmmov vm10;
	vm15 =	vmmov vm9;
	s20 =	smov.u32 s12;
	s12 =	simm.s32 $0x1;
	s6 =	sadd.s32 $0x1, s31  }
0x728: {  	_ =	swait.ge [sflag:s17], $0x800  }
0x729: {  	[sflag:s17] =	ssyncset.done $0x0  }
0x72a: {  	[sflag:s17] =	ssyncadd.s32 $0xFFFFF800  }
0x72b: {  	_ =	swait.ge [sflag:s17], $0x800  }
0x72c: {  	[sflag:s17] =	ssyncset.done $0x0  }
0x72d: {  	[sflag:s17] =	ssyncadd.s32 $0xFFFFF800  }
0x72e: {  	_ =	swait.ge [sflag:s17], $0x800  }
0x72f: {  	[sflag:s17] =	ssyncset.done $0x0  }
0x730: {  	[sflag:s17] =	ssyncadd.s32 $0xFFFFF800  }
0x731: {  	_ =	swait.ge [sflag:s17], $0x800  }
0x732: {  	[sflag:s17] =	ssyncset.done $0x0  }
0x733: {  	[sflag:s17] =	ssyncadd.s32 $0xFFFFF800  }
0x734: {  	_ =	swait.ge [sflag:s17], $0x800  }
0x735: {  	[sflag:s17] =	ssyncset.done $0x0  }
0x736: {  	[sflag:s17] =	ssyncadd.s32 $0xFFFFF800  }
0x737: {  	_ =	swait.ge [sflag:s17], $0x800  }
0x738: {  	[sflag:s17] =	ssyncset.done $0x0  }
0x739: {  	[sflag:s17] =	ssyncadd.s32 $0xFFFFF800  }
0x73a: {  	_ =	swait.ge [sflag:s17], $0x800  }
0x73b: {  	[sflag:s17] =	ssyncset.done $0x0  }
0x73c: {  	[sflag:s17] =	ssyncadd.s32 $0xFFFFF800  }
0x73d: {  	_ =	swait.ge [sflag:s17], $0x800  }
0x73e: {  	[sflag:s17] =	ssyncset.done $0x0  }
0x73f: {  	[sflag:s17] =	ssyncadd.s32 $0xFFFFF800  }
0x740: {  	_ =	swait.ge [sflag:s17], $0x800  }
0x741: {  	[sflag:s17] =	ssyncset.done $0x0  }
0x742: {  	[sflag:s17] =	ssyncadd.s32 $0xFFFFF800  }
0x743: {  	_ =	swait.ge [sflag:s17], $0x800  }
0x744: {  	[sflag:s17] =	ssyncset.done $0x0  }
0x745: {  	[sflag:s17] =	ssyncadd.s32 $0xFFFFF800  }
0x746: {  	_ =	swait.ge [sflag:s17], $0x800  }
0x747: {  	[sflag:s17] =	ssyncset.done $0x0  }
0x748: {  	[sflag:s17] =	ssyncadd.s32 $0xFFFFF800  }
0x749: {  	_ =	swait.ge [sflag:s17], $0x800  }
0x74a: {  	[sflag:s17] =	ssyncset.done $0x0  }
0x74b: {  	[sflag:s17] =	ssyncadd.s32 $0xFFFFF800  }
0x74c: {  	_ =	swait.ge [sflag:s17], $0x800  }
0x74d: {  	[sflag:s17] =	ssyncset.done $0x0  }
0x74e: {  	[sflag:s17] =	ssyncadd.s32 $0xFFFFF800  }
0x74f: {  	_ =	swait.ge [sflag:s17], $0x800  }
0x750: {  	[sflag:s17] =	ssyncset.done $0x0  }
0x751: {  	[sflag:s17] =	ssyncadd.s32 $0xFFFFF800  }
0x752: {  	_ =	swait.ge [sflag:s17], $0x800  }
0x753: {  	[sflag:s17] =	ssyncset.done $0x0  }
0x754: {  	[sflag:s17] =	ssyncadd.s32 $0xFFFFF800  }
0x755: {  	_ =	swait.ge [sflag:s17], $0x800  }
0x756: {  	[sflag:s17] =	ssyncset.done $0x0  }
0x757: {  	[sflag:s17] =	ssyncadd.s32 $0xFFFFF800  }
0x758: {  	_ =	swait.ge [sflag:s17], $0x800  }
0x759: {  	[sflag:s17] =	ssyncset.done $0x0  }
0x75a: {  	[sflag:s17] =	ssyncadd.s32 $0xFFFFF800  }
0x75b: {  	_ =	swait.ge [sflag:s17], $0x800  }
0x75c: {  	[sflag:s17] =	ssyncset.done $0x0  }
0x75d: {  	[sflag:s17] =	ssyncadd.s32 $0xFFFFF800  }
0x75e: {  	_ =	swait.ge [sflag:s17], $0x800  }
0x75f: {  	[sflag:s17] =	ssyncset.done $0x0  }
0x760: {  	[sflag:s17] =	ssyncadd.s32 $0xFFFFF800  }
0x761: {  	_ =	swait.ge [sflag:s17], $0x800  }
0x762: {  	[sflag:s17] =	ssyncset.done $0x0  }
0x763: {  	[sflag:s17] =	ssyncadd.s32 $0xFFFFF800  }
0x764: {  	_ =	swait.ge [sflag:s17], $0x800  }
0x765: {  	[sflag:s17] =	ssyncset.done $0x0  }
0x766: {  	[sflag:s17] =	ssyncadd.s32 $0xFFFFF800  }
0x767: {  	_ =	swait.ge [sflag:s17], $0x800  }
0x768: {  	[sflag:s17] =	ssyncset.done $0x0  }
0x769: {  	[sflag:s17] =	ssyncadd.s32 $0xFFFFF800  }
0x76a: {  	_ =	swait.ge [sflag:s17], $0x800  }
0x76b: {  	[sflag:s17] =	ssyncset.done $0x0  }
0x76c: {  	[sflag:s17] =	ssyncadd.s32 $0xFFFFF800  }
0x76d: {  	_ =	swait.ge [sflag:s17], $0x800  }
0x76e: {  	[sflag:s17] =	ssyncset.done $0x0  }
0x76f: {  	[sflag:s17] =	ssyncadd.s32 $0xFFFFF800  }
0x770: {  	_ =	swait.ge [sflag:s17], $0x800  }
0x771: {  	[sflag:s17] =	ssyncset.done $0x0  }
0x772: {  	[sflag:s17] =	ssyncadd.s32 $0xFFFFF800  }
0x773: {  	_ =	swait.ge [sflag:s17], $0x800  }
0x774: {  	[sflag:s17] =	ssyncset.done $0x0  }
0x775: {  	[sflag:s17] =	ssyncadd.s32 $0xFFFFF800  }
0x776: {  	_ =	swait.ge [sflag:s17], $0x800  }
0x777: {  	[sflag:s17] =	ssyncset.done $0x0  }
0x778: {  	[sflag:s17] =	ssyncadd.s32 $0xFFFFF800  }
0x779: {  	_ =	swait.ge [sflag:s17], $0x800  }
0x77a: {  	[sflag:s17] =	ssyncset.done $0x0  }
0x77b: {  	[sflag:s17] =	ssyncadd.s32 $0xFFFFF800  }
0x77c: {  	_ =	swait.ge [sflag:s17], $0x800  }
0x77d: {  	[sflag:s17] =	ssyncset.done $0x0  }
0x77e: {  	[sflag:s17] =	ssyncadd.s32 $0xFFFFF800  }
0x77f: {  	_ =	swait.ge [sflag:s17], $0x800  }
0x780: {  	[sflag:s17] =	ssyncset.done $0x0  }
0x781: {  	[sflag:s17] =	ssyncadd.s32 $0xFFFFF800  }
0x782: {  	_ =	swait.ge [sflag:s17], $0x800  }
0x783: {  	[sflag:s17] =	ssyncset.done $0x0  }
0x784: {  	[sflag:s17] =	ssyncadd.s32 $0xFFFFF800  }
0x785: {  	_ =	swait.ge [sflag:s17], $0x800  }
0x786: {  	s1 =	rddreg [dreg:$0x9]  }
0x787: {  	s0 =	rddreg [dreg:$0x7];
	s1 =	sadd.s32 $0x1, s1  }
0x788: {  	p0 =	sne.s32 s1, s0  }
.Ltmp13:
0x789: {  	_ = 	snop;
	(pc) =	sbr.rel @p0 .LBB2_1-.Ltmp13, $3  }
0x78a: {  	_ =	sdelay $0x1  }
0x78b: {  	[sflag:s17] =	ssyncset.done $0x0  }
0x78c: {  	[sflag:s17] =	ssyncadd.s32 $0xFFFFF800  }
0x78d: {  	_ =	sfence.sel $0x180000  }
0x78e: {  	[bflag:$0x0] =	sbarrier.arrive $0xFFFF  }
0x78f: {  	_ =	strace $0x90000047  }
0x790: {  	s0 =	stileid.u32;
	[bflag:$0x2] =	sbarrier.arrive $0xFFFF  }
0x791: {  	p0 =	sne.s32 s0, $0x0;
	s0 =	rddreg [dreg:$0x3]  }
0x792: {  	s0 =	sadd.s32 @!p0 $0x100000, s0  }
0x793: {  	[sflag:s0] =	ssyncadd.tile.s32 @!p0 $0x1;
	_ =	shalt  }
.Lfunc_end2:
_tile_overlayer_lowered:
.L_overlay_start_2:
0x794: {  	(tag) =	ssettag $0x2  }
0x795: {  	s0 =	rddreg [dreg:$0x0];
	s2 =	stileid.u32  }
0x796: {  	s1 =	rddreg [dreg:$0x1];
	p0 =	sne.s32 s2, $0x0  }
0x797: {  	s3 =	rddreg [dreg:$0x2];
	[bflag:$0x3] =	sbarrier.arrive $0xFFFF;
	s2 =	simm.s32 @!p0 $0x1C04  }
0x798: {  	[timem:s3], [sflag:s2] =	dma.local @!p0 [hbm:s0], s1  }
0x799: {  	s0 =	simm.s32 @!p0 $0x4  }
0x79a: {  	_ =	swait.ge @!p0 [sflag:s0], s1  }
0x79b: {  	s1 =	ssub.s32 @!p0 $0x0, s1;
	[sflag:s0] =	ssyncset.done @!p0 $0x0  }
0x79c: {  	[sflag:s0] =	ssyncadd.s32 @!p0 s1  }
0x79d: {  	[bflag:$0x3] =	sbarrier.arrive $0xFFFF  }
0x79e: {  	_ =	shalt  }

</sc_bundles>
